<compile_context>
chip_gen: v7x
topology: tpu7x:2x2x1
jax: 0.10.2.dev20260603
libtpu: 0.0.44.dev20260713+nightly
codegen_flags: <defaults>
</compile_context>

<pallas_src>
import functools

import jax
import jax.numpy as jnp
from jax import lax
from jax.experimental import pallas as pl
from jax.experimental.pallas import tpu as pltpu
from jax.experimental.pallas import tpu_sc as plsc

N = 10000
NPAD = 10240
E = 320000
D, H1, H2 = 128, 32, 64
NC, NS = 2, 16
NW = NC * NS
CHUNK = 128
NCH = E // CHUNK
CPW = NCH // NW
NXTRA = NCH - CPW * NW
RPT = NPAD // NS

_mesh = plsc.VectorSubcoreMesh(core_axis_name="c", subcore_axis_name="s")
_sc_params = pltpu.CompilerParams(use_tc_tiling_on_sc=False)


@functools.partial(
    pl.kernel,
    out_type=jax.ShapeDtypeStruct((NC, NPAD), jnp.float32),
    mesh=_mesh,
    scratch_types=[
        pltpu.VMEM((CPW + 1, CHUNK), jnp.int32),
        pltpu.VMEM((CHUNK,), jnp.float32),
        pltpu.VMEM((RPT,), jnp.float32),
        pltpu.VMEM_SHARED((NPAD,), jnp.float32),
        pltpu.SemaphoreType.DMA,
    ],
    compiler_params=_sc_params,
)
def _deg_kernel(ei_hbm, out_hbm, dst_v, ones_v, slab_v, acc, dsem):
    cid = lax.axis_index("c")
    tid = lax.axis_index("s")
    wid = tid * NC + cid
    for k in range(CHUNK // 16):
        ones_v[pl.ds(16 * k, 16)] = jnp.ones((16,), jnp.float32)
    for k in range(RPT // 16):
        slab_v[pl.ds(16 * k, 16)] = jnp.zeros((16,), jnp.float32)
    pltpu.sync_copy(slab_v, acc.at[pl.ds(tid * RPT, RPT)])
    pltpu.sync_copy(ei_hbm.at[1, pl.ds(wid * CPW, CPW)],
                    dst_v.at[pl.ds(0, CPW)])

    @pl.when(wid < NXTRA)
    def _():
        pltpu.sync_copy(ei_hbm.at[1, NW * CPW + wid], dst_v.at[CPW])

    nch = jnp.where(wid < NXTRA, CPW + 1, CPW)
    plsc.subcore_barrier()

    def body(j, carry):
        pltpu.async_copy(ones_v, acc.at[dst_v.at[j]], dsem, add=True)
        return carry

    lax.fori_loop(0, nch, body, 0)

    def drain(j, carry):
        pltpu.make_async_copy(ones_v, acc.at[dst_v.at[j]], dsem).wait()
        return carry

    lax.fori_loop(0, nch, drain, 0)
    plsc.subcore_barrier()
    pltpu.sync_copy(acc.at[pl.ds(tid * RPT, RPT)], slab_v)
    pltpu.sync_copy(slab_v, out_hbm.at[cid, pl.ds(tid * RPT, RPT)])


def _make_scatter(F, nbuf):
    @functools.partial(
        pl.kernel,
        out_type=jax.ShapeDtypeStruct((NC, NPAD, F), jnp.float32),
        mesh=_mesh,
        scratch_types=[
            pltpu.VMEM((CPW + 1, CHUNK), jnp.int32),
            pltpu.VMEM((CPW + 1, CHUNK), jnp.int32),
            [pltpu.VMEM((CHUNK, F), jnp.float32) for _ in range(nbuf)],
            pltpu.VMEM_SHARED((NPAD, F), jnp.float32),
            pltpu.VMEM_SHARED((NPAD, F), jnp.float32),
            [pltpu.SemaphoreType.DMA for _ in range(nbuf)],
            [pltpu.SemaphoreType.DMA for _ in range(nbuf)],
        ],
        compiler_params=_sc_params,
    )
    def _k(y_hbm, ei_hbm, out_hbm, src_v, dst_v, rows, acc, y_sp, gsem, ssem):
        cid = lax.axis_index("c")
        tid = lax.axis_index("s")
        wid = tid * NC + cid
        base = tid * RPT
        c_ysp = pltpu.async_copy(y_hbm.at[pl.ds(base, RPT)],
                                 y_sp.at[pl.ds(base, RPT)], gsem[0])
        c_acc = pltpu.async_copy(y_hbm.at[pl.ds(base, RPT)],
                                 acc.at[pl.ds(base, RPT)], gsem[1])
        c_src = pltpu.async_copy(ei_hbm.at[0, pl.ds(wid * CPW, CPW)],
                                 src_v.at[pl.ds(0, CPW)], ssem[0])
        c_dst = pltpu.async_copy(ei_hbm.at[1, pl.ds(wid * CPW, CPW)],
                                 dst_v.at[pl.ds(0, CPW)], ssem[1])
        c_ysp.wait()
        c_acc.wait()
        c_src.wait()
        c_dst.wait()

        @pl.when(wid < NXTRA)
        def _():
            pltpu.sync_copy(ei_hbm.at[0, NW * CPW + wid], src_v.at[CPW])
            pltpu.sync_copy(ei_hbm.at[1, NW * CPW + wid], dst_v.at[CPW])

        plsc.subcore_barrier()

        def gather(j, b):
            pltpu.async_copy(y_sp.at[src_v.at[j]], rows[b], gsem[b])

        def gather_wait(j, b):
            pltpu.make_async_copy(y_sp.at[src_v.at[j]], rows[b],
                                  gsem[b]).wait()

        def scat(j, b):
            pltpu.async_copy(rows[b], acc.at[dst_v.at[j]], ssem[b], add=True)

        def scat_wait(j, b):
            pltpu.make_async_copy(rows[b], acc.at[dst_v.at[j]],
                                  ssem[b]).wait()

        for b in range(nbuf):
            gather(b, b)

        def body(i, carry):
            j = nbuf * i
            for b in range(nbuf):
                gather_wait(j + b, b)
                scat(j + b, b)
            for b in range(nbuf):
                scat_wait(j + b, b)
                gather(j + nbuf + b, b)
            return carry

        lax.fori_loop(0, CPW // nbuf - 1, body, 0)
        last = CPW - nbuf
        for b in range(nbuf):
            gather_wait(last + b, b)
            scat(last + b, b)
        for b in range(nbuf):
            scat_wait(last + b, b)

        @pl.when(wid < NXTRA)
        def _():
            gather(CPW, 0)
            gather_wait(CPW, 0)
            scat(CPW, 0)
            scat_wait(CPW, 0)

        plsc.subcore_barrier()
        pltpu.sync_copy(acc.at[pl.ds(base, RPT)],
                        out_hbm.at[cid, pl.ds(base, RPT)])

    return _k


_scatter32 = _make_scatter(H1, 13)
_scatter64 = _make_scatter(H2, 2)


def _tc_xw(x_ref, w1_ref, xw_ref):
    xw_ref[...] = jnp.dot(x_ref[...], w1_ref[...],
                          preferred_element_type=jnp.float32)


def _tc_first(xw_ref, degs_ref, y1_ref, dinv_ref):
    deg = degs_ref[:, 0:1] + degs_ref[:, 1:2] + 1.0
    dinv = lax.rsqrt(deg)
    dinv_ref[...] = dinv
    y1_ref[pl.ds(0, N)] = xw_ref[...] * dinv[:N]
    y1_ref[pl.ds(N, NPAD - N)] = jnp.zeros((NPAD - N, H1), jnp.float32)


def _tc_mid(accs_ref, y1_ref, dinv_ref, b1_ref, w2_ref, y2_ref):
    s = accs_ref[0] + accs_ref[1] - y1_ref[...]
    z = jnp.maximum(s * dinv_ref[...] + b1_ref[...], 0.0)
    y2_ref[...] = (
        jnp.dot(z, w2_ref[...], preferred_element_type=jnp.float32)
        * dinv_ref[...]
    )


def _tc_last(accs_ref, y2_ref, dinv_ref, b2_ref, wo1_ref, bo1_ref,
             wo2_ref, bo2_ref, out_ref):
    s = accs_ref[0] + accs_ref[1] - y2_ref[...]
    z2 = jnp.maximum(s * dinv_ref[...] + b2_ref[...], 0.0)
    t = jnp.maximum(
        jnp.dot(z2, wo1_ref[...], preferred_element_type=jnp.float32)
        + bo1_ref[...], 0.0)
    h = (jnp.dot(t, wo2_ref[...], preferred_element_type=jnp.float32)
         + bo2_ref[...])
    rid = lax.broadcasted_iota(jnp.int32, (NPAD, 1), 0)
    h = jnp.where(rid < N, h, 0.0)
    out_ref[...] = jnp.sum(h).reshape(1, 1) / N


def kernel(x, ei, num_nodes, W1, b1, W2, b2, Wo1, bo1, Wo2, bo2):
    ei_r = ei.reshape(2, NCH, CHUNK)

    degs = _deg_kernel(ei_r)
    xw = pl.pallas_call(
        _tc_xw,
        out_shape=jax.ShapeDtypeStruct((N, H1), jnp.float32),
    )(x, W1)
    degs_t = degs.T

    y1, dinv = pl.pallas_call(
        _tc_first,
        out_shape=[
            jax.ShapeDtypeStruct((NPAD, H1), jnp.float32),
            jax.ShapeDtypeStruct((NPAD, 1), jnp.float32),
        ],
    )(xw, degs_t)

    accs1 = _scatter32(y1, ei_r)

    y2 = pl.pallas_call(
        _tc_mid,
        out_shape=jax.ShapeDtypeStruct((NPAD, H2), jnp.float32),
    )(accs1, y1, dinv, b1, W2)

    accs2 = _scatter64(y2, ei_r)

    out = pl.pallas_call(
        _tc_last,
        out_shape=jax.ShapeDtypeStruct((1, 1), jnp.float32),
    )(accs2, y2, dinv, b2, Wo1, bo1, Wo2, bo2)

    return out.reshape(1)

# --- scband reference (transcript-rebuilt; emitter-appended) ---
"""Pipeline reference for scband-critic-network-37804302139539 (READ-ONLY COPY).

The authoritative reference and input builder live on the scoring server;
editing this copy changes nothing except your own understanding.
"""

import jax, jax.numpy as jnp
import numpy as np


def _gcn_conv(x, src, dst, W, b, n):
    # GCNConv: x' = D^{-1/2} (A + I) D^{-1/2} X W + b  (self-loops already appended to src/dst)
    xw = x @ W
    deg = jnp.zeros((n,), dtype=x.dtype).at[dst].add(1.0)
    dinv = jnp.where(deg > 0, 1.0 / jnp.sqrt(deg), 0.0)
    norm = dinv[src] * dinv[dst]
    msg = jnp.take(xw, src, axis=0) * norm[:, None]
    agg = jnp.zeros((n, W.shape[1]), dtype=x.dtype).at[dst].add(msg)
    return agg + b


def setup_inputs(seed: int = 0) -> dict:
    key = jax.random.key(seed)
    ks = jax.random.split(key, 12)
    N, E, D, H1, H2 = 10000, 320000, 128, 32, 64
    x = jax.random.normal(ks[0], (N, D), dtype=jnp.float32)
    ei = jax.random.randint(ks[1], (2, E), 0, N, dtype=jnp.int32)
    W1 = jax.random.normal(ks[2], (D, H1), dtype=jnp.float32) / np.sqrt(D)
    b1 = jnp.zeros((H1,), dtype=jnp.float32)
    W2 = jax.random.normal(ks[3], (H1, H2), dtype=jnp.float32) / np.sqrt(H1)
    b2 = jnp.zeros((H2,), dtype=jnp.float32)
    Wo1 = jax.random.normal(ks[4], (H2, H2), dtype=jnp.float32) / np.sqrt(H2)
    bo1 = jnp.zeros((H2,), dtype=jnp.float32)
    Wo2 = jax.random.normal(ks[5], (H2, 1), dtype=jnp.float32) / np.sqrt(H2)
    bo2 = jnp.zeros((1,), dtype=jnp.float32)
    return {"x": x, "ei": ei, "num_nodes": 10000, "W1": W1, "b1": b1, "W2": W2, "b2": b2, "Wo1": Wo1, "bo1": bo1, "Wo2": Wo2, "bo2": bo2}


def reference(x, ei, num_nodes, W1, b1, W2, b2, Wo1, bo1, Wo2, bo2):
    n = x.shape[0]
    loop = jnp.arange(n, dtype=ei.dtype)
    src = jnp.concatenate([ei[0], loop])
    dst = jnp.concatenate([ei[1], loop])
    z = jax.nn.relu(_gcn_conv(x, src, dst, W1, b1, n))
    z = jax.nn.relu(_gcn_conv(z, src, dst, W2, b2, n))
    h = jax.nn.relu(z @ Wo1 + bo1) @ Wo2 + bo2  # [n, 1]
    num_nodes_static = x.shape[0]
    nbatches = n // num_nodes_static
    state_vals = h.reshape(nbatches, num_nodes_static)
    out = state_vals.mean(axis=1)
    return jnp.where(num_nodes == num_nodes_static, out, out)

if __name__ == "__main__":
    import jax
    _d = setup_inputs()
    print(jax.jit(kernel)(*tuple(_d.values())))

</pallas_src>

<mosaic_0001>
#map = affine_map<(d0, d1) -> (0, 0, 0)>
#map1 = affine_map<(d0, d1) -> (0, 0)>
module attributes {stable_mosaic.version = 14 : i64} {
  func.func @_deg_kernel(%arg0: i32, %arg1: i32, %arg2: memref<2x2500x128xi32, #tpu.memory_space<hbm>>, %arg3: memref<2x10240xf32, #tpu.memory_space<hbm>>, %arg4: memref<79x128xi32, #tpu.memory_space<vmem>>, %arg5: memref<128xf32, #tpu.memory_space<vmem>>, %arg6: memref<640xf32, #tpu.memory_space<vmem>>, %arg7: memref<10240xf32, #tpu.memory_space<vmem_shared>>, %arg8: memref<!tpu.dma_semaphore, #tpu.memory_space<semaphore_mem>>) attributes {dimension_semantics = [#tpu.dimension_semantics<core_parallel>, #tpu.dimension_semantics<subcore_parallel>], iteration_bounds = array<i64: 2, 16>, scalar_prefetch = 0 : i64, scratch_operands = 5 : i64, tpu.core_type = #tpu.core_type<sc_vector_subcore>, window_params = [{transform_indices = #map}, {transform_indices = #map1}]} {
    %mul3A = arith.constant 2 : i32
    %mul3A_0 = arith.muli %arg1, %mul3A : i32
    %add3A = arith.addi %mul3A_0, %arg0 : i32
    %broadcast_in_dim3A = arith.constant 1.000000e+00 : f32
    %broadcast_in_dim3A_1 = vector.broadcast %broadcast_in_dim3A : f32 to vector<16xf32>
    %swap3A = arith.constant 0 : index
    %swap3A_2 = tpu.vector_load %arg5[%swap3A] {strides = array<i32>} : memref<128xf32, #tpu.memory_space<vmem>>, vector<16xf32>,
    %swap3A_3 = vector.shape_cast %swap3A_2 : vector<16xf32> to vector<16xf32>
    %swap3A_4 = vector.shape_cast %broadcast_in_dim3A_1 : vector<16xf32> to vector<16xf32>
    tpu.vector_store %arg5[%swap3A], %swap3A_4 {strides = array<i32>} : memref<128xf32, #tpu.memory_space<vmem>>, vector<16xf32>,
    %broadcast_in_dim3A_5 = arith.constant 1.000000e+00 : f32
    %broadcast_in_dim3A_6 = vector.broadcast %broadcast_in_dim3A_5 : f32 to vector<16xf32>
    %swap3A_7 = arith.constant 16 : index
    %swap3A_8 = tpu.vector_load %arg5[%swap3A_7] {strides = array<i32>} : memref<128xf32, #tpu.memory_space<vmem>>, vector<16xf32>,
    %swap3A_9 = vector.shape_cast %swap3A_8 : vector<16xf32> to vector<16xf32>
    %swap3A_10 = vector.shape_cast %broadcast_in_dim3A_6 : vector<16xf32> to vector<16xf32>
    tpu.vector_store %arg5[%swap3A_7], %swap3A_10 {strides = array<i32>} : memref<128xf32, #tpu.memory_space<vmem>>, vector<16xf32>,
    %broadcast_in_dim3A_11 = arith.constant 1.000000e+00 : f32
    %broadcast_in_dim3A_12 = vector.broadcast %broadcast_in_dim3A_11 : f32 to vector<16xf32>
    %swap3A_13 = arith.constant 32 : index
    %swap3A_14 = tpu.vector_load %arg5[%swap3A_13] {strides = array<i32>} : memref<128xf32, #tpu.memory_space<vmem>>, vector<16xf32>,
    %swap3A_15 = vector.shape_cast %swap3A_14 : vector<16xf32> to vector<16xf32>
    %swap3A_16 = vector.shape_cast %broadcast_in_dim3A_12 : vector<16xf32> to vector<16xf32>
    tpu.vector_store %arg5[%swap3A_13], %swap3A_16 {strides = array<i32>} : memref<128xf32, #tpu.memory_space<vmem>>, vector<16xf32>,
    %broadcast_in_dim3A_17 = arith.constant 1.000000e+00 : f32
    %broadcast_in_dim3A_18 = vector.broadcast %broadcast_in_dim3A_17 : f32 to vector<16xf32>
    %swap3A_19 = arith.constant 48 : index
    %swap3A_20 = tpu.vector_load %arg5[%swap3A_19] {strides = array<i32>} : memref<128xf32, #tpu.memory_space<vmem>>, vector<16xf32>,
    %swap3A_21 = vector.shape_cast %swap3A_20 : vector<16xf32> to vector<16xf32>
    %swap3A_22 = vector.shape_cast %broadcast_in_dim3A_18 : vector<16xf32> to vector<16xf32>
    tpu.vector_store %arg5[%swap3A_19], %swap3A_22 {strides = array<i32>} : memref<128xf32, #tpu.memory_space<vmem>>, vector<16xf32>,
    %broadcast_in_dim3A_23 = arith.constant 1.000000e+00 : f32
    %broadcast_in_dim3A_24 = vector.broadcast %broadcast_in_dim3A_23 : f32 to vector<16xf32>
    %swap3A_25 = arith.constant 64 : index
    %swap3A_26 = tpu.vector_load %arg5[%swap3A_25] {strides = array<i32>} : memref<128xf32, #tpu.memory_space<vmem>>, vector<16xf32>,
    %swap3A_27 = vector.shape_cast %swap3A_26 : vector<16xf32> to vector<16xf32>
    %swap3A_28 = vector.shape_cast %broadcast_in_dim3A_24 : vector<16xf32> to vector<16xf32>
    tpu.vector_store %arg5[%swap3A_25], %swap3A_28 {strides = array<i32>} : memref<128xf32, #tpu.memory_space<vmem>>, vector<16xf32>,
    %broadcast_in_dim3A_29 = arith.constant 1.000000e+00 : f32
    %broadcast_in_dim3A_30 = vector.broadcast %broadcast_in_dim3A_29 : f32 to vector<16xf32>
    %swap3A_31 = arith.constant 80 : index
    %swap3A_32 = tpu.vector_load %arg5[%swap3A_31] {strides = array<i32>} : memref<128xf32, #tpu.memory_space<vmem>>, vector<16xf32>,
    %swap3A_33 = vector.shape_cast %swap3A_32 : vector<16xf32> to vector<16xf32>
    %swap3A_34 = vector.shape_cast %broadcast_in_dim3A_30 : vector<16xf32> to vector<16xf32>
    tpu.vector_store %arg5[%swap3A_31], %swap3A_34 {strides = array<i32>} : memref<128xf32, #tpu.memory_space<vmem>>, vector<16xf32>,
    %broadcast_in_dim3A_35 = arith.constant 1.000000e+00 : f32
    %broadcast_in_dim3A_36 = vector.broadcast %broadcast_in_dim3A_35 : f32 to vector<16xf32>
    %swap3A_37 = arith.constant 96 : index
    %swap3A_38 = tpu.vector_load %arg5[%swap3A_37] {strides = array<i32>} : memref<128xf32, #tpu.memory_space<vmem>>, vector<16xf32>,
    %swap3A_39 = vector.shape_cast %swap3A_38 : vector<16xf32> to vector<16xf32>
    %swap3A_40 = vector.shape_cast %broadcast_in_dim3A_36 : vector<16xf32> to vector<16xf32>
    tpu.vector_store %arg5[%swap3A_37], %swap3A_40 {strides = array<i32>} : memref<128xf32, #tpu.memory_space<vmem>>, vector<16xf32>,
    %broadcast_in_dim3A_41 = arith.constant 1.000000e+00 : f32
    %broadcast_in_dim3A_42 = vector.broadcast %broadcast_in_dim3A_41 : f32 to vector<16xf32>
    %swap3A_43 = arith.constant 112 : index
    %swap3A_44 = tpu.vector_load %arg5[%swap3A_43] {strides = array<i32>} : memref<128xf32, #tpu.memory_space<vmem>>, vector<16xf32>,
    %swap3A_45 = vector.shape_cast %swap3A_44 : vector<16xf32> to vector<16xf32>
    %swap3A_46 = vector.shape_cast %broadcast_in_dim3A_42 : vector<16xf32> to vector<16xf32>
    tpu.vector_store %arg5[%swap3A_43], %swap3A_46 {strides = array<i32>} : memref<128xf32, #tpu.memory_space<vmem>>, vector<16xf32>,
    %broadcast_in_dim3A_47 = arith.constant 0.000000e+00 : f32
    %broadcast_in_dim3A_48 = vector.broadcast %broadcast_in_dim3A_47 : f32 to vector<16xf32>
    %swap3A_49 = arith.constant 0 : index
    %swap3A_50 = tpu.vector_load %arg6[%swap3A_49] {strides = array<i32>} : memref<640xf32, #tpu.memory_space<vmem>>, vector<16xf32>,
    %swap3A_51 = vector.shape_cast %swap3A_50 : vector<16xf32> to vector<16xf32>
    %swap3A_52 = vector.shape_cast %broadcast_in_dim3A_48 : vector<16xf32> to vector<16xf32>
    tpu.vector_store %arg6[%swap3A_49], %swap3A_52 {strides = array<i32>} : memref<640xf32, #tpu.memory_space<vmem>>, vector<16xf32>,
    %broadcast_in_dim3A_53 = arith.constant 0.000000e+00 : f32
    %broadcast_in_dim3A_54 = vector.broadcast %broadcast_in_dim3A_53 : f32 to vector<16xf32>
    %swap3A_55 = arith.constant 16 : index
    %swap3A_56 = tpu.vector_load %arg6[%swap3A_55] {strides = array<i32>} : memref<640xf32, #tpu.memory_space<vmem>>, vector<16xf32>,
    %swap3A_57 = vector.shape_cast %swap3A_56 : vector<16xf32> to vector<16xf32>
    %swap3A_58 = vector.shape_cast %broadcast_in_dim3A_54 : vector<16xf32> to vector<16xf32>
    tpu.vector_store %arg6[%swap3A_55], %swap3A_58 {strides = array<i32>} : memref<640xf32, #tpu.memory_space<vmem>>, vector<16xf32>,
    %broadcast_in_dim3A_59 = arith.constant 0.000000e+00 : f32
    %broadcast_in_dim3A_60 = vector.broadcast %broadcast_in_dim3A_59 : f32 to vector<16xf32>
    %swap3A_61 = arith.constant 32 : index
    %swap3A_62 = tpu.vector_load %arg6[%swap3A_61] {strides = array<i32>} : memref<640xf32, #tpu.memory_space<vmem>>, vector<16xf32>,
    %swap3A_63 = vector.shape_cast %swap3A_62 : vector<16xf32> to vector<16xf32>
    %swap3A_64 = vector.shape_cast %broadcast_in_dim3A_60 : vector<16xf32> to vector<16xf32>
    tpu.vector_store %arg6[%swap3A_61], %swap3A_64 {strides = array<i32>} : memref<640xf32, #tpu.memory_space<vmem>>, vector<16xf32>,
    %broadcast_in_dim3A_65 = arith.constant 0.000000e+00 : f32
    %broadcast_in_dim3A_66 = vector.broadcast %broadcast_in_dim3A_65 : f32 to vector<16xf32>
    %swap3A_67 = arith.constant 48 : index
    %swap3A_68 = tpu.vector_load %arg6[%swap3A_67] {strides = array<i32>} : memref<640xf32, #tpu.memory_space<vmem>>, vector<16xf32>,
    %swap3A_69 = vector.shape_cast %swap3A_68 : vector<16xf32> to vector<16xf32>
    %swap3A_70 = vector.shape_cast %broadcast_in_dim3A_66 : vector<16xf32> to vector<16xf32>
    tpu.vector_store %arg6[%swap3A_67], %swap3A_70 {strides = array<i32>} : memref<640xf32, #tpu.memory_space<vmem>>, vector<16xf32>,
    %broadcast_in_dim3A_71 = arith.constant 0.000000e+00 : f32
    %broadcast_in_dim3A_72 = vector.broadcast %broadcast_in_dim3A_71 : f32 to vector<16xf32>
    %swap3A_73 = arith.constant 64 : index
    %swap3A_74 = tpu.vector_load %arg6[%swap3A_73] {strides = array<i32>} : memref<640xf32, #tpu.memory_space<vmem>>, vector<16xf32>,
    %swap3A_75 = vector.shape_cast %swap3A_74 : vector<16xf32> to vector<16xf32>
    %swap3A_76 = vector.shape_cast %broadcast_in_dim3A_72 : vector<16xf32> to vector<16xf32>
    tpu.vector_store %arg6[%swap3A_73], %swap3A_76 {strides = array<i32>} : memref<640xf32, #tpu.memory_space<vmem>>, vector<16xf32>,
    %broadcast_in_dim3A_77 = arith.constant 0.000000e+00 : f32
    %broadcast_in_dim3A_78 = vector.broadcast %broadcast_in_dim3A_77 : f32 to vector<16xf32>
    %swap3A_79 = arith.constant 80 : index
    %swap3A_80 = tpu.vector_load %arg6[%swap3A_79] {strides = array<i32>} : memref<640xf32, #tpu.memory_space<vmem>>, vector<16xf32>,
    %swap3A_81 = vector.shape_cast %swap3A_80 : vector<16xf32> to vector<16xf32>
    %swap3A_82 = vector.shape_cast %broadcast_in_dim3A_78 : vector<16xf32> to vector<16xf32>
    tpu.vector_store %arg6[%swap3A_79], %swap3A_82 {strides = array<i32>} : memref<640xf32, #tpu.memory_space<vmem>>, vector<16xf32>,
    %broadcast_in_dim3A_83 = arith.constant 0.000000e+00 : f32
    %broadcast_in_dim3A_84 = vector.broadcast %broadcast_in_dim3A_83 : f32 to vector<16xf32>
    %swap3A_85 = arith.constant 96 : index
    %swap3A_86 = tpu.vector_load %arg6[%swap3A_85] {strides = array<i32>} : memref<640xf32, #tpu.memory_space<vmem>>, vector<16xf32>,
    %swap3A_87 = vector.shape_cast %swap3A_86 : vector<16xf32> to vector<16xf32>
    %swap3A_88 = vector.shape_cast %broadcast_in_dim3A_84 : vector<16xf32> to vector<16xf32>
    tpu.vector_store %arg6[%swap3A_85], %swap3A_88 {strides = array<i32>} : memref<640xf32, #tpu.memory_space<vmem>>, vector<16xf32>,
    %broadcast_in_dim3A_89 = arith.constant 0.000000e+00 : f32
    %broadcast_in_dim3A_90 = vector.broadcast %broadcast_in_dim3A_89 : f32 to vector<16xf32>
    %swap3A_91 = arith.constant 112 : index
    %swap3A_92 = tpu.vector_load %arg6[%swap3A_91] {strides = array<i32>} : memref<640xf32, #tpu.memory_space<vmem>>, vector<16xf32>,
    %swap3A_93 = vector.shape_cast %swap3A_92 : vector<16xf32> to vector<16xf32>
    %swap3A_94 = vector.shape_cast %broadcast_in_dim3A_90 : vector<16xf32> to vector<16xf32>
    tpu.vector_store %arg6[%swap3A_91], %swap3A_94 {strides = array<i32>} : memref<640xf32, #tpu.memory_space<vmem>>, vector<16xf32>,
    %broadcast_in_dim3A_95 = arith.constant 0.000000e+00 : f32
    %broadcast_in_dim3A_96 = vector.broadcast %broadcast_in_dim3A_95 : f32 to vector<16xf32>
    %swap3A_97 = arith.constant 128 : index
    %swap3A_98 = tpu.vector_load %arg6[%swap3A_97] {strides = array<i32>} : memref<640xf32, #tpu.memory_space<vmem>>, vector<16xf32>,
    %swap3A_99 = vector.shape_cast %swap3A_98 : vector<16xf32> to vector<16xf32>
    %swap3A_100 = vector.shape_cast %broadcast_in_dim3A_96 : vector<16xf32> to vector<16xf32>
    tpu.vector_store %arg6[%swap3A_97], %swap3A_100 {strides = array<i32>} : memref<640xf32, #tpu.memory_space<vmem>>, vector<16xf32>,
    %broadcast_in_dim3A_101 = arith.constant 0.000000e+00 : f32
    %broadcast_in_dim3A_102 = vector.broadcast %broadcast_in_dim3A_101 : f32 to vector<16xf32>
    %swap3A_103 = arith.constant 144 : index
    %swap3A_104 = tpu.vector_load %arg6[%swap3A_103] {strides = array<i32>} : memref<640xf32, #tpu.memory_space<vmem>>, vector<16xf32>,
    %swap3A_105 = vector.shape_cast %swap3A_104 : vector<16xf32> to vector<16xf32>
    %swap3A_106 = vector.shape_cast %broadcast_in_dim3A_102 : vector<16xf32> to vector<16xf32>
    tpu.vector_store %arg6[%swap3A_103], %swap3A_106 {strides = array<i32>} : memref<640xf32, #tpu.memory_space<vmem>>, vector<16xf32>,
    %broadcast_in_dim3A_107 = arith.constant 0.000000e+00 : f32
    %broadcast_in_dim3A_108 = vector.broadcast %broadcast_in_dim3A_107 : f32 to vector<16xf32>
    %swap3A_109 = arith.constant 160 : index
    %swap3A_110 = tpu.vector_load %arg6[%swap3A_109] {strides = array<i32>} : memref<640xf32, #tpu.memory_space<vmem>>, vector<16xf32>,
    %swap3A_111 = vector.shape_cast %swap3A_110 : vector<16xf32> to vector<16xf32>
    %swap3A_112 = vector.shape_cast %broadcast_in_dim3A_108 : vector<16xf32> to vector<16xf32>
    tpu.vector_store %arg6[%swap3A_109], %swap3A_112 {strides = array<i32>} : memref<640xf32, #tpu.memory_space<vmem>>, vector<16xf32>,
    %broadcast_in_dim3A_113 = arith.constant 0.000000e+00 : f32
    %broadcast_in_dim3A_114 = vector.broadcast %broadcast_in_dim3A_113 : f32 to vector<16xf32>
    %swap3A_115 = arith.constant 176 : index
    %swap3A_116 = tpu.vector_load %arg6[%swap3A_115] {strides = array<i32>} : memref<640xf32, #tpu.memory_space<vmem>>, vector<16xf32>,
    %swap3A_117 = vector.shape_cast %swap3A_116 : vector<16xf32> to vector<16xf32>
    %swap3A_118 = vector.shape_cast %broadcast_in_dim3A_114 : vector<16xf32> to vector<16xf32>
    tpu.vector_store %arg6[%swap3A_115], %swap3A_118 {strides = array<i32>} : memref<640xf32, #tpu.memory_space<vmem>>, vector<16xf32>,
    %broadcast_in_dim3A_119 = arith.constant 0.000000e+00 : f32
    %broadcast_in_dim3A_120 = vector.broadcast %broadcast_in_dim3A_119 : f32 to vector<16xf32>
    %swap3A_121 = arith.constant 192 : index
    %swap3A_122 = tpu.vector_load %arg6[%swap3A_121] {strides = array<i32>} : memref<640xf32, #tpu.memory_space<vmem>>, vector<16xf32>,
    %swap3A_123 = vector.shape_cast %swap3A_122 : vector<16xf32> to vector<16xf32>
    %swap3A_124 = vector.shape_cast %broadcast_in_dim3A_120 : vector<16xf32> to vector<16xf32>
    tpu.vector_store %arg6[%swap3A_121], %swap3A_124 {strides = array<i32>} : memref<640xf32, #tpu.memory_space<vmem>>, vector<16xf32>,
    %broadcast_in_dim3A_125 = arith.constant 0.000000e+00 : f32
    %broadcast_in_dim3A_126 = vector.broadcast %broadcast_in_dim3A_125 : f32 to vector<16xf32>
    %swap3A_127 = arith.constant 208 : index
    %swap3A_128 = tpu.vector_load %arg6[%swap3A_127] {strides = array<i32>} : memref<640xf32, #tpu.memory_space<vmem>>, vector<16xf32>,
    %swap3A_129 = vector.shape_cast %swap3A_128 : vector<16xf32> to vector<16xf32>
    %swap3A_130 = vector.shape_cast %broadcast_in_dim3A_126 : vector<16xf32> to vector<16xf32>
    tpu.vector_store %arg6[%swap3A_127], %swap3A_130 {strides = array<i32>} : memref<640xf32, #tpu.memory_space<vmem>>, vector<16xf32>,
    %broadcast_in_dim3A_131 = arith.constant 0.000000e+00 : f32
    %broadcast_in_dim3A_132 = vector.broadcast %broadcast_in_dim3A_131 : f32 to vector<16xf32>
    %swap3A_133 = arith.constant 224 : index
    %swap3A_134 = tpu.vector_load %arg6[%swap3A_133] {strides = array<i32>} : memref<640xf32, #tpu.memory_space<vmem>>, vector<16xf32>,
    %swap3A_135 = vector.shape_cast %swap3A_134 : vector<16xf32> to vector<16xf32>
    %swap3A_136 = vector.shape_cast %broadcast_in_dim3A_132 : vector<16xf32> to vector<16xf32>
    tpu.vector_store %arg6[%swap3A_133], %swap3A_136 {strides = array<i32>} : memref<640xf32, #tpu.memory_space<vmem>>, vector<16xf32>,
    %broadcast_in_dim3A_137 = arith.constant 0.000000e+00 : f32
    %broadcast_in_dim3A_138 = vector.broadcast %broadcast_in_dim3A_137 : f32 to vector<16xf32>
    %swap3A_139 = arith.constant 240 : index
    %swap3A_140 = tpu.vector_load %arg6[%swap3A_139] {strides = array<i32>} : memref<640xf32, #tpu.memory_space<vmem>>, vector<16xf32>,
    %swap3A_141 = vector.shape_cast %swap3A_140 : vector<16xf32> to vector<16xf32>
    %swap3A_142 = vector.shape_cast %broadcast_in_dim3A_138 : vector<16xf32> to vector<16xf32>
    tpu.vector_store %arg6[%swap3A_139], %swap3A_142 {strides = array<i32>} : memref<640xf32, #tpu.memory_space<vmem>>, vector<16xf32>,
    %broadcast_in_dim3A_143 = arith.constant 0.000000e+00 : f32
    %broadcast_in_dim3A_144 = vector.broadcast %broadcast_in_dim3A_143 : f32 to vector<16xf32>
    %swap3A_145 = arith.constant 256 : index
    %swap3A_146 = tpu.vector_load %arg6[%swap3A_145] {strides = array<i32>} : memref<640xf32, #tpu.memory_space<vmem>>, vector<16xf32>,
    %swap3A_147 = vector.shape_cast %swap3A_146 : vector<16xf32> to vector<16xf32>
    %swap3A_148 = vector.shape_cast %broadcast_in_dim3A_144 : vector<16xf32> to vector<16xf32>
    tpu.vector_store %arg6[%swap3A_145], %swap3A_148 {strides = array<i32>} : memref<640xf32, #tpu.memory_space<vmem>>, vector<16xf32>,
    %broadcast_in_dim3A_149 = arith.constant 0.000000e+00 : f32
    %broadcast_in_dim3A_150 = vector.broadcast %broadcast_in_dim3A_149 : f32 to vector<16xf32>
    %swap3A_151 = arith.constant 272 : index
    %swap3A_152 = tpu.vector_load %arg6[%swap3A_151] {strides = array<i32>} : memref<640xf32, #tpu.memory_space<vmem>>, vector<16xf32>,
    %swap3A_153 = vector.shape_cast %swap3A_152 : vector<16xf32> to vector<16xf32>
    %swap3A_154 = vector.shape_cast %broadcast_in_dim3A_150 : vector<16xf32> to vector<16xf32>
    tpu.vector_store %arg6[%swap3A_151], %swap3A_154 {strides = array<i32>} : memref<640xf32, #tpu.memory_space<vmem>>, vector<16xf32>,
    %broadcast_in_dim3A_155 = arith.constant 0.000000e+00 : f32
    %broadcast_in_dim3A_156 = vector.broadcast %broadcast_in_dim3A_155 : f32 to vector<16xf32>
    %swap3A_157 = arith.constant 288 : index
    %swap3A_158 = tpu.vector_load %arg6[%swap3A_157] {strides = array<i32>} : memref<640xf32, #tpu.memory_space<vmem>>, vector<16xf32>,
    %swap3A_159 = vector.shape_cast %swap3A_158 : vector<16xf32> to vector<16xf32>
    %swap3A_160 = vector.shape_cast %broadcast_in_dim3A_156 : vector<16xf32> to vector<16xf32>
    tpu.vector_store %arg6[%swap3A_157], %swap3A_160 {strides = array<i32>} : memref<640xf32, #tpu.memory_space<vmem>>, vector<16xf32>,
    %broadcast_in_dim3A_161 = arith.constant 0.000000e+00 : f32
    %broadcast_in_dim3A_162 = vector.broadcast %broadcast_in_dim3A_161 : f32 to vector<16xf32>
    %swap3A_163 = arith.constant 304 : index
    %swap3A_164 = tpu.vector_load %arg6[%swap3A_163] {strides = array<i32>} : memref<640xf32, #tpu.memory_space<vmem>>, vector<16xf32>,
    %swap3A_165 = vector.shape_cast %swap3A_164 : vector<16xf32> to vector<16xf32>
    %swap3A_166 = vector.shape_cast %broadcast_in_dim3A_162 : vector<16xf32> to vector<16xf32>
    tpu.vector_store %arg6[%swap3A_163], %swap3A_166 {strides = array<i32>} : memref<640xf32, #tpu.memory_space<vmem>>, vector<16xf32>,
    %broadcast_in_dim3A_167 = arith.constant 0.000000e+00 : f32
    %broadcast_in_dim3A_168 = vector.broadcast %broadcast_in_dim3A_167 : f32 to vector<16xf32>
    %swap3A_169 = arith.constant 320 : index
    %swap3A_170 = tpu.vector_load %arg6[%swap3A_169] {strides = array<i32>} : memref<640xf32, #tpu.memory_space<vmem>>, vector<16xf32>,
    %swap3A_171 = vector.shape_cast %swap3A_170 : vector<16xf32> to vector<16xf32>
    %swap3A_172 = vector.shape_cast %broadcast_in_dim3A_168 : vector<16xf32> to vector<16xf32>
    tpu.vector_store %arg6[%swap3A_169], %swap3A_172 {strides = array<i32>} : memref<640xf32, #tpu.memory_space<vmem>>, vector<16xf32>,
    %broadcast_in_dim3A_173 = arith.constant 0.000000e+00 : f32
    %broadcast_in_dim3A_174 = vector.broadcast %broadcast_in_dim3A_173 : f32 to vector<16xf32>
    %swap3A_175 = arith.constant 336 : index
    %swap3A_176 = tpu.vector_load %arg6[%swap3A_175] {strides = array<i32>} : memref<640xf32, #tpu.memory_space<vmem>>, vector<16xf32>,
    %swap3A_177 = vector.shape_cast %swap3A_176 : vector<16xf32> to vector<16xf32>
    %swap3A_178 = vector.shape_cast %broadcast_in_dim3A_174 : vector<16xf32> to vector<16xf32>
    tpu.vector_store %arg6[%swap3A_175], %swap3A_178 {strides = array<i32>} : memref<640xf32, #tpu.memory_space<vmem>>, vector<16xf32>,
    %broadcast_in_dim3A_179 = arith.constant 0.000000e+00 : f32
    %broadcast_in_dim3A_180 = vector.broadcast %broadcast_in_dim3A_179 : f32 to vector<16xf32>
    %swap3A_181 = arith.constant 352 : index
    %swap3A_182 = tpu.vector_load %arg6[%swap3A_181] {strides = array<i32>} : memref<640xf32, #tpu.memory_space<vmem>>, vector<16xf32>,
    %swap3A_183 = vector.shape_cast %swap3A_182 : vector<16xf32> to vector<16xf32>
    %swap3A_184 = vector.shape_cast %broadcast_in_dim3A_180 : vector<16xf32> to vector<16xf32>
    tpu.vector_store %arg6[%swap3A_181], %swap3A_184 {strides = array<i32>} : memref<640xf32, #tpu.memory_space<vmem>>, vector<16xf32>,
    %broadcast_in_dim3A_185 = arith.constant 0.000000e+00 : f32
    %broadcast_in_dim3A_186 = vector.broadcast %broadcast_in_dim3A_185 : f32 to vector<16xf32>
    %swap3A_187 = arith.constant 368 : index
    %swap3A_188 = tpu.vector_load %arg6[%swap3A_187] {strides = array<i32>} : memref<640xf32, #tpu.memory_space<vmem>>, vector<16xf32>,
    %swap3A_189 = vector.shape_cast %swap3A_188 : vector<16xf32> to vector<16xf32>
    %swap3A_190 = vector.shape_cast %broadcast_in_dim3A_186 : vector<16xf32> to vector<16xf32>
    tpu.vector_store %arg6[%swap3A_187], %swap3A_190 {strides = array<i32>} : memref<640xf32, #tpu.memory_space<vmem>>, vector<16xf32>,
    %broadcast_in_dim3A_191 = arith.constant 0.000000e+00 : f32
    %broadcast_in_dim3A_192 = vector.broadcast %broadcast_in_dim3A_191 : f32 to vector<16xf32>
    %swap3A_193 = arith.constant 384 : index
    %swap3A_194 = tpu.vector_load %arg6[%swap3A_193] {strides = array<i32>} : memref<640xf32, #tpu.memory_space<vmem>>, vector<16xf32>,
    %swap3A_195 = vector.shape_cast %swap3A_194 : vector<16xf32> to vector<16xf32>
    %swap3A_196 = vector.shape_cast %broadcast_in_dim3A_192 : vector<16xf32> to vector<16xf32>
    tpu.vector_store %arg6[%swap3A_193], %swap3A_196 {strides = array<i32>} : memref<640xf32, #tpu.memory_space<vmem>>, vector<16xf32>,
    %broadcast_in_dim3A_197 = arith.constant 0.000000e+00 : f32
    %broadcast_in_dim3A_198 = vector.broadcast %broadcast_in_dim3A_197 : f32 to vector<16xf32>
    %swap3A_199 = arith.constant 400 : index
    %swap3A_200 = tpu.vector_load %arg6[%swap3A_199] {strides = array<i32>} : memref<640xf32, #tpu.memory_space<vmem>>, vector<16xf32>,
    %swap3A_201 = vector.shape_cast %swap3A_200 : vector<16xf32> to vector<16xf32>
    %swap3A_202 = vector.shape_cast %broadcast_in_dim3A_198 : vector<16xf32> to vector<16xf32>
    tpu.vector_store %arg6[%swap3A_199], %swap3A_202 {strides = array<i32>} : memref<640xf32, #tpu.memory_space<vmem>>, vector<16xf32>,
    %broadcast_in_dim3A_203 = arith.constant 0.000000e+00 : f32
    %broadcast_in_dim3A_204 = vector.broadcast %broadcast_in_dim3A_203 : f32 to vector<16xf32>
    %swap3A_205 = arith.constant 416 : index
    %swap3A_206 = tpu.vector_load %arg6[%swap3A_205] {strides = array<i32>} : memref<640xf32, #tpu.memory_space<vmem>>, vector<16xf32>,
    %swap3A_207 = vector.shape_cast %swap3A_206 : vector<16xf32> to vector<16xf32>
    %swap3A_208 = vector.shape_cast %broadcast_in_dim3A_204 : vector<16xf32> to vector<16xf32>
    tpu.vector_store %arg6[%swap3A_205], %swap3A_208 {strides = array<i32>} : memref<640xf32, #tpu.memory_space<vmem>>, vector<16xf32>,
    %broadcast_in_dim3A_209 = arith.constant 0.000000e+00 : f32
    %broadcast_in_dim3A_210 = vector.broadcast %broadcast_in_dim3A_209 : f32 to vector<16xf32>
    %swap3A_211 = arith.constant 432 : index
    %swap3A_212 = tpu.vector_load %arg6[%swap3A_211] {strides = array<i32>} : memref<640xf32, #tpu.memory_space<vmem>>, vector<16xf32>,
    %swap3A_213 = vector.shape_cast %swap3A_212 : vector<16xf32> to vector<16xf32>
    %swap3A_214 = vector.shape_cast %broadcast_in_dim3A_210 : vector<16xf32> to vector<16xf32>
    tpu.vector_store %arg6[%swap3A_211], %swap3A_214 {strides = array<i32>} : memref<640xf32, #tpu.memory_space<vmem>>, vector<16xf32>,
    %broadcast_in_dim3A_215 = arith.constant 0.000000e+00 : f32
    %broadcast_in_dim3A_216 = vector.broadcast %broadcast_in_dim3A_215 : f32 to vector<16xf32>
    %swap3A_217 = arith.constant 448 : index
    %swap3A_218 = tpu.vector_load %arg6[%swap3A_217] {strides = array<i32>} : memref<640xf32, #tpu.memory_space<vmem>>, vector<16xf32>,
    %swap3A_219 = vector.shape_cast %swap3A_218 : vector<16xf32> to vector<16xf32>
    %swap3A_220 = vector.shape_cast %broadcast_in_dim3A_216 : vector<16xf32> to vector<16xf32>
    tpu.vector_store %arg6[%swap3A_217], %swap3A_220 {strides = array<i32>} : memref<640xf32, #tpu.memory_space<vmem>>, vector<16xf32>,
    %broadcast_in_dim3A_221 = arith.constant 0.000000e+00 : f32
    %broadcast_in_dim3A_222 = vector.broadcast %broadcast_in_dim3A_221 : f32 to vector<16xf32>
    %swap3A_223 = arith.constant 464 : index
    %swap3A_224 = tpu.vector_load %arg6[%swap3A_223] {strides = array<i32>} : memref<640xf32, #tpu.memory_space<vmem>>, vector<16xf32>,
    %swap3A_225 = vector.shape_cast %swap3A_224 : vector<16xf32> to vector<16xf32>
    %swap3A_226 = vector.shape_cast %broadcast_in_dim3A_222 : vector<16xf32> to vector<16xf32>
    tpu.vector_store %arg6[%swap3A_223], %swap3A_226 {strides = array<i32>} : memref<640xf32, #tpu.memory_space<vmem>>, vector<16xf32>,
    %broadcast_in_dim3A_227 = arith.constant 0.000000e+00 : f32
    %broadcast_in_dim3A_228 = vector.broadcast %broadcast_in_dim3A_227 : f32 to vector<16xf32>
    %swap3A_229 = arith.constant 480 : index
    %swap3A_230 = tpu.vector_load %arg6[%swap3A_229] {strides = array<i32>} : memref<640xf32, #tpu.memory_space<vmem>>, vector<16xf32>,
    %swap3A_231 = vector.shape_cast %swap3A_230 : vector<16xf32> to vector<16xf32>
    %swap3A_232 = vector.shape_cast %broadcast_in_dim3A_228 : vector<16xf32> to vector<16xf32>
    tpu.vector_store %arg6[%swap3A_229], %swap3A_232 {strides = array<i32>} : memref<640xf32, #tpu.memory_space<vmem>>, vector<16xf32>,
    %broadcast_in_dim3A_233 = arith.constant 0.000000e+00 : f32
    %broadcast_in_dim3A_234 = vector.broadcast %broadcast_in_dim3A_233 : f32 to vector<16xf32>
    %swap3A_235 = arith.constant 496 : index
    %swap3A_236 = tpu.vector_load %arg6[%swap3A_235] {strides = array<i32>} : memref<640xf32, #tpu.memory_space<vmem>>, vector<16xf32>,
    %swap3A_237 = vector.shape_cast %swap3A_236 : vector<16xf32> to vector<16xf32>
    %swap3A_238 = vector.shape_cast %broadcast_in_dim3A_234 : vector<16xf32> to vector<16xf32>
    tpu.vector_store %arg6[%swap3A_235], %swap3A_238 {strides = array<i32>} : memref<640xf32, #tpu.memory_space<vmem>>, vector<16xf32>,
    %broadcast_in_dim3A_239 = arith.constant 0.000000e+00 : f32
    %broadcast_in_dim3A_240 = vector.broadcast %broadcast_in_dim3A_239 : f32 to vector<16xf32>
    %swap3A_241 = arith.constant 512 : index
    %swap3A_242 = tpu.vector_load %arg6[%swap3A_241] {strides = array<i32>} : memref<640xf32, #tpu.memory_space<vmem>>, vector<16xf32>,
    %swap3A_243 = vector.shape_cast %swap3A_242 : vector<16xf32> to vector<16xf32>
    %swap3A_244 = vector.shape_cast %broadcast_in_dim3A_240 : vector<16xf32> to vector<16xf32>
    tpu.vector_store %arg6[%swap3A_241], %swap3A_244 {strides = array<i32>} : memref<640xf32, #tpu.memory_space<vmem>>, vector<16xf32>,
    %broadcast_in_dim3A_245 = arith.constant 0.000000e+00 : f32
    %broadcast_in_dim3A_246 = vector.broadcast %broadcast_in_dim3A_245 : f32 to vector<16xf32>
    %swap3A_247 = arith.constant 528 : index
    %swap3A_248 = tpu.vector_load %arg6[%swap3A_247] {strides = array<i32>} : memref<640xf32, #tpu.memory_space<vmem>>, vector<16xf32>,
    %swap3A_249 = vector.shape_cast %swap3A_248 : vector<16xf32> to vector<16xf32>
    %swap3A_250 = vector.shape_cast %broadcast_in_dim3A_246 : vector<16xf32> to vector<16xf32>
    tpu.vector_store %arg6[%swap3A_247], %swap3A_250 {strides = array<i32>} : memref<640xf32, #tpu.memory_space<vmem>>, vector<16xf32>,
    %broadcast_in_dim3A_251 = arith.constant 0.000000e+00 : f32
    %broadcast_in_dim3A_252 = vector.broadcast %broadcast_in_dim3A_251 : f32 to vector<16xf32>
    %swap3A_253 = arith.constant 544 : index
    %swap3A_254 = tpu.vector_load %arg6[%swap3A_253] {strides = array<i32>} : memref<640xf32, #tpu.memory_space<vmem>>, vector<16xf32>,
    %swap3A_255 = vector.shape_cast %swap3A_254 : vector<16xf32> to vector<16xf32>
    %swap3A_256 = vector.shape_cast %broadcast_in_dim3A_252 : vector<16xf32> to vector<16xf32>
    tpu.vector_store %arg6[%swap3A_253], %swap3A_256 {strides = array<i32>} : memref<640xf32, #tpu.memory_space<vmem>>, vector<16xf32>,
    %broadcast_in_dim3A_257 = arith.constant 0.000000e+00 : f32
    %broadcast_in_dim3A_258 = vector.broadcast %broadcast_in_dim3A_257 : f32 to vector<16xf32>
    %swap3A_259 = arith.constant 560 : index
    %swap3A_260 = tpu.vector_load %arg6[%swap3A_259] {strides = array<i32>} : memref<640xf32, #tpu.memory_space<vmem>>, vector<16xf32>,
    %swap3A_261 = vector.shape_cast %swap3A_260 : vector<16xf32> to vector<16xf32>
    %swap3A_262 = vector.shape_cast %broadcast_in_dim3A_258 : vector<16xf32> to vector<16xf32>
    tpu.vector_store %arg6[%swap3A_259], %swap3A_262 {strides = array<i32>} : memref<640xf32, #tpu.memory_space<vmem>>, vector<16xf32>,
    %broadcast_in_dim3A_263 = arith.constant 0.000000e+00 : f32
    %broadcast_in_dim3A_264 = vector.broadcast %broadcast_in_dim3A_263 : f32 to vector<16xf32>
    %swap3A_265 = arith.constant 576 : index
    %swap3A_266 = tpu.vector_load %arg6[%swap3A_265] {strides = array<i32>} : memref<640xf32, #tpu.memory_space<vmem>>, vector<16xf32>,
    %swap3A_267 = vector.shape_cast %swap3A_266 : vector<16xf32> to vector<16xf32>
    %swap3A_268 = vector.shape_cast %broadcast_in_dim3A_264 : vector<16xf32> to vector<16xf32>
    tpu.vector_store %arg6[%swap3A_265], %swap3A_268 {strides = array<i32>} : memref<640xf32, #tpu.memory_space<vmem>>, vector<16xf32>,
    %broadcast_in_dim3A_269 = arith.constant 0.000000e+00 : f32
    %broadcast_in_dim3A_270 = vector.broadcast %broadcast_in_dim3A_269 : f32 to vector<16xf32>
    %swap3A_271 = arith.constant 592 : index
    %swap3A_272 = tpu.vector_load %arg6[%swap3A_271] {strides = array<i32>} : memref<640xf32, #tpu.memory_space<vmem>>, vector<16xf32>,
    %swap3A_273 = vector.shape_cast %swap3A_272 : vector<16xf32> to vector<16xf32>
    %swap3A_274 = vector.shape_cast %broadcast_in_dim3A_270 : vector<16xf32> to vector<16xf32>
    tpu.vector_store %arg6[%swap3A_271], %swap3A_274 {strides = array<i32>} : memref<640xf32, #tpu.memory_space<vmem>>, vector<16xf32>,
    %broadcast_in_dim3A_275 = arith.constant 0.000000e+00 : f32
    %broadcast_in_dim3A_276 = vector.broadcast %broadcast_in_dim3A_275 : f32 to vector<16xf32>
    %swap3A_277 = arith.constant 608 : index
    %swap3A_278 = tpu.vector_load %arg6[%swap3A_277] {strides = array<i32>} : memref<640xf32, #tpu.memory_space<vmem>>, vector<16xf32>,
    %swap3A_279 = vector.shape_cast %swap3A_278 : vector<16xf32> to vector<16xf32>
    %swap3A_280 = vector.shape_cast %broadcast_in_dim3A_276 : vector<16xf32> to vector<16xf32>
    tpu.vector_store %arg6[%swap3A_277], %swap3A_280 {strides = array<i32>} : memref<640xf32, #tpu.memory_space<vmem>>, vector<16xf32>,
    %broadcast_in_dim3A_281 = arith.constant 0.000000e+00 : f32
    %broadcast_in_dim3A_282 = vector.broadcast %broadcast_in_dim3A_281 : f32 to vector<16xf32>
    %swap3A_283 = arith.constant 624 : index
    %swap3A_284 = tpu.vector_load %arg6[%swap3A_283] {strides = array<i32>} : memref<640xf32, #tpu.memory_space<vmem>>, vector<16xf32>,
    %swap3A_285 = vector.shape_cast %swap3A_284 : vector<16xf32> to vector<16xf32>
    %swap3A_286 = vector.shape_cast %broadcast_in_dim3A_282 : vector<16xf32> to vector<16xf32>
    tpu.vector_store %arg6[%swap3A_283], %swap3A_286 {strides = array<i32>} : memref<640xf32, #tpu.memory_space<vmem>>, vector<16xf32>,
    %mul3A_287 = arith.constant 640 : i32
    %mul3A_288 = arith.muli %arg1, %mul3A_287 : i32
    "tpu.region"() ({
      %run_scoped3A_320 = tpu.sem_alloc : memref<!tpu.dma_semaphore, #tpu.memory_space<semaphore_mem>>
      %dma_start3A = tpu.memref_slice %arg7[%mul3A_288] : memref<10240xf32, #tpu.memory_space<vmem_shared>> -> memref<640xf32, #tpu.memory_space<vmem_shared>>
      %dma_start3A_321 = tpu.memref_slice %arg7[%mul3A_288] : memref<10240xf32, #tpu.memory_space<vmem_shared>> -> memref<640xf32, #tpu.memory_space<vmem_shared>>
      tpu.enqueue_dma source(%arg6 : memref<640xf32, #tpu.memory_space<vmem>>) target(%dma_start3A_321 : memref<640xf32, #tpu.memory_space<vmem_shared>>) target_semaphore(%run_scoped3A_320 : memref<!tpu.dma_semaphore, #tpu.memory_space<semaphore_mem>>)
      %dma_wait3A = tpu.memref_slice %arg7[%mul3A_288] : memref<10240xf32, #tpu.memory_space<vmem_shared>> -> memref<640xf32, #tpu.memory_space<vmem_shared>>
      %dma_wait3A_322 = tpu.memref_slice %arg7[%mul3A_288] : memref<10240xf32, #tpu.memory_space<vmem_shared>> -> memref<640xf32, #tpu.memory_space<vmem_shared>>
      tpu.wait_dma2 semaphore(%run_scoped3A_320 : memref<!tpu.dma_semaphore, #tpu.memory_space<semaphore_mem>>) src(%arg6 : memref<640xf32, #tpu.memory_space<vmem>>) dst(%dma_wait3A_322 : memref<640xf32, #tpu.memory_space<vmem_shared>>)
      tpu.yield
    }) : () -> ()
    %mul3A_289 = arith.constant 78 : i32
    %mul3A_290 = arith.muli %add3A, %mul3A_289 : i32
    %run_scoped3A = arith.constant 1 : i32
    "tpu.region"() ({
      %run_scoped3A_320 = tpu.sem_alloc : memref<!tpu.dma_semaphore, #tpu.memory_space<semaphore_mem>>
      %dma_start3A = arith.constant 0 : i32
      %dma_start3A_321 = arith.constant 0 : i32
      %dma_start3A_322 = tpu.memref_slice %arg4[%dma_start3A, %dma_start3A_321] : memref<79x128xi32, #tpu.memory_space<vmem>> -> memref<78x128xi32, #tpu.memory_space<vmem>>
      %dma_start3A_323 = arith.constant 0 : i32
      %dma_start3A_324 = tpu.memref_slice %arg2[%run_scoped3A, %mul3A_290, %dma_start3A_323] : memref<2x2500x128xi32, #tpu.memory_space<hbm>> -> memref<1x78x128xi32, #tpu.memory_space<hbm>>
      %dma_start3A_325 = tpu.memref_squeeze %dma_start3A_324 : memref<1x78x128xi32, #tpu.memory_space<hbm>> -> memref<78x128xi32, #tpu.memory_space<hbm>>
      %dma_start3A_326 = arith.constant 0 : i32
      %dma_start3A_327 = arith.constant 0 : i32
      %dma_start3A_328 = tpu.memref_slice %arg4[%dma_start3A_326, %dma_start3A_327] : memref<79x128xi32, #tpu.memory_space<vmem>> -> memref<78x128xi32, #tpu.memory_space<vmem>>
      %dma_start3A_329 = arith.constant 0 : i32
      %dma_start3A_330 = tpu.memref_slice %arg2[%run_scoped3A, %mul3A_290, %dma_start3A_329] : memref<2x2500x128xi32, #tpu.memory_space<hbm>> -> memref<1x78x128xi32, #tpu.memory_space<hbm>>
      %dma_start3A_331 = tpu.memref_squeeze %dma_start3A_330 : memref<1x78x128xi32, #tpu.memory_space<hbm>> -> memref<78x128xi32, #tpu.memory_space<hbm>>
      tpu.enqueue_dma source(%dma_start3A_331 : memref<78x128xi32, #tpu.memory_space<hbm>>) target(%dma_start3A_328 : memref<78x128xi32, #tpu.memory_space<vmem>>) target_semaphore(%run_scoped3A_320 : memref<!tpu.dma_semaphore, #tpu.memory_space<semaphore_mem>>)
      %dma_wait3A = arith.constant 0 : i32
      %dma_wait3A_332 = arith.constant 0 : i32
      %dma_wait3A_333 = tpu.memref_slice %arg4[%dma_wait3A, %dma_wait3A_332] : memref<79x128xi32, #tpu.memory_space<vmem>> -> memref<78x128xi32, #tpu.memory_space<vmem>>
      %dma_wait3A_334 = arith.constant 0 : i32
      %dma_wait3A_335 = tpu.memref_slice %arg2[%run_scoped3A, %mul3A_290, %dma_wait3A_334] : memref<2x2500x128xi32, #tpu.memory_space<hbm>> -> memref<1x78x128xi32, #tpu.memory_space<hbm>>
      %dma_wait3A_336 = tpu.memref_squeeze %dma_wait3A_335 : memref<1x78x128xi32, #tpu.memory_space<hbm>> -> memref<78x128xi32, #tpu.memory_space<hbm>>
      %dma_wait3A_337 = arith.constant 0 : i32
      %dma_wait3A_338 = arith.constant 0 : i32
      %dma_wait3A_339 = tpu.memref_slice %arg4[%dma_wait3A_337, %dma_wait3A_338] : memref<79x128xi32, #tpu.memory_space<vmem>> -> memref<78x128xi32, #tpu.memory_space<vmem>>
      %dma_wait3A_340 = arith.constant 0 : i32
      %dma_wait3A_341 = tpu.memref_slice %arg2[%run_scoped3A, %mul3A_290, %dma_wait3A_340] : memref<2x2500x128xi32, #tpu.memory_space<hbm>> -> memref<1x78x128xi32, #tpu.memory_space<hbm>>
      %dma_wait3A_342 = tpu.memref_squeeze %dma_wait3A_341 : memref<1x78x128xi32, #tpu.memory_space<hbm>> -> memref<78x128xi32, #tpu.memory_space<hbm>>
      tpu.wait_dma2 semaphore(%run_scoped3A_320 : memref<!tpu.dma_semaphore, #tpu.memory_space<semaphore_mem>>) src(%dma_wait3A_342 : memref<78x128xi32, #tpu.memory_space<hbm>>) dst(%dma_wait3A_339 : memref<78x128xi32, #tpu.memory_space<vmem>>)
      tpu.yield
    }) : () -> ()
    %lt3A = arith.constant 4 : i32
    %lt3A_291 = arith.cmpi slt, %add3A, %lt3A : i32
    %convert_element_type3A = arith.extui %lt3A_291 : i1 to i32
    %cond3A = arith.constant 0 : i32
    %cond3A_292 = arith.cmpi ne, %convert_element_type3A, %cond3A : i32
    scf.if %cond3A_292 {
      %add3A_320 = arith.constant 2496 : i32
      %add3A_321 = arith.addi %add3A_320, %add3A : i32
      %run_scoped3A_322 = arith.constant 1 : i32
      %run_scoped3A_323 = arith.constant 78 : i32
      "tpu.region"() ({
        %run_scoped3A_324 = tpu.sem_alloc : memref<!tpu.dma_semaphore, #tpu.memory_space<semaphore_mem>>
        %dma_start3A = arith.constant 0 : i32
        %dma_start3A_325 = tpu.memref_slice %arg4[%run_scoped3A_323, %dma_start3A] : memref<79x128xi32, #tpu.memory_space<vmem>> -> memref<1x128xi32, #tpu.memory_space<vmem>>
        %dma_start3A_326 = tpu.memref_squeeze %dma_start3A_325 : memref<1x128xi32, #tpu.memory_space<vmem>> -> memref<128xi32, #tpu.memory_space<vmem>>
        %dma_start3A_327 = arith.constant 0 : i32
        %dma_start3A_328 = tpu.memref_slice %arg2[%run_scoped3A_322, %add3A_321, %dma_start3A_327] : memref<2x2500x128xi32, #tpu.memory_space<hbm>> -> memref<1x1x128xi32, #tpu.memory_space<hbm>>
        %dma_start3A_329 = tpu.memref_squeeze %dma_start3A_328 : memref<1x1x128xi32, #tpu.memory_space<hbm>> -> memref<128xi32, #tpu.memory_space<hbm>>
        %dma_start3A_330 = arith.constant 0 : i32
        %dma_start3A_331 = tpu.memref_slice %arg4[%run_scoped3A_323, %dma_start3A_330] : memref<79x128xi32, #tpu.memory_space<vmem>> -> memref<1x128xi32, #tpu.memory_space<vmem>>
        %dma_start3A_332 = tpu.memref_squeeze %dma_start3A_331 : memref<1x128xi32, #tpu.memory_space<vmem>> -> memref<128xi32, #tpu.memory_space<vmem>>
        %dma_start3A_333 = arith.constant 0 : i32
        %dma_start3A_334 = tpu.memref_slice %arg2[%run_scoped3A_322, %add3A_321, %dma_start3A_333] : memref<2x2500x128xi32, #tpu.memory_space<hbm>> -> memref<1x1x128xi32, #tpu.memory_space<hbm>>
        %dma_start3A_335 = tpu.memref_squeeze %dma_start3A_334 : memref<1x1x128xi32, #tpu.memory_space<hbm>> -> memref<128xi32, #tpu.memory_space<hbm>>
        tpu.enqueue_dma source(%dma_start3A_335 : memref<128xi32, #tpu.memory_space<hbm>>) target(%dma_start3A_332 : memref<128xi32, #tpu.memory_space<vmem>>) target_semaphore(%run_scoped3A_324 : memref<!tpu.dma_semaphore, #tpu.memory_space<semaphore_mem>>)
        %dma_wait3A = arith.constant 0 : i32
        %dma_wait3A_336 = tpu.memref_slice %arg4[%run_scoped3A_323, %dma_wait3A] : memref<79x128xi32, #tpu.memory_space<vmem>> -> memref<1x128xi32, #tpu.memory_space<vmem>>
        %dma_wait3A_337 = tpu.memref_squeeze %dma_wait3A_336 : memref<1x128xi32, #tpu.memory_space<vmem>> -> memref<128xi32, #tpu.memory_space<vmem>>
        %dma_wait3A_338 = arith.constant 0 : i32
        %dma_wait3A_339 = tpu.memref_slice %arg2[%run_scoped3A_322, %add3A_321, %dma_wait3A_338] : memref<2x2500x128xi32, #tpu.memory_space<hbm>> -> memref<1x1x128xi32, #tpu.memory_space<hbm>>
        %dma_wait3A_340 = tpu.memref_squeeze %dma_wait3A_339 : memref<1x1x128xi32, #tpu.memory_space<hbm>> -> memref<128xi32, #tpu.memory_space<hbm>>
        %dma_wait3A_341 = arith.constant 0 : i32
        %dma_wait3A_342 = tpu.memref_slice %arg4[%run_scoped3A_323, %dma_wait3A_341] : memref<79x128xi32, #tpu.memory_space<vmem>> -> memref<1x128xi32, #tpu.memory_space<vmem>>
        %dma_wait3A_343 = tpu.memref_squeeze %dma_wait3A_342 : memref<1x128xi32, #tpu.memory_space<vmem>> -> memref<128xi32, #tpu.memory_space<vmem>>
        %dma_wait3A_344 = arith.constant 0 : i32
        %dma_wait3A_345 = tpu.memref_slice %arg2[%run_scoped3A_322, %add3A_321, %dma_wait3A_344] : memref<2x2500x128xi32, #tpu.memory_space<hbm>> -> memref<1x1x128xi32, #tpu.memory_space<hbm>>
        %dma_wait3A_346 = tpu.memref_squeeze %dma_wait3A_345 : memref<1x1x128xi32, #tpu.memory_space<hbm>> -> memref<128xi32, #tpu.memory_space<hbm>>
        tpu.wait_dma2 semaphore(%run_scoped3A_324 : memref<!tpu.dma_semaphore, #tpu.memory_space<semaphore_mem>>) src(%dma_wait3A_346 : memref<128xi32, #tpu.memory_space<hbm>>) dst(%dma_wait3A_343 : memref<128xi32, #tpu.memory_space<vmem>>)
        tpu.yield
      }) : () -> ()
    } else {
    }
    %lt3A_293 = arith.constant 4 : i32
    %lt3A_294 = arith.cmpi slt, %add3A, %lt3A_293 : i32
    %jit3A = arith.constant 79 : i32
    %jit3A_295 = arith.constant 78 : i32
    %select_n3A = arith.select %lt3A_294, %jit3A, %jit3A_295 : i32
    %barrier3A = arith.constant 0 : index
    tpu.barrier barrier_id(%barrier3A)
    %while3A = arith.constant 0 : i32
    %while3A_296 = arith.constant 0 : i32
    %while3A_297 = arith.subi %select_n3A, %while3A_296 : i32
    %while3A_298 = arith.addi %while3A_296, %while3A_297 : i32
    %while3A_299 = arith.constant 1 : i32
    %while3A_300 = arith.divsi %while3A_297, %while3A_299 : i32
    %while3A_301 = arith.muli %while3A_300, %while3A_299 : i32
    %while3A_302 = arith.addi %while3A_296, %while3A_301 : i32
    %while3A_303 = arith.constant 1 : i32
    scf.for %while3A_320 = %while3A_296 to %while3A_302 step %while3A_303  : i32 {
      %dma_start3A = arith.constant 0 : i32
      %dma_start3A_321 = tpu.memref_slice %arg4[%while3A_320, %dma_start3A] : memref<79x128xi32, #tpu.memory_space<vmem>> -> memref<1x128xi32, #tpu.memory_space<vmem>>
      %dma_start3A_322 = tpu.memref_squeeze %dma_start3A_321 : memref<1x128xi32, #tpu.memory_space<vmem>> -> memref<128xi32, #tpu.memory_space<vmem>>
      %dma_start3A_323 = arith.constant 0 : i32
      %dma_start3A_324 = tpu.memref_slice %arg7[%dma_start3A_323] : memref<10240xf32, #tpu.memory_space<vmem_shared>> -> memref<10240xf32, #tpu.memory_space<vmem_shared>>
      tpu.enqueue_indirect_dma source(%arg5 : memref<128xf32, #tpu.memory_space<vmem>>) target(%dma_start3A_324 : memref<10240xf32, #tpu.memory_space<vmem_shared>>) offsets(%dma_start3A_322 : memref<128xi32, #tpu.memory_space<vmem>>) semaphore(%arg8 : memref<!tpu.dma_semaphore, #tpu.memory_space<semaphore_mem>>) {add = true}
    }
    %while3A_304 = arith.constant 1 : i32
    scf.for %while3A_320 = %while3A_302 to %while3A_298 step %while3A_304  : i32 {
      %dma_start3A = arith.constant 0 : i32
      %dma_start3A_321 = tpu.memref_slice %arg4[%while3A_320, %dma_start3A] : memref<79x128xi32, #tpu.memory_space<vmem>> -> memref<1x128xi32, #tpu.memory_space<vmem>>
      %dma_start3A_322 = tpu.memref_squeeze %dma_start3A_321 : memref<1x128xi32, #tpu.memory_space<vmem>> -> memref<128xi32, #tpu.memory_space<vmem>>
      %dma_start3A_323 = arith.constant 0 : i32
      %dma_start3A_324 = tpu.memref_slice %arg7[%dma_start3A_323] : memref<10240xf32, #tpu.memory_space<vmem_shared>> -> memref<10240xf32, #tpu.memory_space<vmem_shared>>
      tpu.enqueue_indirect_dma source(%arg5 : memref<128xf32, #tpu.memory_space<vmem>>) target(%dma_start3A_324 : memref<10240xf32, #tpu.memory_space<vmem_shared>>) offsets(%dma_start3A_322 : memref<128xi32, #tpu.memory_space<vmem>>) semaphore(%arg8 : memref<!tpu.dma_semaphore, #tpu.memory_space<semaphore_mem>>) {add = true}
    }
    %while3A_305 = arith.constant 0 : i32
    %while3A_306 = arith.constant 0 : i32
    %while3A_307 = arith.subi %select_n3A, %while3A_306 : i32
    %while3A_308 = arith.addi %while3A_306, %while3A_307 : i32
    %while3A_309 = arith.constant 1 : i32
    %while3A_310 = arith.divsi %while3A_307, %while3A_309 : i32
    %while3A_311 = arith.muli %while3A_310, %while3A_309 : i32
    %while3A_312 = arith.addi %while3A_306, %while3A_311 : i32
    %while3A_313 = arith.constant 1 : i32
    scf.for %while3A_320 = %while3A_306 to %while3A_312 step %while3A_313  : i32 {
      %dma_wait3A = arith.constant 0 : i32
      %dma_wait3A_321 = tpu.memref_slice %arg4[%while3A_320, %dma_wait3A] : memref<79x128xi32, #tpu.memory_space<vmem>> -> memref<1x128xi32, #tpu.memory_space<vmem>>
      %dma_wait3A_322 = tpu.memref_squeeze %dma_wait3A_321 : memref<1x128xi32, #tpu.memory_space<vmem>> -> memref<128xi32, #tpu.memory_space<vmem>>
      %dma_wait3A_323 = arith.constant 0 : i32
      %dma_wait3A_324 = tpu.memref_slice %arg7[%dma_wait3A_323] : memref<10240xf32, #tpu.memory_space<vmem_shared>> -> memref<10240xf32, #tpu.memory_space<vmem_shared>>
      tpu.wait_indirect_dma semaphore(%arg8 : memref<!tpu.dma_semaphore, #tpu.memory_space<semaphore_mem>>) src(%arg5 : memref<128xf32, #tpu.memory_space<vmem>>) dst(%dma_wait3A_324 : memref<10240xf32, #tpu.memory_space<vmem_shared>>)
    }
    %while3A_314 = arith.constant 1 : i32
    scf.for %while3A_320 = %while3A_312 to %while3A_308 step %while3A_314  : i32 {
      %dma_wait3A = arith.constant 0 : i32
      %dma_wait3A_321 = tpu.memref_slice %arg4[%while3A_320, %dma_wait3A] : memref<79x128xi32, #tpu.memory_space<vmem>> -> memref<1x128xi32, #tpu.memory_space<vmem>>
      %dma_wait3A_322 = tpu.memref_squeeze %dma_wait3A_321 : memref<1x128xi32, #tpu.memory_space<vmem>> -> memref<128xi32, #tpu.memory_space<vmem>>
      %dma_wait3A_323 = arith.constant 0 : i32
      %dma_wait3A_324 = tpu.memref_slice %arg7[%dma_wait3A_323] : memref<10240xf32, #tpu.memory_space<vmem_shared>> -> memref<10240xf32, #tpu.memory_space<vmem_shared>>
      tpu.wait_indirect_dma semaphore(%arg8 : memref<!tpu.dma_semaphore, #tpu.memory_space<semaphore_mem>>) src(%arg5 : memref<128xf32, #tpu.memory_space<vmem>>) dst(%dma_wait3A_324 : memref<10240xf32, #tpu.memory_space<vmem_shared>>)
    }
    %barrier3A_315 = arith.constant 0 : index
    tpu.barrier barrier_id(%barrier3A_315)
    %mul3A_316 = arith.constant 640 : i32
    %mul3A_317 = arith.muli %arg1, %mul3A_316 : i32
    "tpu.region"() ({
      %run_scoped3A_320 = tpu.sem_alloc : memref<!tpu.dma_semaphore, #tpu.memory_space<semaphore_mem>>
      %dma_start3A = tpu.memref_slice %arg7[%mul3A_317] : memref<10240xf32, #tpu.memory_space<vmem_shared>> -> memref<640xf32, #tpu.memory_space<vmem_shared>>
      %dma_start3A_321 = tpu.memref_slice %arg7[%mul3A_317] : memref<10240xf32, #tpu.memory_space<vmem_shared>> -> memref<640xf32, #tpu.memory_space<vmem_shared>>
      tpu.enqueue_dma source(%dma_start3A_321 : memref<640xf32, #tpu.memory_space<vmem_shared>>) target(%arg6 : memref<640xf32, #tpu.memory_space<vmem>>) target_semaphore(%run_scoped3A_320 : memref<!tpu.dma_semaphore, #tpu.memory_space<semaphore_mem>>)
      %dma_wait3A = tpu.memref_slice %arg7[%mul3A_317] : memref<10240xf32, #tpu.memory_space<vmem_shared>> -> memref<640xf32, #tpu.memory_space<vmem_shared>>
      %dma_wait3A_322 = tpu.memref_slice %arg7[%mul3A_317] : memref<10240xf32, #tpu.memory_space<vmem_shared>> -> memref<640xf32, #tpu.memory_space<vmem_shared>>
      tpu.wait_dma2 semaphore(%run_scoped3A_320 : memref<!tpu.dma_semaphore, #tpu.memory_space<semaphore_mem>>) src(%dma_wait3A_322 : memref<640xf32, #tpu.memory_space<vmem_shared>>) dst(%arg6 : memref<640xf32, #tpu.memory_space<vmem>>)
      tpu.yield
    }) : () -> ()
    %mul3A_318 = arith.constant 640 : i32
    %mul3A_319 = arith.muli %arg1, %mul3A_318 : i32
    "tpu.region"() ({
      %run_scoped3A_320 = tpu.sem_alloc : memref<!tpu.dma_semaphore, #tpu.memory_space<semaphore_mem>>
      %dma_start3A = tpu.memref_slice %arg3[%arg0, %mul3A_319] : memref<2x10240xf32, #tpu.memory_space<hbm>> -> memref<1x640xf32, #tpu.memory_space<hbm>>
      %dma_start3A_321 = tpu.memref_squeeze %dma_start3A : memref<1x640xf32, #tpu.memory_space<hbm>> -> memref<640xf32, #tpu.memory_space<hbm>>
      %dma_start3A_322 = tpu.memref_slice %arg3[%arg0, %mul3A_319] : memref<2x10240xf32, #tpu.memory_space<hbm>> -> memref<1x640xf32, #tpu.memory_space<hbm>>
      %dma_start3A_323 = tpu.memref_squeeze %dma_start3A_322 : memref<1x640xf32, #tpu.memory_space<hbm>> -> memref<640xf32, #tpu.memory_space<hbm>>
      tpu.enqueue_dma source(%arg6 : memref<640xf32, #tpu.memory_space<vmem>>) target(%dma_start3A_323 : memref<640xf32, #tpu.memory_space<hbm>>) target_semaphore(%run_scoped3A_320 : memref<!tpu.dma_semaphore, #tpu.memory_space<semaphore_mem>>)
      %dma_wait3A = tpu.memref_slice %arg3[%arg0, %mul3A_319] : memref<2x10240xf32, #tpu.memory_space<hbm>> -> memref<1x640xf32, #tpu.memory_space<hbm>>
      %dma_wait3A_324 = tpu.memref_squeeze %dma_wait3A : memref<1x640xf32, #tpu.memory_space<hbm>> -> memref<640xf32, #tpu.memory_space<hbm>>
      %dma_wait3A_325 = tpu.memref_slice %arg3[%arg0, %mul3A_319] : memref<2x10240xf32, #tpu.memory_space<hbm>> -> memref<1x640xf32, #tpu.memory_space<hbm>>
      %dma_wait3A_326 = tpu.memref_squeeze %dma_wait3A_325 : memref<1x640xf32, #tpu.memory_space<hbm>> -> memref<640xf32, #tpu.memory_space<hbm>>
      tpu.wait_dma2 semaphore(%run_scoped3A_320 : memref<!tpu.dma_semaphore, #tpu.memory_space<semaphore_mem>>) src(%arg6 : memref<640xf32, #tpu.memory_space<vmem>>) dst(%dma_wait3A_326 : memref<640xf32, #tpu.memory_space<hbm>>)
      tpu.yield
    }) : () -> ()
    return
  }
}

#map = affine_map<(d0, d1) -> (0, 0)>
#map1 = affine_map<(d0, d1) -> (0, 0, 0)>
module attributes {stable_mosaic.version = 14 : i64} {
  func.func @_k(%arg0: i32, %arg1: i32, %arg2: memref<10240x32xf32, #tpu.memory_space<hbm>>, %arg3: memref<2x2500x128xi32, #tpu.memory_space<hbm>>, %arg4: memref<2x10240x32xf32, #tpu.memory_space<hbm>>, %arg5: memref<79x128xi32, #tpu.memory_space<vmem>>, %arg6: memref<79x128xi32, #tpu.memory_space<vmem>>, %arg7: memref<128x32xf32, #tpu.memory_space<vmem>>, %arg8: memref<128x32xf32, #tpu.memory_space<vmem>>, %arg9: memref<128x32xf32, #tpu.memory_space<vmem>>, %arg10: memref<128x32xf32, #tpu.memory_space<vmem>>, %arg11: memref<128x32xf32, #tpu.memory_space<vmem>>, %arg12: memref<128x32xf32, #tpu.memory_space<vmem>>, %arg13: memref<128x32xf32, #tpu.memory_space<vmem>>, %arg14: memref<128x32xf32, #tpu.memory_space<vmem>>, %arg15: memref<128x32xf32, #tpu.memory_space<vmem>>, %arg16: memref<128x32xf32, #tpu.memory_space<vmem>>, %arg17: memref<128x32xf32, #tpu.memory_space<vmem>>, %arg18: memref<128x32xf32, #tpu.memory_space<vmem>>, %arg19: memref<128x32xf32, #tpu.memory_space<vmem>>, %arg20: memref<10240x32xf32, #tpu.memory_space<vmem_shared>>, %arg21: memref<10240x32xf32, #tpu.memory_space<vmem_shared>>, %arg22: memref<!tpu.dma_semaphore, #tpu.memory_space<semaphore_mem>>, %arg23: memref<!tpu.dma_semaphore, #tpu.memory_space<semaphore_mem>>, %arg24: memref<!tpu.dma_semaphore, #tpu.memory_space<semaphore_mem>>, %arg25: memref<!tpu.dma_semaphore, #tpu.memory_space<semaphore_mem>>, %arg26: memref<!tpu.dma_semaphore, #tpu.memory_space<semaphore_mem>>, %arg27: memref<!tpu.dma_semaphore, #tpu.memory_space<semaphore_mem>>, %arg28: memref<!tpu.dma_semaphore, #tpu.memory_space<semaphore_mem>>, %arg29: memref<!tpu.dma_semaphore, #tpu.memory_space<semaphore_mem>>, %arg30: memref<!tpu.dma_semaphore, #tpu.memory_space<semaphore_mem>>, %arg31: memref<!tpu.dma_semaphore, #tpu.memory_space<semaphore_mem>>, %arg32: memref<!tpu.dma_semaphore, #tpu.memory_space<semaphore_mem>>, %arg33: memref<!tpu.dma_semaphore, #tpu.memory_space<semaphore_mem>>, %arg34: memref<!tpu.dma_semaphore, #tpu.memory_space<semaphore_mem>>, %arg35: memref<!tpu.dma_semaphore, #tpu.memory_space<semaphore_mem>>, %arg36: memref<!tpu.dma_semaphore, #tpu.memory_space<semaphore_mem>>, %arg37: memref<!tpu.dma_semaphore, #tpu.memory_space<semaphore_mem>>, %arg38: memref<!tpu.dma_semaphore, #tpu.memory_space<semaphore_mem>>, %arg39: memref<!tpu.dma_semaphore, #tpu.memory_space<semaphore_mem>>, %arg40: memref<!tpu.dma_semaphore, #tpu.memory_space<semaphore_mem>>, %arg41: memref<!tpu.dma_semaphore, #tpu.memory_space<semaphore_mem>>, %arg42: memref<!tpu.dma_semaphore, #tpu.memory_space<semaphore_mem>>, %arg43: memref<!tpu.dma_semaphore, #tpu.memory_space<semaphore_mem>>, %arg44: memref<!tpu.dma_semaphore, #tpu.memory_space<semaphore_mem>>, %arg45: memref<!tpu.dma_semaphore, #tpu.memory_space<semaphore_mem>>, %arg46: memref<!tpu.dma_semaphore, #tpu.memory_space<semaphore_mem>>, %arg47: memref<!tpu.dma_semaphore, #tpu.memory_space<semaphore_mem>>) attributes {dimension_semantics = [#tpu.dimension_semantics<core_parallel>, #tpu.dimension_semantics<subcore_parallel>], iteration_bounds = array<i64: 2, 16>, scalar_prefetch = 0 : i64, scratch_operands = 43 : i64, tpu.core_type = #tpu.core_type<sc_vector_subcore>, window_params = [{transform_indices = #map}, {transform_indices = #map1}, {transform_indices = #map1}]} {
    %mul3A = arith.constant 2 : i32
    %mul3A_0 = arith.muli %arg1, %mul3A : i32
    %add3A = arith.addi %mul3A_0, %arg0 : i32
    %mul3A_1 = arith.constant 640 : i32
    %mul3A_2 = arith.muli %arg1, %mul3A_1 : i32
    %dma_start3A = arith.constant 0 : i32
    %dma_start3A_3 = tpu.memref_slice %arg21[%mul3A_2, %dma_start3A] : memref<10240x32xf32, #tpu.memory_space<vmem_shared>> -> memref<640x32xf32, #tpu.memory_space<vmem_shared>>
    %dma_start3A_4 = arith.constant 0 : i32
    %dma_start3A_5 = tpu.memref_slice %arg2[%mul3A_2, %dma_start3A_4] : memref<10240x32xf32, #tpu.memory_space<hbm>> -> memref<640x32xf32, #tpu.memory_space<hbm>>
    tpu.enqueue_dma source(%dma_start3A_5 : memref<640x32xf32, #tpu.memory_space<hbm>>) target(%dma_start3A_3 : memref<640x32xf32, #tpu.memory_space<vmem_shared>>) target_semaphore(%arg22 : memref<!tpu.dma_semaphore, #tpu.memory_space<semaphore_mem>>)
    %dma_start3A_6 = arith.constant 0 : i32
    %dma_start3A_7 = tpu.memref_slice %arg20[%mul3A_2, %dma_start3A_6] : memref<10240x32xf32, #tpu.memory_space<vmem_shared>> -> memref<640x32xf32, #tpu.memory_space<vmem_shared>>
    %dma_start3A_8 = arith.constant 0 : i32
    %dma_start3A_9 = tpu.memref_slice %arg2[%mul3A_2, %dma_start3A_8] : memref<10240x32xf32, #tpu.memory_space<hbm>> -> memref<640x32xf32, #tpu.memory_space<hbm>>
    tpu.enqueue_dma source(%dma_start3A_9 : memref<640x32xf32, #tpu.memory_space<hbm>>) target(%dma_start3A_7 : memref<640x32xf32, #tpu.memory_space<vmem_shared>>) target_semaphore(%arg23 : memref<!tpu.dma_semaphore, #tpu.memory_space<semaphore_mem>>)
    %mul3A_10 = arith.constant 78 : i32
    %mul3A_11 = arith.muli %add3A, %mul3A_10 : i32
    %dma_start3A_12 = arith.constant 0 : i32
    %dma_start3A_13 = arith.constant 0 : i32
    %dma_start3A_14 = arith.constant 0 : i32
    %dma_start3A_15 = tpu.memref_slice %arg5[%dma_start3A_13, %dma_start3A_14] : memref<79x128xi32, #tpu.memory_space<vmem>> -> memref<78x128xi32, #tpu.memory_space<vmem>>
    %dma_start3A_16 = arith.constant 0 : i32
    %dma_start3A_17 = tpu.memref_slice %arg3[%dma_start3A_12, %mul3A_11, %dma_start3A_16] : memref<2x2500x128xi32, #tpu.memory_space<hbm>> -> memref<1x78x128xi32, #tpu.memory_space<hbm>>
    %dma_start3A_18 = tpu.memref_squeeze %dma_start3A_17 : memref<1x78x128xi32, #tpu.memory_space<hbm>> -> memref<78x128xi32, #tpu.memory_space<hbm>>
    %dma_start3A_19 = arith.constant 0 : i32
    %dma_start3A_20 = arith.constant 0 : i32
    %dma_start3A_21 = tpu.memref_slice %arg5[%dma_start3A_19, %dma_start3A_20] : memref<79x128xi32, #tpu.memory_space<vmem>> -> memref<78x128xi32, #tpu.memory_space<vmem>>
    %dma_start3A_22 = arith.constant 0 : i32
    %dma_start3A_23 = tpu.memref_slice %arg3[%dma_start3A_12, %mul3A_11, %dma_start3A_22] : memref<2x2500x128xi32, #tpu.memory_space<hbm>> -> memref<1x78x128xi32, #tpu.memory_space<hbm>>
    %dma_start3A_24 = tpu.memref_squeeze %dma_start3A_23 : memref<1x78x128xi32, #tpu.memory_space<hbm>> -> memref<78x128xi32, #tpu.memory_space<hbm>>
    tpu.enqueue_dma source(%dma_start3A_24 : memref<78x128xi32, #tpu.memory_space<hbm>>) target(%dma_start3A_21 : memref<78x128xi32, #tpu.memory_space<vmem>>) target_semaphore(%arg35 : memref<!tpu.dma_semaphore, #tpu.memory_space<semaphore_mem>>)
    %mul3A_25 = arith.constant 78 : i32
    %mul3A_26 = arith.muli %add3A, %mul3A_25 : i32
    %dma_start3A_27 = arith.constant 1 : i32
    %dma_start3A_28 = arith.constant 0 : i32
    %dma_start3A_29 = arith.constant 0 : i32
    %dma_start3A_30 = tpu.memref_slice %arg6[%dma_start3A_28, %dma_start3A_29] : memref<79x128xi32, #tpu.memory_space<vmem>> -> memref<78x128xi32, #tpu.memory_space<vmem>>
    %dma_start3A_31 = arith.constant 0 : i32
    %dma_start3A_32 = tpu.memref_slice %arg3[%dma_start3A_27, %mul3A_26, %dma_start3A_31] : memref<2x2500x128xi32, #tpu.memory_space<hbm>> -> memref<1x78x128xi32, #tpu.memory_space<hbm>>
    %dma_start3A_33 = tpu.memref_squeeze %dma_start3A_32 : memref<1x78x128xi32, #tpu.memory_space<hbm>> -> memref<78x128xi32, #tpu.memory_space<hbm>>
    %dma_start3A_34 = arith.constant 0 : i32
    %dma_start3A_35 = arith.constant 0 : i32
    %dma_start3A_36 = tpu.memref_slice %arg6[%dma_start3A_34, %dma_start3A_35] : memref<79x128xi32, #tpu.memory_space<vmem>> -> memref<78x128xi32, #tpu.memory_space<vmem>>
    %dma_start3A_37 = arith.constant 0 : i32
    %dma_start3A_38 = tpu.memref_slice %arg3[%dma_start3A_27, %mul3A_26, %dma_start3A_37] : memref<2x2500x128xi32, #tpu.memory_space<hbm>> -> memref<1x78x128xi32, #tpu.memory_space<hbm>>
    %dma_start3A_39 = tpu.memref_squeeze %dma_start3A_38 : memref<1x78x128xi32, #tpu.memory_space<hbm>> -> memref<78x128xi32, #tpu.memory_space<hbm>>
    tpu.enqueue_dma source(%dma_start3A_39 : memref<78x128xi32, #tpu.memory_space<hbm>>) target(%dma_start3A_36 : memref<78x128xi32, #tpu.memory_space<vmem>>) target_semaphore(%arg36 : memref<!tpu.dma_semaphore, #tpu.memory_space<semaphore_mem>>)
    %dma_wait3A = arith.constant 0 : i32
    %dma_wait3A_40 = tpu.memref_slice %arg21[%mul3A_2, %dma_wait3A] : memref<10240x32xf32, #tpu.memory_space<vmem_shared>> -> memref<640x32xf32, #tpu.memory_space<vmem_shared>>
    %dma_wait3A_41 = arith.constant 0 : i32
    %dma_wait3A_42 = tpu.memref_slice %arg2[%mul3A_2, %dma_wait3A_41] : memref<10240x32xf32, #tpu.memory_space<hbm>> -> memref<640x32xf32, #tpu.memory_space<hbm>>
    tpu.wait_dma2 semaphore(%arg22 : memref<!tpu.dma_semaphore, #tpu.memory_space<semaphore_mem>>) src(%dma_wait3A_42 : memref<640x32xf32, #tpu.memory_space<hbm>>) dst(%dma_wait3A_40 : memref<640x32xf32, #tpu.memory_space<vmem_shared>>)
    %dma_wait3A_43 = arith.constant 0 : i32
    %dma_wait3A_44 = tpu.memref_slice %arg20[%mul3A_2, %dma_wait3A_43] : memref<10240x32xf32, #tpu.memory_space<vmem_shared>> -> memref<640x32xf32, #tpu.memory_space<vmem_shared>>
    %dma_wait3A_45 = arith.constant 0 : i32
    %dma_wait3A_46 = tpu.memref_slice %arg2[%mul3A_2, %dma_wait3A_45] : memref<10240x32xf32, #tpu.memory_space<hbm>> -> memref<640x32xf32, #tpu.memory_space<hbm>>
    tpu.wait_dma2 semaphore(%arg23 : memref<!tpu.dma_semaphore, #tpu.memory_space<semaphore_mem>>) src(%dma_wait3A_46 : memref<640x32xf32, #tpu.memory_space<hbm>>) dst(%dma_wait3A_44 : memref<640x32xf32, #tpu.memory_space<vmem_shared>>)
    %dma_wait3A_47 = arith.constant 0 : i32
    %dma_wait3A_48 = arith.constant 0 : i32
    %dma_wait3A_49 = arith.constant 0 : i32
    %dma_wait3A_50 = tpu.memref_slice %arg5[%dma_wait3A_48, %dma_wait3A_49] : memref<79x128xi32, #tpu.memory_space<vmem>> -> memref<78x128xi32, #tpu.memory_space<vmem>>
    %dma_wait3A_51 = arith.constant 0 : i32
    %dma_wait3A_52 = tpu.memref_slice %arg3[%dma_wait3A_47, %mul3A_11, %dma_wait3A_51] : memref<2x2500x128xi32, #tpu.memory_space<hbm>> -> memref<1x78x128xi32, #tpu.memory_space<hbm>>
    %dma_wait3A_53 = tpu.memref_squeeze %dma_wait3A_52 : memref<1x78x128xi32, #tpu.memory_space<hbm>> -> memref<78x128xi32, #tpu.memory_space<hbm>>
    %dma_wait3A_54 = arith.constant 0 : i32
    %dma_wait3A_55 = arith.constant 0 : i32
    %dma_wait3A_56 = tpu.memref_slice %arg5[%dma_wait3A_54, %dma_wait3A_55] : memref<79x128xi32, #tpu.memory_space<vmem>> -> memref<78x128xi32, #tpu.memory_space<vmem>>
    %dma_wait3A_57 = arith.constant 0 : i32
    %dma_wait3A_58 = tpu.memref_slice %arg3[%dma_wait3A_47, %mul3A_11, %dma_wait3A_57] : memref<2x2500x128xi32, #tpu.memory_space<hbm>> -> memref<1x78x128xi32, #tpu.memory_space<hbm>>
    %dma_wait3A_59 = tpu.memref_squeeze %dma_wait3A_58 : memref<1x78x128xi32, #tpu.memory_space<hbm>> -> memref<78x128xi32, #tpu.memory_space<hbm>>
    tpu.wait_dma2 semaphore(%arg35 : memref<!tpu.dma_semaphore, #tpu.memory_space<semaphore_mem>>) src(%dma_wait3A_59 : memref<78x128xi32, #tpu.memory_space<hbm>>) dst(%dma_wait3A_56 : memref<78x128xi32, #tpu.memory_space<vmem>>)
    %dma_wait3A_60 = arith.constant 1 : i32
    %dma_wait3A_61 = arith.constant 0 : i32
    %dma_wait3A_62 = arith.constant 0 : i32
    %dma_wait3A_63 = tpu.memref_slice %arg6[%dma_wait3A_61, %dma_wait3A_62] : memref<79x128xi32, #tpu.memory_space<vmem>> -> memref<78x128xi32, #tpu.memory_space<vmem>>
    %dma_wait3A_64 = arith.constant 0 : i32
    %dma_wait3A_65 = tpu.memref_slice %arg3[%dma_wait3A_60, %mul3A_26, %dma_wait3A_64] : memref<2x2500x128xi32, #tpu.memory_space<hbm>> -> memref<1x78x128xi32, #tpu.memory_space<hbm>>
    %dma_wait3A_66 = tpu.memref_squeeze %dma_wait3A_65 : memref<1x78x128xi32, #tpu.memory_space<hbm>> -> memref<78x128xi32, #tpu.memory_space<hbm>>
    %dma_wait3A_67 = arith.constant 0 : i32
    %dma_wait3A_68 = arith.constant 0 : i32
    %dma_wait3A_69 = tpu.memref_slice %arg6[%dma_wait3A_67, %dma_wait3A_68] : memref<79x128xi32, #tpu.memory_space<vmem>> -> memref<78x128xi32, #tpu.memory_space<vmem>>
    %dma_wait3A_70 = arith.constant 0 : i32
    %dma_wait3A_71 = tpu.memref_slice %arg3[%dma_wait3A_60, %mul3A_26, %dma_wait3A_70] : memref<2x2500x128xi32, #tpu.memory_space<hbm>> -> memref<1x78x128xi32, #tpu.memory_space<hbm>>
    %dma_wait3A_72 = tpu.memref_squeeze %dma_wait3A_71 : memref<1x78x128xi32, #tpu.memory_space<hbm>> -> memref<78x128xi32, #tpu.memory_space<hbm>>
    tpu.wait_dma2 semaphore(%arg36 : memref<!tpu.dma_semaphore, #tpu.memory_space<semaphore_mem>>) src(%dma_wait3A_72 : memref<78x128xi32, #tpu.memory_space<hbm>>) dst(%dma_wait3A_69 : memref<78x128xi32, #tpu.memory_space<vmem>>)
    %lt3A = arith.constant 4 : i32
    %lt3A_73 = arith.cmpi slt, %add3A, %lt3A : i32
    %convert_element_type3A = arith.extui %lt3A_73 : i1 to i32
    %cond3A = arith.constant 0 : i32
    %cond3A_74 = arith.cmpi ne, %convert_element_type3A, %cond3A : i32
    scf.if %cond3A_74 {
      %add3A_450 = arith.constant 2496 : i32
      %add3A_451 = arith.addi %add3A_450, %add3A : i32
      %run_scoped3A = arith.constant 0 : i32
      %run_scoped3A_452 = arith.constant 78 : i32
      "tpu.region"() ({
        %run_scoped3A_457 = tpu.sem_alloc : memref<!tpu.dma_semaphore, #tpu.memory_space<semaphore_mem>>
        %dma_start3A_458 = arith.constant 0 : i32
        %dma_start3A_459 = tpu.memref_slice %arg5[%run_scoped3A_452, %dma_start3A_458] : memref<79x128xi32, #tpu.memory_space<vmem>> -> memref<1x128xi32, #tpu.memory_space<vmem>>
        %dma_start3A_460 = tpu.memref_squeeze %dma_start3A_459 : memref<1x128xi32, #tpu.memory_space<vmem>> -> memref<128xi32, #tpu.memory_space<vmem>>
        %dma_start3A_461 = arith.constant 0 : i32
        %dma_start3A_462 = tpu.memref_slice %arg3[%run_scoped3A, %add3A_451, %dma_start3A_461] : memref<2x2500x128xi32, #tpu.memory_space<hbm>> -> memref<1x1x128xi32, #tpu.memory_space<hbm>>
        %dma_start3A_463 = tpu.memref_squeeze %dma_start3A_462 : memref<1x1x128xi32, #tpu.memory_space<hbm>> -> memref<128xi32, #tpu.memory_space<hbm>>
        %dma_start3A_464 = arith.constant 0 : i32
        %dma_start3A_465 = tpu.memref_slice %arg5[%run_scoped3A_452, %dma_start3A_464] : memref<79x128xi32, #tpu.memory_space<vmem>> -> memref<1x128xi32, #tpu.memory_space<vmem>>
        %dma_start3A_466 = tpu.memref_squeeze %dma_start3A_465 : memref<1x128xi32, #tpu.memory_space<vmem>> -> memref<128xi32, #tpu.memory_space<vmem>>
        %dma_start3A_467 = arith.constant 0 : i32
        %dma_start3A_468 = tpu.memref_slice %arg3[%run_scoped3A, %add3A_451, %dma_start3A_467] : memref<2x2500x128xi32, #tpu.memory_space<hbm>> -> memref<1x1x128xi32, #tpu.memory_space<hbm>>
        %dma_start3A_469 = tpu.memref_squeeze %dma_start3A_468 : memref<1x1x128xi32, #tpu.memory_space<hbm>> -> memref<128xi32, #tpu.memory_space<hbm>>
        tpu.enqueue_dma source(%dma_start3A_469 : memref<128xi32, #tpu.memory_space<hbm>>) target(%dma_start3A_466 : memref<128xi32, #tpu.memory_space<vmem>>) target_semaphore(%run_scoped3A_457 : memref<!tpu.dma_semaphore, #tpu.memory_space<semaphore_mem>>)
        %dma_wait3A_470 = arith.constant 0 : i32
        %dma_wait3A_471 = tpu.memref_slice %arg5[%run_scoped3A_452, %dma_wait3A_470] : memref<79x128xi32, #tpu.memory_space<vmem>> -> memref<1x128xi32, #tpu.memory_space<vmem>>
        %dma_wait3A_472 = tpu.memref_squeeze %dma_wait3A_471 : memref<1x128xi32, #tpu.memory_space<vmem>> -> memref<128xi32, #tpu.memory_space<vmem>>
        %dma_wait3A_473 = arith.constant 0 : i32
        %dma_wait3A_474 = tpu.memref_slice %arg3[%run_scoped3A, %add3A_451, %dma_wait3A_473] : memref<2x2500x128xi32, #tpu.memory_space<hbm>> -> memref<1x1x128xi32, #tpu.memory_space<hbm>>
        %dma_wait3A_475 = tpu.memref_squeeze %dma_wait3A_474 : memref<1x1x128xi32, #tpu.memory_space<hbm>> -> memref<128xi32, #tpu.memory_space<hbm>>
        %dma_wait3A_476 = arith.constant 0 : i32
        %dma_wait3A_477 = tpu.memref_slice %arg5[%run_scoped3A_452, %dma_wait3A_476] : memref<79x128xi32, #tpu.memory_space<vmem>> -> memref<1x128xi32, #tpu.memory_space<vmem>>
        %dma_wait3A_478 = tpu.memref_squeeze %dma_wait3A_477 : memref<1x128xi32, #tpu.memory_space<vmem>> -> memref<128xi32, #tpu.memory_space<vmem>>
        %dma_wait3A_479 = arith.constant 0 : i32
        %dma_wait3A_480 = tpu.memref_slice %arg3[%run_scoped3A, %add3A_451, %dma_wait3A_479] : memref<2x2500x128xi32, #tpu.memory_space<hbm>> -> memref<1x1x128xi32, #tpu.memory_space<hbm>>
        %dma_wait3A_481 = tpu.memref_squeeze %dma_wait3A_480 : memref<1x1x128xi32, #tpu.memory_space<hbm>> -> memref<128xi32, #tpu.memory_space<hbm>>
        tpu.wait_dma2 semaphore(%run_scoped3A_457 : memref<!tpu.dma_semaphore, #tpu.memory_space<semaphore_mem>>) src(%dma_wait3A_481 : memref<128xi32, #tpu.memory_space<hbm>>) dst(%dma_wait3A_478 : memref<128xi32, #tpu.memory_space<vmem>>)
        tpu.yield
      }) : () -> ()
      %add3A_453 = arith.constant 2496 : i32
      %add3A_454 = arith.addi %add3A_453, %add3A : i32
      %run_scoped3A_455 = arith.constant 1 : i32
      %run_scoped3A_456 = arith.constant 78 : i32
      "tpu.region"() ({
        %run_scoped3A_457 = tpu.sem_alloc : memref<!tpu.dma_semaphore, #tpu.memory_space<semaphore_mem>>
        %dma_start3A_458 = arith.constant 0 : i32
        %dma_start3A_459 = tpu.memref_slice %arg6[%run_scoped3A_456, %dma_start3A_458] : memref<79x128xi32, #tpu.memory_space<vmem>> -> memref<1x128xi32, #tpu.memory_space<vmem>>
        %dma_start3A_460 = tpu.memref_squeeze %dma_start3A_459 : memref<1x128xi32, #tpu.memory_space<vmem>> -> memref<128xi32, #tpu.memory_space<vmem>>
        %dma_start3A_461 = arith.constant 0 : i32
        %dma_start3A_462 = tpu.memref_slice %arg3[%run_scoped3A_455, %add3A_454, %dma_start3A_461] : memref<2x2500x128xi32, #tpu.memory_space<hbm>> -> memref<1x1x128xi32, #tpu.memory_space<hbm>>
        %dma_start3A_463 = tpu.memref_squeeze %dma_start3A_462 : memref<1x1x128xi32, #tpu.memory_space<hbm>> -> memref<128xi32, #tpu.memory_space<hbm>>
        %dma_start3A_464 = arith.constant 0 : i32
        %dma_start3A_465 = tpu.memref_slice %arg6[%run_scoped3A_456, %dma_start3A_464] : memref<79x128xi32, #tpu.memory_space<vmem>> -> memref<1x128xi32, #tpu.memory_space<vmem>>
        %dma_start3A_466 = tpu.memref_squeeze %dma_start3A_465 : memref<1x128xi32, #tpu.memory_space<vmem>> -> memref<128xi32, #tpu.memory_space<vmem>>
        %dma_start3A_467 = arith.constant 0 : i32
        %dma_start3A_468 = tpu.memref_slice %arg3[%run_scoped3A_455, %add3A_454, %dma_start3A_467] : memref<2x2500x128xi32, #tpu.memory_space<hbm>> -> memref<1x1x128xi32, #tpu.memory_space<hbm>>
        %dma_start3A_469 = tpu.memref_squeeze %dma_start3A_468 : memref<1x1x128xi32, #tpu.memory_space<hbm>> -> memref<128xi32, #tpu.memory_space<hbm>>
        tpu.enqueue_dma source(%dma_start3A_469 : memref<128xi32, #tpu.memory_space<hbm>>) target(%dma_start3A_466 : memref<128xi32, #tpu.memory_space<vmem>>) target_semaphore(%run_scoped3A_457 : memref<!tpu.dma_semaphore, #tpu.memory_space<semaphore_mem>>)
        %dma_wait3A_470 = arith.constant 0 : i32
        %dma_wait3A_471 = tpu.memref_slice %arg6[%run_scoped3A_456, %dma_wait3A_470] : memref<79x128xi32, #tpu.memory_space<vmem>> -> memref<1x128xi32, #tpu.memory_space<vmem>>
        %dma_wait3A_472 = tpu.memref_squeeze %dma_wait3A_471 : memref<1x128xi32, #tpu.memory_space<vmem>> -> memref<128xi32, #tpu.memory_space<vmem>>
        %dma_wait3A_473 = arith.constant 0 : i32
        %dma_wait3A_474 = tpu.memref_slice %arg3[%run_scoped3A_455, %add3A_454, %dma_wait3A_473] : memref<2x2500x128xi32, #tpu.memory_space<hbm>> -> memref<1x1x128xi32, #tpu.memory_space<hbm>>
        %dma_wait3A_475 = tpu.memref_squeeze %dma_wait3A_474 : memref<1x1x128xi32, #tpu.memory_space<hbm>> -> memref<128xi32, #tpu.memory_space<hbm>>
        %dma_wait3A_476 = arith.constant 0 : i32
        %dma_wait3A_477 = tpu.memref_slice %arg6[%run_scoped3A_456, %dma_wait3A_476] : memref<79x128xi32, #tpu.memory_space<vmem>> -> memref<1x128xi32, #tpu.memory_space<vmem>>
        %dma_wait3A_478 = tpu.memref_squeeze %dma_wait3A_477 : memref<1x128xi32, #tpu.memory_space<vmem>> -> memref<128xi32, #tpu.memory_space<vmem>>
        %dma_wait3A_479 = arith.constant 0 : i32
        %dma_wait3A_480 = tpu.memref_slice %arg3[%run_scoped3A_455, %add3A_454, %dma_wait3A_479] : memref<2x2500x128xi32, #tpu.memory_space<hbm>> -> memref<1x1x128xi32, #tpu.memory_space<hbm>>
        %dma_wait3A_481 = tpu.memref_squeeze %dma_wait3A_480 : memref<1x1x128xi32, #tpu.memory_space<hbm>> -> memref<128xi32, #tpu.memory_space<hbm>>
        tpu.wait_dma2 semaphore(%run_scoped3A_457 : memref<!tpu.dma_semaphore, #tpu.memory_space<semaphore_mem>>) src(%dma_wait3A_481 : memref<128xi32, #tpu.memory_space<hbm>>) dst(%dma_wait3A_478 : memref<128xi32, #tpu.memory_space<vmem>>)
        tpu.yield
      }) : () -> ()
    } else {
    }
    %barrier3A = arith.constant 0 : index
    tpu.barrier barrier_id(%barrier3A)
    %dma_start3A_75 = arith.constant 0 : i32
    %dma_start3A_76 = arith.constant 0 : i32
    %dma_start3A_77 = tpu.memref_slice %arg5[%dma_start3A_75, %dma_start3A_76] : memref<79x128xi32, #tpu.memory_space<vmem>> -> memref<1x128xi32, #tpu.memory_space<vmem>>
    %dma_start3A_78 = tpu.memref_squeeze %dma_start3A_77 : memref<1x128xi32, #tpu.memory_space<vmem>> -> memref<128xi32, #tpu.memory_space<vmem>>
    %dma_start3A_79 = arith.constant 0 : i32
    %dma_start3A_80 = arith.constant 0 : i32
    %dma_start3A_81 = tpu.memref_slice %arg21[%dma_start3A_79, %dma_start3A_80] : memref<10240x32xf32, #tpu.memory_space<vmem_shared>> -> memref<10240x32xf32, #tpu.memory_space<vmem_shared>>
    tpu.enqueue_indirect_dma source(%dma_start3A_81 : memref<10240x32xf32, #tpu.memory_space<vmem_shared>>) target(%arg7 : memref<128x32xf32, #tpu.memory_space<vmem>>) offsets(%dma_start3A_78 : memref<128xi32, #tpu.memory_space<vmem>>) semaphore(%arg22 : memref<!tpu.dma_semaphore, #tpu.memory_space<semaphore_mem>>)
    %dma_start3A_82 = arith.constant 1 : i32
    %dma_start3A_83 = arith.constant 0 : i32
    %dma_start3A_84 = tpu.memref_slice %arg5[%dma_start3A_82, %dma_start3A_83] : memref<79x128xi32, #tpu.memory_space<vmem>> -> memref<1x128xi32, #tpu.memory_space<vmem>>
    %dma_start3A_85 = tpu.memref_squeeze %dma_start3A_84 : memref<1x128xi32, #tpu.memory_space<vmem>> -> memref<128xi32, #tpu.memory_space<vmem>>
    %dma_start3A_86 = arith.constant 0 : i32
    %dma_start3A_87 = arith.constant 0 : i32
    %dma_start3A_88 = tpu.memref_slice %arg21[%dma_start3A_86, %dma_start3A_87] : memref<10240x32xf32, #tpu.memory_space<vmem_shared>> -> memref<10240x32xf32, #tpu.memory_space<vmem_shared>>
    tpu.enqueue_indirect_dma source(%dma_start3A_88 : memref<10240x32xf32, #tpu.memory_space<vmem_shared>>) target(%arg8 : memref<128x32xf32, #tpu.memory_space<vmem>>) offsets(%dma_start3A_85 : memref<128xi32, #tpu.memory_space<vmem>>) semaphore(%arg23 : memref<!tpu.dma_semaphore, #tpu.memory_space<semaphore_mem>>)
    %dma_start3A_89 = arith.constant 2 : i32
    %dma_start3A_90 = arith.constant 0 : i32
    %dma_start3A_91 = tpu.memref_slice %arg5[%dma_start3A_89, %dma_start3A_90] : memref<79x128xi32, #tpu.memory_space<vmem>> -> memref<1x128xi32, #tpu.memory_space<vmem>>
    %dma_start3A_92 = tpu.memref_squeeze %dma_start3A_91 : memref<1x128xi32, #tpu.memory_space<vmem>> -> memref<128xi32, #tpu.memory_space<vmem>>
    %dma_start3A_93 = arith.constant 0 : i32
    %dma_start3A_94 = arith.constant 0 : i32
    %dma_start3A_95 = tpu.memref_slice %arg21[%dma_start3A_93, %dma_start3A_94] : memref<10240x32xf32, #tpu.memory_space<vmem_shared>> -> memref<10240x32xf32, #tpu.memory_space<vmem_shared>>
    tpu.enqueue_indirect_dma source(%dma_start3A_95 : memref<10240x32xf32, #tpu.memory_space<vmem_shared>>) target(%arg9 : memref<128x32xf32, #tpu.memory_space<vmem>>) offsets(%dma_start3A_92 : memref<128xi32, #tpu.memory_space<vmem>>) semaphore(%arg24 : memref<!tpu.dma_semaphore, #tpu.memory_space<semaphore_mem>>)
    %dma_start3A_96 = arith.constant 3 : i32
    %dma_start3A_97 = arith.constant 0 : i32
    %dma_start3A_98 = tpu.memref_slice %arg5[%dma_start3A_96, %dma_start3A_97] : memref<79x128xi32, #tpu.memory_space<vmem>> -> memref<1x128xi32, #tpu.memory_space<vmem>>
    %dma_start3A_99 = tpu.memref_squeeze %dma_start3A_98 : memref<1x128xi32, #tpu.memory_space<vmem>> -> memref<128xi32, #tpu.memory_space<vmem>>
    %dma_start3A_100 = arith.constant 0 : i32
    %dma_start3A_101 = arith.constant 0 : i32
    %dma_start3A_102 = tpu.memref_slice %arg21[%dma_start3A_100, %dma_start3A_101] : memref<10240x32xf32, #tpu.memory_space<vmem_shared>> -> memref<10240x32xf32, #tpu.memory_space<vmem_shared>>
    tpu.enqueue_indirect_dma source(%dma_start3A_102 : memref<10240x32xf32, #tpu.memory_space<vmem_shared>>) target(%arg10 : memref<128x32xf32, #tpu.memory_space<vmem>>) offsets(%dma_start3A_99 : memref<128xi32, #tpu.memory_space<vmem>>) semaphore(%arg25 : memref<!tpu.dma_semaphore, #tpu.memory_space<semaphore_mem>>)
    %dma_start3A_103 = arith.constant 4 : i32
    %dma_start3A_104 = arith.constant 0 : i32
    %dma_start3A_105 = tpu.memref_slice %arg5[%dma_start3A_103, %dma_start3A_104] : memref<79x128xi32, #tpu.memory_space<vmem>> -> memref<1x128xi32, #tpu.memory_space<vmem>>
    %dma_start3A_106 = tpu.memref_squeeze %dma_start3A_105 : memref<1x128xi32, #tpu.memory_space<vmem>> -> memref<128xi32, #tpu.memory_space<vmem>>
    %dma_start3A_107 = arith.constant 0 : i32
    %dma_start3A_108 = arith.constant 0 : i32
    %dma_start3A_109 = tpu.memref_slice %arg21[%dma_start3A_107, %dma_start3A_108] : memref<10240x32xf32, #tpu.memory_space<vmem_shared>> -> memref<10240x32xf32, #tpu.memory_space<vmem_shared>>
    tpu.enqueue_indirect_dma source(%dma_start3A_109 : memref<10240x32xf32, #tpu.memory_space<vmem_shared>>) target(%arg11 : memref<128x32xf32, #tpu.memory_space<vmem>>) offsets(%dma_start3A_106 : memref<128xi32, #tpu.memory_space<vmem>>) semaphore(%arg26 : memref<!tpu.dma_semaphore, #tpu.memory_space<semaphore_mem>>)
    %dma_start3A_110 = arith.constant 5 : i32
    %dma_start3A_111 = arith.constant 0 : i32
    %dma_start3A_112 = tpu.memref_slice %arg5[%dma_start3A_110, %dma_start3A_111] : memref<79x128xi32, #tpu.memory_space<vmem>> -> memref<1x128xi32, #tpu.memory_space<vmem>>
    %dma_start3A_113 = tpu.memref_squeeze %dma_start3A_112 : memref<1x128xi32, #tpu.memory_space<vmem>> -> memref<128xi32, #tpu.memory_space<vmem>>
    %dma_start3A_114 = arith.constant 0 : i32
    %dma_start3A_115 = arith.constant 0 : i32
    %dma_start3A_116 = tpu.memref_slice %arg21[%dma_start3A_114, %dma_start3A_115] : memref<10240x32xf32, #tpu.memory_space<vmem_shared>> -> memref<10240x32xf32, #tpu.memory_space<vmem_shared>>
    tpu.enqueue_indirect_dma source(%dma_start3A_116 : memref<10240x32xf32, #tpu.memory_space<vmem_shared>>) target(%arg12 : memref<128x32xf32, #tpu.memory_space<vmem>>) offsets(%dma_start3A_113 : memref<128xi32, #tpu.memory_space<vmem>>) semaphore(%arg27 : memref<!tpu.dma_semaphore, #tpu.memory_space<semaphore_mem>>)
    %dma_start3A_117 = arith.constant 6 : i32
    %dma_start3A_118 = arith.constant 0 : i32
    %dma_start3A_119 = tpu.memref_slice %arg5[%dma_start3A_117, %dma_start3A_118] : memref<79x128xi32, #tpu.memory_space<vmem>> -> memref<1x128xi32, #tpu.memory_space<vmem>>
    %dma_start3A_120 = tpu.memref_squeeze %dma_start3A_119 : memref<1x128xi32, #tpu.memory_space<vmem>> -> memref<128xi32, #tpu.memory_space<vmem>>
    %dma_start3A_121 = arith.constant 0 : i32
    %dma_start3A_122 = arith.constant 0 : i32
    %dma_start3A_123 = tpu.memref_slice %arg21[%dma_start3A_121, %dma_start3A_122] : memref<10240x32xf32, #tpu.memory_space<vmem_shared>> -> memref<10240x32xf32, #tpu.memory_space<vmem_shared>>
    tpu.enqueue_indirect_dma source(%dma_start3A_123 : memref<10240x32xf32, #tpu.memory_space<vmem_shared>>) target(%arg13 : memref<128x32xf32, #tpu.memory_space<vmem>>) offsets(%dma_start3A_120 : memref<128xi32, #tpu.memory_space<vmem>>) semaphore(%arg28 : memref<!tpu.dma_semaphore, #tpu.memory_space<semaphore_mem>>)
    %dma_start3A_124 = arith.constant 7 : i32
    %dma_start3A_125 = arith.constant 0 : i32
    %dma_start3A_126 = tpu.memref_slice %arg5[%dma_start3A_124, %dma_start3A_125] : memref<79x128xi32, #tpu.memory_space<vmem>> -> memref<1x128xi32, #tpu.memory_space<vmem>>
    %dma_start3A_127 = tpu.memref_squeeze %dma_start3A_126 : memref<1x128xi32, #tpu.memory_space<vmem>> -> memref<128xi32, #tpu.memory_space<vmem>>
    %dma_start3A_128 = arith.constant 0 : i32
    %dma_start3A_129 = arith.constant 0 : i32
    %dma_start3A_130 = tpu.memref_slice %arg21[%dma_start3A_128, %dma_start3A_129] : memref<10240x32xf32, #tpu.memory_space<vmem_shared>> -> memref<10240x32xf32, #tpu.memory_space<vmem_shared>>
    tpu.enqueue_indirect_dma source(%dma_start3A_130 : memref<10240x32xf32, #tpu.memory_space<vmem_shared>>) target(%arg14 : memref<128x32xf32, #tpu.memory_space<vmem>>) offsets(%dma_start3A_127 : memref<128xi32, #tpu.memory_space<vmem>>) semaphore(%arg29 : memref<!tpu.dma_semaphore, #tpu.memory_space<semaphore_mem>>)
    %dma_start3A_131 = arith.constant 8 : i32
    %dma_start3A_132 = arith.constant 0 : i32
    %dma_start3A_133 = tpu.memref_slice %arg5[%dma_start3A_131, %dma_start3A_132] : memref<79x128xi32, #tpu.memory_space<vmem>> -> memref<1x128xi32, #tpu.memory_space<vmem>>
    %dma_start3A_134 = tpu.memref_squeeze %dma_start3A_133 : memref<1x128xi32, #tpu.memory_space<vmem>> -> memref<128xi32, #tpu.memory_space<vmem>>
    %dma_start3A_135 = arith.constant 0 : i32
    %dma_start3A_136 = arith.constant 0 : i32
    %dma_start3A_137 = tpu.memref_slice %arg21[%dma_start3A_135, %dma_start3A_136] : memref<10240x32xf32, #tpu.memory_space<vmem_shared>> -> memref<10240x32xf32, #tpu.memory_space<vmem_shared>>
    tpu.enqueue_indirect_dma source(%dma_start3A_137 : memref<10240x32xf32, #tpu.memory_space<vmem_shared>>) target(%arg15 : memref<128x32xf32, #tpu.memory_space<vmem>>) offsets(%dma_start3A_134 : memref<128xi32, #tpu.memory_space<vmem>>) semaphore(%arg30 : memref<!tpu.dma_semaphore, #tpu.memory_space<semaphore_mem>>)
    %dma_start3A_138 = arith.constant 9 : i32
    %dma_start3A_139 = arith.constant 0 : i32
    %dma_start3A_140 = tpu.memref_slice %arg5[%dma_start3A_138, %dma_start3A_139] : memref<79x128xi32, #tpu.memory_space<vmem>> -> memref<1x128xi32, #tpu.memory_space<vmem>>
    %dma_start3A_141 = tpu.memref_squeeze %dma_start3A_140 : memref<1x128xi32, #tpu.memory_space<vmem>> -> memref<128xi32, #tpu.memory_space<vmem>>
    %dma_start3A_142 = arith.constant 0 : i32
    %dma_start3A_143 = arith.constant 0 : i32
    %dma_start3A_144 = tpu.memref_slice %arg21[%dma_start3A_142, %dma_start3A_143] : memref<10240x32xf32, #tpu.memory_space<vmem_shared>> -> memref<10240x32xf32, #tpu.memory_space<vmem_shared>>
    tpu.enqueue_indirect_dma source(%dma_start3A_144 : memref<10240x32xf32, #tpu.memory_space<vmem_shared>>) target(%arg16 : memref<128x32xf32, #tpu.memory_space<vmem>>) offsets(%dma_start3A_141 : memref<128xi32, #tpu.memory_space<vmem>>) semaphore(%arg31 : memref<!tpu.dma_semaphore, #tpu.memory_space<semaphore_mem>>)
    %dma_start3A_145 = arith.constant 10 : i32
    %dma_start3A_146 = arith.constant 0 : i32
    %dma_start3A_147 = tpu.memref_slice %arg5[%dma_start3A_145, %dma_start3A_146] : memref<79x128xi32, #tpu.memory_space<vmem>> -> memref<1x128xi32, #tpu.memory_space<vmem>>
    %dma_start3A_148 = tpu.memref_squeeze %dma_start3A_147 : memref<1x128xi32, #tpu.memory_space<vmem>> -> memref<128xi32, #tpu.memory_space<vmem>>
    %dma_start3A_149 = arith.constant 0 : i32
    %dma_start3A_150 = arith.constant 0 : i32
    %dma_start3A_151 = tpu.memref_slice %arg21[%dma_start3A_149, %dma_start3A_150] : memref<10240x32xf32, #tpu.memory_space<vmem_shared>> -> memref<10240x32xf32, #tpu.memory_space<vmem_shared>>
    tpu.enqueue_indirect_dma source(%dma_start3A_151 : memref<10240x32xf32, #tpu.memory_space<vmem_shared>>) target(%arg17 : memref<128x32xf32, #tpu.memory_space<vmem>>) offsets(%dma_start3A_148 : memref<128xi32, #tpu.memory_space<vmem>>) semaphore(%arg32 : memref<!tpu.dma_semaphore, #tpu.memory_space<semaphore_mem>>)
    %dma_start3A_152 = arith.constant 11 : i32
    %dma_start3A_153 = arith.constant 0 : i32
    %dma_start3A_154 = tpu.memref_slice %arg5[%dma_start3A_152, %dma_start3A_153] : memref<79x128xi32, #tpu.memory_space<vmem>> -> memref<1x128xi32, #tpu.memory_space<vmem>>
    %dma_start3A_155 = tpu.memref_squeeze %dma_start3A_154 : memref<1x128xi32, #tpu.memory_space<vmem>> -> memref<128xi32, #tpu.memory_space<vmem>>
    %dma_start3A_156 = arith.constant 0 : i32
    %dma_start3A_157 = arith.constant 0 : i32
    %dma_start3A_158 = tpu.memref_slice %arg21[%dma_start3A_156, %dma_start3A_157] : memref<10240x32xf32, #tpu.memory_space<vmem_shared>> -> memref<10240x32xf32, #tpu.memory_space<vmem_shared>>
    tpu.enqueue_indirect_dma source(%dma_start3A_158 : memref<10240x32xf32, #tpu.memory_space<vmem_shared>>) target(%arg18 : memref<128x32xf32, #tpu.memory_space<vmem>>) offsets(%dma_start3A_155 : memref<128xi32, #tpu.memory_space<vmem>>) semaphore(%arg33 : memref<!tpu.dma_semaphore, #tpu.memory_space<semaphore_mem>>)
    %dma_start3A_159 = arith.constant 12 : i32
    %dma_start3A_160 = arith.constant 0 : i32
    %dma_start3A_161 = tpu.memref_slice %arg5[%dma_start3A_159, %dma_start3A_160] : memref<79x128xi32, #tpu.memory_space<vmem>> -> memref<1x128xi32, #tpu.memory_space<vmem>>
    %dma_start3A_162 = tpu.memref_squeeze %dma_start3A_161 : memref<1x128xi32, #tpu.memory_space<vmem>> -> memref<128xi32, #tpu.memory_space<vmem>>
    %dma_start3A_163 = arith.constant 0 : i32
    %dma_start3A_164 = arith.constant 0 : i32
    %dma_start3A_165 = tpu.memref_slice %arg21[%dma_start3A_163, %dma_start3A_164] : memref<10240x32xf32, #tpu.memory_space<vmem_shared>> -> memref<10240x32xf32, #tpu.memory_space<vmem_shared>>
    tpu.enqueue_indirect_dma source(%dma_start3A_165 : memref<10240x32xf32, #tpu.memory_space<vmem_shared>>) target(%arg19 : memref<128x32xf32, #tpu.memory_space<vmem>>) offsets(%dma_start3A_162 : memref<128xi32, #tpu.memory_space<vmem>>) semaphore(%arg34 : memref<!tpu.dma_semaphore, #tpu.memory_space<semaphore_mem>>)
    %scan3A = arith.constant 0 : i32
    %scan3A_166 = arith.constant 0 : i32
    %scan3A_167 = arith.constant 5 : i32
    %scan3A_168 = arith.addi %scan3A_166, %scan3A_167 : i32
    %scan3A_169 = arith.constant 1 : i32
    scf.for %scan3A_450 = %scan3A_166 to %scan3A_168 step %scan3A_169  : i32 {
      %mul3A_451 = arith.constant 13 : i32
      %mul3A_452 = arith.muli %mul3A_451, %scan3A_450 : i32
      %add3A_453 = arith.constant 0 : i32
      %add3A_454 = arith.addi %mul3A_452, %add3A_453 : i32
      %dma_wait3A_455 = arith.constant 0 : i32
      %dma_wait3A_456 = tpu.memref_slice %arg5[%add3A_454, %dma_wait3A_455] : memref<79x128xi32, #tpu.memory_space<vmem>> -> memref<1x128xi32, #tpu.memory_space<vmem>>
      %dma_wait3A_457 = tpu.memref_squeeze %dma_wait3A_456 : memref<1x128xi32, #tpu.memory_space<vmem>> -> memref<128xi32, #tpu.memory_space<vmem>>
      %dma_wait3A_458 = arith.constant 0 : i32
      %dma_wait3A_459 = arith.constant 0 : i32
      %dma_wait3A_460 = tpu.memref_slice %arg21[%dma_wait3A_458, %dma_wait3A_459] : memref<10240x32xf32, #tpu.memory_space<vmem_shared>> -> memref<10240x32xf32, #tpu.memory_space<vmem_shared>>
      tpu.wait_indirect_dma semaphore(%arg22 : memref<!tpu.dma_semaphore, #tpu.memory_space<semaphore_mem>>) src(%dma_wait3A_460 : memref<10240x32xf32, #tpu.memory_space<vmem_shared>>) dst(%arg7 : memref<128x32xf32, #tpu.memory_space<vmem>>)
      %add3A_461 = arith.constant 0 : i32
      %add3A_462 = arith.addi %mul3A_452, %add3A_461 : i32
      %dma_start3A_463 = arith.constant 0 : i32
      %dma_start3A_464 = tpu.memref_slice %arg6[%add3A_462, %dma_start3A_463] : memref<79x128xi32, #tpu.memory_space<vmem>> -> memref<1x128xi32, #tpu.memory_space<vmem>>
      %dma_start3A_465 = tpu.memref_squeeze %dma_start3A_464 : memref<1x128xi32, #tpu.memory_space<vmem>> -> memref<128xi32, #tpu.memory_space<vmem>>
      %dma_start3A_466 = arith.constant 0 : i32
      %dma_start3A_467 = arith.constant 0 : i32
      %dma_start3A_468 = tpu.memref_slice %arg20[%dma_start3A_466, %dma_start3A_467] : memref<10240x32xf32, #tpu.memory_space<vmem_shared>> -> memref<10240x32xf32, #tpu.memory_space<vmem_shared>>
      tpu.enqueue_indirect_dma source(%arg7 : memref<128x32xf32, #tpu.memory_space<vmem>>) target(%dma_start3A_468 : memref<10240x32xf32, #tpu.memory_space<vmem_shared>>) offsets(%dma_start3A_465 : memref<128xi32, #tpu.memory_space<vmem>>) semaphore(%arg35 : memref<!tpu.dma_semaphore, #tpu.memory_space<semaphore_mem>>) {add = true}
      %add3A_469 = arith.constant 1 : i32
      %add3A_470 = arith.addi %mul3A_452, %add3A_469 : i32
      %dma_wait3A_471 = arith.constant 0 : i32
      %dma_wait3A_472 = tpu.memref_slice %arg5[%add3A_470, %dma_wait3A_471] : memref<79x128xi32, #tpu.memory_space<vmem>> -> memref<1x128xi32, #tpu.memory_space<vmem>>
      %dma_wait3A_473 = tpu.memref_squeeze %dma_wait3A_472 : memref<1x128xi32, #tpu.memory_space<vmem>> -> memref<128xi32, #tpu.memory_space<vmem>>
      %dma_wait3A_474 = arith.constant 0 : i32
      %dma_wait3A_475 = arith.constant 0 : i32
      %dma_wait3A_476 = tpu.memref_slice %arg21[%dma_wait3A_474, %dma_wait3A_475] : memref<10240x32xf32, #tpu.memory_space<vmem_shared>> -> memref<10240x32xf32, #tpu.memory_space<vmem_shared>>
      tpu.wait_indirect_dma semaphore(%arg23 : memref<!tpu.dma_semaphore, #tpu.memory_space<semaphore_mem>>) src(%dma_wait3A_476 : memref<10240x32xf32, #tpu.memory_space<vmem_shared>>) dst(%arg8 : memref<128x32xf32, #tpu.memory_space<vmem>>)
      %add3A_477 = arith.constant 1 : i32
      %add3A_478 = arith.addi %mul3A_452, %add3A_477 : i32
      %dma_start3A_479 = arith.constant 0 : i32
      %dma_start3A_480 = tpu.memref_slice %arg6[%add3A_478, %dma_start3A_479] : memref<79x128xi32, #tpu.memory_space<vmem>> -> memref<1x128xi32, #tpu.memory_space<vmem>>
      %dma_start3A_481 = tpu.memref_squeeze %dma_start3A_480 : memref<1x128xi32, #tpu.memory_space<vmem>> -> memref<128xi32, #tpu.memory_space<vmem>>
      %dma_start3A_482 = arith.constant 0 : i32
      %dma_start3A_483 = arith.constant 0 : i32
      %dma_start3A_484 = tpu.memref_slice %arg20[%dma_start3A_482, %dma_start3A_483] : memref<10240x32xf32, #tpu.memory_space<vmem_shared>> -> memref<10240x32xf32, #tpu.memory_space<vmem_shared>>
      tpu.enqueue_indirect_dma source(%arg8 : memref<128x32xf32, #tpu.memory_space<vmem>>) target(%dma_start3A_484 : memref<10240x32xf32, #tpu.memory_space<vmem_shared>>) offsets(%dma_start3A_481 : memref<128xi32, #tpu.memory_space<vmem>>) semaphore(%arg36 : memref<!tpu.dma_semaphore, #tpu.memory_space<semaphore_mem>>) {add = true}
      %add3A_485 = arith.constant 2 : i32
      %add3A_486 = arith.addi %mul3A_452, %add3A_485 : i32
      %dma_wait3A_487 = arith.constant 0 : i32
      %dma_wait3A_488 = tpu.memref_slice %arg5[%add3A_486, %dma_wait3A_487] : memref<79x128xi32, #tpu.memory_space<vmem>> -> memref<1x128xi32, #tpu.memory_space<vmem>>
      %dma_wait3A_489 = tpu.memref_squeeze %dma_wait3A_488 : memref<1x128xi32, #tpu.memory_space<vmem>> -> memref<128xi32, #tpu.memory_space<vmem>>
      %dma_wait3A_490 = arith.constant 0 : i32
      %dma_wait3A_491 = arith.constant 0 : i32
      %dma_wait3A_492 = tpu.memref_slice %arg21[%dma_wait3A_490, %dma_wait3A_491] : memref<10240x32xf32, #tpu.memory_space<vmem_shared>> -> memref<10240x32xf32, #tpu.memory_space<vmem_shared>>
      tpu.wait_indirect_dma semaphore(%arg24 : memref<!tpu.dma_semaphore, #tpu.memory_space<semaphore_mem>>) src(%dma_wait3A_492 : memref<10240x32xf32, #tpu.memory_space<vmem_shared>>) dst(%arg9 : memref<128x32xf32, #tpu.memory_space<vmem>>)
      %add3A_493 = arith.constant 2 : i32
      %add3A_494 = arith.addi %mul3A_452, %add3A_493 : i32
      %dma_start3A_495 = arith.constant 0 : i32
      %dma_start3A_496 = tpu.memref_slice %arg6[%add3A_494, %dma_start3A_495] : memref<79x128xi32, #tpu.memory_space<vmem>> -> memref<1x128xi32, #tpu.memory_space<vmem>>
      %dma_start3A_497 = tpu.memref_squeeze %dma_start3A_496 : memref<1x128xi32, #tpu.memory_space<vmem>> -> memref<128xi32, #tpu.memory_space<vmem>>
      %dma_start3A_498 = arith.constant 0 : i32
      %dma_start3A_499 = arith.constant 0 : i32
      %dma_start3A_500 = tpu.memref_slice %arg20[%dma_start3A_498, %dma_start3A_499] : memref<10240x32xf32, #tpu.memory_space<vmem_shared>> -> memref<10240x32xf32, #tpu.memory_space<vmem_shared>>
      tpu.enqueue_indirect_dma source(%arg9 : memref<128x32xf32, #tpu.memory_space<vmem>>) target(%dma_start3A_500 : memref<10240x32xf32, #tpu.memory_space<vmem_shared>>) offsets(%dma_start3A_497 : memref<128xi32, #tpu.memory_space<vmem>>) semaphore(%arg37 : memref<!tpu.dma_semaphore, #tpu.memory_space<semaphore_mem>>) {add = true}
      %add3A_501 = arith.constant 3 : i32
      %add3A_502 = arith.addi %mul3A_452, %add3A_501 : i32
      %dma_wait3A_503 = arith.constant 0 : i32
      %dma_wait3A_504 = tpu.memref_slice %arg5[%add3A_502, %dma_wait3A_503] : memref<79x128xi32, #tpu.memory_space<vmem>> -> memref<1x128xi32, #tpu.memory_space<vmem>>
      %dma_wait3A_505 = tpu.memref_squeeze %dma_wait3A_504 : memref<1x128xi32, #tpu.memory_space<vmem>> -> memref<128xi32, #tpu.memory_space<vmem>>
      %dma_wait3A_506 = arith.constant 0 : i32
      %dma_wait3A_507 = arith.constant 0 : i32
      %dma_wait3A_508 = tpu.memref_slice %arg21[%dma_wait3A_506, %dma_wait3A_507] : memref<10240x32xf32, #tpu.memory_space<vmem_shared>> -> memref<10240x32xf32, #tpu.memory_space<vmem_shared>>
      tpu.wait_indirect_dma semaphore(%arg25 : memref<!tpu.dma_semaphore, #tpu.memory_space<semaphore_mem>>) src(%dma_wait3A_508 : memref<10240x32xf32, #tpu.memory_space<vmem_shared>>) dst(%arg10 : memref<128x32xf32, #tpu.memory_space<vmem>>)
      %add3A_509 = arith.constant 3 : i32
      %add3A_510 = arith.addi %mul3A_452, %add3A_509 : i32
      %dma_start3A_511 = arith.constant 0 : i32
      %dma_start3A_512 = tpu.memref_slice %arg6[%add3A_510, %dma_start3A_511] : memref<79x128xi32, #tpu.memory_space<vmem>> -> memref<1x128xi32, #tpu.memory_space<vmem>>
      %dma_start3A_513 = tpu.memref_squeeze %dma_start3A_512 : memref<1x128xi32, #tpu.memory_space<vmem>> -> memref<128xi32, #tpu.memory_space<vmem>>
      %dma_start3A_514 = arith.constant 0 : i32
      %dma_start3A_515 = arith.constant 0 : i32
      %dma_start3A_516 = tpu.memref_slice %arg20[%dma_start3A_514, %dma_start3A_515] : memref<10240x32xf32, #tpu.memory_space<vmem_shared>> -> memref<10240x32xf32, #tpu.memory_space<vmem_shared>>
      tpu.enqueue_indirect_dma source(%arg10 : memref<128x32xf32, #tpu.memory_space<vmem>>) target(%dma_start3A_516 : memref<10240x32xf32, #tpu.memory_space<vmem_shared>>) offsets(%dma_start3A_513 : memref<128xi32, #tpu.memory_space<vmem>>) semaphore(%arg38 : memref<!tpu.dma_semaphore, #tpu.memory_space<semaphore_mem>>) {add = true}
      %add3A_517 = arith.constant 4 : i32
      %add3A_518 = arith.addi %mul3A_452, %add3A_517 : i32
      %dma_wait3A_519 = arith.constant 0 : i32
      %dma_wait3A_520 = tpu.memref_slice %arg5[%add3A_518, %dma_wait3A_519] : memref<79x128xi32, #tpu.memory_space<vmem>> -> memref<1x128xi32, #tpu.memory_space<vmem>>
      %dma_wait3A_521 = tpu.memref_squeeze %dma_wait3A_520 : memref<1x128xi32, #tpu.memory_space<vmem>> -> memref<128xi32, #tpu.memory_space<vmem>>
      %dma_wait3A_522 = arith.constant 0 : i32
      %dma_wait3A_523 = arith.constant 0 : i32
      %dma_wait3A_524 = tpu.memref_slice %arg21[%dma_wait3A_522, %dma_wait3A_523] : memref<10240x32xf32, #tpu.memory_space<vmem_shared>> -> memref<10240x32xf32, #tpu.memory_space<vmem_shared>>
      tpu.wait_indirect_dma semaphore(%arg26 : memref<!tpu.dma_semaphore, #tpu.memory_space<semaphore_mem>>) src(%dma_wait3A_524 : memref<10240x32xf32, #tpu.memory_space<vmem_shared>>) dst(%arg11 : memref<128x32xf32, #tpu.memory_space<vmem>>)
      %add3A_525 = arith.constant 4 : i32
      %add3A_526 = arith.addi %mul3A_452, %add3A_525 : i32
      %dma_start3A_527 = arith.constant 0 : i32
      %dma_start3A_528 = tpu.memref_slice %arg6[%add3A_526, %dma_start3A_527] : memref<79x128xi32, #tpu.memory_space<vmem>> -> memref<1x128xi32, #tpu.memory_space<vmem>>
      %dma_start3A_529 = tpu.memref_squeeze %dma_start3A_528 : memref<1x128xi32, #tpu.memory_space<vmem>> -> memref<128xi32, #tpu.memory_space<vmem>>
      %dma_start3A_530 = arith.constant 0 : i32
      %dma_start3A_531 = arith.constant 0 : i32
      %dma_start3A_532 = tpu.memref_slice %arg20[%dma_start3A_530, %dma_start3A_531] : memref<10240x32xf32, #tpu.memory_space<vmem_shared>> -> memref<10240x32xf32, #tpu.memory_space<vmem_shared>>
      tpu.enqueue_indirect_dma source(%arg11 : memref<128x32xf32, #tpu.memory_space<vmem>>) target(%dma_start3A_532 : memref<10240x32xf32, #tpu.memory_space<vmem_shared>>) offsets(%dma_start3A_529 : memref<128xi32, #tpu.memory_space<vmem>>) semaphore(%arg39 : memref<!tpu.dma_semaphore, #tpu.memory_space<semaphore_mem>>) {add = true}
      %add3A_533 = arith.constant 5 : i32
      %add3A_534 = arith.addi %mul3A_452, %add3A_533 : i32
      %dma_wait3A_535 = arith.constant 0 : i32
      %dma_wait3A_536 = tpu.memref_slice %arg5[%add3A_534, %dma_wait3A_535] : memref<79x128xi32, #tpu.memory_space<vmem>> -> memref<1x128xi32, #tpu.memory_space<vmem>>
      %dma_wait3A_537 = tpu.memref_squeeze %dma_wait3A_536 : memref<1x128xi32, #tpu.memory_space<vmem>> -> memref<128xi32, #tpu.memory_space<vmem>>
      %dma_wait3A_538 = arith.constant 0 : i32
      %dma_wait3A_539 = arith.constant 0 : i32
      %dma_wait3A_540 = tpu.memref_slice %arg21[%dma_wait3A_538, %dma_wait3A_539] : memref<10240x32xf32, #tpu.memory_space<vmem_shared>> -> memref<10240x32xf32, #tpu.memory_space<vmem_shared>>
      tpu.wait_indirect_dma semaphore(%arg27 : memref<!tpu.dma_semaphore, #tpu.memory_space<semaphore_mem>>) src(%dma_wait3A_540 : memref<10240x32xf32, #tpu.memory_space<vmem_shared>>) dst(%arg12 : memref<128x32xf32, #tpu.memory_space<vmem>>)
      %add3A_541 = arith.constant 5 : i32
      %add3A_542 = arith.addi %mul3A_452, %add3A_541 : i32
      %dma_start3A_543 = arith.constant 0 : i32
      %dma_start3A_544 = tpu.memref_slice %arg6[%add3A_542, %dma_start3A_543] : memref<79x128xi32, #tpu.memory_space<vmem>> -> memref<1x128xi32, #tpu.memory_space<vmem>>
      %dma_start3A_545 = tpu.memref_squeeze %dma_start3A_544 : memref<1x128xi32, #tpu.memory_space<vmem>> -> memref<128xi32, #tpu.memory_space<vmem>>
      %dma_start3A_546 = arith.constant 0 : i32
      %dma_start3A_547 = arith.constant 0 : i32
      %dma_start3A_548 = tpu.memref_slice %arg20[%dma_start3A_546, %dma_start3A_547] : memref<10240x32xf32, #tpu.memory_space<vmem_shared>> -> memref<10240x32xf32, #tpu.memory_space<vmem_shared>>
      tpu.enqueue_indirect_dma source(%arg12 : memref<128x32xf32, #tpu.memory_space<vmem>>) target(%dma_start3A_548 : memref<10240x32xf32, #tpu.memory_space<vmem_shared>>) offsets(%dma_start3A_545 : memref<128xi32, #tpu.memory_space<vmem>>) semaphore(%arg40 : memref<!tpu.dma_semaphore, #tpu.memory_space<semaphore_mem>>) {add = true}
      %add3A_549 = arith.constant 6 : i32
      %add3A_550 = arith.addi %mul3A_452, %add3A_549 : i32
      %dma_wait3A_551 = arith.constant 0 : i32
      %dma_wait3A_552 = tpu.memref_slice %arg5[%add3A_550, %dma_wait3A_551] : memref<79x128xi32, #tpu.memory_space<vmem>> -> memref<1x128xi32, #tpu.memory_space<vmem>>
      %dma_wait3A_553 = tpu.memref_squeeze %dma_wait3A_552 : memref<1x128xi32, #tpu.memory_space<vmem>> -> memref<128xi32, #tpu.memory_space<vmem>>
      %dma_wait3A_554 = arith.constant 0 : i32
      %dma_wait3A_555 = arith.constant 0 : i32
      %dma_wait3A_556 = tpu.memref_slice %arg21[%dma_wait3A_554, %dma_wait3A_555] : memref<10240x32xf32, #tpu.memory_space<vmem_shared>> -> memref<10240x32xf32, #tpu.memory_space<vmem_shared>>
      tpu.wait_indirect_dma semaphore(%arg28 : memref<!tpu.dma_semaphore, #tpu.memory_space<semaphore_mem>>) src(%dma_wait3A_556 : memref<10240x32xf32, #tpu.memory_space<vmem_shared>>) dst(%arg13 : memref<128x32xf32, #tpu.memory_space<vmem>>)
      %add3A_557 = arith.constant 6 : i32
      %add3A_558 = arith.addi %mul3A_452, %add3A_557 : i32
      %dma_start3A_559 = arith.constant 0 : i32
      %dma_start3A_560 = tpu.memref_slice %arg6[%add3A_558, %dma_start3A_559] : memref<79x128xi32, #tpu.memory_space<vmem>> -> memref<1x128xi32, #tpu.memory_space<vmem>>
      %dma_start3A_561 = tpu.memref_squeeze %dma_start3A_560 : memref<1x128xi32, #tpu.memory_space<vmem>> -> memref<128xi32, #tpu.memory_space<vmem>>
      %dma_start3A_562 = arith.constant 0 : i32
      %dma_start3A_563 = arith.constant 0 : i32
      %dma_start3A_564 = tpu.memref_slice %arg20[%dma_start3A_562, %dma_start3A_563] : memref<10240x32xf32, #tpu.memory_space<vmem_shared>> -> memref<10240x32xf32, #tpu.memory_space<vmem_shared>>
      tpu.enqueue_indirect_dma source(%arg13 : memref<128x32xf32, #tpu.memory_space<vmem>>) target(%dma_start3A_564 : memref<10240x32xf32, #tpu.memory_space<vmem_shared>>) offsets(%dma_start3A_561 : memref<128xi32, #tpu.memory_space<vmem>>) semaphore(%arg41 : memref<!tpu.dma_semaphore, #tpu.memory_space<semaphore_mem>>) {add = true}
      %add3A_565 = arith.constant 7 : i32
      %add3A_566 = arith.addi %mul3A_452, %add3A_565 : i32
      %dma_wait3A_567 = arith.constant 0 : i32
      %dma_wait3A_568 = tpu.memref_slice %arg5[%add3A_566, %dma_wait3A_567] : memref<79x128xi32, #tpu.memory_space<vmem>> -> memref<1x128xi32, #tpu.memory_space<vmem>>
      %dma_wait3A_569 = tpu.memref_squeeze %dma_wait3A_568 : memref<1x128xi32, #tpu.memory_space<vmem>> -> memref<128xi32, #tpu.memory_space<vmem>>
      %dma_wait3A_570 = arith.constant 0 : i32
      %dma_wait3A_571 = arith.constant 0 : i32
      %dma_wait3A_572 = tpu.memref_slice %arg21[%dma_wait3A_570, %dma_wait3A_571] : memref<10240x32xf32, #tpu.memory_space<vmem_shared>> -> memref<10240x32xf32, #tpu.memory_space<vmem_shared>>
      tpu.wait_indirect_dma semaphore(%arg29 : memref<!tpu.dma_semaphore, #tpu.memory_space<semaphore_mem>>) src(%dma_wait3A_572 : memref<10240x32xf32, #tpu.memory_space<vmem_shared>>) dst(%arg14 : memref<128x32xf32, #tpu.memory_space<vmem>>)
      %add3A_573 = arith.constant 7 : i32
      %add3A_574 = arith.addi %mul3A_452, %add3A_573 : i32
      %dma_start3A_575 = arith.constant 0 : i32
      %dma_start3A_576 = tpu.memref_slice %arg6[%add3A_574, %dma_start3A_575] : memref<79x128xi32, #tpu.memory_space<vmem>> -> memref<1x128xi32, #tpu.memory_space<vmem>>
      %dma_start3A_577 = tpu.memref_squeeze %dma_start3A_576 : memref<1x128xi32, #tpu.memory_space<vmem>> -> memref<128xi32, #tpu.memory_space<vmem>>
      %dma_start3A_578 = arith.constant 0 : i32
      %dma_start3A_579 = arith.constant 0 : i32
      %dma_start3A_580 = tpu.memref_slice %arg20[%dma_start3A_578, %dma_start3A_579] : memref<10240x32xf32, #tpu.memory_space<vmem_shared>> -> memref<10240x32xf32, #tpu.memory_space<vmem_shared>>
      tpu.enqueue_indirect_dma source(%arg14 : memref<128x32xf32, #tpu.memory_space<vmem>>) target(%dma_start3A_580 : memref<10240x32xf32, #tpu.memory_space<vmem_shared>>) offsets(%dma_start3A_577 : memref<128xi32, #tpu.memory_space<vmem>>) semaphore(%arg42 : memref<!tpu.dma_semaphore, #tpu.memory_space<semaphore_mem>>) {add = true}
      %add3A_581 = arith.constant 8 : i32
      %add3A_582 = arith.addi %mul3A_452, %add3A_581 : i32
      %dma_wait3A_583 = arith.constant 0 : i32
      %dma_wait3A_584 = tpu.memref_slice %arg5[%add3A_582, %dma_wait3A_583] : memref<79x128xi32, #tpu.memory_space<vmem>> -> memref<1x128xi32, #tpu.memory_space<vmem>>
      %dma_wait3A_585 = tpu.memref_squeeze %dma_wait3A_584 : memref<1x128xi32, #tpu.memory_space<vmem>> -> memref<128xi32, #tpu.memory_space<vmem>>
      %dma_wait3A_586 = arith.constant 0 : i32
      %dma_wait3A_587 = arith.constant 0 : i32
      %dma_wait3A_588 = tpu.memref_slice %arg21[%dma_wait3A_586, %dma_wait3A_587] : memref<10240x32xf32, #tpu.memory_space<vmem_shared>> -> memref<10240x32xf32, #tpu.memory_space<vmem_shared>>
      tpu.wait_indirect_dma semaphore(%arg30 : memref<!tpu.dma_semaphore, #tpu.memory_space<semaphore_mem>>) src(%dma_wait3A_588 : memref<10240x32xf32, #tpu.memory_space<vmem_shared>>) dst(%arg15 : memref<128x32xf32, #tpu.memory_space<vmem>>)
      %add3A_589 = arith.constant 8 : i32
      %add3A_590 = arith.addi %mul3A_452, %add3A_589 : i32
      %dma_start3A_591 = arith.constant 0 : i32
      %dma_start3A_592 = tpu.memref_slice %arg6[%add3A_590, %dma_start3A_591] : memref<79x128xi32, #tpu.memory_space<vmem>> -> memref<1x128xi32, #tpu.memory_space<vmem>>
      %dma_start3A_593 = tpu.memref_squeeze %dma_start3A_592 : memref<1x128xi32, #tpu.memory_space<vmem>> -> memref<128xi32, #tpu.memory_space<vmem>>
      %dma_start3A_594 = arith.constant 0 : i32
      %dma_start3A_595 = arith.constant 0 : i32
      %dma_start3A_596 = tpu.memref_slice %arg20[%dma_start3A_594, %dma_start3A_595] : memref<10240x32xf32, #tpu.memory_space<vmem_shared>> -> memref<10240x32xf32, #tpu.memory_space<vmem_shared>>
      tpu.enqueue_indirect_dma source(%arg15 : memref<128x32xf32, #tpu.memory_space<vmem>>) target(%dma_start3A_596 : memref<10240x32xf32, #tpu.memory_space<vmem_shared>>) offsets(%dma_start3A_593 : memref<128xi32, #tpu.memory_space<vmem>>) semaphore(%arg43 : memref<!tpu.dma_semaphore, #tpu.memory_space<semaphore_mem>>) {add = true}
      %add3A_597 = arith.constant 9 : i32
      %add3A_598 = arith.addi %mul3A_452, %add3A_597 : i32
      %dma_wait3A_599 = arith.constant 0 : i32
      %dma_wait3A_600 = tpu.memref_slice %arg5[%add3A_598, %dma_wait3A_599] : memref<79x128xi32, #tpu.memory_space<vmem>> -> memref<1x128xi32, #tpu.memory_space<vmem>>
      %dma_wait3A_601 = tpu.memref_squeeze %dma_wait3A_600 : memref<1x128xi32, #tpu.memory_space<vmem>> -> memref<128xi32, #tpu.memory_space<vmem>>
      %dma_wait3A_602 = arith.constant 0 : i32
      %dma_wait3A_603 = arith.constant 0 : i32
      %dma_wait3A_604 = tpu.memref_slice %arg21[%dma_wait3A_602, %dma_wait3A_603] : memref<10240x32xf32, #tpu.memory_space<vmem_shared>> -> memref<10240x32xf32, #tpu.memory_space<vmem_shared>>
      tpu.wait_indirect_dma semaphore(%arg31 : memref<!tpu.dma_semaphore, #tpu.memory_space<semaphore_mem>>) src(%dma_wait3A_604 : memref<10240x32xf32, #tpu.memory_space<vmem_shared>>) dst(%arg16 : memref<128x32xf32, #tpu.memory_space<vmem>>)
      %add3A_605 = arith.constant 9 : i32
      %add3A_606 = arith.addi %mul3A_452, %add3A_605 : i32
      %dma_start3A_607 = arith.constant 0 : i32
      %dma_start3A_608 = tpu.memref_slice %arg6[%add3A_606, %dma_start3A_607] : memref<79x128xi32, #tpu.memory_space<vmem>> -> memref<1x128xi32, #tpu.memory_space<vmem>>
      %dma_start3A_609 = tpu.memref_squeeze %dma_start3A_608 : memref<1x128xi32, #tpu.memory_space<vmem>> -> memref<128xi32, #tpu.memory_space<vmem>>
      %dma_start3A_610 = arith.constant 0 : i32
      %dma_start3A_611 = arith.constant 0 : i32
      %dma_start3A_612 = tpu.memref_slice %arg20[%dma_start3A_610, %dma_start3A_611] : memref<10240x32xf32, #tpu.memory_space<vmem_shared>> -> memref<10240x32xf32, #tpu.memory_space<vmem_shared>>
      tpu.enqueue_indirect_dma source(%arg16 : memref<128x32xf32, #tpu.memory_space<vmem>>) target(%dma_start3A_612 : memref<10240x32xf32, #tpu.memory_space<vmem_shared>>) offsets(%dma_start3A_609 : memref<128xi32, #tpu.memory_space<vmem>>) semaphore(%arg44 : memref<!tpu.dma_semaphore, #tpu.memory_space<semaphore_mem>>) {add = true}
      %add3A_613 = arith.constant 10 : i32
      %add3A_614 = arith.addi %mul3A_452, %add3A_613 : i32
      %dma_wait3A_615 = arith.constant 0 : i32
      %dma_wait3A_616 = tpu.memref_slice %arg5[%add3A_614, %dma_wait3A_615] : memref<79x128xi32, #tpu.memory_space<vmem>> -> memref<1x128xi32, #tpu.memory_space<vmem>>
      %dma_wait3A_617 = tpu.memref_squeeze %dma_wait3A_616 : memref<1x128xi32, #tpu.memory_space<vmem>> -> memref<128xi32, #tpu.memory_space<vmem>>
      %dma_wait3A_618 = arith.constant 0 : i32
      %dma_wait3A_619 = arith.constant 0 : i32
      %dma_wait3A_620 = tpu.memref_slice %arg21[%dma_wait3A_618, %dma_wait3A_619] : memref<10240x32xf32, #tpu.memory_space<vmem_shared>> -> memref<10240x32xf32, #tpu.memory_space<vmem_shared>>
      tpu.wait_indirect_dma semaphore(%arg32 : memref<!tpu.dma_semaphore, #tpu.memory_space<semaphore_mem>>) src(%dma_wait3A_620 : memref<10240x32xf32, #tpu.memory_space<vmem_shared>>) dst(%arg17 : memref<128x32xf32, #tpu.memory_space<vmem>>)
      %add3A_621 = arith.constant 10 : i32
      %add3A_622 = arith.addi %mul3A_452, %add3A_621 : i32
      %dma_start3A_623 = arith.constant 0 : i32
      %dma_start3A_624 = tpu.memref_slice %arg6[%add3A_622, %dma_start3A_623] : memref<79x128xi32, #tpu.memory_space<vmem>> -> memref<1x128xi32, #tpu.memory_space<vmem>>
      %dma_start3A_625 = tpu.memref_squeeze %dma_start3A_624 : memref<1x128xi32, #tpu.memory_space<vmem>> -> memref<128xi32, #tpu.memory_space<vmem>>
      %dma_start3A_626 = arith.constant 0 : i32
      %dma_start3A_627 = arith.constant 0 : i32
      %dma_start3A_628 = tpu.memref_slice %arg20[%dma_start3A_626, %dma_start3A_627] : memref<10240x32xf32, #tpu.memory_space<vmem_shared>> -> memref<10240x32xf32, #tpu.memory_space<vmem_shared>>
      tpu.enqueue_indirect_dma source(%arg17 : memref<128x32xf32, #tpu.memory_space<vmem>>) target(%dma_start3A_628 : memref<10240x32xf32, #tpu.memory_space<vmem_shared>>) offsets(%dma_start3A_625 : memref<128xi32, #tpu.memory_space<vmem>>) semaphore(%arg45 : memref<!tpu.dma_semaphore, #tpu.memory_space<semaphore_mem>>) {add = true}
      %add3A_629 = arith.constant 11 : i32
      %add3A_630 = arith.addi %mul3A_452, %add3A_629 : i32
      %dma_wait3A_631 = arith.constant 0 : i32
      %dma_wait3A_632 = tpu.memref_slice %arg5[%add3A_630, %dma_wait3A_631] : memref<79x128xi32, #tpu.memory_space<vmem>> -> memref<1x128xi32, #tpu.memory_space<vmem>>
      %dma_wait3A_633 = tpu.memref_squeeze %dma_wait3A_632 : memref<1x128xi32, #tpu.memory_space<vmem>> -> memref<128xi32, #tpu.memory_space<vmem>>
      %dma_wait3A_634 = arith.constant 0 : i32
      %dma_wait3A_635 = arith.constant 0 : i32
      %dma_wait3A_636 = tpu.memref_slice %arg21[%dma_wait3A_634, %dma_wait3A_635] : memref<10240x32xf32, #tpu.memory_space<vmem_shared>> -> memref<10240x32xf32, #tpu.memory_space<vmem_shared>>
      tpu.wait_indirect_dma semaphore(%arg33 : memref<!tpu.dma_semaphore, #tpu.memory_space<semaphore_mem>>) src(%dma_wait3A_636 : memref<10240x32xf32, #tpu.memory_space<vmem_shared>>) dst(%arg18 : memref<128x32xf32, #tpu.memory_space<vmem>>)
      %add3A_637 = arith.constant 11 : i32
      %add3A_638 = arith.addi %mul3A_452, %add3A_637 : i32
      %dma_start3A_639 = arith.constant 0 : i32
      %dma_start3A_640 = tpu.memref_slice %arg6[%add3A_638, %dma_start3A_639] : memref<79x128xi32, #tpu.memory_space<vmem>> -> memref<1x128xi32, #tpu.memory_space<vmem>>
      %dma_start3A_641 = tpu.memref_squeeze %dma_start3A_640 : memref<1x128xi32, #tpu.memory_space<vmem>> -> memref<128xi32, #tpu.memory_space<vmem>>
      %dma_start3A_642 = arith.constant 0 : i32
      %dma_start3A_643 = arith.constant 0 : i32
      %dma_start3A_644 = tpu.memref_slice %arg20[%dma_start3A_642, %dma_start3A_643] : memref<10240x32xf32, #tpu.memory_space<vmem_shared>> -> memref<10240x32xf32, #tpu.memory_space<vmem_shared>>
      tpu.enqueue_indirect_dma source(%arg18 : memref<128x32xf32, #tpu.memory_space<vmem>>) target(%dma_start3A_644 : memref<10240x32xf32, #tpu.memory_space<vmem_shared>>) offsets(%dma_start3A_641 : memref<128xi32, #tpu.memory_space<vmem>>) semaphore(%arg46 : memref<!tpu.dma_semaphore, #tpu.memory_space<semaphore_mem>>) {add = true}
      %add3A_645 = arith.constant 12 : i32
      %add3A_646 = arith.addi %mul3A_452, %add3A_645 : i32
      %dma_wait3A_647 = arith.constant 0 : i32
      %dma_wait3A_648 = tpu.memref_slice %arg5[%add3A_646, %dma_wait3A_647] : memref<79x128xi32, #tpu.memory_space<vmem>> -> memref<1x128xi32, #tpu.memory_space<vmem>>
      %dma_wait3A_649 = tpu.memref_squeeze %dma_wait3A_648 : memref<1x128xi32, #tpu.memory_space<vmem>> -> memref<128xi32, #tpu.memory_space<vmem>>
      %dma_wait3A_650 = arith.constant 0 : i32
      %dma_wait3A_651 = arith.constant 0 : i32
      %dma_wait3A_652 = tpu.memref_slice %arg21[%dma_wait3A_650, %dma_wait3A_651] : memref<10240x32xf32, #tpu.memory_space<vmem_shared>> -> memref<10240x32xf32, #tpu.memory_space<vmem_shared>>
      tpu.wait_indirect_dma semaphore(%arg34 : memref<!tpu.dma_semaphore, #tpu.memory_space<semaphore_mem>>) src(%dma_wait3A_652 : memref<10240x32xf32, #tpu.memory_space<vmem_shared>>) dst(%arg19 : memref<128x32xf32, #tpu.memory_space<vmem>>)
      %add3A_653 = arith.constant 12 : i32
      %add3A_654 = arith.addi %mul3A_452, %add3A_653 : i32
      %dma_start3A_655 = arith.constant 0 : i32
      %dma_start3A_656 = tpu.memref_slice %arg6[%add3A_654, %dma_start3A_655] : memref<79x128xi32, #tpu.memory_space<vmem>> -> memref<1x128xi32, #tpu.memory_space<vmem>>
      %dma_start3A_657 = tpu.memref_squeeze %dma_start3A_656 : memref<1x128xi32, #tpu.memory_space<vmem>> -> memref<128xi32, #tpu.memory_space<vmem>>
      %dma_start3A_658 = arith.constant 0 : i32
      %dma_start3A_659 = arith.constant 0 : i32
      %dma_start3A_660 = tpu.memref_slice %arg20[%dma_start3A_658, %dma_start3A_659] : memref<10240x32xf32, #tpu.memory_space<vmem_shared>> -> memref<10240x32xf32, #tpu.memory_space<vmem_shared>>
      tpu.enqueue_indirect_dma source(%arg19 : memref<128x32xf32, #tpu.memory_space<vmem>>) target(%dma_start3A_660 : memref<10240x32xf32, #tpu.memory_space<vmem_shared>>) offsets(%dma_start3A_657 : memref<128xi32, #tpu.memory_space<vmem>>) semaphore(%arg47 : memref<!tpu.dma_semaphore, #tpu.memory_space<semaphore_mem>>) {add = true}
      %add3A_661 = arith.constant 0 : i32
      %add3A_662 = arith.addi %mul3A_452, %add3A_661 : i32
      %dma_wait3A_663 = arith.constant 0 : i32
      %dma_wait3A_664 = tpu.memref_slice %arg6[%add3A_662, %dma_wait3A_663] : memref<79x128xi32, #tpu.memory_space<vmem>> -> memref<1x128xi32, #tpu.memory_space<vmem>>
      %dma_wait3A_665 = tpu.memref_squeeze %dma_wait3A_664 : memref<1x128xi32, #tpu.memory_space<vmem>> -> memref<128xi32, #tpu.memory_space<vmem>>
      %dma_wait3A_666 = arith.constant 0 : i32
      %dma_wait3A_667 = arith.constant 0 : i32
      %dma_wait3A_668 = tpu.memref_slice %arg20[%dma_wait3A_666, %dma_wait3A_667] : memref<10240x32xf32, #tpu.memory_space<vmem_shared>> -> memref<10240x32xf32, #tpu.memory_space<vmem_shared>>
      tpu.wait_indirect_dma semaphore(%arg35 : memref<!tpu.dma_semaphore, #tpu.memory_space<semaphore_mem>>) src(%arg7 : memref<128x32xf32, #tpu.memory_space<vmem>>) dst(%dma_wait3A_668 : memref<10240x32xf32, #tpu.memory_space<vmem_shared>>)
      %add3A_669 = arith.constant 13 : i32
      %add3A_670 = arith.addi %mul3A_452, %add3A_669 : i32
      %add3A_671 = arith.constant 0 : i32
      %add3A_672 = arith.addi %add3A_670, %add3A_671 : i32
      %dma_start3A_673 = arith.constant 0 : i32
      %dma_start3A_674 = tpu.memref_slice %arg5[%add3A_672, %dma_start3A_673] : memref<79x128xi32, #tpu.memory_space<vmem>> -> memref<1x128xi32, #tpu.memory_space<vmem>>
      %dma_start3A_675 = tpu.memref_squeeze %dma_start3A_674 : memref<1x128xi32, #tpu.memory_space<vmem>> -> memref<128xi32, #tpu.memory_space<vmem>>
      %dma_start3A_676 = arith.constant 0 : i32
      %dma_start3A_677 = arith.constant 0 : i32
      %dma_start3A_678 = tpu.memref_slice %arg21[%dma_start3A_676, %dma_start3A_677] : memref<10240x32xf32, #tpu.memory_space<vmem_shared>> -> memref<10240x32xf32, #tpu.memory_space<vmem_shared>>
      tpu.enqueue_indirect_dma source(%dma_start3A_678 : memref<10240x32xf32, #tpu.memory_space<vmem_shared>>) target(%arg7 : memref<128x32xf32, #tpu.memory_space<vmem>>) offsets(%dma_start3A_675 : memref<128xi32, #tpu.memory_space<vmem>>) semaphore(%arg22 : memref<!tpu.dma_semaphore, #tpu.memory_space<semaphore_mem>>)
      %add3A_679 = arith.constant 1 : i32
      %add3A_680 = arith.addi %mul3A_452, %add3A_679 : i32
      %dma_wait3A_681 = arith.constant 0 : i32
      %dma_wait3A_682 = tpu.memref_slice %arg6[%add3A_680, %dma_wait3A_681] : memref<79x128xi32, #tpu.memory_space<vmem>> -> memref<1x128xi32, #tpu.memory_space<vmem>>
      %dma_wait3A_683 = tpu.memref_squeeze %dma_wait3A_682 : memref<1x128xi32, #tpu.memory_space<vmem>> -> memref<128xi32, #tpu.memory_space<vmem>>
      %dma_wait3A_684 = arith.constant 0 : i32
      %dma_wait3A_685 = arith.constant 0 : i32
      %dma_wait3A_686 = tpu.memref_slice %arg20[%dma_wait3A_684, %dma_wait3A_685] : memref<10240x32xf32, #tpu.memory_space<vmem_shared>> -> memref<10240x32xf32, #tpu.memory_space<vmem_shared>>
      tpu.wait_indirect_dma semaphore(%arg36 : memref<!tpu.dma_semaphore, #tpu.memory_space<semaphore_mem>>) src(%arg8 : memref<128x32xf32, #tpu.memory_space<vmem>>) dst(%dma_wait3A_686 : memref<10240x32xf32, #tpu.memory_space<vmem_shared>>)
      %add3A_687 = arith.constant 13 : i32
      %add3A_688 = arith.addi %mul3A_452, %add3A_687 : i32
      %add3A_689 = arith.constant 1 : i32
      %add3A_690 = arith.addi %add3A_688, %add3A_689 : i32
      %dma_start3A_691 = arith.constant 0 : i32
      %dma_start3A_692 = tpu.memref_slice %arg5[%add3A_690, %dma_start3A_691] : memref<79x128xi32, #tpu.memory_space<vmem>> -> memref<1x128xi32, #tpu.memory_space<vmem>>
      %dma_start3A_693 = tpu.memref_squeeze %dma_start3A_692 : memref<1x128xi32, #tpu.memory_space<vmem>> -> memref<128xi32, #tpu.memory_space<vmem>>
      %dma_start3A_694 = arith.constant 0 : i32
      %dma_start3A_695 = arith.constant 0 : i32
      %dma_start3A_696 = tpu.memref_slice %arg21[%dma_start3A_694, %dma_start3A_695] : memref<10240x32xf32, #tpu.memory_space<vmem_shared>> -> memref<10240x32xf32, #tpu.memory_space<vmem_shared>>
      tpu.enqueue_indirect_dma source(%dma_start3A_696 : memref<10240x32xf32, #tpu.memory_space<vmem_shared>>) target(%arg8 : memref<128x32xf32, #tpu.memory_space<vmem>>) offsets(%dma_start3A_693 : memref<128xi32, #tpu.memory_space<vmem>>) semaphore(%arg23 : memref<!tpu.dma_semaphore, #tpu.memory_space<semaphore_mem>>)
      %add3A_697 = arith.constant 2 : i32
      %add3A_698 = arith.addi %mul3A_452, %add3A_697 : i32
      %dma_wait3A_699 = arith.constant 0 : i32
      %dma_wait3A_700 = tpu.memref_slice %arg6[%add3A_698, %dma_wait3A_699] : memref<79x128xi32, #tpu.memory_space<vmem>> -> memref<1x128xi32, #tpu.memory_space<vmem>>
      %dma_wait3A_701 = tpu.memref_squeeze %dma_wait3A_700 : memref<1x128xi32, #tpu.memory_space<vmem>> -> memref<128xi32, #tpu.memory_space<vmem>>
      %dma_wait3A_702 = arith.constant 0 : i32
      %dma_wait3A_703 = arith.constant 0 : i32
      %dma_wait3A_704 = tpu.memref_slice %arg20[%dma_wait3A_702, %dma_wait3A_703] : memref<10240x32xf32, #tpu.memory_space<vmem_shared>> -> memref<10240x32xf32, #tpu.memory_space<vmem_shared>>
      tpu.wait_indirect_dma semaphore(%arg37 : memref<!tpu.dma_semaphore, #tpu.memory_space<semaphore_mem>>) src(%arg9 : memref<128x32xf32, #tpu.memory_space<vmem>>) dst(%dma_wait3A_704 : memref<10240x32xf32, #tpu.memory_space<vmem_shared>>)
      %add3A_705 = arith.constant 13 : i32
      %add3A_706 = arith.addi %mul3A_452, %add3A_705 : i32
      %add3A_707 = arith.constant 2 : i32
      %add3A_708 = arith.addi %add3A_706, %add3A_707 : i32
      %dma_start3A_709 = arith.constant 0 : i32
      %dma_start3A_710 = tpu.memref_slice %arg5[%add3A_708, %dma_start3A_709] : memref<79x128xi32, #tpu.memory_space<vmem>> -> memref<1x128xi32, #tpu.memory_space<vmem>>
      %dma_start3A_711 = tpu.memref_squeeze %dma_start3A_710 : memref<1x128xi32, #tpu.memory_space<vmem>> -> memref<128xi32, #tpu.memory_space<vmem>>
      %dma_start3A_712 = arith.constant 0 : i32
      %dma_start3A_713 = arith.constant 0 : i32
      %dma_start3A_714 = tpu.memref_slice %arg21[%dma_start3A_712, %dma_start3A_713] : memref<10240x32xf32, #tpu.memory_space<vmem_shared>> -> memref<10240x32xf32, #tpu.memory_space<vmem_shared>>
      tpu.enqueue_indirect_dma source(%dma_start3A_714 : memref<10240x32xf32, #tpu.memory_space<vmem_shared>>) target(%arg9 : memref<128x32xf32, #tpu.memory_space<vmem>>) offsets(%dma_start3A_711 : memref<128xi32, #tpu.memory_space<vmem>>) semaphore(%arg24 : memref<!tpu.dma_semaphore, #tpu.memory_space<semaphore_mem>>)
      %add3A_715 = arith.constant 3 : i32
      %add3A_716 = arith.addi %mul3A_452, %add3A_715 : i32
      %dma_wait3A_717 = arith.constant 0 : i32
      %dma_wait3A_718 = tpu.memref_slice %arg6[%add3A_716, %dma_wait3A_717] : memref<79x128xi32, #tpu.memory_space<vmem>> -> memref<1x128xi32, #tpu.memory_space<vmem>>
      %dma_wait3A_719 = tpu.memref_squeeze %dma_wait3A_718 : memref<1x128xi32, #tpu.memory_space<vmem>> -> memref<128xi32, #tpu.memory_space<vmem>>
      %dma_wait3A_720 = arith.constant 0 : i32
      %dma_wait3A_721 = arith.constant 0 : i32
      %dma_wait3A_722 = tpu.memref_slice %arg20[%dma_wait3A_720, %dma_wait3A_721] : memref<10240x32xf32, #tpu.memory_space<vmem_shared>> -> memref<10240x32xf32, #tpu.memory_space<vmem_shared>>
      tpu.wait_indirect_dma semaphore(%arg38 : memref<!tpu.dma_semaphore, #tpu.memory_space<semaphore_mem>>) src(%arg10 : memref<128x32xf32, #tpu.memory_space<vmem>>) dst(%dma_wait3A_722 : memref<10240x32xf32, #tpu.memory_space<vmem_shared>>)
      %add3A_723 = arith.constant 13 : i32
      %add3A_724 = arith.addi %mul3A_452, %add3A_723 : i32
      %add3A_725 = arith.constant 3 : i32
      %add3A_726 = arith.addi %add3A_724, %add3A_725 : i32
      %dma_start3A_727 = arith.constant 0 : i32
      %dma_start3A_728 = tpu.memref_slice %arg5[%add3A_726, %dma_start3A_727] : memref<79x128xi32, #tpu.memory_space<vmem>> -> memref<1x128xi32, #tpu.memory_space<vmem>>
      %dma_start3A_729 = tpu.memref_squeeze %dma_start3A_728 : memref<1x128xi32, #tpu.memory_space<vmem>> -> memref<128xi32, #tpu.memory_space<vmem>>
      %dma_start3A_730 = arith.constant 0 : i32
      %dma_start3A_731 = arith.constant 0 : i32
      %dma_start3A_732 = tpu.memref_slice %arg21[%dma_start3A_730, %dma_start3A_731] : memref<10240x32xf32, #tpu.memory_space<vmem_shared>> -> memref<10240x32xf32, #tpu.memory_space<vmem_shared>>
      tpu.enqueue_indirect_dma source(%dma_start3A_732 : memref<10240x32xf32, #tpu.memory_space<vmem_shared>>) target(%arg10 : memref<128x32xf32, #tpu.memory_space<vmem>>) offsets(%dma_start3A_729 : memref<128xi32, #tpu.memory_space<vmem>>) semaphore(%arg25 : memref<!tpu.dma_semaphore, #tpu.memory_space<semaphore_mem>>)
      %add3A_733 = arith.constant 4 : i32
      %add3A_734 = arith.addi %mul3A_452, %add3A_733 : i32
      %dma_wait3A_735 = arith.constant 0 : i32
      %dma_wait3A_736 = tpu.memref_slice %arg6[%add3A_734, %dma_wait3A_735] : memref<79x128xi32, #tpu.memory_space<vmem>> -> memref<1x128xi32, #tpu.memory_space<vmem>>
      %dma_wait3A_737 = tpu.memref_squeeze %dma_wait3A_736 : memref<1x128xi32, #tpu.memory_space<vmem>> -> memref<128xi32, #tpu.memory_space<vmem>>
      %dma_wait3A_738 = arith.constant 0 : i32
      %dma_wait3A_739 = arith.constant 0 : i32
      %dma_wait3A_740 = tpu.memref_slice %arg20[%dma_wait3A_738, %dma_wait3A_739] : memref<10240x32xf32, #tpu.memory_space<vmem_shared>> -> memref<10240x32xf32, #tpu.memory_space<vmem_shared>>
      tpu.wait_indirect_dma semaphore(%arg39 : memref<!tpu.dma_semaphore, #tpu.memory_space<semaphore_mem>>) src(%arg11 : memref<128x32xf32, #tpu.memory_space<vmem>>) dst(%dma_wait3A_740 : memref<10240x32xf32, #tpu.memory_space<vmem_shared>>)
      %add3A_741 = arith.constant 13 : i32
      %add3A_742 = arith.addi %mul3A_452, %add3A_741 : i32
      %add3A_743 = arith.constant 4 : i32
      %add3A_744 = arith.addi %add3A_742, %add3A_743 : i32
      %dma_start3A_745 = arith.constant 0 : i32
      %dma_start3A_746 = tpu.memref_slice %arg5[%add3A_744, %dma_start3A_745] : memref<79x128xi32, #tpu.memory_space<vmem>> -> memref<1x128xi32, #tpu.memory_space<vmem>>
      %dma_start3A_747 = tpu.memref_squeeze %dma_start3A_746 : memref<1x128xi32, #tpu.memory_space<vmem>> -> memref<128xi32, #tpu.memory_space<vmem>>
      %dma_start3A_748 = arith.constant 0 : i32
      %dma_start3A_749 = arith.constant 0 : i32
      %dma_start3A_750 = tpu.memref_slice %arg21[%dma_start3A_748, %dma_start3A_749] : memref<10240x32xf32, #tpu.memory_space<vmem_shared>> -> memref<10240x32xf32, #tpu.memory_space<vmem_shared>>
      tpu.enqueue_indirect_dma source(%dma_start3A_750 : memref<10240x32xf32, #tpu.memory_space<vmem_shared>>) target(%arg11 : memref<128x32xf32, #tpu.memory_space<vmem>>) offsets(%dma_start3A_747 : memref<128xi32, #tpu.memory_space<vmem>>) semaphore(%arg26 : memref<!tpu.dma_semaphore, #tpu.memory_space<semaphore_mem>>)
      %add3A_751 = arith.constant 5 : i32
      %add3A_752 = arith.addi %mul3A_452, %add3A_751 : i32
      %dma_wait3A_753 = arith.constant 0 : i32
      %dma_wait3A_754 = tpu.memref_slice %arg6[%add3A_752, %dma_wait3A_753] : memref<79x128xi32, #tpu.memory_space<vmem>> -> memref<1x128xi32, #tpu.memory_space<vmem>>
      %dma_wait3A_755 = tpu.memref_squeeze %dma_wait3A_754 : memref<1x128xi32, #tpu.memory_space<vmem>> -> memref<128xi32, #tpu.memory_space<vmem>>
      %dma_wait3A_756 = arith.constant 0 : i32
      %dma_wait3A_757 = arith.constant 0 : i32
      %dma_wait3A_758 = tpu.memref_slice %arg20[%dma_wait3A_756, %dma_wait3A_757] : memref<10240x32xf32, #tpu.memory_space<vmem_shared>> -> memref<10240x32xf32, #tpu.memory_space<vmem_shared>>
      tpu.wait_indirect_dma semaphore(%arg40 : memref<!tpu.dma_semaphore, #tpu.memory_space<semaphore_mem>>) src(%arg12 : memref<128x32xf32, #tpu.memory_space<vmem>>) dst(%dma_wait3A_758 : memref<10240x32xf32, #tpu.memory_space<vmem_shared>>)
      %add3A_759 = arith.constant 13 : i32
      %add3A_760 = arith.addi %mul3A_452, %add3A_759 : i32
      %add3A_761 = arith.constant 5 : i32
      %add3A_762 = arith.addi %add3A_760, %add3A_761 : i32
      %dma_start3A_763 = arith.constant 0 : i32
      %dma_start3A_764 = tpu.memref_slice %arg5[%add3A_762, %dma_start3A_763] : memref<79x128xi32, #tpu.memory_space<vmem>> -> memref<1x128xi32, #tpu.memory_space<vmem>>
      %dma_start3A_765 = tpu.memref_squeeze %dma_start3A_764 : memref<1x128xi32, #tpu.memory_space<vmem>> -> memref<128xi32, #tpu.memory_space<vmem>>
      %dma_start3A_766 = arith.constant 0 : i32
      %dma_start3A_767 = arith.constant 0 : i32
      %dma_start3A_768 = tpu.memref_slice %arg21[%dma_start3A_766, %dma_start3A_767] : memref<10240x32xf32, #tpu.memory_space<vmem_shared>> -> memref<10240x32xf32, #tpu.memory_space<vmem_shared>>
      tpu.enqueue_indirect_dma source(%dma_start3A_768 : memref<10240x32xf32, #tpu.memory_space<vmem_shared>>) target(%arg12 : memref<128x32xf32, #tpu.memory_space<vmem>>) offsets(%dma_start3A_765 : memref<128xi32, #tpu.memory_space<vmem>>) semaphore(%arg27 : memref<!tpu.dma_semaphore, #tpu.memory_space<semaphore_mem>>)
      %add3A_769 = arith.constant 6 : i32
      %add3A_770 = arith.addi %mul3A_452, %add3A_769 : i32
      %dma_wait3A_771 = arith.constant 0 : i32
      %dma_wait3A_772 = tpu.memref_slice %arg6[%add3A_770, %dma_wait3A_771] : memref<79x128xi32, #tpu.memory_space<vmem>> -> memref<1x128xi32, #tpu.memory_space<vmem>>
      %dma_wait3A_773 = tpu.memref_squeeze %dma_wait3A_772 : memref<1x128xi32, #tpu.memory_space<vmem>> -> memref<128xi32, #tpu.memory_space<vmem>>
      %dma_wait3A_774 = arith.constant 0 : i32
      %dma_wait3A_775 = arith.constant 0 : i32
      %dma_wait3A_776 = tpu.memref_slice %arg20[%dma_wait3A_774, %dma_wait3A_775] : memref<10240x32xf32, #tpu.memory_space<vmem_shared>> -> memref<10240x32xf32, #tpu.memory_space<vmem_shared>>
      tpu.wait_indirect_dma semaphore(%arg41 : memref<!tpu.dma_semaphore, #tpu.memory_space<semaphore_mem>>) src(%arg13 : memref<128x32xf32, #tpu.memory_space<vmem>>) dst(%dma_wait3A_776 : memref<10240x32xf32, #tpu.memory_space<vmem_shared>>)
      %add3A_777 = arith.constant 13 : i32
      %add3A_778 = arith.addi %mul3A_452, %add3A_777 : i32
      %add3A_779 = arith.constant 6 : i32
      %add3A_780 = arith.addi %add3A_778, %add3A_779 : i32
      %dma_start3A_781 = arith.constant 0 : i32
      %dma_start3A_782 = tpu.memref_slice %arg5[%add3A_780, %dma_start3A_781] : memref<79x128xi32, #tpu.memory_space<vmem>> -> memref<1x128xi32, #tpu.memory_space<vmem>>
      %dma_start3A_783 = tpu.memref_squeeze %dma_start3A_782 : memref<1x128xi32, #tpu.memory_space<vmem>> -> memref<128xi32, #tpu.memory_space<vmem>>
      %dma_start3A_784 = arith.constant 0 : i32
      %dma_start3A_785 = arith.constant 0 : i32
      %dma_start3A_786 = tpu.memref_slice %arg21[%dma_start3A_784, %dma_start3A_785] : memref<10240x32xf32, #tpu.memory_space<vmem_shared>> -> memref<10240x32xf32, #tpu.memory_space<vmem_shared>>
      tpu.enqueue_indirect_dma source(%dma_start3A_786 : memref<10240x32xf32, #tpu.memory_space<vmem_shared>>) target(%arg13 : memref<128x32xf32, #tpu.memory_space<vmem>>) offsets(%dma_start3A_783 : memref<128xi32, #tpu.memory_space<vmem>>) semaphore(%arg28 : memref<!tpu.dma_semaphore, #tpu.memory_space<semaphore_mem>>)
      %add3A_787 = arith.constant 7 : i32
      %add3A_788 = arith.addi %mul3A_452, %add3A_787 : i32
      %dma_wait3A_789 = arith.constant 0 : i32
      %dma_wait3A_790 = tpu.memref_slice %arg6[%add3A_788, %dma_wait3A_789] : memref<79x128xi32, #tpu.memory_space<vmem>> -> memref<1x128xi32, #tpu.memory_space<vmem>>
      %dma_wait3A_791 = tpu.memref_squeeze %dma_wait3A_790 : memref<1x128xi32, #tpu.memory_space<vmem>> -> memref<128xi32, #tpu.memory_space<vmem>>
      %dma_wait3A_792 = arith.constant 0 : i32
      %dma_wait3A_793 = arith.constant 0 : i32
      %dma_wait3A_794 = tpu.memref_slice %arg20[%dma_wait3A_792, %dma_wait3A_793] : memref<10240x32xf32, #tpu.memory_space<vmem_shared>> -> memref<10240x32xf32, #tpu.memory_space<vmem_shared>>
      tpu.wait_indirect_dma semaphore(%arg42 : memref<!tpu.dma_semaphore, #tpu.memory_space<semaphore_mem>>) src(%arg14 : memref<128x32xf32, #tpu.memory_space<vmem>>) dst(%dma_wait3A_794 : memref<10240x32xf32, #tpu.memory_space<vmem_shared>>)
      %add3A_795 = arith.constant 13 : i32
      %add3A_796 = arith.addi %mul3A_452, %add3A_795 : i32
      %add3A_797 = arith.constant 7 : i32
      %add3A_798 = arith.addi %add3A_796, %add3A_797 : i32
      %dma_start3A_799 = arith.constant 0 : i32
      %dma_start3A_800 = tpu.memref_slice %arg5[%add3A_798, %dma_start3A_799] : memref<79x128xi32, #tpu.memory_space<vmem>> -> memref<1x128xi32, #tpu.memory_space<vmem>>
      %dma_start3A_801 = tpu.memref_squeeze %dma_start3A_800 : memref<1x128xi32, #tpu.memory_space<vmem>> -> memref<128xi32, #tpu.memory_space<vmem>>
      %dma_start3A_802 = arith.constant 0 : i32
      %dma_start3A_803 = arith.constant 0 : i32
      %dma_start3A_804 = tpu.memref_slice %arg21[%dma_start3A_802, %dma_start3A_803] : memref<10240x32xf32, #tpu.memory_space<vmem_shared>> -> memref<10240x32xf32, #tpu.memory_space<vmem_shared>>
      tpu.enqueue_indirect_dma source(%dma_start3A_804 : memref<10240x32xf32, #tpu.memory_space<vmem_shared>>) target(%arg14 : memref<128x32xf32, #tpu.memory_space<vmem>>) offsets(%dma_start3A_801 : memref<128xi32, #tpu.memory_space<vmem>>) semaphore(%arg29 : memref<!tpu.dma_semaphore, #tpu.memory_space<semaphore_mem>>)
      %add3A_805 = arith.constant 8 : i32
      %add3A_806 = arith.addi %mul3A_452, %add3A_805 : i32
      %dma_wait3A_807 = arith.constant 0 : i32
      %dma_wait3A_808 = tpu.memref_slice %arg6[%add3A_806, %dma_wait3A_807] : memref<79x128xi32, #tpu.memory_space<vmem>> -> memref<1x128xi32, #tpu.memory_space<vmem>>
      %dma_wait3A_809 = tpu.memref_squeeze %dma_wait3A_808 : memref<1x128xi32, #tpu.memory_space<vmem>> -> memref<128xi32, #tpu.memory_space<vmem>>
      %dma_wait3A_810 = arith.constant 0 : i32
      %dma_wait3A_811 = arith.constant 0 : i32
      %dma_wait3A_812 = tpu.memref_slice %arg20[%dma_wait3A_810, %dma_wait3A_811] : memref<10240x32xf32, #tpu.memory_space<vmem_shared>> -> memref<10240x32xf32, #tpu.memory_space<vmem_shared>>
      tpu.wait_indirect_dma semaphore(%arg43 : memref<!tpu.dma_semaphore, #tpu.memory_space<semaphore_mem>>) src(%arg15 : memref<128x32xf32, #tpu.memory_space<vmem>>) dst(%dma_wait3A_812 : memref<10240x32xf32, #tpu.memory_space<vmem_shared>>)
      %add3A_813 = arith.constant 13 : i32
      %add3A_814 = arith.addi %mul3A_452, %add3A_813 : i32
      %add3A_815 = arith.constant 8 : i32
      %add3A_816 = arith.addi %add3A_814, %add3A_815 : i32
      %dma_start3A_817 = arith.constant 0 : i32
      %dma_start3A_818 = tpu.memref_slice %arg5[%add3A_816, %dma_start3A_817] : memref<79x128xi32, #tpu.memory_space<vmem>> -> memref<1x128xi32, #tpu.memory_space<vmem>>
      %dma_start3A_819 = tpu.memref_squeeze %dma_start3A_818 : memref<1x128xi32, #tpu.memory_space<vmem>> -> memref<128xi32, #tpu.memory_space<vmem>>
      %dma_start3A_820 = arith.constant 0 : i32
      %dma_start3A_821 = arith.constant 0 : i32
      %dma_start3A_822 = tpu.memref_slice %arg21[%dma_start3A_820, %dma_start3A_821] : memref<10240x32xf32, #tpu.memory_space<vmem_shared>> -> memref<10240x32xf32, #tpu.memory_space<vmem_shared>>
      tpu.enqueue_indirect_dma source(%dma_start3A_822 : memref<10240x32xf32, #tpu.memory_space<vmem_shared>>) target(%arg15 : memref<128x32xf32, #tpu.memory_space<vmem>>) offsets(%dma_start3A_819 : memref<128xi32, #tpu.memory_space<vmem>>) semaphore(%arg30 : memref<!tpu.dma_semaphore, #tpu.memory_space<semaphore_mem>>)
      %add3A_823 = arith.constant 9 : i32
      %add3A_824 = arith.addi %mul3A_452, %add3A_823 : i32
      %dma_wait3A_825 = arith.constant 0 : i32
      %dma_wait3A_826 = tpu.memref_slice %arg6[%add3A_824, %dma_wait3A_825] : memref<79x128xi32, #tpu.memory_space<vmem>> -> memref<1x128xi32, #tpu.memory_space<vmem>>
      %dma_wait3A_827 = tpu.memref_squeeze %dma_wait3A_826 : memref<1x128xi32, #tpu.memory_space<vmem>> -> memref<128xi32, #tpu.memory_space<vmem>>
      %dma_wait3A_828 = arith.constant 0 : i32
      %dma_wait3A_829 = arith.constant 0 : i32
      %dma_wait3A_830 = tpu.memref_slice %arg20[%dma_wait3A_828, %dma_wait3A_829] : memref<10240x32xf32, #tpu.memory_space<vmem_shared>> -> memref<10240x32xf32, #tpu.memory_space<vmem_shared>>
      tpu.wait_indirect_dma semaphore(%arg44 : memref<!tpu.dma_semaphore, #tpu.memory_space<semaphore_mem>>) src(%arg16 : memref<128x32xf32, #tpu.memory_space<vmem>>) dst(%dma_wait3A_830 : memref<10240x32xf32, #tpu.memory_space<vmem_shared>>)
      %add3A_831 = arith.constant 13 : i32
      %add3A_832 = arith.addi %mul3A_452, %add3A_831 : i32
      %add3A_833 = arith.constant 9 : i32
      %add3A_834 = arith.addi %add3A_832, %add3A_833 : i32
      %dma_start3A_835 = arith.constant 0 : i32
      %dma_start3A_836 = tpu.memref_slice %arg5[%add3A_834, %dma_start3A_835] : memref<79x128xi32, #tpu.memory_space<vmem>> -> memref<1x128xi32, #tpu.memory_space<vmem>>
      %dma_start3A_837 = tpu.memref_squeeze %dma_start3A_836 : memref<1x128xi32, #tpu.memory_space<vmem>> -> memref<128xi32, #tpu.memory_space<vmem>>
      %dma_start3A_838 = arith.constant 0 : i32
      %dma_start3A_839 = arith.constant 0 : i32
      %dma_start3A_840 = tpu.memref_slice %arg21[%dma_start3A_838, %dma_start3A_839] : memref<10240x32xf32, #tpu.memory_space<vmem_shared>> -> memref<10240x32xf32, #tpu.memory_space<vmem_shared>>
      tpu.enqueue_indirect_dma source(%dma_start3A_840 : memref<10240x32xf32, #tpu.memory_space<vmem_shared>>) target(%arg16 : memref<128x32xf32, #tpu.memory_space<vmem>>) offsets(%dma_start3A_837 : memref<128xi32, #tpu.memory_space<vmem>>) semaphore(%arg31 : memref<!tpu.dma_semaphore, #tpu.memory_space<semaphore_mem>>)
      %add3A_841 = arith.constant 10 : i32
      %add3A_842 = arith.addi %mul3A_452, %add3A_841 : i32
      %dma_wait3A_843 = arith.constant 0 : i32
      %dma_wait3A_844 = tpu.memref_slice %arg6[%add3A_842, %dma_wait3A_843] : memref<79x128xi32, #tpu.memory_space<vmem>> -> memref<1x128xi32, #tpu.memory_space<vmem>>
      %dma_wait3A_845 = tpu.memref_squeeze %dma_wait3A_844 : memref<1x128xi32, #tpu.memory_space<vmem>> -> memref<128xi32, #tpu.memory_space<vmem>>
      %dma_wait3A_846 = arith.constant 0 : i32
      %dma_wait3A_847 = arith.constant 0 : i32
      %dma_wait3A_848 = tpu.memref_slice %arg20[%dma_wait3A_846, %dma_wait3A_847] : memref<10240x32xf32, #tpu.memory_space<vmem_shared>> -> memref<10240x32xf32, #tpu.memory_space<vmem_shared>>
      tpu.wait_indirect_dma semaphore(%arg45 : memref<!tpu.dma_semaphore, #tpu.memory_space<semaphore_mem>>) src(%arg17 : memref<128x32xf32, #tpu.memory_space<vmem>>) dst(%dma_wait3A_848 : memref<10240x32xf32, #tpu.memory_space<vmem_shared>>)
      %add3A_849 = arith.constant 13 : i32
      %add3A_850 = arith.addi %mul3A_452, %add3A_849 : i32
      %add3A_851 = arith.constant 10 : i32
      %add3A_852 = arith.addi %add3A_850, %add3A_851 : i32
      %dma_start3A_853 = arith.constant 0 : i32
      %dma_start3A_854 = tpu.memref_slice %arg5[%add3A_852, %dma_start3A_853] : memref<79x128xi32, #tpu.memory_space<vmem>> -> memref<1x128xi32, #tpu.memory_space<vmem>>
      %dma_start3A_855 = tpu.memref_squeeze %dma_start3A_854 : memref<1x128xi32, #tpu.memory_space<vmem>> -> memref<128xi32, #tpu.memory_space<vmem>>
      %dma_start3A_856 = arith.constant 0 : i32
      %dma_start3A_857 = arith.constant 0 : i32
      %dma_start3A_858 = tpu.memref_slice %arg21[%dma_start3A_856, %dma_start3A_857] : memref<10240x32xf32, #tpu.memory_space<vmem_shared>> -> memref<10240x32xf32, #tpu.memory_space<vmem_shared>>
      tpu.enqueue_indirect_dma source(%dma_start3A_858 : memref<10240x32xf32, #tpu.memory_space<vmem_shared>>) target(%arg17 : memref<128x32xf32, #tpu.memory_space<vmem>>) offsets(%dma_start3A_855 : memref<128xi32, #tpu.memory_space<vmem>>) semaphore(%arg32 : memref<!tpu.dma_semaphore, #tpu.memory_space<semaphore_mem>>)
      %add3A_859 = arith.constant 11 : i32
      %add3A_860 = arith.addi %mul3A_452, %add3A_859 : i32
      %dma_wait3A_861 = arith.constant 0 : i32
      %dma_wait3A_862 = tpu.memref_slice %arg6[%add3A_860, %dma_wait3A_861] : memref<79x128xi32, #tpu.memory_space<vmem>> -> memref<1x128xi32, #tpu.memory_space<vmem>>
      %dma_wait3A_863 = tpu.memref_squeeze %dma_wait3A_862 : memref<1x128xi32, #tpu.memory_space<vmem>> -> memref<128xi32, #tpu.memory_space<vmem>>
      %dma_wait3A_864 = arith.constant 0 : i32
      %dma_wait3A_865 = arith.constant 0 : i32
      %dma_wait3A_866 = tpu.memref_slice %arg20[%dma_wait3A_864, %dma_wait3A_865] : memref<10240x32xf32, #tpu.memory_space<vmem_shared>> -> memref<10240x32xf32, #tpu.memory_space<vmem_shared>>
      tpu.wait_indirect_dma semaphore(%arg46 : memref<!tpu.dma_semaphore, #tpu.memory_space<semaphore_mem>>) src(%arg18 : memref<128x32xf32, #tpu.memory_space<vmem>>) dst(%dma_wait3A_866 : memref<10240x32xf32, #tpu.memory_space<vmem_shared>>)
      %add3A_867 = arith.constant 13 : i32
      %add3A_868 = arith.addi %mul3A_452, %add3A_867 : i32
      %add3A_869 = arith.constant 11 : i32
      %add3A_870 = arith.addi %add3A_868, %add3A_869 : i32
      %dma_start3A_871 = arith.constant 0 : i32
      %dma_start3A_872 = tpu.memref_slice %arg5[%add3A_870, %dma_start3A_871] : memref<79x128xi32, #tpu.memory_space<vmem>> -> memref<1x128xi32, #tpu.memory_space<vmem>>
      %dma_start3A_873 = tpu.memref_squeeze %dma_start3A_872 : memref<1x128xi32, #tpu.memory_space<vmem>> -> memref<128xi32, #tpu.memory_space<vmem>>
      %dma_start3A_874 = arith.constant 0 : i32
      %dma_start3A_875 = arith.constant 0 : i32
      %dma_start3A_876 = tpu.memref_slice %arg21[%dma_start3A_874, %dma_start3A_875] : memref<10240x32xf32, #tpu.memory_space<vmem_shared>> -> memref<10240x32xf32, #tpu.memory_space<vmem_shared>>
      tpu.enqueue_indirect_dma source(%dma_start3A_876 : memref<10240x32xf32, #tpu.memory_space<vmem_shared>>) target(%arg18 : memref<128x32xf32, #tpu.memory_space<vmem>>) offsets(%dma_start3A_873 : memref<128xi32, #tpu.memory_space<vmem>>) semaphore(%arg33 : memref<!tpu.dma_semaphore, #tpu.memory_space<semaphore_mem>>)
      %add3A_877 = arith.constant 12 : i32
      %add3A_878 = arith.addi %mul3A_452, %add3A_877 : i32
      %dma_wait3A_879 = arith.constant 0 : i32
      %dma_wait3A_880 = tpu.memref_slice %arg6[%add3A_878, %dma_wait3A_879] : memref<79x128xi32, #tpu.memory_space<vmem>> -> memref<1x128xi32, #tpu.memory_space<vmem>>
      %dma_wait3A_881 = tpu.memref_squeeze %dma_wait3A_880 : memref<1x128xi32, #tpu.memory_space<vmem>> -> memref<128xi32, #tpu.memory_space<vmem>>
      %dma_wait3A_882 = arith.constant 0 : i32
      %dma_wait3A_883 = arith.constant 0 : i32
      %dma_wait3A_884 = tpu.memref_slice %arg20[%dma_wait3A_882, %dma_wait3A_883] : memref<10240x32xf32, #tpu.memory_space<vmem_shared>> -> memref<10240x32xf32, #tpu.memory_space<vmem_shared>>
      tpu.wait_indirect_dma semaphore(%arg47 : memref<!tpu.dma_semaphore, #tpu.memory_space<semaphore_mem>>) src(%arg19 : memref<128x32xf32, #tpu.memory_space<vmem>>) dst(%dma_wait3A_884 : memref<10240x32xf32, #tpu.memory_space<vmem_shared>>)
      %add3A_885 = arith.constant 13 : i32
      %add3A_886 = arith.addi %mul3A_452, %add3A_885 : i32
      %add3A_887 = arith.constant 12 : i32
      %add3A_888 = arith.addi %add3A_886, %add3A_887 : i32
      %dma_start3A_889 = arith.constant 0 : i32
      %dma_start3A_890 = tpu.memref_slice %arg5[%add3A_888, %dma_start3A_889] : memref<79x128xi32, #tpu.memory_space<vmem>> -> memref<1x128xi32, #tpu.memory_space<vmem>>
      %dma_start3A_891 = tpu.memref_squeeze %dma_start3A_890 : memref<1x128xi32, #tpu.memory_space<vmem>> -> memref<128xi32, #tpu.memory_space<vmem>>
      %dma_start3A_892 = arith.constant 0 : i32
      %dma_start3A_893 = arith.constant 0 : i32
      %dma_start3A_894 = tpu.memref_slice %arg21[%dma_start3A_892, %dma_start3A_893] : memref<10240x32xf32, #tpu.memory_space<vmem_shared>> -> memref<10240x32xf32, #tpu.memory_space<vmem_shared>>
      tpu.enqueue_indirect_dma source(%dma_start3A_894 : memref<10240x32xf32, #tpu.memory_space<vmem_shared>>) target(%arg19 : memref<128x32xf32, #tpu.memory_space<vmem>>) offsets(%dma_start3A_891 : memref<128xi32, #tpu.memory_space<vmem>>) semaphore(%arg34 : memref<!tpu.dma_semaphore, #tpu.memory_space<semaphore_mem>>)
    }
    %scan3A_170 = arith.constant 5 : i32
    %dma_wait3A_171 = arith.constant 65 : i32
    %dma_wait3A_172 = arith.constant 0 : i32
    %dma_wait3A_173 = tpu.memref_slice %arg5[%dma_wait3A_171, %dma_wait3A_172] : memref<79x128xi32, #tpu.memory_space<vmem>> -> memref<1x128xi32, #tpu.memory_space<vmem>>
    %dma_wait3A_174 = tpu.memref_squeeze %dma_wait3A_173 : memref<1x128xi32, #tpu.memory_space<vmem>> -> memref<128xi32, #tpu.memory_space<vmem>>
    %dma_wait3A_175 = arith.constant 0 : i32
    %dma_wait3A_176 = arith.constant 0 : i32
    %dma_wait3A_177 = tpu.memref_slice %arg21[%dma_wait3A_175, %dma_wait3A_176] : memref<10240x32xf32, #tpu.memory_space<vmem_shared>> -> memref<10240x32xf32, #tpu.memory_space<vmem_shared>>
    tpu.wait_indirect_dma semaphore(%arg22 : memref<!tpu.dma_semaphore, #tpu.memory_space<semaphore_mem>>) src(%dma_wait3A_177 : memref<10240x32xf32, #tpu.memory_space<vmem_shared>>) dst(%arg7 : memref<128x32xf32, #tpu.memory_space<vmem>>)
    %dma_start3A_178 = arith.constant 65 : i32
    %dma_start3A_179 = arith.constant 0 : i32
    %dma_start3A_180 = tpu.memref_slice %arg6[%dma_start3A_178, %dma_start3A_179] : memref<79x128xi32, #tpu.memory_space<vmem>> -> memref<1x128xi32, #tpu.memory_space<vmem>>
    %dma_start3A_181 = tpu.memref_squeeze %dma_start3A_180 : memref<1x128xi32, #tpu.memory_space<vmem>> -> memref<128xi32, #tpu.memory_space<vmem>>
    %dma_start3A_182 = arith.constant 0 : i32
    %dma_start3A_183 = arith.constant 0 : i32
    %dma_start3A_184 = tpu.memref_slice %arg20[%dma_start3A_182, %dma_start3A_183] : memref<10240x32xf32, #tpu.memory_space<vmem_shared>> -> memref<10240x32xf32, #tpu.memory_space<vmem_shared>>
    tpu.enqueue_indirect_dma source(%arg7 : memref<128x32xf32, #tpu.memory_space<vmem>>) target(%dma_start3A_184 : memref<10240x32xf32, #tpu.memory_space<vmem_shared>>) offsets(%dma_start3A_181 : memref<128xi32, #tpu.memory_space<vmem>>) semaphore(%arg35 : memref<!tpu.dma_semaphore, #tpu.memory_space<semaphore_mem>>) {add = true}
    %dma_wait3A_185 = arith.constant 66 : i32
    %dma_wait3A_186 = arith.constant 0 : i32
    %dma_wait3A_187 = tpu.memref_slice %arg5[%dma_wait3A_185, %dma_wait3A_186] : memref<79x128xi32, #tpu.memory_space<vmem>> -> memref<1x128xi32, #tpu.memory_space<vmem>>
    %dma_wait3A_188 = tpu.memref_squeeze %dma_wait3A_187 : memref<1x128xi32, #tpu.memory_space<vmem>> -> memref<128xi32, #tpu.memory_space<vmem>>
    %dma_wait3A_189 = arith.constant 0 : i32
    %dma_wait3A_190 = arith.constant 0 : i32
    %dma_wait3A_191 = tpu.memref_slice %arg21[%dma_wait3A_189, %dma_wait3A_190] : memref<10240x32xf32, #tpu.memory_space<vmem_shared>> -> memref<10240x32xf32, #tpu.memory_space<vmem_shared>>
    tpu.wait_indirect_dma semaphore(%arg23 : memref<!tpu.dma_semaphore, #tpu.memory_space<semaphore_mem>>) src(%dma_wait3A_191 : memref<10240x32xf32, #tpu.memory_space<vmem_shared>>) dst(%arg8 : memref<128x32xf32, #tpu.memory_space<vmem>>)
    %dma_start3A_192 = arith.constant 66 : i32
    %dma_start3A_193 = arith.constant 0 : i32
    %dma_start3A_194 = tpu.memref_slice %arg6[%dma_start3A_192, %dma_start3A_193] : memref<79x128xi32, #tpu.memory_space<vmem>> -> memref<1x128xi32, #tpu.memory_space<vmem>>
    %dma_start3A_195 = tpu.memref_squeeze %dma_start3A_194 : memref<1x128xi32, #tpu.memory_space<vmem>> -> memref<128xi32, #tpu.memory_space<vmem>>
    %dma_start3A_196 = arith.constant 0 : i32
    %dma_start3A_197 = arith.constant 0 : i32
    %dma_start3A_198 = tpu.memref_slice %arg20[%dma_start3A_196, %dma_start3A_197] : memref<10240x32xf32, #tpu.memory_space<vmem_shared>> -> memref<10240x32xf32, #tpu.memory_space<vmem_shared>>
    tpu.enqueue_indirect_dma source(%arg8 : memref<128x32xf32, #tpu.memory_space<vmem>>) target(%dma_start3A_198 : memref<10240x32xf32, #tpu.memory_space<vmem_shared>>) offsets(%dma_start3A_195 : memref<128xi32, #tpu.memory_space<vmem>>) semaphore(%arg36 : memref<!tpu.dma_semaphore, #tpu.memory_space<semaphore_mem>>) {add = true}
    %dma_wait3A_199 = arith.constant 67 : i32
    %dma_wait3A_200 = arith.constant 0 : i32
    %dma_wait3A_201 = tpu.memref_slice %arg5[%dma_wait3A_199, %dma_wait3A_200] : memref<79x128xi32, #tpu.memory_space<vmem>> -> memref<1x128xi32, #tpu.memory_space<vmem>>
    %dma_wait3A_202 = tpu.memref_squeeze %dma_wait3A_201 : memref<1x128xi32, #tpu.memory_space<vmem>> -> memref<128xi32, #tpu.memory_space<vmem>>
    %dma_wait3A_203 = arith.constant 0 : i32
    %dma_wait3A_204 = arith.constant 0 : i32
    %dma_wait3A_205 = tpu.memref_slice %arg21[%dma_wait3A_203, %dma_wait3A_204] : memref<10240x32xf32, #tpu.memory_space<vmem_shared>> -> memref<10240x32xf32, #tpu.memory_space<vmem_shared>>
    tpu.wait_indirect_dma semaphore(%arg24 : memref<!tpu.dma_semaphore, #tpu.memory_space<semaphore_mem>>) src(%dma_wait3A_205 : memref<10240x32xf32, #tpu.memory_space<vmem_shared>>) dst(%arg9 : memref<128x32xf32, #tpu.memory_space<vmem>>)
    %dma_start3A_206 = arith.constant 67 : i32
    %dma_start3A_207 = arith.constant 0 : i32
    %dma_start3A_208 = tpu.memref_slice %arg6[%dma_start3A_206, %dma_start3A_207] : memref<79x128xi32, #tpu.memory_space<vmem>> -> memref<1x128xi32, #tpu.memory_space<vmem>>
    %dma_start3A_209 = tpu.memref_squeeze %dma_start3A_208 : memref<1x128xi32, #tpu.memory_space<vmem>> -> memref<128xi32, #tpu.memory_space<vmem>>
    %dma_start3A_210 = arith.constant 0 : i32
    %dma_start3A_211 = arith.constant 0 : i32
    %dma_start3A_212 = tpu.memref_slice %arg20[%dma_start3A_210, %dma_start3A_211] : memref<10240x32xf32, #tpu.memory_space<vmem_shared>> -> memref<10240x32xf32, #tpu.memory_space<vmem_shared>>
    tpu.enqueue_indirect_dma source(%arg9 : memref<128x32xf32, #tpu.memory_space<vmem>>) target(%dma_start3A_212 : memref<10240x32xf32, #tpu.memory_space<vmem_shared>>) offsets(%dma_start3A_209 : memref<128xi32, #tpu.memory_space<vmem>>) semaphore(%arg37 : memref<!tpu.dma_semaphore, #tpu.memory_space<semaphore_mem>>) {add = true}
    %dma_wait3A_213 = arith.constant 68 : i32
    %dma_wait3A_214 = arith.constant 0 : i32
    %dma_wait3A_215 = tpu.memref_slice %arg5[%dma_wait3A_213, %dma_wait3A_214] : memref<79x128xi32, #tpu.memory_space<vmem>> -> memref<1x128xi32, #tpu.memory_space<vmem>>
    %dma_wait3A_216 = tpu.memref_squeeze %dma_wait3A_215 : memref<1x128xi32, #tpu.memory_space<vmem>> -> memref<128xi32, #tpu.memory_space<vmem>>
    %dma_wait3A_217 = arith.constant 0 : i32
    %dma_wait3A_218 = arith.constant 0 : i32
    %dma_wait3A_219 = tpu.memref_slice %arg21[%dma_wait3A_217, %dma_wait3A_218] : memref<10240x32xf32, #tpu.memory_space<vmem_shared>> -> memref<10240x32xf32, #tpu.memory_space<vmem_shared>>
    tpu.wait_indirect_dma semaphore(%arg25 : memref<!tpu.dma_semaphore, #tpu.memory_space<semaphore_mem>>) src(%dma_wait3A_219 : memref<10240x32xf32, #tpu.memory_space<vmem_shared>>) dst(%arg10 : memref<128x32xf32, #tpu.memory_space<vmem>>)
    %dma_start3A_220 = arith.constant 68 : i32
    %dma_start3A_221 = arith.constant 0 : i32
    %dma_start3A_222 = tpu.memref_slice %arg6[%dma_start3A_220, %dma_start3A_221] : memref<79x128xi32, #tpu.memory_space<vmem>> -> memref<1x128xi32, #tpu.memory_space<vmem>>
    %dma_start3A_223 = tpu.memref_squeeze %dma_start3A_222 : memref<1x128xi32, #tpu.memory_space<vmem>> -> memref<128xi32, #tpu.memory_space<vmem>>
    %dma_start3A_224 = arith.constant 0 : i32
    %dma_start3A_225 = arith.constant 0 : i32
    %dma_start3A_226 = tpu.memref_slice %arg20[%dma_start3A_224, %dma_start3A_225] : memref<10240x32xf32, #tpu.memory_space<vmem_shared>> -> memref<10240x32xf32, #tpu.memory_space<vmem_shared>>
    tpu.enqueue_indirect_dma source(%arg10 : memref<128x32xf32, #tpu.memory_space<vmem>>) target(%dma_start3A_226 : memref<10240x32xf32, #tpu.memory_space<vmem_shared>>) offsets(%dma_start3A_223 : memref<128xi32, #tpu.memory_space<vmem>>) semaphore(%arg38 : memref<!tpu.dma_semaphore, #tpu.memory_space<semaphore_mem>>) {add = true}
    %dma_wait3A_227 = arith.constant 69 : i32
    %dma_wait3A_228 = arith.constant 0 : i32
    %dma_wait3A_229 = tpu.memref_slice %arg5[%dma_wait3A_227, %dma_wait3A_228] : memref<79x128xi32, #tpu.memory_space<vmem>> -> memref<1x128xi32, #tpu.memory_space<vmem>>
    %dma_wait3A_230 = tpu.memref_squeeze %dma_wait3A_229 : memref<1x128xi32, #tpu.memory_space<vmem>> -> memref<128xi32, #tpu.memory_space<vmem>>
    %dma_wait3A_231 = arith.constant 0 : i32
    %dma_wait3A_232 = arith.constant 0 : i32
    %dma_wait3A_233 = tpu.memref_slice %arg21[%dma_wait3A_231, %dma_wait3A_232] : memref<10240x32xf32, #tpu.memory_space<vmem_shared>> -> memref<10240x32xf32, #tpu.memory_space<vmem_shared>>
    tpu.wait_indirect_dma semaphore(%arg26 : memref<!tpu.dma_semaphore, #tpu.memory_space<semaphore_mem>>) src(%dma_wait3A_233 : memref<10240x32xf32, #tpu.memory_space<vmem_shared>>) dst(%arg11 : memref<128x32xf32, #tpu.memory_space<vmem>>)
    %dma_start3A_234 = arith.constant 69 : i32
    %dma_start3A_235 = arith.constant 0 : i32
    %dma_start3A_236 = tpu.memref_slice %arg6[%dma_start3A_234, %dma_start3A_235] : memref<79x128xi32, #tpu.memory_space<vmem>> -> memref<1x128xi32, #tpu.memory_space<vmem>>
    %dma_start3A_237 = tpu.memref_squeeze %dma_start3A_236 : memref<1x128xi32, #tpu.memory_space<vmem>> -> memref<128xi32, #tpu.memory_space<vmem>>
    %dma_start3A_238 = arith.constant 0 : i32
    %dma_start3A_239 = arith.constant 0 : i32
    %dma_start3A_240 = tpu.memref_slice %arg20[%dma_start3A_238, %dma_start3A_239] : memref<10240x32xf32, #tpu.memory_space<vmem_shared>> -> memref<10240x32xf32, #tpu.memory_space<vmem_shared>>
    tpu.enqueue_indirect_dma source(%arg11 : memref<128x32xf32, #tpu.memory_space<vmem>>) target(%dma_start3A_240 : memref<10240x32xf32, #tpu.memory_space<vmem_shared>>) offsets(%dma_start3A_237 : memref<128xi32, #tpu.memory_space<vmem>>) semaphore(%arg39 : memref<!tpu.dma_semaphore, #tpu.memory_space<semaphore_mem>>) {add = true}
    %dma_wait3A_241 = arith.constant 70 : i32
    %dma_wait3A_242 = arith.constant 0 : i32
    %dma_wait3A_243 = tpu.memref_slice %arg5[%dma_wait3A_241, %dma_wait3A_242] : memref<79x128xi32, #tpu.memory_space<vmem>> -> memref<1x128xi32, #tpu.memory_space<vmem>>
    %dma_wait3A_244 = tpu.memref_squeeze %dma_wait3A_243 : memref<1x128xi32, #tpu.memory_space<vmem>> -> memref<128xi32, #tpu.memory_space<vmem>>
    %dma_wait3A_245 = arith.constant 0 : i32
    %dma_wait3A_246 = arith.constant 0 : i32
    %dma_wait3A_247 = tpu.memref_slice %arg21[%dma_wait3A_245, %dma_wait3A_246] : memref<10240x32xf32, #tpu.memory_space<vmem_shared>> -> memref<10240x32xf32, #tpu.memory_space<vmem_shared>>
    tpu.wait_indirect_dma semaphore(%arg27 : memref<!tpu.dma_semaphore, #tpu.memory_space<semaphore_mem>>) src(%dma_wait3A_247 : memref<10240x32xf32, #tpu.memory_space<vmem_shared>>) dst(%arg12 : memref<128x32xf32, #tpu.memory_space<vmem>>)
    %dma_start3A_248 = arith.constant 70 : i32
    %dma_start3A_249 = arith.constant 0 : i32
    %dma_start3A_250 = tpu.memref_slice %arg6[%dma_start3A_248, %dma_start3A_249] : memref<79x128xi32, #tpu.memory_space<vmem>> -> memref<1x128xi32, #tpu.memory_space<vmem>>
    %dma_start3A_251 = tpu.memref_squeeze %dma_start3A_250 : memref<1x128xi32, #tpu.memory_space<vmem>> -> memref<128xi32, #tpu.memory_space<vmem>>
    %dma_start3A_252 = arith.constant 0 : i32
    %dma_start3A_253 = arith.constant 0 : i32
    %dma_start3A_254 = tpu.memref_slice %arg20[%dma_start3A_252, %dma_start3A_253] : memref<10240x32xf32, #tpu.memory_space<vmem_shared>> -> memref<10240x32xf32, #tpu.memory_space<vmem_shared>>
    tpu.enqueue_indirect_dma source(%arg12 : memref<128x32xf32, #tpu.memory_space<vmem>>) target(%dma_start3A_254 : memref<10240x32xf32, #tpu.memory_space<vmem_shared>>) offsets(%dma_start3A_251 : memref<128xi32, #tpu.memory_space<vmem>>) semaphore(%arg40 : memref<!tpu.dma_semaphore, #tpu.memory_space<semaphore_mem>>) {add = true}
    %dma_wait3A_255 = arith.constant 71 : i32
    %dma_wait3A_256 = arith.constant 0 : i32
    %dma_wait3A_257 = tpu.memref_slice %arg5[%dma_wait3A_255, %dma_wait3A_256] : memref<79x128xi32, #tpu.memory_space<vmem>> -> memref<1x128xi32, #tpu.memory_space<vmem>>
    %dma_wait3A_258 = tpu.memref_squeeze %dma_wait3A_257 : memref<1x128xi32, #tpu.memory_space<vmem>> -> memref<128xi32, #tpu.memory_space<vmem>>
    %dma_wait3A_259 = arith.constant 0 : i32
    %dma_wait3A_260 = arith.constant 0 : i32
    %dma_wait3A_261 = tpu.memref_slice %arg21[%dma_wait3A_259, %dma_wait3A_260] : memref<10240x32xf32, #tpu.memory_space<vmem_shared>> -> memref<10240x32xf32, #tpu.memory_space<vmem_shared>>
    tpu.wait_indirect_dma semaphore(%arg28 : memref<!tpu.dma_semaphore, #tpu.memory_space<semaphore_mem>>) src(%dma_wait3A_261 : memref<10240x32xf32, #tpu.memory_space<vmem_shared>>) dst(%arg13 : memref<128x32xf32, #tpu.memory_space<vmem>>)
    %dma_start3A_262 = arith.constant 71 : i32
    %dma_start3A_263 = arith.constant 0 : i32
    %dma_start3A_264 = tpu.memref_slice %arg6[%dma_start3A_262, %dma_start3A_263] : memref<79x128xi32, #tpu.memory_space<vmem>> -> memref<1x128xi32, #tpu.memory_space<vmem>>
    %dma_start3A_265 = tpu.memref_squeeze %dma_start3A_264 : memref<1x128xi32, #tpu.memory_space<vmem>> -> memref<128xi32, #tpu.memory_space<vmem>>
    %dma_start3A_266 = arith.constant 0 : i32
    %dma_start3A_267 = arith.constant 0 : i32
    %dma_start3A_268 = tpu.memref_slice %arg20[%dma_start3A_266, %dma_start3A_267] : memref<10240x32xf32, #tpu.memory_space<vmem_shared>> -> memref<10240x32xf32, #tpu.memory_space<vmem_shared>>
    tpu.enqueue_indirect_dma source(%arg13 : memref<128x32xf32, #tpu.memory_space<vmem>>) target(%dma_start3A_268 : memref<10240x32xf32, #tpu.memory_space<vmem_shared>>) offsets(%dma_start3A_265 : memref<128xi32, #tpu.memory_space<vmem>>) semaphore(%arg41 : memref<!tpu.dma_semaphore, #tpu.memory_space<semaphore_mem>>) {add = true}
    %dma_wait3A_269 = arith.constant 72 : i32
    %dma_wait3A_270 = arith.constant 0 : i32
    %dma_wait3A_271 = tpu.memref_slice %arg5[%dma_wait3A_269, %dma_wait3A_270] : memref<79x128xi32, #tpu.memory_space<vmem>> -> memref<1x128xi32, #tpu.memory_space<vmem>>
    %dma_wait3A_272 = tpu.memref_squeeze %dma_wait3A_271 : memref<1x128xi32, #tpu.memory_space<vmem>> -> memref<128xi32, #tpu.memory_space<vmem>>
    %dma_wait3A_273 = arith.constant 0 : i32
    %dma_wait3A_274 = arith.constant 0 : i32
    %dma_wait3A_275 = tpu.memref_slice %arg21[%dma_wait3A_273, %dma_wait3A_274] : memref<10240x32xf32, #tpu.memory_space<vmem_shared>> -> memref<10240x32xf32, #tpu.memory_space<vmem_shared>>
    tpu.wait_indirect_dma semaphore(%arg29 : memref<!tpu.dma_semaphore, #tpu.memory_space<semaphore_mem>>) src(%dma_wait3A_275 : memref<10240x32xf32, #tpu.memory_space<vmem_shared>>) dst(%arg14 : memref<128x32xf32, #tpu.memory_space<vmem>>)
    %dma_start3A_276 = arith.constant 72 : i32
    %dma_start3A_277 = arith.constant 0 : i32
    %dma_start3A_278 = tpu.memref_slice %arg6[%dma_start3A_276, %dma_start3A_277] : memref<79x128xi32, #tpu.memory_space<vmem>> -> memref<1x128xi32, #tpu.memory_space<vmem>>
    %dma_start3A_279 = tpu.memref_squeeze %dma_start3A_278 : memref<1x128xi32, #tpu.memory_space<vmem>> -> memref<128xi32, #tpu.memory_space<vmem>>
    %dma_start3A_280 = arith.constant 0 : i32
    %dma_start3A_281 = arith.constant 0 : i32
    %dma_start3A_282 = tpu.memref_slice %arg20[%dma_start3A_280, %dma_start3A_281] : memref<10240x32xf32, #tpu.memory_space<vmem_shared>> -> memref<10240x32xf32, #tpu.memory_space<vmem_shared>>
    tpu.enqueue_indirect_dma source(%arg14 : memref<128x32xf32, #tpu.memory_space<vmem>>) target(%dma_start3A_282 : memref<10240x32xf32, #tpu.memory_space<vmem_shared>>) offsets(%dma_start3A_279 : memref<128xi32, #tpu.memory_space<vmem>>) semaphore(%arg42 : memref<!tpu.dma_semaphore, #tpu.memory_space<semaphore_mem>>) {add = true}
    %dma_wait3A_283 = arith.constant 73 : i32
    %dma_wait3A_284 = arith.constant 0 : i32
    %dma_wait3A_285 = tpu.memref_slice %arg5[%dma_wait3A_283, %dma_wait3A_284] : memref<79x128xi32, #tpu.memory_space<vmem>> -> memref<1x128xi32, #tpu.memory_space<vmem>>
    %dma_wait3A_286 = tpu.memref_squeeze %dma_wait3A_285 : memref<1x128xi32, #tpu.memory_space<vmem>> -> memref<128xi32, #tpu.memory_space<vmem>>
    %dma_wait3A_287 = arith.constant 0 : i32
    %dma_wait3A_288 = arith.constant 0 : i32
    %dma_wait3A_289 = tpu.memref_slice %arg21[%dma_wait3A_287, %dma_wait3A_288] : memref<10240x32xf32, #tpu.memory_space<vmem_shared>> -> memref<10240x32xf32, #tpu.memory_space<vmem_shared>>
    tpu.wait_indirect_dma semaphore(%arg30 : memref<!tpu.dma_semaphore, #tpu.memory_space<semaphore_mem>>) src(%dma_wait3A_289 : memref<10240x32xf32, #tpu.memory_space<vmem_shared>>) dst(%arg15 : memref<128x32xf32, #tpu.memory_space<vmem>>)
    %dma_start3A_290 = arith.constant 73 : i32
    %dma_start3A_291 = arith.constant 0 : i32
    %dma_start3A_292 = tpu.memref_slice %arg6[%dma_start3A_290, %dma_start3A_291] : memref<79x128xi32, #tpu.memory_space<vmem>> -> memref<1x128xi32, #tpu.memory_space<vmem>>
    %dma_start3A_293 = tpu.memref_squeeze %dma_start3A_292 : memref<1x128xi32, #tpu.memory_space<vmem>> -> memref<128xi32, #tpu.memory_space<vmem>>
    %dma_start3A_294 = arith.constant 0 : i32
    %dma_start3A_295 = arith.constant 0 : i32
    %dma_start3A_296 = tpu.memref_slice %arg20[%dma_start3A_294, %dma_start3A_295] : memref<10240x32xf32, #tpu.memory_space<vmem_shared>> -> memref<10240x32xf32, #tpu.memory_space<vmem_shared>>
    tpu.enqueue_indirect_dma source(%arg15 : memref<128x32xf32, #tpu.memory_space<vmem>>) target(%dma_start3A_296 : memref<10240x32xf32, #tpu.memory_space<vmem_shared>>) offsets(%dma_start3A_293 : memref<128xi32, #tpu.memory_space<vmem>>) semaphore(%arg43 : memref<!tpu.dma_semaphore, #tpu.memory_space<semaphore_mem>>) {add = true}
    %dma_wait3A_297 = arith.constant 74 : i32
    %dma_wait3A_298 = arith.constant 0 : i32
    %dma_wait3A_299 = tpu.memref_slice %arg5[%dma_wait3A_297, %dma_wait3A_298] : memref<79x128xi32, #tpu.memory_space<vmem>> -> memref<1x128xi32, #tpu.memory_space<vmem>>
    %dma_wait3A_300 = tpu.memref_squeeze %dma_wait3A_299 : memref<1x128xi32, #tpu.memory_space<vmem>> -> memref<128xi32, #tpu.memory_space<vmem>>
    %dma_wait3A_301 = arith.constant 0 : i32
    %dma_wait3A_302 = arith.constant 0 : i32
    %dma_wait3A_303 = tpu.memref_slice %arg21[%dma_wait3A_301, %dma_wait3A_302] : memref<10240x32xf32, #tpu.memory_space<vmem_shared>> -> memref<10240x32xf32, #tpu.memory_space<vmem_shared>>
    tpu.wait_indirect_dma semaphore(%arg31 : memref<!tpu.dma_semaphore, #tpu.memory_space<semaphore_mem>>) src(%dma_wait3A_303 : memref<10240x32xf32, #tpu.memory_space<vmem_shared>>) dst(%arg16 : memref<128x32xf32, #tpu.memory_space<vmem>>)
    %dma_start3A_304 = arith.constant 74 : i32
    %dma_start3A_305 = arith.constant 0 : i32
    %dma_start3A_306 = tpu.memref_slice %arg6[%dma_start3A_304, %dma_start3A_305] : memref<79x128xi32, #tpu.memory_space<vmem>> -> memref<1x128xi32, #tpu.memory_space<vmem>>
    %dma_start3A_307 = tpu.memref_squeeze %dma_start3A_306 : memref<1x128xi32, #tpu.memory_space<vmem>> -> memref<128xi32, #tpu.memory_space<vmem>>
    %dma_start3A_308 = arith.constant 0 : i32
    %dma_start3A_309 = arith.constant 0 : i32
    %dma_start3A_310 = tpu.memref_slice %arg20[%dma_start3A_308, %dma_start3A_309] : memref<10240x32xf32, #tpu.memory_space<vmem_shared>> -> memref<10240x32xf32, #tpu.memory_space<vmem_shared>>
    tpu.enqueue_indirect_dma source(%arg16 : memref<128x32xf32, #tpu.memory_space<vmem>>) target(%dma_start3A_310 : memref<10240x32xf32, #tpu.memory_space<vmem_shared>>) offsets(%dma_start3A_307 : memref<128xi32, #tpu.memory_space<vmem>>) semaphore(%arg44 : memref<!tpu.dma_semaphore, #tpu.memory_space<semaphore_mem>>) {add = true}
    %dma_wait3A_311 = arith.constant 75 : i32
    %dma_wait3A_312 = arith.constant 0 : i32
    %dma_wait3A_313 = tpu.memref_slice %arg5[%dma_wait3A_311, %dma_wait3A_312] : memref<79x128xi32, #tpu.memory_space<vmem>> -> memref<1x128xi32, #tpu.memory_space<vmem>>
    %dma_wait3A_314 = tpu.memref_squeeze %dma_wait3A_313 : memref<1x128xi32, #tpu.memory_space<vmem>> -> memref<128xi32, #tpu.memory_space<vmem>>
    %dma_wait3A_315 = arith.constant 0 : i32
    %dma_wait3A_316 = arith.constant 0 : i32
    %dma_wait3A_317 = tpu.memref_slice %arg21[%dma_wait3A_315, %dma_wait3A_316] : memref<10240x32xf32, #tpu.memory_space<vmem_shared>> -> memref<10240x32xf32, #tpu.memory_space<vmem_shared>>
    tpu.wait_indirect_dma semaphore(%arg32 : memref<!tpu.dma_semaphore, #tpu.memory_space<semaphore_mem>>) src(%dma_wait3A_317 : memref<10240x32xf32, #tpu.memory_space<vmem_shared>>) dst(%arg17 : memref<128x32xf32, #tpu.memory_space<vmem>>)
    %dma_start3A_318 = arith.constant 75 : i32
    %dma_start3A_319 = arith.constant 0 : i32
    %dma_start3A_320 = tpu.memref_slice %arg6[%dma_start3A_318, %dma_start3A_319] : memref<79x128xi32, #tpu.memory_space<vmem>> -> memref<1x128xi32, #tpu.memory_space<vmem>>
    %dma_start3A_321 = tpu.memref_squeeze %dma_start3A_320 : memref<1x128xi32, #tpu.memory_space<vmem>> -> memref<128xi32, #tpu.memory_space<vmem>>
    %dma_start3A_322 = arith.constant 0 : i32
    %dma_start3A_323 = arith.constant 0 : i32
    %dma_start3A_324 = tpu.memref_slice %arg20[%dma_start3A_322, %dma_start3A_323] : memref<10240x32xf32, #tpu.memory_space<vmem_shared>> -> memref<10240x32xf32, #tpu.memory_space<vmem_shared>>
    tpu.enqueue_indirect_dma source(%arg17 : memref<128x32xf32, #tpu.memory_space<vmem>>) target(%dma_start3A_324 : memref<10240x32xf32, #tpu.memory_space<vmem_shared>>) offsets(%dma_start3A_321 : memref<128xi32, #tpu.memory_space<vmem>>) semaphore(%arg45 : memref<!tpu.dma_semaphore, #tpu.memory_space<semaphore_mem>>) {add = true}
    %dma_wait3A_325 = arith.constant 76 : i32
    %dma_wait3A_326 = arith.constant 0 : i32
    %dma_wait3A_327 = tpu.memref_slice %arg5[%dma_wait3A_325, %dma_wait3A_326] : memref<79x128xi32, #tpu.memory_space<vmem>> -> memref<1x128xi32, #tpu.memory_space<vmem>>
    %dma_wait3A_328 = tpu.memref_squeeze %dma_wait3A_327 : memref<1x128xi32, #tpu.memory_space<vmem>> -> memref<128xi32, #tpu.memory_space<vmem>>
    %dma_wait3A_329 = arith.constant 0 : i32
    %dma_wait3A_330 = arith.constant 0 : i32
    %dma_wait3A_331 = tpu.memref_slice %arg21[%dma_wait3A_329, %dma_wait3A_330] : memref<10240x32xf32, #tpu.memory_space<vmem_shared>> -> memref<10240x32xf32, #tpu.memory_space<vmem_shared>>
    tpu.wait_indirect_dma semaphore(%arg33 : memref<!tpu.dma_semaphore, #tpu.memory_space<semaphore_mem>>) src(%dma_wait3A_331 : memref<10240x32xf32, #tpu.memory_space<vmem_shared>>) dst(%arg18 : memref<128x32xf32, #tpu.memory_space<vmem>>)
    %dma_start3A_332 = arith.constant 76 : i32
    %dma_start3A_333 = arith.constant 0 : i32
    %dma_start3A_334 = tpu.memref_slice %arg6[%dma_start3A_332, %dma_start3A_333] : memref<79x128xi32, #tpu.memory_space<vmem>> -> memref<1x128xi32, #tpu.memory_space<vmem>>
    %dma_start3A_335 = tpu.memref_squeeze %dma_start3A_334 : memref<1x128xi32, #tpu.memory_space<vmem>> -> memref<128xi32, #tpu.memory_space<vmem>>
    %dma_start3A_336 = arith.constant 0 : i32
    %dma_start3A_337 = arith.constant 0 : i32
    %dma_start3A_338 = tpu.memref_slice %arg20[%dma_start3A_336, %dma_start3A_337] : memref<10240x32xf32, #tpu.memory_space<vmem_shared>> -> memref<10240x32xf32, #tpu.memory_space<vmem_shared>>
    tpu.enqueue_indirect_dma source(%arg18 : memref<128x32xf32, #tpu.memory_space<vmem>>) target(%dma_start3A_338 : memref<10240x32xf32, #tpu.memory_space<vmem_shared>>) offsets(%dma_start3A_335 : memref<128xi32, #tpu.memory_space<vmem>>) semaphore(%arg46 : memref<!tpu.dma_semaphore, #tpu.memory_space<semaphore_mem>>) {add = true}
    %dma_wait3A_339 = arith.constant 77 : i32
    %dma_wait3A_340 = arith.constant 0 : i32
    %dma_wait3A_341 = tpu.memref_slice %arg5[%dma_wait3A_339, %dma_wait3A_340] : memref<79x128xi32, #tpu.memory_space<vmem>> -> memref<1x128xi32, #tpu.memory_space<vmem>>
    %dma_wait3A_342 = tpu.memref_squeeze %dma_wait3A_341 : memref<1x128xi32, #tpu.memory_space<vmem>> -> memref<128xi32, #tpu.memory_space<vmem>>
    %dma_wait3A_343 = arith.constant 0 : i32
    %dma_wait3A_344 = arith.constant 0 : i32
    %dma_wait3A_345 = tpu.memref_slice %arg21[%dma_wait3A_343, %dma_wait3A_344] : memref<10240x32xf32, #tpu.memory_space<vmem_shared>> -> memref<10240x32xf32, #tpu.memory_space<vmem_shared>>
    tpu.wait_indirect_dma semaphore(%arg34 : memref<!tpu.dma_semaphore, #tpu.memory_space<semaphore_mem>>) src(%dma_wait3A_345 : memref<10240x32xf32, #tpu.memory_space<vmem_shared>>) dst(%arg19 : memref<128x32xf32, #tpu.memory_space<vmem>>)
    %dma_start3A_346 = arith.constant 77 : i32
    %dma_start3A_347 = arith.constant 0 : i32
    %dma_start3A_348 = tpu.memref_slice %arg6[%dma_start3A_346, %dma_start3A_347] : memref<79x128xi32, #tpu.memory_space<vmem>> -> memref<1x128xi32, #tpu.memory_space<vmem>>
    %dma_start3A_349 = tpu.memref_squeeze %dma_start3A_348 : memref<1x128xi32, #tpu.memory_space<vmem>> -> memref<128xi32, #tpu.memory_space<vmem>>
    %dma_start3A_350 = arith.constant 0 : i32
    %dma_start3A_351 = arith.constant 0 : i32
    %dma_start3A_352 = tpu.memref_slice %arg20[%dma_start3A_350, %dma_start3A_351] : memref<10240x32xf32, #tpu.memory_space<vmem_shared>> -> memref<10240x32xf32, #tpu.memory_space<vmem_shared>>
    tpu.enqueue_indirect_dma source(%arg19 : memref<128x32xf32, #tpu.memory_space<vmem>>) target(%dma_start3A_352 : memref<10240x32xf32, #tpu.memory_space<vmem_shared>>) offsets(%dma_start3A_349 : memref<128xi32, #tpu.memory_space<vmem>>) semaphore(%arg47 : memref<!tpu.dma_semaphore, #tpu.memory_space<semaphore_mem>>) {add = true}
    %dma_wait3A_353 = arith.constant 65 : i32
    %dma_wait3A_354 = arith.constant 0 : i32
    %dma_wait3A_355 = tpu.memref_slice %arg6[%dma_wait3A_353, %dma_wait3A_354] : memref<79x128xi32, #tpu.memory_space<vmem>> -> memref<1x128xi32, #tpu.memory_space<vmem>>
    %dma_wait3A_356 = tpu.memref_squeeze %dma_wait3A_355 : memref<1x128xi32, #tpu.memory_space<vmem>> -> memref<128xi32, #tpu.memory_space<vmem>>
    %dma_wait3A_357 = arith.constant 0 : i32
    %dma_wait3A_358 = arith.constant 0 : i32
    %dma_wait3A_359 = tpu.memref_slice %arg20[%dma_wait3A_357, %dma_wait3A_358] : memref<10240x32xf32, #tpu.memory_space<vmem_shared>> -> memref<10240x32xf32, #tpu.memory_space<vmem_shared>>
    tpu.wait_indirect_dma semaphore(%arg35 : memref<!tpu.dma_semaphore, #tpu.memory_space<semaphore_mem>>) src(%arg7 : memref<128x32xf32, #tpu.memory_space<vmem>>) dst(%dma_wait3A_359 : memref<10240x32xf32, #tpu.memory_space<vmem_shared>>)
    %dma_wait3A_360 = arith.constant 66 : i32
    %dma_wait3A_361 = arith.constant 0 : i32
    %dma_wait3A_362 = tpu.memref_slice %arg6[%dma_wait3A_360, %dma_wait3A_361] : memref<79x128xi32, #tpu.memory_space<vmem>> -> memref<1x128xi32, #tpu.memory_space<vmem>>
    %dma_wait3A_363 = tpu.memref_squeeze %dma_wait3A_362 : memref<1x128xi32, #tpu.memory_space<vmem>> -> memref<128xi32, #tpu.memory_space<vmem>>
    %dma_wait3A_364 = arith.constant 0 : i32
    %dma_wait3A_365 = arith.constant 0 : i32
    %dma_wait3A_366 = tpu.memref_slice %arg20[%dma_wait3A_364, %dma_wait3A_365] : memref<10240x32xf32, #tpu.memory_space<vmem_shared>> -> memref<10240x32xf32, #tpu.memory_space<vmem_shared>>
    tpu.wait_indirect_dma semaphore(%arg36 : memref<!tpu.dma_semaphore, #tpu.memory_space<semaphore_mem>>) src(%arg8 : memref<128x32xf32, #tpu.memory_space<vmem>>) dst(%dma_wait3A_366 : memref<10240x32xf32, #tpu.memory_space<vmem_shared>>)
    %dma_wait3A_367 = arith.constant 67 : i32
    %dma_wait3A_368 = arith.constant 0 : i32
    %dma_wait3A_369 = tpu.memref_slice %arg6[%dma_wait3A_367, %dma_wait3A_368] : memref<79x128xi32, #tpu.memory_space<vmem>> -> memref<1x128xi32, #tpu.memory_space<vmem>>
    %dma_wait3A_370 = tpu.memref_squeeze %dma_wait3A_369 : memref<1x128xi32, #tpu.memory_space<vmem>> -> memref<128xi32, #tpu.memory_space<vmem>>
    %dma_wait3A_371 = arith.constant 0 : i32
    %dma_wait3A_372 = arith.constant 0 : i32
    %dma_wait3A_373 = tpu.memref_slice %arg20[%dma_wait3A_371, %dma_wait3A_372] : memref<10240x32xf32, #tpu.memory_space<vmem_shared>> -> memref<10240x32xf32, #tpu.memory_space<vmem_shared>>
    tpu.wait_indirect_dma semaphore(%arg37 : memref<!tpu.dma_semaphore, #tpu.memory_space<semaphore_mem>>) src(%arg9 : memref<128x32xf32, #tpu.memory_space<vmem>>) dst(%dma_wait3A_373 : memref<10240x32xf32, #tpu.memory_space<vmem_shared>>)
    %dma_wait3A_374 = arith.constant 68 : i32
    %dma_wait3A_375 = arith.constant 0 : i32
    %dma_wait3A_376 = tpu.memref_slice %arg6[%dma_wait3A_374, %dma_wait3A_375] : memref<79x128xi32, #tpu.memory_space<vmem>> -> memref<1x128xi32, #tpu.memory_space<vmem>>
    %dma_wait3A_377 = tpu.memref_squeeze %dma_wait3A_376 : memref<1x128xi32, #tpu.memory_space<vmem>> -> memref<128xi32, #tpu.memory_space<vmem>>
    %dma_wait3A_378 = arith.constant 0 : i32
    %dma_wait3A_379 = arith.constant 0 : i32
    %dma_wait3A_380 = tpu.memref_slice %arg20[%dma_wait3A_378, %dma_wait3A_379] : memref<10240x32xf32, #tpu.memory_space<vmem_shared>> -> memref<10240x32xf32, #tpu.memory_space<vmem_shared>>
    tpu.wait_indirect_dma semaphore(%arg38 : memref<!tpu.dma_semaphore, #tpu.memory_space<semaphore_mem>>) src(%arg10 : memref<128x32xf32, #tpu.memory_space<vmem>>) dst(%dma_wait3A_380 : memref<10240x32xf32, #tpu.memory_space<vmem_shared>>)
    %dma_wait3A_381 = arith.constant 69 : i32
    %dma_wait3A_382 = arith.constant 0 : i32
    %dma_wait3A_383 = tpu.memref_slice %arg6[%dma_wait3A_381, %dma_wait3A_382] : memref<79x128xi32, #tpu.memory_space<vmem>> -> memref<1x128xi32, #tpu.memory_space<vmem>>
    %dma_wait3A_384 = tpu.memref_squeeze %dma_wait3A_383 : memref<1x128xi32, #tpu.memory_space<vmem>> -> memref<128xi32, #tpu.memory_space<vmem>>
    %dma_wait3A_385 = arith.constant 0 : i32
    %dma_wait3A_386 = arith.constant 0 : i32
    %dma_wait3A_387 = tpu.memref_slice %arg20[%dma_wait3A_385, %dma_wait3A_386] : memref<10240x32xf32, #tpu.memory_space<vmem_shared>> -> memref<10240x32xf32, #tpu.memory_space<vmem_shared>>
    tpu.wait_indirect_dma semaphore(%arg39 : memref<!tpu.dma_semaphore, #tpu.memory_space<semaphore_mem>>) src(%arg11 : memref<128x32xf32, #tpu.memory_space<vmem>>) dst(%dma_wait3A_387 : memref<10240x32xf32, #tpu.memory_space<vmem_shared>>)
    %dma_wait3A_388 = arith.constant 70 : i32
    %dma_wait3A_389 = arith.constant 0 : i32
    %dma_wait3A_390 = tpu.memref_slice %arg6[%dma_wait3A_388, %dma_wait3A_389] : memref<79x128xi32, #tpu.memory_space<vmem>> -> memref<1x128xi32, #tpu.memory_space<vmem>>
    %dma_wait3A_391 = tpu.memref_squeeze %dma_wait3A_390 : memref<1x128xi32, #tpu.memory_space<vmem>> -> memref<128xi32, #tpu.memory_space<vmem>>
    %dma_wait3A_392 = arith.constant 0 : i32
    %dma_wait3A_393 = arith.constant 0 : i32
    %dma_wait3A_394 = tpu.memref_slice %arg20[%dma_wait3A_392, %dma_wait3A_393] : memref<10240x32xf32, #tpu.memory_space<vmem_shared>> -> memref<10240x32xf32, #tpu.memory_space<vmem_shared>>
    tpu.wait_indirect_dma semaphore(%arg40 : memref<!tpu.dma_semaphore, #tpu.memory_space<semaphore_mem>>) src(%arg12 : memref<128x32xf32, #tpu.memory_space<vmem>>) dst(%dma_wait3A_394 : memref<10240x32xf32, #tpu.memory_space<vmem_shared>>)
    %dma_wait3A_395 = arith.constant 71 : i32
    %dma_wait3A_396 = arith.constant 0 : i32
    %dma_wait3A_397 = tpu.memref_slice %arg6[%dma_wait3A_395, %dma_wait3A_396] : memref<79x128xi32, #tpu.memory_space<vmem>> -> memref<1x128xi32, #tpu.memory_space<vmem>>
    %dma_wait3A_398 = tpu.memref_squeeze %dma_wait3A_397 : memref<1x128xi32, #tpu.memory_space<vmem>> -> memref<128xi32, #tpu.memory_space<vmem>>
    %dma_wait3A_399 = arith.constant 0 : i32
    %dma_wait3A_400 = arith.constant 0 : i32
    %dma_wait3A_401 = tpu.memref_slice %arg20[%dma_wait3A_399, %dma_wait3A_400] : memref<10240x32xf32, #tpu.memory_space<vmem_shared>> -> memref<10240x32xf32, #tpu.memory_space<vmem_shared>>
    tpu.wait_indirect_dma semaphore(%arg41 : memref<!tpu.dma_semaphore, #tpu.memory_space<semaphore_mem>>) src(%arg13 : memref<128x32xf32, #tpu.memory_space<vmem>>) dst(%dma_wait3A_401 : memref<10240x32xf32, #tpu.memory_space<vmem_shared>>)
    %dma_wait3A_402 = arith.constant 72 : i32
    %dma_wait3A_403 = arith.constant 0 : i32
    %dma_wait3A_404 = tpu.memref_slice %arg6[%dma_wait3A_402, %dma_wait3A_403] : memref<79x128xi32, #tpu.memory_space<vmem>> -> memref<1x128xi32, #tpu.memory_space<vmem>>
    %dma_wait3A_405 = tpu.memref_squeeze %dma_wait3A_404 : memref<1x128xi32, #tpu.memory_space<vmem>> -> memref<128xi32, #tpu.memory_space<vmem>>
    %dma_wait3A_406 = arith.constant 0 : i32
    %dma_wait3A_407 = arith.constant 0 : i32
    %dma_wait3A_408 = tpu.memref_slice %arg20[%dma_wait3A_406, %dma_wait3A_407] : memref<10240x32xf32, #tpu.memory_space<vmem_shared>> -> memref<10240x32xf32, #tpu.memory_space<vmem_shared>>
    tpu.wait_indirect_dma semaphore(%arg42 : memref<!tpu.dma_semaphore, #tpu.memory_space<semaphore_mem>>) src(%arg14 : memref<128x32xf32, #tpu.memory_space<vmem>>) dst(%dma_wait3A_408 : memref<10240x32xf32, #tpu.memory_space<vmem_shared>>)
    %dma_wait3A_409 = arith.constant 73 : i32
    %dma_wait3A_410 = arith.constant 0 : i32
    %dma_wait3A_411 = tpu.memref_slice %arg6[%dma_wait3A_409, %dma_wait3A_410] : memref<79x128xi32, #tpu.memory_space<vmem>> -> memref<1x128xi32, #tpu.memory_space<vmem>>
    %dma_wait3A_412 = tpu.memref_squeeze %dma_wait3A_411 : memref<1x128xi32, #tpu.memory_space<vmem>> -> memref<128xi32, #tpu.memory_space<vmem>>
    %dma_wait3A_413 = arith.constant 0 : i32
    %dma_wait3A_414 = arith.constant 0 : i32
    %dma_wait3A_415 = tpu.memref_slice %arg20[%dma_wait3A_413, %dma_wait3A_414] : memref<10240x32xf32, #tpu.memory_space<vmem_shared>> -> memref<10240x32xf32, #tpu.memory_space<vmem_shared>>
    tpu.wait_indirect_dma semaphore(%arg43 : memref<!tpu.dma_semaphore, #tpu.memory_space<semaphore_mem>>) src(%arg15 : memref<128x32xf32, #tpu.memory_space<vmem>>) dst(%dma_wait3A_415 : memref<10240x32xf32, #tpu.memory_space<vmem_shared>>)
    %dma_wait3A_416 = arith.constant 74 : i32
    %dma_wait3A_417 = arith.constant 0 : i32
    %dma_wait3A_418 = tpu.memref_slice %arg6[%dma_wait3A_416, %dma_wait3A_417] : memref<79x128xi32, #tpu.memory_space<vmem>> -> memref<1x128xi32, #tpu.memory_space<vmem>>
    %dma_wait3A_419 = tpu.memref_squeeze %dma_wait3A_418 : memref<1x128xi32, #tpu.memory_space<vmem>> -> memref<128xi32, #tpu.memory_space<vmem>>
    %dma_wait3A_420 = arith.constant 0 : i32
    %dma_wait3A_421 = arith.constant 0 : i32
    %dma_wait3A_422 = tpu.memref_slice %arg20[%dma_wait3A_420, %dma_wait3A_421] : memref<10240x32xf32, #tpu.memory_space<vmem_shared>> -> memref<10240x32xf32, #tpu.memory_space<vmem_shared>>
    tpu.wait_indirect_dma semaphore(%arg44 : memref<!tpu.dma_semaphore, #tpu.memory_space<semaphore_mem>>) src(%arg16 : memref<128x32xf32, #tpu.memory_space<vmem>>) dst(%dma_wait3A_422 : memref<10240x32xf32, #tpu.memory_space<vmem_shared>>)
    %dma_wait3A_423 = arith.constant 75 : i32
    %dma_wait3A_424 = arith.constant 0 : i32
    %dma_wait3A_425 = tpu.memref_slice %arg6[%dma_wait3A_423, %dma_wait3A_424] : memref<79x128xi32, #tpu.memory_space<vmem>> -> memref<1x128xi32, #tpu.memory_space<vmem>>
    %dma_wait3A_426 = tpu.memref_squeeze %dma_wait3A_425 : memref<1x128xi32, #tpu.memory_space<vmem>> -> memref<128xi32, #tpu.memory_space<vmem>>
    %dma_wait3A_427 = arith.constant 0 : i32
    %dma_wait3A_428 = arith.constant 0 : i32
    %dma_wait3A_429 = tpu.memref_slice %arg20[%dma_wait3A_427, %dma_wait3A_428] : memref<10240x32xf32, #tpu.memory_space<vmem_shared>> -> memref<10240x32xf32, #tpu.memory_space<vmem_shared>>
    tpu.wait_indirect_dma semaphore(%arg45 : memref<!tpu.dma_semaphore, #tpu.memory_space<semaphore_mem>>) src(%arg17 : memref<128x32xf32, #tpu.memory_space<vmem>>) dst(%dma_wait3A_429 : memref<10240x32xf32, #tpu.memory_space<vmem_shared>>)
    %dma_wait3A_430 = arith.constant 76 : i32
    %dma_wait3A_431 = arith.constant 0 : i32
    %dma_wait3A_432 = tpu.memref_slice %arg6[%dma_wait3A_430, %dma_wait3A_431] : memref<79x128xi32, #tpu.memory_space<vmem>> -> memref<1x128xi32, #tpu.memory_space<vmem>>
    %dma_wait3A_433 = tpu.memref_squeeze %dma_wait3A_432 : memref<1x128xi32, #tpu.memory_space<vmem>> -> memref<128xi32, #tpu.memory_space<vmem>>
    %dma_wait3A_434 = arith.constant 0 : i32
    %dma_wait3A_435 = arith.constant 0 : i32
    %dma_wait3A_436 = tpu.memref_slice %arg20[%dma_wait3A_434, %dma_wait3A_435] : memref<10240x32xf32, #tpu.memory_space<vmem_shared>> -> memref<10240x32xf32, #tpu.memory_space<vmem_shared>>
    tpu.wait_indirect_dma semaphore(%arg46 : memref<!tpu.dma_semaphore, #tpu.memory_space<semaphore_mem>>) src(%arg18 : memref<128x32xf32, #tpu.memory_space<vmem>>) dst(%dma_wait3A_436 : memref<10240x32xf32, #tpu.memory_space<vmem_shared>>)
    %dma_wait3A_437 = arith.constant 77 : i32
    %dma_wait3A_438 = arith.constant 0 : i32
    %dma_wait3A_439 = tpu.memref_slice %arg6[%dma_wait3A_437, %dma_wait3A_438] : memref<79x128xi32, #tpu.memory_space<vmem>> -> memref<1x128xi32, #tpu.memory_space<vmem>>
    %dma_wait3A_440 = tpu.memref_squeeze %dma_wait3A_439 : memref<1x128xi32, #tpu.memory_space<vmem>> -> memref<128xi32, #tpu.memory_space<vmem>>
    %dma_wait3A_441 = arith.constant 0 : i32
    %dma_wait3A_442 = arith.constant 0 : i32
    %dma_wait3A_443 = tpu.memref_slice %arg20[%dma_wait3A_441, %dma_wait3A_442] : memref<10240x32xf32, #tpu.memory_space<vmem_shared>> -> memref<10240x32xf32, #tpu.memory_space<vmem_shared>>
    tpu.wait_indirect_dma semaphore(%arg47 : memref<!tpu.dma_semaphore, #tpu.memory_space<semaphore_mem>>) src(%arg19 : memref<128x32xf32, #tpu.memory_space<vmem>>) dst(%dma_wait3A_443 : memref<10240x32xf32, #tpu.memory_space<vmem_shared>>)
    %lt3A_444 = arith.constant 4 : i32
    %lt3A_445 = arith.cmpi slt, %add3A, %lt3A_444 : i32
    %convert_element_type3A_446 = arith.extui %lt3A_445 : i1 to i32
    %cond3A_447 = arith.constant 0 : i32
    %cond3A_448 = arith.cmpi ne, %convert_element_type3A_446, %cond3A_447 : i32
    scf.if %cond3A_448 {
      %dma_start3A_450 = arith.constant 78 : i32
      %dma_start3A_451 = arith.constant 0 : i32
      %dma_start3A_452 = tpu.memref_slice %arg5[%dma_start3A_450, %dma_start3A_451] : memref<79x128xi32, #tpu.memory_space<vmem>> -> memref<1x128xi32, #tpu.memory_space<vmem>>
      %dma_start3A_453 = tpu.memref_squeeze %dma_start3A_452 : memref<1x128xi32, #tpu.memory_space<vmem>> -> memref<128xi32, #tpu.memory_space<vmem>>
      %dma_start3A_454 = arith.constant 0 : i32
      %dma_start3A_455 = arith.constant 0 : i32
      %dma_start3A_456 = tpu.memref_slice %arg21[%dma_start3A_454, %dma_start3A_455] : memref<10240x32xf32, #tpu.memory_space<vmem_shared>> -> memref<10240x32xf32, #tpu.memory_space<vmem_shared>>
      tpu.enqueue_indirect_dma source(%dma_start3A_456 : memref<10240x32xf32, #tpu.memory_space<vmem_shared>>) target(%arg7 : memref<128x32xf32, #tpu.memory_space<vmem>>) offsets(%dma_start3A_453 : memref<128xi32, #tpu.memory_space<vmem>>) semaphore(%arg22 : memref<!tpu.dma_semaphore, #tpu.memory_space<semaphore_mem>>)
      %dma_wait3A_457 = arith.constant 78 : i32
      %dma_wait3A_458 = arith.constant 0 : i32
      %dma_wait3A_459 = tpu.memref_slice %arg5[%dma_wait3A_457, %dma_wait3A_458] : memref<79x128xi32, #tpu.memory_space<vmem>> -> memref<1x128xi32, #tpu.memory_space<vmem>>
      %dma_wait3A_460 = tpu.memref_squeeze %dma_wait3A_459 : memref<1x128xi32, #tpu.memory_space<vmem>> -> memref<128xi32, #tpu.memory_space<vmem>>
      %dma_wait3A_461 = arith.constant 0 : i32
      %dma_wait3A_462 = arith.constant 0 : i32
      %dma_wait3A_463 = tpu.memref_slice %arg21[%dma_wait3A_461, %dma_wait3A_462] : memref<10240x32xf32, #tpu.memory_space<vmem_shared>> -> memref<10240x32xf32, #tpu.memory_space<vmem_shared>>
      tpu.wait_indirect_dma semaphore(%arg22 : memref<!tpu.dma_semaphore, #tpu.memory_space<semaphore_mem>>) src(%dma_wait3A_463 : memref<10240x32xf32, #tpu.memory_space<vmem_shared>>) dst(%arg7 : memref<128x32xf32, #tpu.memory_space<vmem>>)
      %dma_start3A_464 = arith.constant 78 : i32
      %dma_start3A_465 = arith.constant 0 : i32
      %dma_start3A_466 = tpu.memref_slice %arg6[%dma_start3A_464, %dma_start3A_465] : memref<79x128xi32, #tpu.memory_space<vmem>> -> memref<1x128xi32, #tpu.memory_space<vmem>>
      %dma_start3A_467 = tpu.memref_squeeze %dma_start3A_466 : memref<1x128xi32, #tpu.memory_space<vmem>> -> memref<128xi32, #tpu.memory_space<vmem>>
      %dma_start3A_468 = arith.constant 0 : i32
      %dma_start3A_469 = arith.constant 0 : i32
      %dma_start3A_470 = tpu.memref_slice %arg20[%dma_start3A_468, %dma_start3A_469] : memref<10240x32xf32, #tpu.memory_space<vmem_shared>> -> memref<10240x32xf32, #tpu.memory_space<vmem_shared>>
      tpu.enqueue_indirect_dma source(%arg7 : memref<128x32xf32, #tpu.memory_space<vmem>>) target(%dma_start3A_470 : memref<10240x32xf32, #tpu.memory_space<vmem_shared>>) offsets(%dma_start3A_467 : memref<128xi32, #tpu.memory_space<vmem>>) semaphore(%arg35 : memref<!tpu.dma_semaphore, #tpu.memory_space<semaphore_mem>>) {add = true}
      %dma_wait3A_471 = arith.constant 78 : i32
      %dma_wait3A_472 = arith.constant 0 : i32
      %dma_wait3A_473 = tpu.memref_slice %arg6[%dma_wait3A_471, %dma_wait3A_472] : memref<79x128xi32, #tpu.memory_space<vmem>> -> memref<1x128xi32, #tpu.memory_space<vmem>>
      %dma_wait3A_474 = tpu.memref_squeeze %dma_wait3A_473 : memref<1x128xi32, #tpu.memory_space<vmem>> -> memref<128xi32, #tpu.memory_space<vmem>>
      %dma_wait3A_475 = arith.constant 0 : i32
      %dma_wait3A_476 = arith.constant 0 : i32
      %dma_wait3A_477 = tpu.memref_slice %arg20[%dma_wait3A_475, %dma_wait3A_476] : memref<10240x32xf32, #tpu.memory_space<vmem_shared>> -> memref<10240x32xf32, #tpu.memory_space<vmem_shared>>
      tpu.wait_indirect_dma semaphore(%arg35 : memref<!tpu.dma_semaphore, #tpu.memory_space<semaphore_mem>>) src(%arg7 : memref<128x32xf32, #tpu.memory_space<vmem>>) dst(%dma_wait3A_477 : memref<10240x32xf32, #tpu.memory_space<vmem_shared>>)
    } else {
    }
    %barrier3A_449 = arith.constant 0 : index
    tpu.barrier barrier_id(%barrier3A_449)
    "tpu.region"() ({
      %run_scoped3A = tpu.sem_alloc : memref<!tpu.dma_semaphore, #tpu.memory_space<semaphore_mem>>
      %dma_start3A_450 = arith.constant 0 : i32
      %dma_start3A_451 = tpu.memref_slice %arg4[%arg0, %mul3A_2, %dma_start3A_450] : memref<2x10240x32xf32, #tpu.memory_space<hbm>> -> memref<1x640x32xf32, #tpu.memory_space<hbm>>
      %dma_start3A_452 = tpu.memref_squeeze %dma_start3A_451 : memref<1x640x32xf32, #tpu.memory_space<hbm>> -> memref<640x32xf32, #tpu.memory_space<hbm>>
      %dma_start3A_453 = arith.constant 0 : i32
      %dma_start3A_454 = tpu.memref_slice %arg20[%mul3A_2, %dma_start3A_453] : memref<10240x32xf32, #tpu.memory_space<vmem_shared>> -> memref<640x32xf32, #tpu.memory_space<vmem_shared>>
      tpu.enqueue_dma source(%dma_start3A_454 : memref<640x32xf32, #tpu.memory_space<vmem_shared>>) target(%dma_start3A_452 : memref<640x32xf32, #tpu.memory_space<hbm>>) target_semaphore(%run_scoped3A : memref<!tpu.dma_semaphore, #tpu.memory_space<semaphore_mem>>)
      %dma_wait3A_455 = arith.constant 0 : i32
      %dma_wait3A_456 = tpu.memref_slice %arg4[%arg0, %mul3A_2, %dma_wait3A_455] : memref<2x10240x32xf32, #tpu.memory_space<hbm>> -> memref<1x640x32xf32, #tpu.memory_space<hbm>>
      %dma_wait3A_457 = tpu.memref_squeeze %dma_wait3A_456 : memref<1x640x32xf32, #tpu.memory_space<hbm>> -> memref<640x32xf32, #tpu.memory_space<hbm>>
      %dma_wait3A_458 = arith.constant 0 : i32
      %dma_wait3A_459 = tpu.memref_slice %arg20[%mul3A_2, %dma_wait3A_458] : memref<10240x32xf32, #tpu.memory_space<vmem_shared>> -> memref<640x32xf32, #tpu.memory_space<vmem_shared>>
      tpu.wait_dma2 semaphore(%run_scoped3A : memref<!tpu.dma_semaphore, #tpu.memory_space<semaphore_mem>>) src(%dma_wait3A_459 : memref<640x32xf32, #tpu.memory_space<vmem_shared>>) dst(%dma_wait3A_457 : memref<640x32xf32, #tpu.memory_space<hbm>>)
      tpu.yield
    }) : () -> ()
    return
  }
}

#map = affine_map<(d0, d1) -> (0, 0)>
#map1 = affine_map<(d0, d1) -> (0, 0, 0)>
module attributes {stable_mosaic.version = 14 : i64} {
  func.func @_k(%arg0: i32, %arg1: i32, %arg2: memref<10240x64xf32, #tpu.memory_space<hbm>>, %arg3: memref<2x2500x128xi32, #tpu.memory_space<hbm>>, %arg4: memref<2x10240x64xf32, #tpu.memory_space<hbm>>, %arg5: memref<79x128xi32, #tpu.memory_space<vmem>>, %arg6: memref<79x128xi32, #tpu.memory_space<vmem>>, %arg7: memref<128x64xf32, #tpu.memory_space<vmem>>, %arg8: memref<128x64xf32, #tpu.memory_space<vmem>>, %arg9: memref<10240x64xf32, #tpu.memory_space<vmem_shared>>, %arg10: memref<10240x64xf32, #tpu.memory_space<vmem_shared>>, %arg11: memref<!tpu.dma_semaphore, #tpu.memory_space<semaphore_mem>>, %arg12: memref<!tpu.dma_semaphore, #tpu.memory_space<semaphore_mem>>, %arg13: memref<!tpu.dma_semaphore, #tpu.memory_space<semaphore_mem>>, %arg14: memref<!tpu.dma_semaphore, #tpu.memory_space<semaphore_mem>>) attributes {dimension_semantics = [#tpu.dimension_semantics<core_parallel>, #tpu.dimension_semantics<subcore_parallel>], iteration_bounds = array<i64: 2, 16>, scalar_prefetch = 0 : i64, scratch_operands = 10 : i64, tpu.core_type = #tpu.core_type<sc_vector_subcore>, window_params = [{transform_indices = #map}, {transform_indices = #map1}, {transform_indices = #map1}]} {
    %mul3A = arith.constant 2 : i32
    %mul3A_0 = arith.muli %arg1, %mul3A : i32
    %add3A = arith.addi %mul3A_0, %arg0 : i32
    %mul3A_1 = arith.constant 640 : i32
    %mul3A_2 = arith.muli %arg1, %mul3A_1 : i32
    %dma_start3A = arith.constant 0 : i32
    %dma_start3A_3 = tpu.memref_slice %arg10[%mul3A_2, %dma_start3A] : memref<10240x64xf32, #tpu.memory_space<vmem_shared>> -> memref<640x64xf32, #tpu.memory_space<vmem_shared>>
    %dma_start3A_4 = arith.constant 0 : i32
    %dma_start3A_5 = tpu.memref_slice %arg2[%mul3A_2, %dma_start3A_4] : memref<10240x64xf32, #tpu.memory_space<hbm>> -> memref<640x64xf32, #tpu.memory_space<hbm>>
    tpu.enqueue_dma source(%dma_start3A_5 : memref<640x64xf32, #tpu.memory_space<hbm>>) target(%dma_start3A_3 : memref<640x64xf32, #tpu.memory_space<vmem_shared>>) target_semaphore(%arg11 : memref<!tpu.dma_semaphore, #tpu.memory_space<semaphore_mem>>)
    %dma_start3A_6 = arith.constant 0 : i32
    %dma_start3A_7 = tpu.memref_slice %arg9[%mul3A_2, %dma_start3A_6] : memref<10240x64xf32, #tpu.memory_space<vmem_shared>> -> memref<640x64xf32, #tpu.memory_space<vmem_shared>>
    %dma_start3A_8 = arith.constant 0 : i32
    %dma_start3A_9 = tpu.memref_slice %arg2[%mul3A_2, %dma_start3A_8] : memref<10240x64xf32, #tpu.memory_space<hbm>> -> memref<640x64xf32, #tpu.memory_space<hbm>>
    tpu.enqueue_dma source(%dma_start3A_9 : memref<640x64xf32, #tpu.memory_space<hbm>>) target(%dma_start3A_7 : memref<640x64xf32, #tpu.memory_space<vmem_shared>>) target_semaphore(%arg12 : memref<!tpu.dma_semaphore, #tpu.memory_space<semaphore_mem>>)
    %mul3A_10 = arith.constant 78 : i32
    %mul3A_11 = arith.muli %add3A, %mul3A_10 : i32
    %dma_start3A_12 = arith.constant 0 : i32
    %dma_start3A_13 = arith.constant 0 : i32
    %dma_start3A_14 = arith.constant 0 : i32
    %dma_start3A_15 = tpu.memref_slice %arg5[%dma_start3A_13, %dma_start3A_14] : memref<79x128xi32, #tpu.memory_space<vmem>> -> memref<78x128xi32, #tpu.memory_space<vmem>>
    %dma_start3A_16 = arith.constant 0 : i32
    %dma_start3A_17 = tpu.memref_slice %arg3[%dma_start3A_12, %mul3A_11, %dma_start3A_16] : memref<2x2500x128xi32, #tpu.memory_space<hbm>> -> memref<1x78x128xi32, #tpu.memory_space<hbm>>
    %dma_start3A_18 = tpu.memref_squeeze %dma_start3A_17 : memref<1x78x128xi32, #tpu.memory_space<hbm>> -> memref<78x128xi32, #tpu.memory_space<hbm>>
    %dma_start3A_19 = arith.constant 0 : i32
    %dma_start3A_20 = arith.constant 0 : i32
    %dma_start3A_21 = tpu.memref_slice %arg5[%dma_start3A_19, %dma_start3A_20] : memref<79x128xi32, #tpu.memory_space<vmem>> -> memref<78x128xi32, #tpu.memory_space<vmem>>
    %dma_start3A_22 = arith.constant 0 : i32
    %dma_start3A_23 = tpu.memref_slice %arg3[%dma_start3A_12, %mul3A_11, %dma_start3A_22] : memref<2x2500x128xi32, #tpu.memory_space<hbm>> -> memref<1x78x128xi32, #tpu.memory_space<hbm>>
    %dma_start3A_24 = tpu.memref_squeeze %dma_start3A_23 : memref<1x78x128xi32, #tpu.memory_space<hbm>> -> memref<78x128xi32, #tpu.memory_space<hbm>>
    tpu.enqueue_dma source(%dma_start3A_24 : memref<78x128xi32, #tpu.memory_space<hbm>>) target(%dma_start3A_21 : memref<78x128xi32, #tpu.memory_space<vmem>>) target_semaphore(%arg13 : memref<!tpu.dma_semaphore, #tpu.memory_space<semaphore_mem>>)
    %mul3A_25 = arith.constant 78 : i32
    %mul3A_26 = arith.muli %add3A, %mul3A_25 : i32
    %dma_start3A_27 = arith.constant 1 : i32
    %dma_start3A_28 = arith.constant 0 : i32
    %dma_start3A_29 = arith.constant 0 : i32
    %dma_start3A_30 = tpu.memref_slice %arg6[%dma_start3A_28, %dma_start3A_29] : memref<79x128xi32, #tpu.memory_space<vmem>> -> memref<78x128xi32, #tpu.memory_space<vmem>>
    %dma_start3A_31 = arith.constant 0 : i32
    %dma_start3A_32 = tpu.memref_slice %arg3[%dma_start3A_27, %mul3A_26, %dma_start3A_31] : memref<2x2500x128xi32, #tpu.memory_space<hbm>> -> memref<1x78x128xi32, #tpu.memory_space<hbm>>
    %dma_start3A_33 = tpu.memref_squeeze %dma_start3A_32 : memref<1x78x128xi32, #tpu.memory_space<hbm>> -> memref<78x128xi32, #tpu.memory_space<hbm>>
    %dma_start3A_34 = arith.constant 0 : i32
    %dma_start3A_35 = arith.constant 0 : i32
    %dma_start3A_36 = tpu.memref_slice %arg6[%dma_start3A_34, %dma_start3A_35] : memref<79x128xi32, #tpu.memory_space<vmem>> -> memref<78x128xi32, #tpu.memory_space<vmem>>
    %dma_start3A_37 = arith.constant 0 : i32
    %dma_start3A_38 = tpu.memref_slice %arg3[%dma_start3A_27, %mul3A_26, %dma_start3A_37] : memref<2x2500x128xi32, #tpu.memory_space<hbm>> -> memref<1x78x128xi32, #tpu.memory_space<hbm>>
    %dma_start3A_39 = tpu.memref_squeeze %dma_start3A_38 : memref<1x78x128xi32, #tpu.memory_space<hbm>> -> memref<78x128xi32, #tpu.memory_space<hbm>>
    tpu.enqueue_dma source(%dma_start3A_39 : memref<78x128xi32, #tpu.memory_space<hbm>>) target(%dma_start3A_36 : memref<78x128xi32, #tpu.memory_space<vmem>>) target_semaphore(%arg14 : memref<!tpu.dma_semaphore, #tpu.memory_space<semaphore_mem>>)
    %dma_wait3A = arith.constant 0 : i32
    %dma_wait3A_40 = tpu.memref_slice %arg10[%mul3A_2, %dma_wait3A] : memref<10240x64xf32, #tpu.memory_space<vmem_shared>> -> memref<640x64xf32, #tpu.memory_space<vmem_shared>>
    %dma_wait3A_41 = arith.constant 0 : i32
    %dma_wait3A_42 = tpu.memref_slice %arg2[%mul3A_2, %dma_wait3A_41] : memref<10240x64xf32, #tpu.memory_space<hbm>> -> memref<640x64xf32, #tpu.memory_space<hbm>>
    tpu.wait_dma2 semaphore(%arg11 : memref<!tpu.dma_semaphore, #tpu.memory_space<semaphore_mem>>) src(%dma_wait3A_42 : memref<640x64xf32, #tpu.memory_space<hbm>>) dst(%dma_wait3A_40 : memref<640x64xf32, #tpu.memory_space<vmem_shared>>)
    %dma_wait3A_43 = arith.constant 0 : i32
    %dma_wait3A_44 = tpu.memref_slice %arg9[%mul3A_2, %dma_wait3A_43] : memref<10240x64xf32, #tpu.memory_space<vmem_shared>> -> memref<640x64xf32, #tpu.memory_space<vmem_shared>>
    %dma_wait3A_45 = arith.constant 0 : i32
    %dma_wait3A_46 = tpu.memref_slice %arg2[%mul3A_2, %dma_wait3A_45] : memref<10240x64xf32, #tpu.memory_space<hbm>> -> memref<640x64xf32, #tpu.memory_space<hbm>>
    tpu.wait_dma2 semaphore(%arg12 : memref<!tpu.dma_semaphore, #tpu.memory_space<semaphore_mem>>) src(%dma_wait3A_46 : memref<640x64xf32, #tpu.memory_space<hbm>>) dst(%dma_wait3A_44 : memref<640x64xf32, #tpu.memory_space<vmem_shared>>)
    %dma_wait3A_47 = arith.constant 0 : i32
    %dma_wait3A_48 = arith.constant 0 : i32
    %dma_wait3A_49 = arith.constant 0 : i32
    %dma_wait3A_50 = tpu.memref_slice %arg5[%dma_wait3A_48, %dma_wait3A_49] : memref<79x128xi32, #tpu.memory_space<vmem>> -> memref<78x128xi32, #tpu.memory_space<vmem>>
    %dma_wait3A_51 = arith.constant 0 : i32
    %dma_wait3A_52 = tpu.memref_slice %arg3[%dma_wait3A_47, %mul3A_11, %dma_wait3A_51] : memref<2x2500x128xi32, #tpu.memory_space<hbm>> -> memref<1x78x128xi32, #tpu.memory_space<hbm>>
    %dma_wait3A_53 = tpu.memref_squeeze %dma_wait3A_52 : memref<1x78x128xi32, #tpu.memory_space<hbm>> -> memref<78x128xi32, #tpu.memory_space<hbm>>
    %dma_wait3A_54 = arith.constant 0 : i32
    %dma_wait3A_55 = arith.constant 0 : i32
    %dma_wait3A_56 = tpu.memref_slice %arg5[%dma_wait3A_54, %dma_wait3A_55] : memref<79x128xi32, #tpu.memory_space<vmem>> -> memref<78x128xi32, #tpu.memory_space<vmem>>
    %dma_wait3A_57 = arith.constant 0 : i32
    %dma_wait3A_58 = tpu.memref_slice %arg3[%dma_wait3A_47, %mul3A_11, %dma_wait3A_57] : memref<2x2500x128xi32, #tpu.memory_space<hbm>> -> memref<1x78x128xi32, #tpu.memory_space<hbm>>
    %dma_wait3A_59 = tpu.memref_squeeze %dma_wait3A_58 : memref<1x78x128xi32, #tpu.memory_space<hbm>> -> memref<78x128xi32, #tpu.memory_space<hbm>>
    tpu.wait_dma2 semaphore(%arg13 : memref<!tpu.dma_semaphore, #tpu.memory_space<semaphore_mem>>) src(%dma_wait3A_59 : memref<78x128xi32, #tpu.memory_space<hbm>>) dst(%dma_wait3A_56 : memref<78x128xi32, #tpu.memory_space<vmem>>)
    %dma_wait3A_60 = arith.constant 1 : i32
    %dma_wait3A_61 = arith.constant 0 : i32
    %dma_wait3A_62 = arith.constant 0 : i32
    %dma_wait3A_63 = tpu.memref_slice %arg6[%dma_wait3A_61, %dma_wait3A_62] : memref<79x128xi32, #tpu.memory_space<vmem>> -> memref<78x128xi32, #tpu.memory_space<vmem>>
    %dma_wait3A_64 = arith.constant 0 : i32
    %dma_wait3A_65 = tpu.memref_slice %arg3[%dma_wait3A_60, %mul3A_26, %dma_wait3A_64] : memref<2x2500x128xi32, #tpu.memory_space<hbm>> -> memref<1x78x128xi32, #tpu.memory_space<hbm>>
    %dma_wait3A_66 = tpu.memref_squeeze %dma_wait3A_65 : memref<1x78x128xi32, #tpu.memory_space<hbm>> -> memref<78x128xi32, #tpu.memory_space<hbm>>
    %dma_wait3A_67 = arith.constant 0 : i32
    %dma_wait3A_68 = arith.constant 0 : i32
    %dma_wait3A_69 = tpu.memref_slice %arg6[%dma_wait3A_67, %dma_wait3A_68] : memref<79x128xi32, #tpu.memory_space<vmem>> -> memref<78x128xi32, #tpu.memory_space<vmem>>
    %dma_wait3A_70 = arith.constant 0 : i32
    %dma_wait3A_71 = tpu.memref_slice %arg3[%dma_wait3A_60, %mul3A_26, %dma_wait3A_70] : memref<2x2500x128xi32, #tpu.memory_space<hbm>> -> memref<1x78x128xi32, #tpu.memory_space<hbm>>
    %dma_wait3A_72 = tpu.memref_squeeze %dma_wait3A_71 : memref<1x78x128xi32, #tpu.memory_space<hbm>> -> memref<78x128xi32, #tpu.memory_space<hbm>>
    tpu.wait_dma2 semaphore(%arg14 : memref<!tpu.dma_semaphore, #tpu.memory_space<semaphore_mem>>) src(%dma_wait3A_72 : memref<78x128xi32, #tpu.memory_space<hbm>>) dst(%dma_wait3A_69 : memref<78x128xi32, #tpu.memory_space<vmem>>)
    %lt3A = arith.constant 4 : i32
    %lt3A_73 = arith.cmpi slt, %add3A, %lt3A : i32
    %convert_element_type3A = arith.extui %lt3A_73 : i1 to i32
    %cond3A = arith.constant 0 : i32
    %cond3A_74 = arith.cmpi ne, %convert_element_type3A, %cond3A : i32
    scf.if %cond3A_74 {
      %add3A_142 = arith.constant 2496 : i32
      %add3A_143 = arith.addi %add3A_142, %add3A : i32
      %run_scoped3A = arith.constant 0 : i32
      %run_scoped3A_144 = arith.constant 78 : i32
      "tpu.region"() ({
        %run_scoped3A_149 = tpu.sem_alloc : memref<!tpu.dma_semaphore, #tpu.memory_space<semaphore_mem>>
        %dma_start3A_150 = arith.constant 0 : i32
        %dma_start3A_151 = tpu.memref_slice %arg5[%run_scoped3A_144, %dma_start3A_150] : memref<79x128xi32, #tpu.memory_space<vmem>> -> memref<1x128xi32, #tpu.memory_space<vmem>>
        %dma_start3A_152 = tpu.memref_squeeze %dma_start3A_151 : memref<1x128xi32, #tpu.memory_space<vmem>> -> memref<128xi32, #tpu.memory_space<vmem>>
        %dma_start3A_153 = arith.constant 0 : i32
        %dma_start3A_154 = tpu.memref_slice %arg3[%run_scoped3A, %add3A_143, %dma_start3A_153] : memref<2x2500x128xi32, #tpu.memory_space<hbm>> -> memref<1x1x128xi32, #tpu.memory_space<hbm>>
        %dma_start3A_155 = tpu.memref_squeeze %dma_start3A_154 : memref<1x1x128xi32, #tpu.memory_space<hbm>> -> memref<128xi32, #tpu.memory_space<hbm>>
        %dma_start3A_156 = arith.constant 0 : i32
        %dma_start3A_157 = tpu.memref_slice %arg5[%run_scoped3A_144, %dma_start3A_156] : memref<79x128xi32, #tpu.memory_space<vmem>> -> memref<1x128xi32, #tpu.memory_space<vmem>>
        %dma_start3A_158 = tpu.memref_squeeze %dma_start3A_157 : memref<1x128xi32, #tpu.memory_space<vmem>> -> memref<128xi32, #tpu.memory_space<vmem>>
        %dma_start3A_159 = arith.constant 0 : i32
        %dma_start3A_160 = tpu.memref_slice %arg3[%run_scoped3A, %add3A_143, %dma_start3A_159] : memref<2x2500x128xi32, #tpu.memory_space<hbm>> -> memref<1x1x128xi32, #tpu.memory_space<hbm>>
        %dma_start3A_161 = tpu.memref_squeeze %dma_start3A_160 : memref<1x1x128xi32, #tpu.memory_space<hbm>> -> memref<128xi32, #tpu.memory_space<hbm>>
        tpu.enqueue_dma source(%dma_start3A_161 : memref<128xi32, #tpu.memory_space<hbm>>) target(%dma_start3A_158 : memref<128xi32, #tpu.memory_space<vmem>>) target_semaphore(%run_scoped3A_149 : memref<!tpu.dma_semaphore, #tpu.memory_space<semaphore_mem>>)
        %dma_wait3A_162 = arith.constant 0 : i32
        %dma_wait3A_163 = tpu.memref_slice %arg5[%run_scoped3A_144, %dma_wait3A_162] : memref<79x128xi32, #tpu.memory_space<vmem>> -> memref<1x128xi32, #tpu.memory_space<vmem>>
        %dma_wait3A_164 = tpu.memref_squeeze %dma_wait3A_163 : memref<1x128xi32, #tpu.memory_space<vmem>> -> memref<128xi32, #tpu.memory_space<vmem>>
        %dma_wait3A_165 = arith.constant 0 : i32
        %dma_wait3A_166 = tpu.memref_slice %arg3[%run_scoped3A, %add3A_143, %dma_wait3A_165] : memref<2x2500x128xi32, #tpu.memory_space<hbm>> -> memref<1x1x128xi32, #tpu.memory_space<hbm>>
        %dma_wait3A_167 = tpu.memref_squeeze %dma_wait3A_166 : memref<1x1x128xi32, #tpu.memory_space<hbm>> -> memref<128xi32, #tpu.memory_space<hbm>>
        %dma_wait3A_168 = arith.constant 0 : i32
        %dma_wait3A_169 = tpu.memref_slice %arg5[%run_scoped3A_144, %dma_wait3A_168] : memref<79x128xi32, #tpu.memory_space<vmem>> -> memref<1x128xi32, #tpu.memory_space<vmem>>
        %dma_wait3A_170 = tpu.memref_squeeze %dma_wait3A_169 : memref<1x128xi32, #tpu.memory_space<vmem>> -> memref<128xi32, #tpu.memory_space<vmem>>
        %dma_wait3A_171 = arith.constant 0 : i32
        %dma_wait3A_172 = tpu.memref_slice %arg3[%run_scoped3A, %add3A_143, %dma_wait3A_171] : memref<2x2500x128xi32, #tpu.memory_space<hbm>> -> memref<1x1x128xi32, #tpu.memory_space<hbm>>
        %dma_wait3A_173 = tpu.memref_squeeze %dma_wait3A_172 : memref<1x1x128xi32, #tpu.memory_space<hbm>> -> memref<128xi32, #tpu.memory_space<hbm>>
        tpu.wait_dma2 semaphore(%run_scoped3A_149 : memref<!tpu.dma_semaphore, #tpu.memory_space<semaphore_mem>>) src(%dma_wait3A_173 : memref<128xi32, #tpu.memory_space<hbm>>) dst(%dma_wait3A_170 : memref<128xi32, #tpu.memory_space<vmem>>)
        tpu.yield
      }) : () -> ()
      %add3A_145 = arith.constant 2496 : i32
      %add3A_146 = arith.addi %add3A_145, %add3A : i32
      %run_scoped3A_147 = arith.constant 1 : i32
      %run_scoped3A_148 = arith.constant 78 : i32
      "tpu.region"() ({
        %run_scoped3A_149 = tpu.sem_alloc : memref<!tpu.dma_semaphore, #tpu.memory_space<semaphore_mem>>
        %dma_start3A_150 = arith.constant 0 : i32
        %dma_start3A_151 = tpu.memref_slice %arg6[%run_scoped3A_148, %dma_start3A_150] : memref<79x128xi32, #tpu.memory_space<vmem>> -> memref<1x128xi32, #tpu.memory_space<vmem>>
        %dma_start3A_152 = tpu.memref_squeeze %dma_start3A_151 : memref<1x128xi32, #tpu.memory_space<vmem>> -> memref<128xi32, #tpu.memory_space<vmem>>
        %dma_start3A_153 = arith.constant 0 : i32
        %dma_start3A_154 = tpu.memref_slice %arg3[%run_scoped3A_147, %add3A_146, %dma_start3A_153] : memref<2x2500x128xi32, #tpu.memory_space<hbm>> -> memref<1x1x128xi32, #tpu.memory_space<hbm>>
        %dma_start3A_155 = tpu.memref_squeeze %dma_start3A_154 : memref<1x1x128xi32, #tpu.memory_space<hbm>> -> memref<128xi32, #tpu.memory_space<hbm>>
        %dma_start3A_156 = arith.constant 0 : i32
        %dma_start3A_157 = tpu.memref_slice %arg6[%run_scoped3A_148, %dma_start3A_156] : memref<79x128xi32, #tpu.memory_space<vmem>> -> memref<1x128xi32, #tpu.memory_space<vmem>>
        %dma_start3A_158 = tpu.memref_squeeze %dma_start3A_157 : memref<1x128xi32, #tpu.memory_space<vmem>> -> memref<128xi32, #tpu.memory_space<vmem>>
        %dma_start3A_159 = arith.constant 0 : i32
        %dma_start3A_160 = tpu.memref_slice %arg3[%run_scoped3A_147, %add3A_146, %dma_start3A_159] : memref<2x2500x128xi32, #tpu.memory_space<hbm>> -> memref<1x1x128xi32, #tpu.memory_space<hbm>>
        %dma_start3A_161 = tpu.memref_squeeze %dma_start3A_160 : memref<1x1x128xi32, #tpu.memory_space<hbm>> -> memref<128xi32, #tpu.memory_space<hbm>>
        tpu.enqueue_dma source(%dma_start3A_161 : memref<128xi32, #tpu.memory_space<hbm>>) target(%dma_start3A_158 : memref<128xi32, #tpu.memory_space<vmem>>) target_semaphore(%run_scoped3A_149 : memref<!tpu.dma_semaphore, #tpu.memory_space<semaphore_mem>>)
        %dma_wait3A_162 = arith.constant 0 : i32
        %dma_wait3A_163 = tpu.memref_slice %arg6[%run_scoped3A_148, %dma_wait3A_162] : memref<79x128xi32, #tpu.memory_space<vmem>> -> memref<1x128xi32, #tpu.memory_space<vmem>>
        %dma_wait3A_164 = tpu.memref_squeeze %dma_wait3A_163 : memref<1x128xi32, #tpu.memory_space<vmem>> -> memref<128xi32, #tpu.memory_space<vmem>>
        %dma_wait3A_165 = arith.constant 0 : i32
        %dma_wait3A_166 = tpu.memref_slice %arg3[%run_scoped3A_147, %add3A_146, %dma_wait3A_165] : memref<2x2500x128xi32, #tpu.memory_space<hbm>> -> memref<1x1x128xi32, #tpu.memory_space<hbm>>
        %dma_wait3A_167 = tpu.memref_squeeze %dma_wait3A_166 : memref<1x1x128xi32, #tpu.memory_space<hbm>> -> memref<128xi32, #tpu.memory_space<hbm>>
        %dma_wait3A_168 = arith.constant 0 : i32
        %dma_wait3A_169 = tpu.memref_slice %arg6[%run_scoped3A_148, %dma_wait3A_168] : memref<79x128xi32, #tpu.memory_space<vmem>> -> memref<1x128xi32, #tpu.memory_space<vmem>>
        %dma_wait3A_170 = tpu.memref_squeeze %dma_wait3A_169 : memref<1x128xi32, #tpu.memory_space<vmem>> -> memref<128xi32, #tpu.memory_space<vmem>>
        %dma_wait3A_171 = arith.constant 0 : i32
        %dma_wait3A_172 = tpu.memref_slice %arg3[%run_scoped3A_147, %add3A_146, %dma_wait3A_171] : memref<2x2500x128xi32, #tpu.memory_space<hbm>> -> memref<1x1x128xi32, #tpu.memory_space<hbm>>
        %dma_wait3A_173 = tpu.memref_squeeze %dma_wait3A_172 : memref<1x1x128xi32, #tpu.memory_space<hbm>> -> memref<128xi32, #tpu.memory_space<hbm>>
        tpu.wait_dma2 semaphore(%run_scoped3A_149 : memref<!tpu.dma_semaphore, #tpu.memory_space<semaphore_mem>>) src(%dma_wait3A_173 : memref<128xi32, #tpu.memory_space<hbm>>) dst(%dma_wait3A_170 : memref<128xi32, #tpu.memory_space<vmem>>)
        tpu.yield
      }) : () -> ()
    } else {
    }
    %barrier3A = arith.constant 0 : index
    tpu.barrier barrier_id(%barrier3A)
    %dma_start3A_75 = arith.constant 0 : i32
    %dma_start3A_76 = arith.constant 0 : i32
    %dma_start3A_77 = tpu.memref_slice %arg5[%dma_start3A_75, %dma_start3A_76] : memref<79x128xi32, #tpu.memory_space<vmem>> -> memref<1x128xi32, #tpu.memory_space<vmem>>
    %dma_start3A_78 = tpu.memref_squeeze %dma_start3A_77 : memref<1x128xi32, #tpu.memory_space<vmem>> -> memref<128xi32, #tpu.memory_space<vmem>>
    %dma_start3A_79 = arith.constant 0 : i32
    %dma_start3A_80 = arith.constant 0 : i32
    %dma_start3A_81 = tpu.memref_slice %arg10[%dma_start3A_79, %dma_start3A_80] : memref<10240x64xf32, #tpu.memory_space<vmem_shared>> -> memref<10240x64xf32, #tpu.memory_space<vmem_shared>>
    tpu.enqueue_indirect_dma source(%dma_start3A_81 : memref<10240x64xf32, #tpu.memory_space<vmem_shared>>) target(%arg7 : memref<128x64xf32, #tpu.memory_space<vmem>>) offsets(%dma_start3A_78 : memref<128xi32, #tpu.memory_space<vmem>>) semaphore(%arg11 : memref<!tpu.dma_semaphore, #tpu.memory_space<semaphore_mem>>)
    %dma_start3A_82 = arith.constant 1 : i32
    %dma_start3A_83 = arith.constant 0 : i32
    %dma_start3A_84 = tpu.memref_slice %arg5[%dma_start3A_82, %dma_start3A_83] : memref<79x128xi32, #tpu.memory_space<vmem>> -> memref<1x128xi32, #tpu.memory_space<vmem>>
    %dma_start3A_85 = tpu.memref_squeeze %dma_start3A_84 : memref<1x128xi32, #tpu.memory_space<vmem>> -> memref<128xi32, #tpu.memory_space<vmem>>
    %dma_start3A_86 = arith.constant 0 : i32
    %dma_start3A_87 = arith.constant 0 : i32
    %dma_start3A_88 = tpu.memref_slice %arg10[%dma_start3A_86, %dma_start3A_87] : memref<10240x64xf32, #tpu.memory_space<vmem_shared>> -> memref<10240x64xf32, #tpu.memory_space<vmem_shared>>
    tpu.enqueue_indirect_dma source(%dma_start3A_88 : memref<10240x64xf32, #tpu.memory_space<vmem_shared>>) target(%arg8 : memref<128x64xf32, #tpu.memory_space<vmem>>) offsets(%dma_start3A_85 : memref<128xi32, #tpu.memory_space<vmem>>) semaphore(%arg12 : memref<!tpu.dma_semaphore, #tpu.memory_space<semaphore_mem>>)
    %scan3A = arith.constant 0 : i32
    %scan3A_89 = arith.constant 0 : i32
    %scan3A_90 = arith.constant 38 : i32
    %scan3A_91 = arith.addi %scan3A_89, %scan3A_90 : i32
    %scan3A_92 = arith.constant 1 : i32
    scf.for %scan3A_142 = %scan3A_89 to %scan3A_91 step %scan3A_92  : i32 {
      %mul3A_143 = arith.constant 2 : i32
      %mul3A_144 = arith.muli %mul3A_143, %scan3A_142 : i32
      %add3A_145 = arith.constant 0 : i32
      %add3A_146 = arith.addi %mul3A_144, %add3A_145 : i32
      %dma_wait3A_147 = arith.constant 0 : i32
      %dma_wait3A_148 = tpu.memref_slice %arg5[%add3A_146, %dma_wait3A_147] : memref<79x128xi32, #tpu.memory_space<vmem>> -> memref<1x128xi32, #tpu.memory_space<vmem>>
      %dma_wait3A_149 = tpu.memref_squeeze %dma_wait3A_148 : memref<1x128xi32, #tpu.memory_space<vmem>> -> memref<128xi32, #tpu.memory_space<vmem>>
      %dma_wait3A_150 = arith.constant 0 : i32
      %dma_wait3A_151 = arith.constant 0 : i32
      %dma_wait3A_152 = tpu.memref_slice %arg10[%dma_wait3A_150, %dma_wait3A_151] : memref<10240x64xf32, #tpu.memory_space<vmem_shared>> -> memref<10240x64xf32, #tpu.memory_space<vmem_shared>>
      tpu.wait_indirect_dma semaphore(%arg11 : memref<!tpu.dma_semaphore, #tpu.memory_space<semaphore_mem>>) src(%dma_wait3A_152 : memref<10240x64xf32, #tpu.memory_space<vmem_shared>>) dst(%arg7 : memref<128x64xf32, #tpu.memory_space<vmem>>)
      %add3A_153 = arith.constant 0 : i32
      %add3A_154 = arith.addi %mul3A_144, %add3A_153 : i32
      %dma_start3A_155 = arith.constant 0 : i32
      %dma_start3A_156 = tpu.memref_slice %arg6[%add3A_154, %dma_start3A_155] : memref<79x128xi32, #tpu.memory_space<vmem>> -> memref<1x128xi32, #tpu.memory_space<vmem>>
      %dma_start3A_157 = tpu.memref_squeeze %dma_start3A_156 : memref<1x128xi32, #tpu.memory_space<vmem>> -> memref<128xi32, #tpu.memory_space<vmem>>
      %dma_start3A_158 = arith.constant 0 : i32
      %dma_start3A_159 = arith.constant 0 : i32
      %dma_start3A_160 = tpu.memref_slice %arg9[%dma_start3A_158, %dma_start3A_159] : memref<10240x64xf32, #tpu.memory_space<vmem_shared>> -> memref<10240x64xf32, #tpu.memory_space<vmem_shared>>
      tpu.enqueue_indirect_dma source(%arg7 : memref<128x64xf32, #tpu.memory_space<vmem>>) target(%dma_start3A_160 : memref<10240x64xf32, #tpu.memory_space<vmem_shared>>) offsets(%dma_start3A_157 : memref<128xi32, #tpu.memory_space<vmem>>) semaphore(%arg13 : memref<!tpu.dma_semaphore, #tpu.memory_space<semaphore_mem>>) {add = true}
      %add3A_161 = arith.constant 1 : i32
      %add3A_162 = arith.addi %mul3A_144, %add3A_161 : i32
      %dma_wait3A_163 = arith.constant 0 : i32
      %dma_wait3A_164 = tpu.memref_slice %arg5[%add3A_162, %dma_wait3A_163] : memref<79x128xi32, #tpu.memory_space<vmem>> -> memref<1x128xi32, #tpu.memory_space<vmem>>
      %dma_wait3A_165 = tpu.memref_squeeze %dma_wait3A_164 : memref<1x128xi32, #tpu.memory_space<vmem>> -> memref<128xi32, #tpu.memory_space<vmem>>
      %dma_wait3A_166 = arith.constant 0 : i32
      %dma_wait3A_167 = arith.constant 0 : i32
      %dma_wait3A_168 = tpu.memref_slice %arg10[%dma_wait3A_166, %dma_wait3A_167] : memref<10240x64xf32, #tpu.memory_space<vmem_shared>> -> memref<10240x64xf32, #tpu.memory_space<vmem_shared>>
      tpu.wait_indirect_dma semaphore(%arg12 : memref<!tpu.dma_semaphore, #tpu.memory_space<semaphore_mem>>) src(%dma_wait3A_168 : memref<10240x64xf32, #tpu.memory_space<vmem_shared>>) dst(%arg8 : memref<128x64xf32, #tpu.memory_space<vmem>>)
      %add3A_169 = arith.constant 1 : i32
      %add3A_170 = arith.addi %mul3A_144, %add3A_169 : i32
      %dma_start3A_171 = arith.constant 0 : i32
      %dma_start3A_172 = tpu.memref_slice %arg6[%add3A_170, %dma_start3A_171] : memref<79x128xi32, #tpu.memory_space<vmem>> -> memref<1x128xi32, #tpu.memory_space<vmem>>
      %dma_start3A_173 = tpu.memref_squeeze %dma_start3A_172 : memref<1x128xi32, #tpu.memory_space<vmem>> -> memref<128xi32, #tpu.memory_space<vmem>>
      %dma_start3A_174 = arith.constant 0 : i32
      %dma_start3A_175 = arith.constant 0 : i32
      %dma_start3A_176 = tpu.memref_slice %arg9[%dma_start3A_174, %dma_start3A_175] : memref<10240x64xf32, #tpu.memory_space<vmem_shared>> -> memref<10240x64xf32, #tpu.memory_space<vmem_shared>>
      tpu.enqueue_indirect_dma source(%arg8 : memref<128x64xf32, #tpu.memory_space<vmem>>) target(%dma_start3A_176 : memref<10240x64xf32, #tpu.memory_space<vmem_shared>>) offsets(%dma_start3A_173 : memref<128xi32, #tpu.memory_space<vmem>>) semaphore(%arg14 : memref<!tpu.dma_semaphore, #tpu.memory_space<semaphore_mem>>) {add = true}
      %add3A_177 = arith.constant 0 : i32
      %add3A_178 = arith.addi %mul3A_144, %add3A_177 : i32
      %dma_wait3A_179 = arith.constant 0 : i32
      %dma_wait3A_180 = tpu.memref_slice %arg6[%add3A_178, %dma_wait3A_179] : memref<79x128xi32, #tpu.memory_space<vmem>> -> memref<1x128xi32, #tpu.memory_space<vmem>>
      %dma_wait3A_181 = tpu.memref_squeeze %dma_wait3A_180 : memref<1x128xi32, #tpu.memory_space<vmem>> -> memref<128xi32, #tpu.memory_space<vmem>>
      %dma_wait3A_182 = arith.constant 0 : i32
      %dma_wait3A_183 = arith.constant 0 : i32
      %dma_wait3A_184 = tpu.memref_slice %arg9[%dma_wait3A_182, %dma_wait3A_183] : memref<10240x64xf32, #tpu.memory_space<vmem_shared>> -> memref<10240x64xf32, #tpu.memory_space<vmem_shared>>
      tpu.wait_indirect_dma semaphore(%arg13 : memref<!tpu.dma_semaphore, #tpu.memory_space<semaphore_mem>>) src(%arg7 : memref<128x64xf32, #tpu.memory_space<vmem>>) dst(%dma_wait3A_184 : memref<10240x64xf32, #tpu.memory_space<vmem_shared>>)
      %add3A_185 = arith.constant 2 : i32
      %add3A_186 = arith.addi %mul3A_144, %add3A_185 : i32
      %add3A_187 = arith.constant 0 : i32
      %add3A_188 = arith.addi %add3A_186, %add3A_187 : i32
      %dma_start3A_189 = arith.constant 0 : i32
      %dma_start3A_190 = tpu.memref_slice %arg5[%add3A_188, %dma_start3A_189] : memref<79x128xi32, #tpu.memory_space<vmem>> -> memref<1x128xi32, #tpu.memory_space<vmem>>
      %dma_start3A_191 = tpu.memref_squeeze %dma_start3A_190 : memref<1x128xi32, #tpu.memory_space<vmem>> -> memref<128xi32, #tpu.memory_space<vmem>>
      %dma_start3A_192 = arith.constant 0 : i32
      %dma_start3A_193 = arith.constant 0 : i32
      %dma_start3A_194 = tpu.memref_slice %arg10[%dma_start3A_192, %dma_start3A_193] : memref<10240x64xf32, #tpu.memory_space<vmem_shared>> -> memref<10240x64xf32, #tpu.memory_space<vmem_shared>>
      tpu.enqueue_indirect_dma source(%dma_start3A_194 : memref<10240x64xf32, #tpu.memory_space<vmem_shared>>) target(%arg7 : memref<128x64xf32, #tpu.memory_space<vmem>>) offsets(%dma_start3A_191 : memref<128xi32, #tpu.memory_space<vmem>>) semaphore(%arg11 : memref<!tpu.dma_semaphore, #tpu.memory_space<semaphore_mem>>)
      %add3A_195 = arith.constant 1 : i32
      %add3A_196 = arith.addi %mul3A_144, %add3A_195 : i32
      %dma_wait3A_197 = arith.constant 0 : i32
      %dma_wait3A_198 = tpu.memref_slice %arg6[%add3A_196, %dma_wait3A_197] : memref<79x128xi32, #tpu.memory_space<vmem>> -> memref<1x128xi32, #tpu.memory_space<vmem>>
      %dma_wait3A_199 = tpu.memref_squeeze %dma_wait3A_198 : memref<1x128xi32, #tpu.memory_space<vmem>> -> memref<128xi32, #tpu.memory_space<vmem>>
      %dma_wait3A_200 = arith.constant 0 : i32
      %dma_wait3A_201 = arith.constant 0 : i32
      %dma_wait3A_202 = tpu.memref_slice %arg9[%dma_wait3A_200, %dma_wait3A_201] : memref<10240x64xf32, #tpu.memory_space<vmem_shared>> -> memref<10240x64xf32, #tpu.memory_space<vmem_shared>>
      tpu.wait_indirect_dma semaphore(%arg14 : memref<!tpu.dma_semaphore, #tpu.memory_space<semaphore_mem>>) src(%arg8 : memref<128x64xf32, #tpu.memory_space<vmem>>) dst(%dma_wait3A_202 : memref<10240x64xf32, #tpu.memory_space<vmem_shared>>)
      %add3A_203 = arith.constant 2 : i32
      %add3A_204 = arith.addi %mul3A_144, %add3A_203 : i32
      %add3A_205 = arith.constant 1 : i32
      %add3A_206 = arith.addi %add3A_204, %add3A_205 : i32
      %dma_start3A_207 = arith.constant 0 : i32
      %dma_start3A_208 = tpu.memref_slice %arg5[%add3A_206, %dma_start3A_207] : memref<79x128xi32, #tpu.memory_space<vmem>> -> memref<1x128xi32, #tpu.memory_space<vmem>>
      %dma_start3A_209 = tpu.memref_squeeze %dma_start3A_208 : memref<1x128xi32, #tpu.memory_space<vmem>> -> memref<128xi32, #tpu.memory_space<vmem>>
      %dma_start3A_210 = arith.constant 0 : i32
      %dma_start3A_211 = arith.constant 0 : i32
      %dma_start3A_212 = tpu.memref_slice %arg10[%dma_start3A_210, %dma_start3A_211] : memref<10240x64xf32, #tpu.memory_space<vmem_shared>> -> memref<10240x64xf32, #tpu.memory_space<vmem_shared>>
      tpu.enqueue_indirect_dma source(%dma_start3A_212 : memref<10240x64xf32, #tpu.memory_space<vmem_shared>>) target(%arg8 : memref<128x64xf32, #tpu.memory_space<vmem>>) offsets(%dma_start3A_209 : memref<128xi32, #tpu.memory_space<vmem>>) semaphore(%arg12 : memref<!tpu.dma_semaphore, #tpu.memory_space<semaphore_mem>>)
    }
    %scan3A_93 = arith.constant 38 : i32
    %dma_wait3A_94 = arith.constant 76 : i32
    %dma_wait3A_95 = arith.constant 0 : i32
    %dma_wait3A_96 = tpu.memref_slice %arg5[%dma_wait3A_94, %dma_wait3A_95] : memref<79x128xi32, #tpu.memory_space<vmem>> -> memref<1x128xi32, #tpu.memory_space<vmem>>
    %dma_wait3A_97 = tpu.memref_squeeze %dma_wait3A_96 : memref<1x128xi32, #tpu.memory_space<vmem>> -> memref<128xi32, #tpu.memory_space<vmem>>
    %dma_wait3A_98 = arith.constant 0 : i32
    %dma_wait3A_99 = arith.constant 0 : i32
    %dma_wait3A_100 = tpu.memref_slice %arg10[%dma_wait3A_98, %dma_wait3A_99] : memref<10240x64xf32, #tpu.memory_space<vmem_shared>> -> memref<10240x64xf32, #tpu.memory_space<vmem_shared>>
    tpu.wait_indirect_dma semaphore(%arg11 : memref<!tpu.dma_semaphore, #tpu.memory_space<semaphore_mem>>) src(%dma_wait3A_100 : memref<10240x64xf32, #tpu.memory_space<vmem_shared>>) dst(%arg7 : memref<128x64xf32, #tpu.memory_space<vmem>>)
    %dma_start3A_101 = arith.constant 76 : i32
    %dma_start3A_102 = arith.constant 0 : i32
    %dma_start3A_103 = tpu.memref_slice %arg6[%dma_start3A_101, %dma_start3A_102] : memref<79x128xi32, #tpu.memory_space<vmem>> -> memref<1x128xi32, #tpu.memory_space<vmem>>
    %dma_start3A_104 = tpu.memref_squeeze %dma_start3A_103 : memref<1x128xi32, #tpu.memory_space<vmem>> -> memref<128xi32, #tpu.memory_space<vmem>>
    %dma_start3A_105 = arith.constant 0 : i32
    %dma_start3A_106 = arith.constant 0 : i32
    %dma_start3A_107 = tpu.memref_slice %arg9[%dma_start3A_105, %dma_start3A_106] : memref<10240x64xf32, #tpu.memory_space<vmem_shared>> -> memref<10240x64xf32, #tpu.memory_space<vmem_shared>>
    tpu.enqueue_indirect_dma source(%arg7 : memref<128x64xf32, #tpu.memory_space<vmem>>) target(%dma_start3A_107 : memref<10240x64xf32, #tpu.memory_space<vmem_shared>>) offsets(%dma_start3A_104 : memref<128xi32, #tpu.memory_space<vmem>>) semaphore(%arg13 : memref<!tpu.dma_semaphore, #tpu.memory_space<semaphore_mem>>) {add = true}
    %dma_wait3A_108 = arith.constant 77 : i32
    %dma_wait3A_109 = arith.constant 0 : i32
    %dma_wait3A_110 = tpu.memref_slice %arg5[%dma_wait3A_108, %dma_wait3A_109] : memref<79x128xi32, #tpu.memory_space<vmem>> -> memref<1x128xi32, #tpu.memory_space<vmem>>
    %dma_wait3A_111 = tpu.memref_squeeze %dma_wait3A_110 : memref<1x128xi32, #tpu.memory_space<vmem>> -> memref<128xi32, #tpu.memory_space<vmem>>
    %dma_wait3A_112 = arith.constant 0 : i32
    %dma_wait3A_113 = arith.constant 0 : i32
    %dma_wait3A_114 = tpu.memref_slice %arg10[%dma_wait3A_112, %dma_wait3A_113] : memref<10240x64xf32, #tpu.memory_space<vmem_shared>> -> memref<10240x64xf32, #tpu.memory_space<vmem_shared>>
    tpu.wait_indirect_dma semaphore(%arg12 : memref<!tpu.dma_semaphore, #tpu.memory_space<semaphore_mem>>) src(%dma_wait3A_114 : memref<10240x64xf32, #tpu.memory_space<vmem_shared>>) dst(%arg8 : memref<128x64xf32, #tpu.memory_space<vmem>>)
    %dma_start3A_115 = arith.constant 77 : i32
    %dma_start3A_116 = arith.constant 0 : i32
    %dma_start3A_117 = tpu.memref_slice %arg6[%dma_start3A_115, %dma_start3A_116] : memref<79x128xi32, #tpu.memory_space<vmem>> -> memref<1x128xi32, #tpu.memory_space<vmem>>
    %dma_start3A_118 = tpu.memref_squeeze %dma_start3A_117 : memref<1x128xi32, #tpu.memory_space<vmem>> -> memref<128xi32, #tpu.memory_space<vmem>>
    %dma_start3A_119 = arith.constant 0 : i32
    %dma_start3A_120 = arith.constant 0 : i32
    %dma_start3A_121 = tpu.memref_slice %arg9[%dma_start3A_119, %dma_start3A_120] : memref<10240x64xf32, #tpu.memory_space<vmem_shared>> -> memref<10240x64xf32, #tpu.memory_space<vmem_shared>>
    tpu.enqueue_indirect_dma source(%arg8 : memref<128x64xf32, #tpu.memory_space<vmem>>) target(%dma_start3A_121 : memref<10240x64xf32, #tpu.memory_space<vmem_shared>>) offsets(%dma_start3A_118 : memref<128xi32, #tpu.memory_space<vmem>>) semaphore(%arg14 : memref<!tpu.dma_semaphore, #tpu.memory_space<semaphore_mem>>) {add = true}
    %dma_wait3A_122 = arith.constant 76 : i32
    %dma_wait3A_123 = arith.constant 0 : i32
    %dma_wait3A_124 = tpu.memref_slice %arg6[%dma_wait3A_122, %dma_wait3A_123] : memref<79x128xi32, #tpu.memory_space<vmem>> -> memref<1x128xi32, #tpu.memory_space<vmem>>
    %dma_wait3A_125 = tpu.memref_squeeze %dma_wait3A_124 : memref<1x128xi32, #tpu.memory_space<vmem>> -> memref<128xi32, #tpu.memory_space<vmem>>
    %dma_wait3A_126 = arith.constant 0 : i32
    %dma_wait3A_127 = arith.constant 0 : i32
    %dma_wait3A_128 = tpu.memref_slice %arg9[%dma_wait3A_126, %dma_wait3A_127] : memref<10240x64xf32, #tpu.memory_space<vmem_shared>> -> memref<10240x64xf32, #tpu.memory_space<vmem_shared>>
    tpu.wait_indirect_dma semaphore(%arg13 : memref<!tpu.dma_semaphore, #tpu.memory_space<semaphore_mem>>) src(%arg7 : memref<128x64xf32, #tpu.memory_space<vmem>>) dst(%dma_wait3A_128 : memref<10240x64xf32, #tpu.memory_space<vmem_shared>>)
    %dma_wait3A_129 = arith.constant 77 : i32
    %dma_wait3A_130 = arith.constant 0 : i32
    %dma_wait3A_131 = tpu.memref_slice %arg6[%dma_wait3A_129, %dma_wait3A_130] : memref<79x128xi32, #tpu.memory_space<vmem>> -> memref<1x128xi32, #tpu.memory_space<vmem>>
    %dma_wait3A_132 = tpu.memref_squeeze %dma_wait3A_131 : memref<1x128xi32, #tpu.memory_space<vmem>> -> memref<128xi32, #tpu.memory_space<vmem>>
    %dma_wait3A_133 = arith.constant 0 : i32
    %dma_wait3A_134 = arith.constant 0 : i32
    %dma_wait3A_135 = tpu.memref_slice %arg9[%dma_wait3A_133, %dma_wait3A_134] : memref<10240x64xf32, #tpu.memory_space<vmem_shared>> -> memref<10240x64xf32, #tpu.memory_space<vmem_shared>>
    tpu.wait_indirect_dma semaphore(%arg14 : memref<!tpu.dma_semaphore, #tpu.memory_space<semaphore_mem>>) src(%arg8 : memref<128x64xf32, #tpu.memory_space<vmem>>) dst(%dma_wait3A_135 : memref<10240x64xf32, #tpu.memory_space<vmem_shared>>)
    %lt3A_136 = arith.constant 4 : i32
    %lt3A_137 = arith.cmpi slt, %add3A, %lt3A_136 : i32
    %convert_element_type3A_138 = arith.extui %lt3A_137 : i1 to i32
    %cond3A_139 = arith.constant 0 : i32
    %cond3A_140 = arith.cmpi ne, %convert_element_type3A_138, %cond3A_139 : i32
    scf.if %cond3A_140 {
      %dma_start3A_142 = arith.constant 78 : i32
      %dma_start3A_143 = arith.constant 0 : i32
      %dma_start3A_144 = tpu.memref_slice %arg5[%dma_start3A_142, %dma_start3A_143] : memref<79x128xi32, #tpu.memory_space<vmem>> -> memref<1x128xi32, #tpu.memory_space<vmem>>
      %dma_start3A_145 = tpu.memref_squeeze %dma_start3A_144 : memref<1x128xi32, #tpu.memory_space<vmem>> -> memref<128xi32, #tpu.memory_space<vmem>>
      %dma_start3A_146 = arith.constant 0 : i32
      %dma_start3A_147 = arith.constant 0 : i32
      %dma_start3A_148 = tpu.memref_slice %arg10[%dma_start3A_146, %dma_start3A_147] : memref<10240x64xf32, #tpu.memory_space<vmem_shared>> -> memref<10240x64xf32, #tpu.memory_space<vmem_shared>>
      tpu.enqueue_indirect_dma source(%dma_start3A_148 : memref<10240x64xf32, #tpu.memory_space<vmem_shared>>) target(%arg7 : memref<128x64xf32, #tpu.memory_space<vmem>>) offsets(%dma_start3A_145 : memref<128xi32, #tpu.memory_space<vmem>>) semaphore(%arg11 : memref<!tpu.dma_semaphore, #tpu.memory_space<semaphore_mem>>)
      %dma_wait3A_149 = arith.constant 78 : i32
      %dma_wait3A_150 = arith.constant 0 : i32
      %dma_wait3A_151 = tpu.memref_slice %arg5[%dma_wait3A_149, %dma_wait3A_150] : memref<79x128xi32, #tpu.memory_space<vmem>> -> memref<1x128xi32, #tpu.memory_space<vmem>>
      %dma_wait3A_152 = tpu.memref_squeeze %dma_wait3A_151 : memref<1x128xi32, #tpu.memory_space<vmem>> -> memref<128xi32, #tpu.memory_space<vmem>>
      %dma_wait3A_153 = arith.constant 0 : i32
      %dma_wait3A_154 = arith.constant 0 : i32
      %dma_wait3A_155 = tpu.memref_slice %arg10[%dma_wait3A_153, %dma_wait3A_154] : memref<10240x64xf32, #tpu.memory_space<vmem_shared>> -> memref<10240x64xf32, #tpu.memory_space<vmem_shared>>
      tpu.wait_indirect_dma semaphore(%arg11 : memref<!tpu.dma_semaphore, #tpu.memory_space<semaphore_mem>>) src(%dma_wait3A_155 : memref<10240x64xf32, #tpu.memory_space<vmem_shared>>) dst(%arg7 : memref<128x64xf32, #tpu.memory_space<vmem>>)
      %dma_start3A_156 = arith.constant 78 : i32
      %dma_start3A_157 = arith.constant 0 : i32
      %dma_start3A_158 = tpu.memref_slice %arg6[%dma_start3A_156, %dma_start3A_157] : memref<79x128xi32, #tpu.memory_space<vmem>> -> memref<1x128xi32, #tpu.memory_space<vmem>>
      %dma_start3A_159 = tpu.memref_squeeze %dma_start3A_158 : memref<1x128xi32, #tpu.memory_space<vmem>> -> memref<128xi32, #tpu.memory_space<vmem>>
      %dma_start3A_160 = arith.constant 0 : i32
      %dma_start3A_161 = arith.constant 0 : i32
      %dma_start3A_162 = tpu.memref_slice %arg9[%dma_start3A_160, %dma_start3A_161] : memref<10240x64xf32, #tpu.memory_space<vmem_shared>> -> memref<10240x64xf32, #tpu.memory_space<vmem_shared>>
      tpu.enqueue_indirect_dma source(%arg7 : memref<128x64xf32, #tpu.memory_space<vmem>>) target(%dma_start3A_162 : memref<10240x64xf32, #tpu.memory_space<vmem_shared>>) offsets(%dma_start3A_159 : memref<128xi32, #tpu.memory_space<vmem>>) semaphore(%arg13 : memref<!tpu.dma_semaphore, #tpu.memory_space<semaphore_mem>>) {add = true}
      %dma_wait3A_163 = arith.constant 78 : i32
      %dma_wait3A_164 = arith.constant 0 : i32
      %dma_wait3A_165 = tpu.memref_slice %arg6[%dma_wait3A_163, %dma_wait3A_164] : memref<79x128xi32, #tpu.memory_space<vmem>> -> memref<1x128xi32, #tpu.memory_space<vmem>>
      %dma_wait3A_166 = tpu.memref_squeeze %dma_wait3A_165 : memref<1x128xi32, #tpu.memory_space<vmem>> -> memref<128xi32, #tpu.memory_space<vmem>>
      %dma_wait3A_167 = arith.constant 0 : i32
      %dma_wait3A_168 = arith.constant 0 : i32
      %dma_wait3A_169 = tpu.memref_slice %arg9[%dma_wait3A_167, %dma_wait3A_168] : memref<10240x64xf32, #tpu.memory_space<vmem_shared>> -> memref<10240x64xf32, #tpu.memory_space<vmem_shared>>
      tpu.wait_indirect_dma semaphore(%arg13 : memref<!tpu.dma_semaphore, #tpu.memory_space<semaphore_mem>>) src(%arg7 : memref<128x64xf32, #tpu.memory_space<vmem>>) dst(%dma_wait3A_169 : memref<10240x64xf32, #tpu.memory_space<vmem_shared>>)
    } else {
    }
    %barrier3A_141 = arith.constant 0 : index
    tpu.barrier barrier_id(%barrier3A_141)
    "tpu.region"() ({
      %run_scoped3A = tpu.sem_alloc : memref<!tpu.dma_semaphore, #tpu.memory_space<semaphore_mem>>
      %dma_start3A_142 = arith.constant 0 : i32
      %dma_start3A_143 = tpu.memref_slice %arg4[%arg0, %mul3A_2, %dma_start3A_142] : memref<2x10240x64xf32, #tpu.memory_space<hbm>> -> memref<1x640x64xf32, #tpu.memory_space<hbm>>
      %dma_start3A_144 = tpu.memref_squeeze %dma_start3A_143 : memref<1x640x64xf32, #tpu.memory_space<hbm>> -> memref<640x64xf32, #tpu.memory_space<hbm>>
      %dma_start3A_145 = arith.constant 0 : i32
      %dma_start3A_146 = tpu.memref_slice %arg9[%mul3A_2, %dma_start3A_145] : memref<10240x64xf32, #tpu.memory_space<vmem_shared>> -> memref<640x64xf32, #tpu.memory_space<vmem_shared>>
      tpu.enqueue_dma source(%dma_start3A_146 : memref<640x64xf32, #tpu.memory_space<vmem_shared>>) target(%dma_start3A_144 : memref<640x64xf32, #tpu.memory_space<hbm>>) target_semaphore(%run_scoped3A : memref<!tpu.dma_semaphore, #tpu.memory_space<semaphore_mem>>)
      %dma_wait3A_147 = arith.constant 0 : i32
      %dma_wait3A_148 = tpu.memref_slice %arg4[%arg0, %mul3A_2, %dma_wait3A_147] : memref<2x10240x64xf32, #tpu.memory_space<hbm>> -> memref<1x640x64xf32, #tpu.memory_space<hbm>>
      %dma_wait3A_149 = tpu.memref_squeeze %dma_wait3A_148 : memref<1x640x64xf32, #tpu.memory_space<hbm>> -> memref<640x64xf32, #tpu.memory_space<hbm>>
      %dma_wait3A_150 = arith.constant 0 : i32
      %dma_wait3A_151 = tpu.memref_slice %arg9[%mul3A_2, %dma_wait3A_150] : memref<10240x64xf32, #tpu.memory_space<vmem_shared>> -> memref<640x64xf32, #tpu.memory_space<vmem_shared>>
      tpu.wait_dma2 semaphore(%run_scoped3A : memref<!tpu.dma_semaphore, #tpu.memory_space<semaphore_mem>>) src(%dma_wait3A_151 : memref<640x64xf32, #tpu.memory_space<vmem_shared>>) dst(%dma_wait3A_149 : memref<640x64xf32, #tpu.memory_space<hbm>>)
      tpu.yield
    }) : () -> ()
    return
  }
}

module attributes {stable_mosaic.version = 14 : i64} {
  func.func @_tc_xw(%arg0: memref<10000x128xf32, #tpu.memory_space<vmem>>, %arg1: memref<128x32xf32, #tpu.memory_space<vmem>>, %arg2: memref<10000x32xf32, #tpu.memory_space<vmem>>) attributes {dimension_semantics = [], scalar_prefetch = 0 : i64, scratch_operands = 0 : i64, tpu.core_type = #tpu.core_type<tc>} {
    %get3A = arith.constant 0 : index
    %get3A_0 = arith.constant 0 : index
    %get3A_1 = vector.load %arg0[%get3A, %get3A_0] : memref<10000x128xf32, #tpu.memory_space<vmem>>, vector<10000x128xf32>
    %get3A_2 = arith.constant 0 : index
    %get3A_3 = arith.constant 0 : index
    %get3A_4 = vector.load %arg1[%get3A_2, %get3A_3] : memref<128x32xf32, #tpu.memory_space<vmem>>, vector<128x32xf32>
    %dot_general3A = arith.constant dense<0.000000e+00> : vector<10000x32xf32>
    %dot_general3A_5 = tpu.matmul %get3A_1, %get3A_4, %dot_general3A {dimension_numbers = #tpu.dot_dimension_numbers<[1], [0], [0], [1], [0, 0, 1, 1], [], []>, transpose_lhs_hint = false} : vector<10000x128xf32>, vector<128x32xf32>, vector<10000x32xf32> -> vector<10000x32xf32>
    %swap3A = arith.constant 0 : index
    %swap3A_6 = arith.constant 0 : index
    %swap3A_7 = vector.load %arg2[%swap3A, %swap3A_6] : memref<10000x32xf32, #tpu.memory_space<vmem>>, vector<10000x32xf32>
    tpu.vector_store %arg2[%swap3A, %swap3A_6], %dot_general3A_5 {strides = array<i32>} : memref<10000x32xf32, #tpu.memory_space<vmem>>, vector<10000x32xf32>,
    return
  }
}

module attributes {stable_mosaic.version = 14 : i64} {
  func.func @_tc_first(%arg0: memref<10000x32xf32, #tpu.memory_space<vmem>>, %arg1: memref<10240x2xf32, #tpu.memory_space<vmem>>, %arg2: memref<10240x32xf32, #tpu.memory_space<vmem>>, %arg3: memref<10240x1xf32, #tpu.memory_space<vmem>>) attributes {dimension_semantics = [], scalar_prefetch = 0 : i64, scratch_operands = 0 : i64, tpu.core_type = #tpu.core_type<tc>} {
    %get3A = arith.constant 0 : index
    %get3A_0 = arith.constant 0 : index
    %get3A_1 = vector.load %arg1[%get3A, %get3A_0] : memref<10240x2xf32, #tpu.memory_space<vmem>>, vector<10240x1xf32>
    %get3A_2 = arith.constant 0 : index
    %get3A_3 = arith.constant 1 : index
    %get3A_4 = vector.load %arg1[%get3A_2, %get3A_3] : memref<10240x2xf32, #tpu.memory_space<vmem>>, vector<10240x1xf32>
    %add3A = arith.addf %get3A_1, %get3A_4 : vector<10240x1xf32>
    %add3A_5 = arith.constant 1.000000e+00 : f32
    %add3A_6 = vector.broadcast %add3A_5 : f32 to vector<10240x1xf32>
    %add3A_7 = arith.addf %add3A, %add3A_6 : vector<10240x1xf32>
    %rsqrt3A = math.rsqrt %add3A_7 : vector<10240x1xf32>
    %swap3A = arith.constant 0 : index
    %swap3A_8 = arith.constant 0 : index
    %swap3A_9 = vector.load %arg3[%swap3A, %swap3A_8] : memref<10240x1xf32, #tpu.memory_space<vmem>>, vector<10240x1xf32>
    tpu.vector_store %arg3[%swap3A, %swap3A_8], %rsqrt3A {strides = array<i32>} : memref<10240x1xf32, #tpu.memory_space<vmem>>, vector<10240x1xf32>,
    %get3A_10 = arith.constant 0 : index
    %get3A_11 = arith.constant 0 : index
    %get3A_12 = vector.load %arg0[%get3A_10, %get3A_11] : memref<10000x32xf32, #tpu.memory_space<vmem>>, vector<10000x32xf32>
    %slice3A = vector.extract_strided_slice %rsqrt3A {offsets = [0, 0], sizes = [10000, 1], strides = [1, 1]} : vector<10240x1xf32> to vector<10000x1xf32>
    %mul3A = vector.broadcast %slice3A : vector<10000x1xf32> to vector<10000x32xf32>
    %mul3A_13 = arith.mulf %get3A_12, %mul3A : vector<10000x32xf32>
    %swap3A_14 = arith.constant 0 : index
    %swap3A_15 = arith.constant 0 : index
    %swap3A_16 = vector.load %arg2[%swap3A_14, %swap3A_15] : memref<10240x32xf32, #tpu.memory_space<vmem>>, vector<10000x32xf32>
    tpu.vector_store %arg2[%swap3A_14, %swap3A_15], %mul3A_13 {strides = array<i32>} : memref<10240x32xf32, #tpu.memory_space<vmem>>, vector<10000x32xf32>,
    %broadcast_in_dim3A = arith.constant 0.000000e+00 : f32
    %broadcast_in_dim3A_17 = vector.broadcast %broadcast_in_dim3A : f32 to vector<240x32xf32>
    %swap3A_18 = arith.constant 10000 : index
    %swap3A_19 = arith.constant 0 : index
    %swap3A_20 = vector.load %arg2[%swap3A_18, %swap3A_19] : memref<10240x32xf32, #tpu.memory_space<vmem>>, vector<240x32xf32>
    tpu.vector_store %arg2[%swap3A_18, %swap3A_19], %broadcast_in_dim3A_17 {strides = array<i32>} : memref<10240x32xf32, #tpu.memory_space<vmem>>, vector<240x32xf32>,
    return
  }
}

module attributes {stable_mosaic.version = 14 : i64} {
  func.func @_tc_mid(%arg0: memref<2x10240x32xf32, #tpu.memory_space<vmem>>, %arg1: memref<10240x32xf32, #tpu.memory_space<vmem>>, %arg2: memref<10240x1xf32, #tpu.memory_space<vmem>>, %arg3: memref<32xf32, #tpu.memory_space<vmem>>, %arg4: memref<32x64xf32, #tpu.memory_space<vmem>>, %arg5: memref<10240x64xf32, #tpu.memory_space<vmem>>) attributes {dimension_semantics = [], scalar_prefetch = 0 : i64, scratch_operands = 0 : i64, tpu.core_type = #tpu.core_type<tc>} {
    %get3A = arith.constant 0 : index
    %get3A_0 = arith.constant 0 : index
    %get3A_1 = arith.constant 0 : index
    %get3A_2 = vector.load %arg0[%get3A, %get3A_0, %get3A_1] : memref<2x10240x32xf32, #tpu.memory_space<vmem>>, vector<1x10240x32xf32>
    %get3A_3 = vector.shape_cast %get3A_2 : vector<1x10240x32xf32> to vector<10240x32xf32>
    %get3A_4 = arith.constant 1 : index
    %get3A_5 = arith.constant 0 : index
    %get3A_6 = arith.constant 0 : index
    %get3A_7 = vector.load %arg0[%get3A_4, %get3A_5, %get3A_6] : memref<2x10240x32xf32, #tpu.memory_space<vmem>>, vector<1x10240x32xf32>
    %get3A_8 = vector.shape_cast %get3A_7 : vector<1x10240x32xf32> to vector<10240x32xf32>
    %add3A = arith.addf %get3A_3, %get3A_8 : vector<10240x32xf32>
    %get3A_9 = arith.constant 0 : index
    %get3A_10 = arith.constant 0 : index
    %get3A_11 = vector.load %arg1[%get3A_9, %get3A_10] : memref<10240x32xf32, #tpu.memory_space<vmem>>, vector<10240x32xf32>
    %sub3A = arith.subf %add3A, %get3A_11 : vector<10240x32xf32>
    %get3A_12 = arith.constant 0 : index
    %get3A_13 = arith.constant 0 : index
    %get3A_14 = vector.load %arg2[%get3A_12, %get3A_13] : memref<10240x1xf32, #tpu.memory_space<vmem>>, vector<10240x1xf32>
    %mul3A = vector.broadcast %get3A_14 : vector<10240x1xf32> to vector<10240x32xf32>
    %mul3A_15 = arith.mulf %sub3A, %mul3A : vector<10240x32xf32>
    %get3A_16 = arith.constant 0 : index
    %get3A_17 = vector.load %arg3[%get3A_16] : memref<32xf32, #tpu.memory_space<vmem>>, vector<32xf32>
    %broadcast_in_dim3A = vector.shape_cast %get3A_17 : vector<32xf32> to vector<1x32xf32>
    %add3A_18 = vector.broadcast %broadcast_in_dim3A : vector<1x32xf32> to vector<10240x32xf32>
    %add3A_19 = arith.addf %mul3A_15, %add3A_18 : vector<10240x32xf32>
    %max3A = arith.constant 0.000000e+00 : f32
    %max3A_20 = vector.broadcast %max3A : f32 to vector<10240x32xf32>
    %max3A_21 = arith.maximumf %add3A_19, %max3A_20 : vector<10240x32xf32>
    %get3A_22 = arith.constant 0 : index
    %get3A_23 = arith.constant 0 : index
    %get3A_24 = vector.load %arg4[%get3A_22, %get3A_23] : memref<32x64xf32, #tpu.memory_space<vmem>>, vector<32x64xf32>
    %dot_general3A = arith.constant dense<0.000000e+00> : vector<10240x64xf32>
    %dot_general3A_25 = tpu.matmul %max3A_21, %get3A_24, %dot_general3A {dimension_numbers = #tpu.dot_dimension_numbers<[1], [0], [0], [1], [0, 0, 1, 1], [], []>, transpose_lhs_hint = false} : vector<10240x32xf32>, vector<32x64xf32>, vector<10240x64xf32> -> vector<10240x64xf32>
    %get3A_26 = arith.constant 0 : index
    %get3A_27 = arith.constant 0 : index
    %get3A_28 = vector.load %arg2[%get3A_26, %get3A_27] : memref<10240x1xf32, #tpu.memory_space<vmem>>, vector<10240x1xf32>
    %mul3A_29 = vector.broadcast %get3A_28 : vector<10240x1xf32> to vector<10240x64xf32>
    %mul3A_30 = arith.mulf %dot_general3A_25, %mul3A_29 : vector<10240x64xf32>
    %swap3A = arith.constant 0 : index
    %swap3A_31 = arith.constant 0 : index
    %swap3A_32 = vector.load %arg5[%swap3A, %swap3A_31] : memref<10240x64xf32, #tpu.memory_space<vmem>>, vector<10240x64xf32>
    tpu.vector_store %arg5[%swap3A, %swap3A_31], %mul3A_30 {strides = array<i32>} : memref<10240x64xf32, #tpu.memory_space<vmem>>, vector<10240x64xf32>,
    return
  }
}

module attributes {stable_mosaic.version = 14 : i64} {
  func.func @_tc_last(%arg0: memref<2x10240x64xf32, #tpu.memory_space<vmem>>, %arg1: memref<10240x64xf32, #tpu.memory_space<vmem>>, %arg2: memref<10240x1xf32, #tpu.memory_space<vmem>>, %arg3: memref<64xf32, #tpu.memory_space<vmem>>, %arg4: memref<64x64xf32, #tpu.memory_space<vmem>>, %arg5: memref<64xf32, #tpu.memory_space<vmem>>, %arg6: memref<64x1xf32, #tpu.memory_space<vmem>>, %arg7: memref<1xf32, #tpu.memory_space<vmem>>, %arg8: memref<1x1xf32, #tpu.memory_space<vmem>>) attributes {dimension_semantics = [], scalar_prefetch = 0 : i64, scratch_operands = 0 : i64, tpu.core_type = #tpu.core_type<tc>} {
    %get3A = arith.constant 0 : index
    %get3A_0 = arith.constant 0 : index
    %get3A_1 = arith.constant 0 : index
    %get3A_2 = vector.load %arg0[%get3A, %get3A_0, %get3A_1] : memref<2x10240x64xf32, #tpu.memory_space<vmem>>, vector<1x10240x64xf32>
    %get3A_3 = vector.shape_cast %get3A_2 : vector<1x10240x64xf32> to vector<10240x64xf32>
    %get3A_4 = arith.constant 1 : index
    %get3A_5 = arith.constant 0 : index
    %get3A_6 = arith.constant 0 : index
    %get3A_7 = vector.load %arg0[%get3A_4, %get3A_5, %get3A_6] : memref<2x10240x64xf32, #tpu.memory_space<vmem>>, vector<1x10240x64xf32>
    %get3A_8 = vector.shape_cast %get3A_7 : vector<1x10240x64xf32> to vector<10240x64xf32>
    %add3A = arith.addf %get3A_3, %get3A_8 : vector<10240x64xf32>
    %get3A_9 = arith.constant 0 : index
    %get3A_10 = arith.constant 0 : index
    %get3A_11 = vector.load %arg1[%get3A_9, %get3A_10] : memref<10240x64xf32, #tpu.memory_space<vmem>>, vector<10240x64xf32>
    %sub3A = arith.subf %add3A, %get3A_11 : vector<10240x64xf32>
    %get3A_12 = arith.constant 0 : index
    %get3A_13 = arith.constant 0 : index
    %get3A_14 = vector.load %arg2[%get3A_12, %get3A_13] : memref<10240x1xf32, #tpu.memory_space<vmem>>, vector<10240x1xf32>
    %mul3A = vector.broadcast %get3A_14 : vector<10240x1xf32> to vector<10240x64xf32>
    %mul3A_15 = arith.mulf %sub3A, %mul3A : vector<10240x64xf32>
    %get3A_16 = arith.constant 0 : index
    %get3A_17 = vector.load %arg3[%get3A_16] : memref<64xf32, #tpu.memory_space<vmem>>, vector<64xf32>
    %broadcast_in_dim3A = vector.shape_cast %get3A_17 : vector<64xf32> to vector<1x64xf32>
    %add3A_18 = vector.broadcast %broadcast_in_dim3A : vector<1x64xf32> to vector<10240x64xf32>
    %add3A_19 = arith.addf %mul3A_15, %add3A_18 : vector<10240x64xf32>
    %max3A = arith.constant 0.000000e+00 : f32
    %max3A_20 = vector.broadcast %max3A : f32 to vector<10240x64xf32>
    %max3A_21 = arith.maximumf %add3A_19, %max3A_20 : vector<10240x64xf32>
    %get3A_22 = arith.constant 0 : index
    %get3A_23 = arith.constant 0 : index
    %get3A_24 = vector.load %arg4[%get3A_22, %get3A_23] : memref<64x64xf32, #tpu.memory_space<vmem>>, vector<64x64xf32>
    %dot_general3A = arith.constant dense<0.000000e+00> : vector<10240x64xf32>
    %dot_general3A_25 = tpu.matmul %max3A_21, %get3A_24, %dot_general3A {dimension_numbers = #tpu.dot_dimension_numbers<[1], [0], [0], [1], [0, 0, 1, 1], [], []>, transpose_lhs_hint = false} : vector<10240x64xf32>, vector<64x64xf32>, vector<10240x64xf32> -> vector<10240x64xf32>
    %get3A_26 = arith.constant 0 : index
    %get3A_27 = vector.load %arg5[%get3A_26] : memref<64xf32, #tpu.memory_space<vmem>>, vector<64xf32>
    %broadcast_in_dim3A_28 = vector.shape_cast %get3A_27 : vector<64xf32> to vector<1x64xf32>
    %add3A_29 = vector.broadcast %broadcast_in_dim3A_28 : vector<1x64xf32> to vector<10240x64xf32>
    %add3A_30 = arith.addf %dot_general3A_25, %add3A_29 : vector<10240x64xf32>
    %max3A_31 = arith.constant 0.000000e+00 : f32
    %max3A_32 = vector.broadcast %max3A_31 : f32 to vector<10240x64xf32>
    %max3A_33 = arith.maximumf %add3A_30, %max3A_32 : vector<10240x64xf32>
    %get3A_34 = arith.constant 0 : index
    %get3A_35 = arith.constant 0 : index
    %get3A_36 = vector.load %arg6[%get3A_34, %get3A_35] : memref<64x1xf32, #tpu.memory_space<vmem>>, vector<64x1xf32>
    %dot_general3A_37 = arith.constant dense<0.000000e+00> : vector<10240x1xf32>
    %dot_general3A_38 = tpu.matmul %max3A_33, %get3A_36, %dot_general3A_37 {dimension_numbers = #tpu.dot_dimension_numbers<[1], [0], [0], [1], [0, 0, 1, 1], [], []>, transpose_lhs_hint = false} : vector<10240x64xf32>, vector<64x1xf32>, vector<10240x1xf32> -> vector<10240x1xf32>
    %get3A_39 = arith.constant 0 : index
    %get3A_40 = vector.load %arg7[%get3A_39] : memref<1xf32, #tpu.memory_space<vmem>>, vector<1xf32>
    %broadcast_in_dim3A_41 = vector.shape_cast %get3A_40 : vector<1xf32> to vector<1x1xf32>
    %add3A_42 = vector.broadcast %broadcast_in_dim3A_41 : vector<1x1xf32> to vector<10240x1xf32>
    %add3A_43 = arith.addf %dot_general3A_38, %add3A_42 : vector<10240x1xf32>
    %iota3A = tpu.iota {dimensions = array<i32: 0>} : vector<10240x1xi32>
    %lt3A = arith.constant 10000 : i32
    %lt3A_44 = vector.broadcast %lt3A : i32 to vector<10240x1xi32>
    %lt3A_45 = arith.cmpi slt, %iota3A, %lt3A_44 : vector<10240x1xi32>
    %jit3A = arith.constant 0.000000e+00 : f32
    %broadcast_in_dim3A_46 = vector.broadcast %jit3A : f32 to vector<10240x1xf32>
    %select_n3A = arith.select %lt3A_45, %add3A_43, %broadcast_in_dim3A_46 : vector<10240x1xi1>, vector<10240x1xf32>
    %reduce_sum3A = vector.shape_cast %select_n3A : vector<10240x1xf32> to vector<1x10240x1xf32>
    %reduce_sum3A_47 = arith.constant dense<0.000000e+00> : vector<1xf32>
    %reduce_sum3A_48 = vector.multi_reduction <add>, %reduce_sum3A, %reduce_sum3A_47 [1, 2] : vector<1x10240x1xf32> to vector<1xf32>
    %reduce_sum3A_49 = vector.shape_cast %reduce_sum3A_48 : vector<1xf32> to vector<1x1x1xf32>
    %reduce_sum3A_50 = vector.extract %reduce_sum3A_49[0, 0, 0] : f32 from vector<1x1x1xf32>
    %reshape3A = vector.broadcast %reduce_sum3A_50 : f32 to vector<1x1xf32>
    %div3A = arith.constant 1.000000e+04 : f32
    %div3A_51 = vector.broadcast %div3A : f32 to vector<1x1xf32>
    %div3A_52 = arith.divf %reshape3A, %div3A_51 : vector<1x1xf32>
    %swap3A = arith.constant 0 : index
    %swap3A_53 = arith.constant 0 : index
    %swap3A_54 = vector.load %arg8[%swap3A, %swap3A_53] : memref<1x1xf32, #tpu.memory_space<vmem>>, vector<1x1xf32>
    tpu.vector_store %arg8[%swap3A, %swap3A_53], %div3A_52 {strides = array<i32>} : memref<1x1xf32, #tpu.memory_space<vmem>>, vector<1x1xf32>,
    return
  }
}

</mosaic_0001>

<sc_bundles>
// kernel: kernel.12.cloned.1.call-start
scs
__scs_entry_jumppad:
0x0: {  	(pc) =	sbr.rel $0x88, $3  }
0x1: {  	(tag) =	ssettag $0x0;
	lr =	simm.s32 $0x1  }
0x2: {  	[smem:$0x3F97] =	sst lr;
	_ =	strace $0xD0000000  }
0x3: {  	_ = 	snop  }
0x4: {  	_ = 	snop  }
0x5: {  	_ = 	snop  }
0x6: {  	_ = 	snop  }
0x7: {  	_ = 	snop  }
__scs_overlays_trampoline_lowered:
0x8: {  	[smem:$0x3FA6] =	sst s0  }
0x9: {  	[smem:$0x3FA7] =	sst s1  }
0xa: {  	[smem:$0x3FA8] =	sst s2  }
0xb: {  	[smem:$0x3FA9] =	sst s3  }
0xc: {  	[smem:$0x3FAA] =	sst s4  }
0xd: {  	[smem:$0x3FAB] =	sst s5  }
0xe: {  	[smem:$0x3FAC] =	sst s6  }
0xf: {  	[smem:$0x3FAD] =	sst s7  }
0x10: {  	[smem:$0x3FAE] =	sst s8  }
0x11: {  	[smem:$0x3FAF] =	sst s9;
	s0 =	simm.s32 @!p0 $0x0  }
0x12: {  	s1 =	sld [smem:$0x3F95];
	s0 =	simm.s32 @p0 $0x1  }
0x13: {  	[smem:$0x3FB0] =	sst s0;
	s0 =	simm.s32 @!p1 $0x0  }
0x14: {  	s2 =	sld [smem:$0x3F94];
	s0 =	simm.s32 @p1 $0x1  }
0x15: {  	[smem:$0x3FB1] =	sst s0;
	s0 =	simm.s32 @!p2 $0x0  }
0x16: {  	s3 =	sld [smem:$0x3FDB];
	s0 =	simm.s32 @p2 $0x1  }
0x17: {  	s4 =	simm.s32 $0x1BF5;
	[smem:$0x3FB3] =	sst s0  }
0x18: {  	s0 =	sld [smem:$0x3F96];
	_ =	swait.ge [sflag:s4], $0x0  }
0x19: {  	s7 =	sld [smem:$0x3F97]  }
0x1a: {  	s8 =	sadd.s32 $0xFFFFE003, lr  }
0x1b: {  	s9 =	sadd.s32 $0xFFFFFEF7, lr;
	s5 =	simm.s32 $0xFFFFFFFF;
	p2 =	slt.u32 s8, $0xFFFFF086  }
0x1c: {  	p1 =	slt.u32 s9, $0xF7A;
	s5 =	simm.s32 @!p2 $0x0  }
0x1d: {  	s5 =	simm.s32 @p1 $0x1;
	p0 =	seq.s32 s7, s2  }
0x1e: {  	s7 =	smul.u32 @!p0 $0xF7A, s2;
	p2 =	seq.s32 @!p0 s5, $0x0  }
0x1f: {  	s9 =	smul.u32 $0xF7A, s1;
	s8 =	simm.s32 @!p0 $0x1BF5;
	p2 =	por !p2, p0  }
0x20: {  	[sflag:s8] =	ssyncset.s32 @!p0 $0xFFFFF086;
	s6 =	sadd.s32 @!p0 s3, s7;
	s7 =	simm.s32 @!p0 $0x108  }
0x21: {  	s3 =	sadd.s32 s3, s9;
	s6 =	sadd.s32 @!p0 $0x88, s6;
	s7 =	simm.s32 @p2 $0x1082  }
0x22: {  	[simem:s7], [sflag:s8] =	dma.local @!p0 [hbm:s6], $0xF7A  }
0x23: {  	s9 =	sor.u32 $0xD0000000, s2;
	s6 =	simm.s32 $0x108;
	_ =	swait.ge @!p0 [sflag:s8], $0x0  }
0x24: {  	s3 =	sadd.s32 $0x88, s3;
	s6 =	simm.s32 @!p1 $0x1082;
	[sflag:s4] =	ssyncset.s32 $0xFFFFF086  }
0x25: {  	[simem:s6], [sflag:s4] =	dma.local [hbm:s3], $0xF7A  }
0x26: {  	[smem:$0x3F97] =	sst s1;
	(tag) =	ssettag s2;
	_ =	strace s9  }
0x27: {  	s1 =	sld [smem:$0x3FA7]  }
0x28: {  	s2 =	sld [smem:$0x3FA8]  }
0x29: {  	s4 =	sld [smem:$0x3FAA]  }
0x2a: {  	p0 =	seq.s32 s5, $0x0;
	s5 =	sld [smem:$0x3FAB]  }
0x2b: {  	s6 =	sld [smem:$0x3FAC]  }
0x2c: {  	s7 =	sld [smem:$0x3FAD]  }
0x2d: {  	s3 =	simm.s32 $0x108;
	s8 =	sld [smem:$0x3FAE]  }
0x2e: {  	s3 =	simm.s32 @!p0 $0x1082;
	s9 =	sld [smem:$0x3FAF]  }
0x2f: {  	lr =	sadd.s32 s0, s3;
	s0 =	sld [smem:$0x3FA6]  }
0x30: {  	s3 =	sld [smem:$0x3FA9]  }
0x31: {  	[smem:$0x3FB2] =	sst s10  }
0x32: {  	s10 =	sld [smem:$0x3FB0];
	_ =	sdelay $0x3  }
0x33: {  	p0 =	seq.s32 s10, $0x1;
	s10 =	sld [smem:$0x3FB2];
	_ =	sdelay $0x3  }
0x34: {  	[smem:$0x3FB2] =	sst s10  }
0x35: {  	s10 =	sld [smem:$0x3FB1];
	_ =	sdelay $0x3  }
0x36: {  	p1 =	seq.s32 s10, $0x1;
	s10 =	sld [smem:$0x3FB2];
	_ =	sdelay $0x3  }
0x37: {  	[smem:$0x3FB2] =	sst s10  }
0x38: {  	s10 =	sld [smem:$0x3FB3]  }
0x39: {  	_ = 	snop;
	(pc) =	sbr.ind lr, $3  }
0x3a: {  	_ = 	snop  }
0x3b: {  	_ = 	snop  }
0x3c: {  	p2 =	seq.s32 s10, $0x1;
	s10 =	sld [smem:$0x3FB2]  }
0x3d: {  	_ =	shalt  }
0x3e: {  	_ =	shalt  }
0x3f: {  	_ =	shalt  }
0x40: {  	_ =	shalt  }
0x41: {  	_ =	shalt  }
0x42: {  	_ =	shalt  }
0x43: {  	_ =	shalt  }
0x44: {  	_ =	shalt  }
0x45: {  	_ =	shalt  }
0x46: {  	_ =	shalt  }
0x47: {  	_ =	shalt  }
0x48: {  	_ =	shalt  }
0x49: {  	_ =	shalt  }
0x4a: {  	_ =	shalt  }
0x4b: {  	_ =	shalt  }
0x4c: {  	_ =	shalt  }
0x4d: {  	_ =	shalt  }
0x4e: {  	_ =	shalt  }
0x4f: {  	_ =	shalt  }
0x50: {  	_ =	shalt  }
0x51: {  	_ =	shalt  }
0x52: {  	_ =	shalt  }
0x53: {  	_ =	shalt  }
0x54: {  	_ =	shalt  }
0x55: {  	_ =	shalt  }
0x56: {  	_ =	shalt  }
0x57: {  	_ =	shalt  }
0x58: {  	_ =	shalt  }
0x59: {  	_ =	shalt  }
0x5a: {  	_ =	shalt  }
0x5b: {  	_ =	shalt  }
0x5c: {  	_ =	shalt  }
0x5d: {  	_ =	shalt  }
0x5e: {  	_ =	shalt  }
0x5f: {  	_ =	shalt  }
0x60: {  	_ =	shalt  }
0x61: {  	_ =	shalt  }
0x62: {  	_ =	shalt  }
0x63: {  	_ =	shalt  }
0x64: {  	_ =	shalt  }
0x65: {  	_ =	shalt  }
0x66: {  	_ =	shalt  }
0x67: {  	_ =	shalt  }
0x68: {  	_ =	shalt  }
0x69: {  	_ =	shalt  }
0x6a: {  	_ =	shalt  }
0x6b: {  	_ =	shalt  }
0x6c: {  	_ =	shalt  }
0x6d: {  	_ =	shalt  }
0x6e: {  	_ =	shalt  }
0x6f: {  	_ =	shalt  }
0x70: {  	_ =	shalt  }
0x71: {  	_ =	shalt  }
0x72: {  	_ =	shalt  }
0x73: {  	_ =	shalt  }
0x74: {  	_ =	shalt  }
0x75: {  	_ =	shalt  }
0x76: {  	_ =	shalt  }
0x77: {  	_ =	shalt  }
0x78: {  	_ =	shalt  }
0x79: {  	_ =	shalt  }
0x7a: {  	_ =	shalt  }
0x7b: {  	_ =	shalt  }
0x7c: {  	_ =	shalt  }
0x7d: {  	_ =	shalt  }
0x7e: {  	_ =	shalt  }
0x7f: {  	_ =	shalt  }
0x80: {  	_ =	shalt  }
0x81: {  	_ =	shalt  }
0x82: {  	_ =	shalt  }
0x83: {  	_ =	shalt  }
0x84: {  	_ =	shalt  }
0x85: {  	_ =	shalt  }
0x86: {  	_ =	shalt  }
0x87: {  	_ =	shalt  }
.Lfunc_end0:
.L_simem_size_0:
called_computation.1_lowered:
.L_overlay_start_0:
0x88: {  	s2 =	sld [smem:$0x3FD9]  }
0x89: {  	s3 =	sld [smem:$0x3FFE];
	_ =	sdelay $0x1  }
0x8a: {  	s1 =	srdreg.scid  }
0x8b: {  	s0 =	sand.u32 $0x1, s1  }
0x8c: {  	s16 =	sshll.u32 s0, $0xA;
	s2 =	sadd.s32 s3, s2  }
0x8d: {  	s2 =	sadd.s32 s2, s16  }
0x8e: {  	[smem:$0x3FBE] =	sst s2  }
0x8f: {  	_ = 	snop  }
0x90: {  	(tm) =	ssettm $0x1  }
0x91: {  	s17 =	sld [smem:$0x3FFB];
	_ =	sdelay $0x3  }
0x92: {  	_ =	strace s17  }
0x93: {  	s2 =	sld [smem:$0x3FFC];
	_ =	sdelay $0x3  }
0x94: {  	_ =	strace s2  }
0x95: {  	s2 =	sld [smem:$0x3FFD];
	_ =	sdelay $0x3  }
0x96: {  	_ =	strace s2  }
0x97: {  	_ =	strace $0x8FFFFFFF  }
0x98: {  	s18 =	sld [smem:$0x3FDB];
	_ =	sdelay $0x1  }
0x99: {  	s19 =	simm.s32 $_scs_section_size  }
0x9a: {  	s4 =	simm.s32 $_size__tile_overlayer_lowered;
	s5 =	simm.s32 $_tile_overlayer_lowered  }
0x9b: {  	s22 =	simm.s32 $0x1BFF;
	s21 =	sshll.u32 s5, $0x1;
	s2 =	sadd.s32 s19, s18  }
0x9c: {  	s6 =	simm.s32 $0x0;
	s20 =	sshll.u32 s4, $0x1;
	s4 =	sadd.s32 s21, s2  }
0x9d: {  	[timem:s6], [sflag:s22] =	dma.local [hbm:s4], s20  }
0x9e: {  	_ =	swait.ge [sflag:s22], s20  }
0x9f: {  	s3 =	ssub.s32 $0x0, s20;
	[sflag:s22] =	ssyncset.done $0x0  }
0xa0: {  	[sflag:s22] =	ssyncadd.s32 s3;
	_ =	sdelay $0x1  }
0xa1: {  	s23 =	simm.s32 $0x1B8B  }
0xa2: {  	_ =	swait.ge [sflag:s23], $0x1  }
0xa3: {  	[sflag:s23] =	ssyncset.done $0x0  }
0xa4: {  	s25 =	simm.s32 $0x1B8E;
	s24 =	sld [smem:$0x3FFE];
	[sflag:s23] =	ssyncadd.s32 $0xFFFFFFFF  }
0xa5: {  	s26 =	simm.s32 $execute0_lowered;
	[smem:$0x3FD2] =	sst s25  }
0xa6: {  	s4 =	sshll.u32 s26, $0x1;
	_ =	strace $0x80000049;
	[dreg:$0x1] =	wrdreg $0xFFFFFFFF  }
0xa7: {  	s28 =	simm.s32 $_size_execute0_lowered;
	s2 =	sadd.s32 s2, s4;
	[dreg:$0x0] =	wrdreg $0x0  }
0xa8: {  	s4 =	sshll.u32 s28, $0x1;
	[dreg:$0x2] =	wrdreg s2  }
0xa9: {  	[dreg:$0x3] =	wrdreg s4  }
0xaa: {  	[dreg:$0x4] =	wrdreg $0xC0  }
0xab: {  	_ =	task [dreg:s6], $0x5FFFF  }
0xac: {  	[dreg:$0x1] =	wrdreg $0xFFFFFFFF  }
0xad: {  	[dreg:$0x0] =	wrdreg $0x60  }
0xae: {  	[dreg:$0x2] =	wrdreg s24  }
0xaf: {  	[dreg:$0x3] =	wrdreg $0x16F000  }
0xb0: {  	[dreg:$0x4] =	wrdreg $0x11F000  }
0xb1: {  	[dreg:$0x5] =	wrdreg $0x9  }
0xb2: {  	_ =	task.clear_ibuf [dreg:s6], $0x6FFFF;
	_ =	strace $0x90000049  }
0xb3: {  	s29 =	simm.s32 $0x9;
	_ =	strace $0x8000004B  }
0xb4: {  	_ =	swait.ge [sflag:s29], $0x1  }
0xb5: {  	[sflag:s29] =	ssyncadd.s32 $0xFFFFFFFF  }
0xb6: {  	_ =	strace $0x9000004B  }
0xb7: {  	_ =	sfence  }
0xb8: {  	s30 =	sld [smem:$0x0];
	_ =	sdelay $0x2  }
0xb9: {  	s31 =	sshll.u32 s1, $0xD;
	s1 =	sshrl.u32 s1, $0x2  }
0xba: {  	s3 =	sand.u32 $0x4000, s31;
	s1 =	sadd.s32 s1, s30  }
0xbb: {  	s0 =	sor.u32 s3, s0;
	s1 =	sshll.u32 s1, $0x11  }
0xbc: {  	s0 =	sor.u32 s1, s0  }
0xbd: {  	s0 =	sadd.s32 $0x8F2B, s0  }
0xbe: {  	[sflag:s0] =	ssyncadd.remote.s32 $0x1  }
0xbf: {  	_ =	sfence.sel $0xFFFF  }
0xc0: {  	[dreg:$0x0] =	wrdreg $0xFFFFFFFF;
	(pc) =	sbr.abs _section_cstart, $3  }
0xc1: {  	[dreg:$0x1] =	wrdreg $0xFFFFFFFF  }
0xc2: {  	_ =	task.clear_ibuf [dreg:s6], $0x2FFFF;
	_ =	strace $0x9FFFFFFF  }
0xc3: {  	(tm) =	ssettm $0x7FFFFFFF  }
tec
execute0_lowered:
.L_overlay_start_1:
0x0: {  	(tag) =	ssettag $0x1  }
0x1: {  	s0 =	rddreg [dreg:$0x0]  }
0x2: {  	s2 =	rddreg [dreg:$0x1]  }
0x3: {  	s3 =	rddreg [dreg:$0x2];
	s11 =	stileid.u32  }
0x4: {  	s5 =	simm.s32 $0x0;
	s4 =	srdreg.scid;
	s29 =	simm.s32 $0x13  }
0x5: {  	s31 =	simm.s32 $0x14;
	s30 =	simm.s32 $0x17;
	s28 =	simm.s32 $0x1A  }
0x6: {  	s1 =	smul.u32 $0x5000, s11;
	[smem:$0x7FF] =	sst s5;
	s4 =	sand.u32 $0x1, s4  }
0x7: {  	s7 =	sadd.s32 $0x2400, s0;
	s8 =	sshll.u32 s11, $0x1;
	s20 =	sshll.u32 s11, $0x6  }
0x8: {  	p0 =	sgt.u32 s11, $0x1;
	_ =	strace $0x8000004A;
	s6 =	smul.u32 $0x50000, s4  }
0x9: {  	s9 =	ssub.s32 $0x2, s4;
	s4 =	sor.u32 s4, s8;
	s22 =	sor.u32 $0x1C01, s20  }
0xa: {  	[dreg:$0x5] =	wrdreg s20;
	s26 =	sor.u32 $0x1C02, s20;
	s16 =	sshrl.u32 s1, $0x3  }
0xb: {  	s17 =	sshrl.u32 s9, $0x1;
	s10 =	smul.u32 $0x2700, s4;
	[dreg:$0x6] =	wrdreg s22  }
0xc: {  	s19 =	sadd.s32 s1, s2;
	s4 =	sshll.u32 s4, $0x4;
	[dreg:$0xe] =	wrdreg s26  }
0xd: {  	s22 =	simm.s32 $0x80;
	s26 =	simm.s32 $0x12;
	s5 =	sadd.s32 s16, s0  }
0xe: {  	s6 =	sadd.s32 s1, s6;
	s18 =	ssub.s32 s9, s17;
	s1 =	sadd.s32 s1, s3  }
0xf: {  	s4 =	sadd.s32 s4, s7;
	s25 =	sshrl.u32 s19, $0x3;
	s16 =	simm.s32 $0xD  }
0x10: {  	s17 =	simm.s32 $0x18;
	s5 =	sadd.s32 $0x15E00, s5;
	[dreg:$0xd] =	wrdreg s25  }
0x11: {  	s6 =	sshrl.u32 s6, $0x3;
	s23 =	sadd.s32 $0x9C00, s4;
	[dreg:$0x4] =	wrdreg s5  }
0x12: {  	s21 =	sshrl.u32 s10, $0x3;
	s4 =	sadd.s32 $0x13840, s4;
	[dreg:$0x9] =	wrdreg s23  }
0x13: {  	s24 =	smax.u32 s18, $0x1;
	s9 =	sshrl.u32 s1, $0x3;
	[dreg:$0xa] =	wrdreg s4  }
0x14: {  	s1 =	simm.s32 $0x15;
	s25 =	simm.s32 $0x16;
	[dreg:$0xc] =	wrdreg s24  }
0x15: {  	s0 =	sadd.s32 s6, s0;
	s5 =	sadd.s32 s7, s21;
	[dreg:$0xf] =	wrdreg s9  }
0x16: {  	s23 =	simm.s32 $0x10;
	[dreg:$0x7] =	wrdreg s5;
	s5 =	sadd.s32 $0x9C40, s5  }
0x17: {  	s24 =	simm.s32 $0x11;
	s0 =	sadd.s32 $0x1FE00, s0;
	[dreg:$0x8] =	wrdreg s5  }
0x18: {  	[dreg:$0xb] =	wrdreg s0;
	s0 =	simm.s32 $0x19;
	s5 =	simm.s32 $0x0  }
.LBB2_1:
0x19: {  	[dreg:$0x10] =	wrdreg s5  }
0x1a: {  	s7 =	rddreg [dreg:$0x4]  }
0x1b: {  	s21 =	rddreg [dreg:$0x6]  }
0x1c: {  	s18 =	rddreg [dreg:$0xd]  }
0x1d: {  	[spmem:s18], [sflag:s21] =	dma.local [hbm:s7], $0xA00  }
0x1e: {  	s4 =	smov.u32 s9;
	s9 =	rddreg [dreg:$0xe]  }
0x1f: {  	[spmem:s4], [sflag:s9] =	dma.local [hbm:s7], $0xA00  }
0x20: {  	s6 =	simm.s32 $0x0;
	s7 =	rddreg [dreg:$0x7]  }
0x21: {  	[tilespmem:s6], [sflag:$0xE] =	stream.linear.gather [hbm4b:s7+s6], $0x2700, $0x38;
	[tilespmem:$0x1BF00] =	vst v63  }
0x22: {  	s8 =	simm.s32 $0x2780;
	s10 =	simm.s32 $0x1;
	s5 =	rddreg [dreg:$0x8]  }
0x23: {  	[tilespmem:s8], [sflag:$0xF] =	stream.linear.gather [hbm4b:s5+s6], $0x2700, $0x38;
	[tilespmem:$0x1BF00] =	vst v63  }
0x24: {  	_ =	swait.ge [sflag:s10], $0xA00  }
0x25: {  	[sflag:s10] =	ssyncset.done $0x0  }
0x26: {  	s19 =	simm.s32 $0x2;
	[sflag:s10] =	ssyncadd.s32 $0xFFFFF600  }
0x27: {  	_ =	swait.ge [sflag:s19], $0xA00  }
0x28: {  	[sflag:s19] =	ssyncset.done $0x0  }
0x29: {  	s20 =	simm.s32 $0xE;
	[sflag:s19] =	ssyncadd.s32 $0xFFFFF600  }
0x2a: {  	_ =	swait.ge [sflag:s20], $0x2700  }
0x2b: {  	[sflag:s20] =	ssyncset.done $0x0  }
0x2c: {  	s21 =	simm.s32 $0xF;
	[sflag:s20] =	ssyncadd.s32 $0xFFFFD900  }
0x2d: {  	_ =	swait.ge [sflag:s21], $0x2700  }
0x2e: {  	s4 =	simm.s32 @!p0 $0x0;
	[sflag:s21] =	ssyncset.done $0x0  }
0x2f: {  	s9 =	simm.s32 @!p0 $0x2700;
	s7 =	rddreg [dreg:$0x9];
	[sflag:s21] =	ssyncadd.s32 $0xFFFFD900  }
0x30: {  	[tilespmem:s9], [sflag:$0x1B] =	stream.linear.gather @!p0 [hbm4b:s7+s4], $0x80, $0x38;
	[tilespmem:$0x1BF00] =	vst v63  }
0x31: {  	s9 =	simm.s32 @!p0 $0x1B  }
0x32: {  	_ =	swait.ge @!p0 [sflag:s9], $0x80  }
0x33: {  	[sflag:s9] =	ssyncset.done @!p0 $0x0  }
0x34: {  	s7 =	simm.s32 @!p0 $0x4E80;
	s18 =	rddreg [dreg:$0xa];
	[sflag:s9] =	ssyncadd.s32 @!p0 $0xFFFFFF80  }
0x35: {  	[tilespmem:s7], [sflag:$0x1B] =	stream.linear.gather @!p0 [hbm4b:s18+s4], $0x80, $0x38;
	[tilespmem:$0x1BF00] =	vst v63  }
0x36: {  	_ =	swait.ge @!p0 [sflag:s9], $0x80  }
0x37: {  	[sflag:s9] =	ssyncset.done @!p0 $0x0  }
0x38: {  	[sflag:s9] =	ssyncadd.s32 @!p0 $0xFFFFFF80  }
0x39: {  	s9 =	simm.s32 $0x4F00;
	[bflag:$0x0] =	sbarrier.arrive $0xFFFF  }
0x3a: {  	[tilespmem:s9], [sflag:$0x1] =	stream.indirect.gather [spmem:s2], $0x20, s6, s22, $0xb8;
	[tilespmem:$0x1BF00] =	vst v63  }
0x3b: {  	s18 =	simm.s32 $0x5F00  }
0x3c: {  	[tilespmem:s18], [sflag:$0x2] =	stream.indirect.gather [spmem:s2], $0x20, s22, s22, $0xb8;
	[tilespmem:$0x1BF00] =	vst v63  }
0x3d: {  	s11 =	simm.s32 $0x100;
	s10 =	simm.s32 $0x6F00  }
0x3e: {  	[tilespmem:s10], [sflag:$0x3] =	stream.indirect.gather [spmem:s2], $0x20, s11, s22, $0xb8;
	[tilespmem:$0x1BF00] =	vst v63  }
0x3f: {  	s12 =	simm.s32 $0x180;
	s11 =	simm.s32 $0x7F00  }
0x40: {  	[tilespmem:s11], [sflag:$0x4] =	stream.indirect.gather [spmem:s2], $0x20, s12, s22, $0xb8;
	[tilespmem:$0x1BF00] =	vst v63  }
0x41: {  	s13 =	simm.s32 $0x200;
	s12 =	simm.s32 $0x8F00  }
0x42: {  	[tilespmem:s12], [sflag:$0x5] =	stream.indirect.gather [spmem:s2], $0x20, s13, s22, $0xb8;
	[tilespmem:$0x1BF00] =	vst v63  }
0x43: {  	s14 =	simm.s32 $0x280;
	s13 =	simm.s32 $0x9F00  }
0x44: {  	[tilespmem:s13], [sflag:$0x6] =	stream.indirect.gather [spmem:s2], $0x20, s14, s22, $0xb8;
	[tilespmem:$0x1BF00] =	vst v63  }
0x45: {  	s15 =	simm.s32 $0x300;
	s14 =	simm.s32 $0xAF00  }
0x46: {  	[tilespmem:s14], [sflag:$0x7] =	stream.indirect.gather [spmem:s2], $0x20, s15, s22, $0xb8;
	[tilespmem:$0x1BF00] =	vst v63  }
0x47: {  	s4 =	simm.s32 $0x380;
	s15 =	simm.s32 $0xBF00  }
0x48: {  	[tilespmem:s15], [sflag:$0x8] =	stream.indirect.gather [spmem:s2], $0x20, s4, s22, $0xb8;
	[tilespmem:$0x1BF00] =	vst v63  }
0x49: {  	s8 =	simm.s32 $0xCF00;
	s6 =	simm.s32 $0x400  }
0x4a: {  	[tilespmem:s8], [sflag:$0x9] =	stream.indirect.gather [spmem:s2], $0x20, s6, s22, $0xb8;
	[tilespmem:$0x1BF00] =	vst v63  }
0x4b: {  	s4 =	simm.s32 $0x480;
	s6 =	simm.s32 $0xDF00  }
0x4c: {  	[tilespmem:s6], [sflag:$0xA] =	stream.indirect.gather [spmem:s2], $0x20, s4, s22, $0xb8;
	[tilespmem:$0x1BF00] =	vst v63  }
0x4d: {  	s7 =	simm.s32 $0xEF00;
	s4 =	simm.s32 $0x500  }
0x4e: {  	[tilespmem:s7], [sflag:$0xB] =	stream.indirect.gather [spmem:s2], $0x20, s4, s22, $0xb8;
	[tilespmem:$0x1BF00] =	vst v63  }
0x4f: {  	s6 =	simm.s32 $0x580;
	s7 =	simm.s32 $0xFF00  }
0x50: {  	[tilespmem:s7], [sflag:$0xC] =	stream.indirect.gather [spmem:s2], $0x20, s6, s22, $0xb8;
	[tilespmem:$0x1BF00] =	vst v63  }
0x51: {  	s5 =	simm.s32 $0x1;
	s7 =	simm.s32 $0x600;
	s6 =	simm.s32 $0x10F00  }
0x52: {  	[tilespmem:s6], [sflag:$0xD] =	stream.indirect.gather [spmem:s2], $0x20, s7, s22, $0xb8;
	[tilespmem:$0x1BF00] =	vst v63  }
0x53: {  	_ =	swait.ge [sflag:s5], $0x1000  }
0x54: {  	[sflag:s5] =	ssyncset.done $0x0  }
0x55: {  	s4 =	simm.s32 $0x2780;
	[sflag:s5] =	ssyncadd.s32 $0xFFFFF000  }
0x56: {  	[spmem:s3] =	stream.indirect.scatter.add.f32 [tilespmem:s9], [sflag:$0xE], $0x20, s4, s22, $0xb8;
	[tilespmem:$0x1BF00] =	vst v63  }
0x57: {  	_ =	swait.ge [sflag:s19], $0x1000  }
0x58: {  	[sflag:s19] =	ssyncset.done $0x0  }
0x59: {  	s5 =	simm.s32 $0x2800;
	[sflag:s19] =	ssyncadd.s32 $0xFFFFF000;
	s19 =	simm.s32 $0x3  }
0x5a: {  	[spmem:s3] =	stream.indirect.scatter.add.f32 [tilespmem:s18], [sflag:$0xF], $0x20, s5, s22, $0xb8;
	[tilespmem:$0x1BF00] =	vst v63  }
0x5b: {  	_ =	swait.ge [sflag:s19], $0x1000  }
0x5c: {  	[sflag:s19] =	ssyncset.done $0x0  }
0x5d: {  	s5 =	simm.s32 $0x2880;
	[sflag:s19] =	ssyncadd.s32 $0xFFFFF000;
	s19 =	simm.s32 $0x4  }
0x5e: {  	[spmem:s3] =	stream.indirect.scatter.add.f32 [tilespmem:s10], [sflag:$0x10], $0x20, s5, s22, $0xb8;
	[tilespmem:$0x1BF00] =	vst v63  }
0x5f: {  	_ =	swait.ge [sflag:s19], $0x1000  }
0x60: {  	[sflag:s19] =	ssyncset.done $0x0  }
0x61: {  	s5 =	simm.s32 $0x2900;
	[sflag:s19] =	ssyncadd.s32 $0xFFFFF000;
	s19 =	simm.s32 $0x5  }
0x62: {  	[spmem:s3] =	stream.indirect.scatter.add.f32 [tilespmem:s11], [sflag:$0x11], $0x20, s5, s22, $0xb8;
	[tilespmem:$0x1BF00] =	vst v63  }
0x63: {  	_ =	swait.ge [sflag:s19], $0x1000  }
0x64: {  	[sflag:s19] =	ssyncset.done $0x0  }
0x65: {  	s5 =	simm.s32 $0x2980;
	[sflag:s19] =	ssyncadd.s32 $0xFFFFF000;
	s19 =	simm.s32 $0x6  }
0x66: {  	[spmem:s3] =	stream.indirect.scatter.add.f32 [tilespmem:s12], [sflag:$0x12], $0x20, s5, s22, $0xb8;
	[tilespmem:$0x1BF00] =	vst v63  }
0x67: {  	_ =	swait.ge [sflag:s19], $0x1000  }
0x68: {  	[sflag:s19] =	ssyncset.done $0x0  }
0x69: {  	s5 =	simm.s32 $0x2A00;
	[sflag:s19] =	ssyncadd.s32 $0xFFFFF000;
	s19 =	simm.s32 $0x7  }
0x6a: {  	[spmem:s3] =	stream.indirect.scatter.add.f32 [tilespmem:s13], [sflag:$0x13], $0x20, s5, s22, $0xb8;
	[tilespmem:$0x1BF00] =	vst v63  }
0x6b: {  	_ =	swait.ge [sflag:s19], $0x1000  }
0x6c: {  	[sflag:s19] =	ssyncset.done $0x0  }
0x6d: {  	s5 =	simm.s32 $0x2A80;
	[sflag:s19] =	ssyncadd.s32 $0xFFFFF000;
	s19 =	simm.s32 $0x8  }
0x6e: {  	[spmem:s3] =	stream.indirect.scatter.add.f32 [tilespmem:s14], [sflag:$0x14], $0x20, s5, s22, $0xb8;
	[tilespmem:$0x1BF00] =	vst v63  }
0x6f: {  	_ =	swait.ge [sflag:s19], $0x1000  }
0x70: {  	[sflag:s19] =	ssyncset.done $0x0  }
0x71: {  	s5 =	simm.s32 $0x2B00;
	[sflag:s19] =	ssyncadd.s32 $0xFFFFF000;
	s19 =	simm.s32 $0x9  }
0x72: {  	[spmem:s3] =	stream.indirect.scatter.add.f32 [tilespmem:s15], [sflag:$0x15], $0x20, s5, s22, $0xb8;
	[tilespmem:$0x1BF00] =	vst v63  }
0x73: {  	_ =	swait.ge [sflag:s19], $0x1000  }
0x74: {  	[sflag:s19] =	ssyncset.done $0x0  }
0x75: {  	s5 =	simm.s32 $0x2B80;
	[sflag:s19] =	ssyncadd.s32 $0xFFFFF000;
	s19 =	simm.s32 $0xA  }
0x76: {  	[spmem:s3] =	stream.indirect.scatter.add.f32 [tilespmem:s8], [sflag:$0x16], $0x20, s5, s22, $0xb8;
	[tilespmem:$0x1BF00] =	vst v63  }
0x77: {  	_ =	swait.ge [sflag:s19], $0x1000  }
0x78: {  	s4 =	simm.s32 $0x2C00;
	[sflag:s19] =	ssyncset.done $0x0  }
0x79: {  	s5 =	simm.s32 $0xDF00;
	[sflag:s19] =	ssyncadd.s32 $0xFFFFF000;
	s19 =	simm.s32 $0xB  }
0x7a: {  	[spmem:s3] =	stream.indirect.scatter.add.f32 [tilespmem:s5], [sflag:$0x17], $0x20, s4, s22, $0xb8;
	[tilespmem:$0x1BF00] =	vst v63  }
0x7b: {  	_ =	swait.ge [sflag:s19], $0x1000  }
0x7c: {  	s7 =	simm.s32 $0xC;
	[sflag:s19] =	ssyncset.done $0x0  }
0x7d: {  	s5 =	simm.s32 $0x2C80;
	[sflag:s19] =	ssyncadd.s32 $0xFFFFF000;
	s19 =	simm.s32 $0xEF00  }
0x7e: {  	[spmem:s3] =	stream.indirect.scatter.add.f32 [tilespmem:s19], [sflag:$0x18], $0x20, s5, s22, $0xb8;
	[tilespmem:$0x1BF00] =	vst v63  }
0x7f: {  	_ =	swait.ge [sflag:s7], $0x1000  }
0x80: {  	[sflag:s7] =	ssyncset.done $0x0  }
0x81: {  	s4 =	simm.s32 $0x2D00;
	s5 =	simm.s32 $0xFF00;
	[sflag:s7] =	ssyncadd.s32 $0xFFFFF000  }
0x82: {  	[spmem:s3] =	stream.indirect.scatter.add.f32 [tilespmem:s5], [sflag:$0x19], $0x20, s4, s22, $0xb8;
	[tilespmem:$0x1BF00] =	vst v63  }
0x83: {  	_ =	swait.ge [sflag:s16], $0x1000  }
0x84: {  	[sflag:s16] =	ssyncset.done $0x0  }
0x85: {  	s4 =	simm.s32 $0x2D80;
	[sflag:s16] =	ssyncadd.s32 $0xFFFFF000  }
0x86: {  	[spmem:s3] =	stream.indirect.scatter.add.f32 [tilespmem:s6], [sflag:$0x1A], $0x20, s4, s22, $0xb8;
	[tilespmem:$0x1BF00] =	vst v63  }
0x87: {  	_ =	swait.ge [sflag:s20], $0x1000  }
0x88: {  	[sflag:s20] =	ssyncset.done $0x0  }
0x89: {  	[sflag:s20] =	ssyncadd.s32 $0xFFFFF000;
	s20 =	simm.s32 $0x680  }
0x8a: {  	[tilespmem:s9], [sflag:$0x1] =	stream.indirect.gather [spmem:s2], $0x20, s20, s22, $0xb8;
	[tilespmem:$0x1BF00] =	vst v63  }
0x8b: {  	_ =	swait.ge [sflag:s21], $0x1000  }
0x8c: {  	[sflag:s21] =	ssyncset.done $0x0  }
0x8d: {  	s4 =	simm.s32 $0x700;
	[sflag:s21] =	ssyncadd.s32 $0xFFFFF000  }
0x8e: {  	[tilespmem:s18], [sflag:$0x2] =	stream.indirect.gather [spmem:s2], $0x20, s4, s22, $0xb8;
	[tilespmem:$0x1BF00] =	vst v63  }
0x8f: {  	_ =	swait.ge [sflag:s23], $0x1000  }
0x90: {  	[sflag:s23] =	ssyncset.done $0x0  }
0x91: {  	s6 =	simm.s32 $0x780;
	[sflag:s23] =	ssyncadd.s32 $0xFFFFF000  }
0x92: {  	[tilespmem:s10], [sflag:$0x3] =	stream.indirect.gather [spmem:s2], $0x20, s6, s22, $0xb8;
	[tilespmem:$0x1BF00] =	vst v63  }
0x93: {  	_ =	swait.ge [sflag:s24], $0x1000  }
0x94: {  	[sflag:s24] =	ssyncset.done $0x0  }
0x95: {  	s9 =	simm.s32 $0x800;
	[sflag:s24] =	ssyncadd.s32 $0xFFFFF000  }
0x96: {  	[tilespmem:s11], [sflag:$0x4] =	stream.indirect.gather [spmem:s2], $0x20, s9, s22, $0xb8;
	[tilespmem:$0x1BF00] =	vst v63  }
0x97: {  	_ =	swait.ge [sflag:s26], $0x1000  }
0x98: {  	[sflag:s26] =	ssyncset.done $0x0  }
0x99: {  	s10 =	simm.s32 $0x880;
	[sflag:s26] =	ssyncadd.s32 $0xFFFFF000  }
0x9a: {  	[tilespmem:s12], [sflag:$0x5] =	stream.indirect.gather [spmem:s2], $0x20, s10, s22, $0xb8;
	[tilespmem:$0x1BF00] =	vst v63  }
0x9b: {  	_ =	swait.ge [sflag:s29], $0x1000  }
0x9c: {  	[sflag:s29] =	ssyncset.done $0x0  }
0x9d: {  	s11 =	simm.s32 $0x900;
	[sflag:s29] =	ssyncadd.s32 $0xFFFFF000  }
0x9e: {  	[tilespmem:s13], [sflag:$0x6] =	stream.indirect.gather [spmem:s2], $0x20, s11, s22, $0xb8;
	[tilespmem:$0x1BF00] =	vst v63  }
0x9f: {  	_ =	swait.ge [sflag:s31], $0x1000  }
0xa0: {  	[sflag:s31] =	ssyncset.done $0x0  }
0xa1: {  	s12 =	simm.s32 $0x980;
	[sflag:s31] =	ssyncadd.s32 $0xFFFFF000  }
0xa2: {  	[tilespmem:s14], [sflag:$0x7] =	stream.indirect.gather [spmem:s2], $0x20, s12, s22, $0xb8;
	[tilespmem:$0x1BF00] =	vst v63  }
0xa3: {  	_ =	swait.ge [sflag:s1], $0x1000  }
0xa4: {  	[sflag:s1] =	ssyncset.done $0x0  }
0xa5: {  	s13 =	simm.s32 $0xA00;
	[sflag:s1] =	ssyncadd.s32 $0xFFFFF000  }
0xa6: {  	[tilespmem:s15], [sflag:$0x8] =	stream.indirect.gather [spmem:s2], $0x20, s13, s22, $0xb8;
	[tilespmem:$0x1BF00] =	vst v63  }
0xa7: {  	_ =	swait.ge [sflag:s25], $0x1000  }
0xa8: {  	[sflag:s25] =	ssyncset.done $0x0  }
0xa9: {  	s14 =	simm.s32 $0xA80;
	[sflag:s25] =	ssyncadd.s32 $0xFFFFF000  }
0xaa: {  	[tilespmem:s8], [sflag:$0x9] =	stream.indirect.gather [spmem:s2], $0x20, s14, s22, $0xb8;
	[tilespmem:$0x1BF00] =	vst v63  }
0xab: {  	_ =	swait.ge [sflag:s30], $0x1000  }
0xac: {  	[sflag:s30] =	ssyncset.done $0x0  }
0xad: {  	s18 =	simm.s32 $0xDF00;
	s15 =	simm.s32 $0xB00;
	[sflag:s30] =	ssyncadd.s32 $0xFFFFF000  }
0xae: {  	[tilespmem:s18], [sflag:$0xA] =	stream.indirect.gather [spmem:s2], $0x20, s15, s22, $0xb8;
	[tilespmem:$0x1BF00] =	vst v63  }
0xaf: {  	_ =	swait.ge [sflag:s17], $0x1000  }
0xb0: {  	[sflag:s17] =	ssyncset.done $0x0  }
0xb1: {  	s20 =	simm.s32 $0xB80;
	[sflag:s17] =	ssyncadd.s32 $0xFFFFF000  }
0xb2: {  	[tilespmem:s19], [sflag:$0xB] =	stream.indirect.gather [spmem:s2], $0x20, s20, s22, $0xb8;
	[tilespmem:$0x1BF00] =	vst v63  }
0xb3: {  	_ =	swait.ge [sflag:s0], $0x1000  }
0xb4: {  	[sflag:s0] =	ssyncset.done $0x0  }
0xb5: {  	s5 =	simm.s32 $0xFF00;
	s21 =	simm.s32 $0xC00;
	[sflag:s0] =	ssyncadd.s32 $0xFFFFF000  }
0xb6: {  	[tilespmem:s5], [sflag:$0xC] =	stream.indirect.gather [spmem:s2], $0x20, s21, s22, $0xb8;
	[tilespmem:$0x1BF00] =	vst v63  }
0xb7: {  	_ =	swait.ge [sflag:s28], $0x1000  }
0xb8: {  	[sflag:s28] =	ssyncset.done $0x0  }
0xb9: {  	s7 =	simm.s32 $0x1A00;
	s9 =	simm.s32 $0xC80;
	[sflag:s28] =	ssyncadd.s32 $0xFFFFF000  }
.LBB2_2:
0xba: {  	s20 =	simm.s32 $0x10F00  }
0xbb: {  	[tilespmem:s20], [sflag:$0xD] =	stream.indirect.gather [spmem:s2], $0x20, s9, s22, $0xb8;
	[tilespmem:$0x1BF00] =	vst v63  }
0xbc: {  	s18 =	simm.s32 $0x1;
	s9 =	smov.u32 s7  }
0xbd: {  	p1 =	sne.s32 s7, $0x6800;
	s7 =	sadd.s32 $0x1A00, s7;
	_ =	swait.ge [sflag:s18], $0x1000  }
0xbe: {  	s9 =	sshra.s32 s9, $0x2;
	[sflag:s18] =	ssyncset.done $0x0  }
0xbf: {  	s19 =	simm.s32 $0x4F00;
	[sflag:s18] =	ssyncadd.s32 $0xFFFFF000;
	s18 =	sadd.s32 $0x2780, s9  }
0xc0: {  	[spmem:s3] =	stream.indirect.scatter.add.f32 [tilespmem:s19], [sflag:$0xE], $0x20, s18, s22, $0xb8;
	[tilespmem:$0x1BF00] =	vst v63  }
0xc1: {  	s18 =	simm.s32 $0x2  }
0xc2: {  	_ =	swait.ge [sflag:s18], $0x1000  }
0xc3: {  	s21 =	simm.s32 $0x5F00;
	[sflag:s18] =	ssyncset.done $0x0  }
0xc4: {  	s4 =	simm.s32 $0x3;
	[sflag:s18] =	ssyncadd.s32 $0xFFFFF000;
	s18 =	sadd.s32 $0x2800, s9  }
0xc5: {  	[spmem:s3] =	stream.indirect.scatter.add.f32 [tilespmem:s21], [sflag:$0xF], $0x20, s18, s22, $0xb8;
	[tilespmem:$0x1BF00] =	vst v63  }
0xc6: {  	_ =	swait.ge [sflag:s4], $0x1000  }
0xc7: {  	s10 =	simm.s32 $0x6F00;
	[sflag:s4] =	ssyncset.done $0x0  }
0xc8: {  	s18 =	sadd.s32 $0x2880, s9;
	[sflag:s4] =	ssyncadd.s32 $0xFFFFF000;
	s4 =	simm.s32 $0x4  }
0xc9: {  	[spmem:s3] =	stream.indirect.scatter.add.f32 [tilespmem:s10], [sflag:$0x10], $0x20, s18, s22, $0xb8;
	[tilespmem:$0x1BF00] =	vst v63  }
0xca: {  	_ =	swait.ge [sflag:s4], $0x1000  }
0xcb: {  	s11 =	simm.s32 $0x7F00;
	[sflag:s4] =	ssyncset.done $0x0  }
0xcc: {  	s18 =	sadd.s32 $0x2900, s9;
	[sflag:s4] =	ssyncadd.s32 $0xFFFFF000;
	s4 =	simm.s32 $0x5  }
0xcd: {  	[spmem:s3] =	stream.indirect.scatter.add.f32 [tilespmem:s11], [sflag:$0x11], $0x20, s18, s22, $0xb8;
	[tilespmem:$0x1BF00] =	vst v63  }
0xce: {  	_ =	swait.ge [sflag:s4], $0x1000  }
0xcf: {  	s12 =	simm.s32 $0x8F00;
	[sflag:s4] =	ssyncset.done $0x0  }
0xd0: {  	s18 =	sadd.s32 $0x2980, s9;
	[sflag:s4] =	ssyncadd.s32 $0xFFFFF000;
	s4 =	simm.s32 $0x6  }
0xd1: {  	[spmem:s3] =	stream.indirect.scatter.add.f32 [tilespmem:s12], [sflag:$0x12], $0x20, s18, s22, $0xb8;
	[tilespmem:$0x1BF00] =	vst v63  }
0xd2: {  	_ =	swait.ge [sflag:s4], $0x1000  }
0xd3: {  	s13 =	simm.s32 $0x9F00;
	[sflag:s4] =	ssyncset.done $0x0  }
0xd4: {  	s18 =	sadd.s32 $0x2A00, s9;
	[sflag:s4] =	ssyncadd.s32 $0xFFFFF000;
	s4 =	simm.s32 $0x7  }
0xd5: {  	[spmem:s3] =	stream.indirect.scatter.add.f32 [tilespmem:s13], [sflag:$0x13], $0x20, s18, s22, $0xb8;
	[tilespmem:$0x1BF00] =	vst v63  }
0xd6: {  	_ =	swait.ge [sflag:s4], $0x1000  }
0xd7: {  	s14 =	simm.s32 $0xAF00;
	[sflag:s4] =	ssyncset.done $0x0  }
0xd8: {  	s18 =	sadd.s32 $0x2A80, s9;
	[sflag:s4] =	ssyncadd.s32 $0xFFFFF000;
	s4 =	simm.s32 $0x8  }
0xd9: {  	[spmem:s3] =	stream.indirect.scatter.add.f32 [tilespmem:s14], [sflag:$0x14], $0x20, s18, s22, $0xb8;
	[tilespmem:$0x1BF00] =	vst v63  }
0xda: {  	_ =	swait.ge [sflag:s4], $0x1000  }
0xdb: {  	s15 =	simm.s32 $0xBF00;
	[sflag:s4] =	ssyncset.done $0x0  }
0xdc: {  	s18 =	sadd.s32 $0x2B00, s9;
	[sflag:s4] =	ssyncadd.s32 $0xFFFFF000;
	s4 =	simm.s32 $0x9  }
0xdd: {  	[spmem:s3] =	stream.indirect.scatter.add.f32 [tilespmem:s15], [sflag:$0x15], $0x20, s18, s22, $0xb8;
	[tilespmem:$0x1BF00] =	vst v63  }
0xde: {  	_ =	swait.ge [sflag:s4], $0x1000  }
0xdf: {  	s8 =	simm.s32 $0xCF00;
	[sflag:s4] =	ssyncset.done $0x0  }
0xe0: {  	s18 =	sadd.s32 $0x2B80, s9;
	[sflag:s4] =	ssyncadd.s32 $0xFFFFF000;
	s4 =	simm.s32 $0xA  }
0xe1: {  	[spmem:s3] =	stream.indirect.scatter.add.f32 [tilespmem:s8], [sflag:$0x16], $0x20, s18, s22, $0xb8;
	[tilespmem:$0x1BF00] =	vst v63  }
0xe2: {  	_ =	swait.ge [sflag:s4], $0x1000  }
0xe3: {  	s6 =	simm.s32 $0xDF00;
	[sflag:s4] =	ssyncset.done $0x0  }
0xe4: {  	s18 =	sadd.s32 $0x2C00, s9;
	[sflag:s4] =	ssyncadd.s32 $0xFFFFF000;
	s4 =	simm.s32 $0xB  }
0xe5: {  	[spmem:s3] =	stream.indirect.scatter.add.f32 [tilespmem:s6], [sflag:$0x17], $0x20, s18, s22, $0xb8;
	[tilespmem:$0x1BF00] =	vst v63  }
0xe6: {  	_ =	swait.ge [sflag:s4], $0x1000  }
0xe7: {  	s5 =	simm.s32 $0xC;
	[sflag:s4] =	ssyncset.done $0x0  }
0xe8: {  	s18 =	sadd.s32 $0x2C80, s9;
	[sflag:s4] =	ssyncadd.s32 $0xFFFFF000;
	s4 =	simm.s32 $0xEF00  }
0xe9: {  	[spmem:s3] =	stream.indirect.scatter.add.f32 [tilespmem:s4], [sflag:$0x18], $0x20, s18, s22, $0xb8;
	[tilespmem:$0x1BF00] =	vst v63  }
0xea: {  	_ =	swait.ge [sflag:s5], $0x1000  }
0xeb: {  	[sflag:s5] =	ssyncset.done $0x0  }
0xec: {  	s18 =	sadd.s32 $0x2D00, s9;
	[sflag:s5] =	ssyncadd.s32 $0xFFFFF000;
	s5 =	simm.s32 $0xFF00  }
0xed: {  	[spmem:s3] =	stream.indirect.scatter.add.f32 [tilespmem:s5], [sflag:$0x19], $0x20, s18, s22, $0xb8;
	[tilespmem:$0x1BF00] =	vst v63  }
0xee: {  	_ =	swait.ge [sflag:s16], $0x1000  }
0xef: {  	[sflag:s16] =	ssyncset.done $0x0  }
0xf0: {  	s18 =	sadd.s32 $0x2D80, s9;
	[sflag:s16] =	ssyncadd.s32 $0xFFFFF000  }
0xf1: {  	[spmem:s3] =	stream.indirect.scatter.add.f32 [tilespmem:s20], [sflag:$0x1A], $0x20, s18, s22, $0xb8;
	[tilespmem:$0x1BF00] =	vst v63  }
0xf2: {  	s18 =	simm.s32 $0xE  }
0xf3: {  	_ =	swait.ge [sflag:s18], $0x1000  }
0xf4: {  	[sflag:s18] =	ssyncset.done $0x0  }
0xf5: {  	[sflag:s18] =	ssyncadd.s32 $0xFFFFF000;
	s18 =	sadd.s32 $0x680, s9  }
0xf6: {  	[tilespmem:s19], [sflag:$0x1] =	stream.indirect.gather [spmem:s2], $0x20, s18, s22, $0xb8;
	[tilespmem:$0x1BF00] =	vst v63  }
0xf7: {  	s20 =	simm.s32 $0x4F00;
	s18 =	simm.s32 $0xF  }
0xf8: {  	_ =	swait.ge [sflag:s18], $0x1000  }
0xf9: {  	[sflag:s18] =	ssyncset.done $0x0  }
0xfa: {  	s19 =	simm.s32 $0x5F00;
	[sflag:s18] =	ssyncadd.s32 $0xFFFFF000;
	s18 =	sadd.s32 $0x700, s9  }
0xfb: {  	[tilespmem:s21], [sflag:$0x2] =	stream.indirect.gather [spmem:s2], $0x20, s18, s22, $0xb8;
	[tilespmem:$0x1BF00] =	vst v63  }
0xfc: {  	_ =	swait.ge [sflag:s23], $0x1000  }
0xfd: {  	[sflag:s23] =	ssyncset.done $0x0  }
0xfe: {  	s18 =	sadd.s32 $0x780, s9;
	s21 =	simm.s32 $0x6F00;
	[sflag:s23] =	ssyncadd.s32 $0xFFFFF000  }
0xff: {  	[tilespmem:s10], [sflag:$0x3] =	stream.indirect.gather [spmem:s2], $0x20, s18, s22, $0xb8;
	[tilespmem:$0x1BF00] =	vst v63  }
0x100: {  	_ =	swait.ge [sflag:s24], $0x1000  }
0x101: {  	[sflag:s24] =	ssyncset.done $0x0  }
0x102: {  	s18 =	sadd.s32 $0x800, s9;
	s10 =	simm.s32 $0x7F00;
	[sflag:s24] =	ssyncadd.s32 $0xFFFFF000  }
0x103: {  	[tilespmem:s11], [sflag:$0x4] =	stream.indirect.gather [spmem:s2], $0x20, s18, s22, $0xb8;
	[tilespmem:$0x1BF00] =	vst v63  }
0x104: {  	_ =	swait.ge [sflag:s26], $0x1000  }
0x105: {  	[sflag:s26] =	ssyncset.done $0x0  }
0x106: {  	s18 =	sadd.s32 $0x880, s9;
	s11 =	simm.s32 $0x8F00;
	[sflag:s26] =	ssyncadd.s32 $0xFFFFF000  }
0x107: {  	[tilespmem:s12], [sflag:$0x5] =	stream.indirect.gather [spmem:s2], $0x20, s18, s22, $0xb8;
	[tilespmem:$0x1BF00] =	vst v63  }
0x108: {  	_ =	swait.ge [sflag:s29], $0x1000  }
0x109: {  	[sflag:s29] =	ssyncset.done $0x0  }
0x10a: {  	s18 =	sadd.s32 $0x900, s9;
	s12 =	simm.s32 $0x9F00;
	[sflag:s29] =	ssyncadd.s32 $0xFFFFF000  }
0x10b: {  	[tilespmem:s13], [sflag:$0x6] =	stream.indirect.gather [spmem:s2], $0x20, s18, s22, $0xb8;
	[tilespmem:$0x1BF00] =	vst v63  }
0x10c: {  	_ =	swait.ge [sflag:s31], $0x1000  }
0x10d: {  	[sflag:s31] =	ssyncset.done $0x0  }
0x10e: {  	s18 =	sadd.s32 $0x980, s9;
	s13 =	simm.s32 $0xAF00;
	[sflag:s31] =	ssyncadd.s32 $0xFFFFF000  }
0x10f: {  	[tilespmem:s14], [sflag:$0x7] =	stream.indirect.gather [spmem:s2], $0x20, s18, s22, $0xb8;
	[tilespmem:$0x1BF00] =	vst v63  }
0x110: {  	_ =	swait.ge [sflag:s1], $0x1000  }
0x111: {  	[sflag:s1] =	ssyncset.done $0x0  }
0x112: {  	s18 =	sadd.s32 $0xA00, s9;
	s14 =	simm.s32 $0xBF00;
	[sflag:s1] =	ssyncadd.s32 $0xFFFFF000  }
0x113: {  	[tilespmem:s15], [sflag:$0x8] =	stream.indirect.gather [spmem:s2], $0x20, s18, s22, $0xb8;
	[tilespmem:$0x1BF00] =	vst v63  }
0x114: {  	_ =	swait.ge [sflag:s25], $0x1000  }
0x115: {  	[sflag:s25] =	ssyncset.done $0x0  }
0x116: {  	s18 =	sadd.s32 $0xA80, s9;
	s15 =	simm.s32 $0xCF00;
	[sflag:s25] =	ssyncadd.s32 $0xFFFFF000  }
0x117: {  	[tilespmem:s8], [sflag:$0x9] =	stream.indirect.gather [spmem:s2], $0x20, s18, s22, $0xb8;
	[tilespmem:$0x1BF00] =	vst v63  }
0x118: {  	_ =	swait.ge [sflag:s30], $0x1000  }
0x119: {  	[sflag:s30] =	ssyncset.done $0x0  }
0x11a: {  	s18 =	sadd.s32 $0xB00, s9;
	s8 =	simm.s32 $0xDF00;
	[sflag:s30] =	ssyncadd.s32 $0xFFFFF000  }
0x11b: {  	[tilespmem:s6], [sflag:$0xA] =	stream.indirect.gather [spmem:s2], $0x20, s18, s22, $0xb8;
	[tilespmem:$0x1BF00] =	vst v63  }
0x11c: {  	_ =	swait.ge [sflag:s17], $0x1000  }
0x11d: {  	[sflag:s17] =	ssyncset.done $0x0  }
0x11e: {  	s18 =	sadd.s32 $0xB80, s9;
	s6 =	simm.s32 $0xEF00;
	[sflag:s17] =	ssyncadd.s32 $0xFFFFF000  }
0x11f: {  	[tilespmem:s4], [sflag:$0xB] =	stream.indirect.gather [spmem:s2], $0x20, s18, s22, $0xb8;
	[tilespmem:$0x1BF00] =	vst v63  }
0x120: {  	_ =	swait.ge [sflag:s0], $0x1000  }
0x121: {  	s18 =	sadd.s32 $0xC00, s9;
	[sflag:s0] =	ssyncset.done $0x0  }
.Ltmp0:
0x122: {  	s4 =	simm.s32 $0xFF00;
	[sflag:s0] =	ssyncadd.s32 $0xFFFFF000;
	(pc) =	sbr.rel @p1 .LBB2_2-.Ltmp0, $4  }
0x123: {  	[tilespmem:s5], [sflag:$0xC] =	stream.indirect.gather [spmem:s2], $0x20, s18, s22, $0xb8;
	[tilespmem:$0x1BF00] =	vst v63  }
0x124: {  	_ =	swait.ge [sflag:s28], $0x1000  }
0x125: {  	[sflag:s28] =	ssyncset.done $0x0  }
0x126: {  	s9 =	sadd.s32 $0xC80, s9;
	[sflag:s28] =	ssyncadd.s32 $0xFFFFF000  }
0x127: {  	s5 =	simm.s32 $0x10F00;
	s7 =	simm.s32 $0x1  }
0x128: {  	[tilespmem:s5], [sflag:$0xD] =	stream.indirect.gather [spmem:s2], $0x20, s9, s22, $0xb8;
	[tilespmem:$0x1BF00] =	vst v63  }
0x129: {  	_ =	swait.ge [sflag:s7], $0x1000  }
0x12a: {  	[sflag:s7] =	ssyncset.done $0x0  }
0x12b: {  	s18 =	simm.s32 $0x4800;
	s9 =	simm.s32 $0x2;
	[sflag:s7] =	ssyncadd.s32 $0xFFFFF000  }
0x12c: {  	[spmem:s3] =	stream.indirect.scatter.add.f32 [tilespmem:s20], [sflag:$0xE], $0x20, s18, s22, $0xb8;
	[tilespmem:$0x1BF00] =	vst v63  }
0x12d: {  	_ =	swait.ge [sflag:s9], $0x1000  }
0x12e: {  	[sflag:s9] =	ssyncset.done $0x0  }
0x12f: {  	s18 =	simm.s32 $0x4880;
	[sflag:s9] =	ssyncadd.s32 $0xFFFFF000  }
0x130: {  	[spmem:s3] =	stream.indirect.scatter.add.f32 [tilespmem:s19], [sflag:$0xF], $0x20, s18, s22, $0xb8;
	[tilespmem:$0x1BF00] =	vst v63  }
0x131: {  	s19 =	simm.s32 $0x3  }
0x132: {  	_ =	swait.ge [sflag:s19], $0x1000  }
0x133: {  	[sflag:s19] =	ssyncset.done $0x0  }
0x134: {  	s20 =	simm.s32 $0x4900;
	[sflag:s19] =	ssyncadd.s32 $0xFFFFF000  }
0x135: {  	[spmem:s3] =	stream.indirect.scatter.add.f32 [tilespmem:s21], [sflag:$0x10], $0x20, s20, s22, $0xb8;
	[tilespmem:$0x1BF00] =	vst v63  }
0x136: {  	s21 =	simm.s32 $0x4  }
0x137: {  	_ =	swait.ge [sflag:s21], $0x1000  }
0x138: {  	[sflag:s21] =	ssyncset.done $0x0  }
0x139: {  	s9 =	simm.s32 $0x4980;
	s18 =	simm.s32 $0x5;
	[sflag:s21] =	ssyncadd.s32 $0xFFFFF000  }
0x13a: {  	[spmem:s3] =	stream.indirect.scatter.add.f32 [tilespmem:s10], [sflag:$0x11], $0x20, s9, s22, $0xb8;
	[tilespmem:$0x1BF00] =	vst v63  }
0x13b: {  	_ =	swait.ge [sflag:s18], $0x1000  }
0x13c: {  	[sflag:s18] =	ssyncset.done $0x0  }
0x13d: {  	s19 =	simm.s32 $0x4A00;
	s20 =	simm.s32 $0x6;
	[sflag:s18] =	ssyncadd.s32 $0xFFFFF000  }
0x13e: {  	[spmem:s3] =	stream.indirect.scatter.add.f32 [tilespmem:s11], [sflag:$0x12], $0x20, s19, s22, $0xb8;
	[tilespmem:$0x1BF00] =	vst v63  }
0x13f: {  	_ =	swait.ge [sflag:s20], $0x1000  }
0x140: {  	[sflag:s20] =	ssyncset.done $0x0  }
0x141: {  	s21 =	simm.s32 $0x4A80;
	s9 =	simm.s32 $0x7;
	[sflag:s20] =	ssyncadd.s32 $0xFFFFF000  }
0x142: {  	[spmem:s3] =	stream.indirect.scatter.add.f32 [tilespmem:s12], [sflag:$0x13], $0x20, s21, s22, $0xb8;
	[tilespmem:$0x1BF00] =	vst v63  }
0x143: {  	_ =	swait.ge [sflag:s9], $0x1000  }
0x144: {  	[sflag:s9] =	ssyncset.done $0x0  }
0x145: {  	s10 =	simm.s32 $0x4B00;
	s11 =	simm.s32 $0x8;
	[sflag:s9] =	ssyncadd.s32 $0xFFFFF000  }
0x146: {  	[spmem:s3] =	stream.indirect.scatter.add.f32 [tilespmem:s13], [sflag:$0x14], $0x20, s10, s22, $0xb8;
	[tilespmem:$0x1BF00] =	vst v63  }
0x147: {  	_ =	swait.ge [sflag:s11], $0x1000  }
0x148: {  	[sflag:s11] =	ssyncset.done $0x0  }
0x149: {  	s12 =	simm.s32 $0x4B80;
	s13 =	simm.s32 $0x9;
	[sflag:s11] =	ssyncadd.s32 $0xFFFFF000  }
0x14a: {  	[spmem:s3] =	stream.indirect.scatter.add.f32 [tilespmem:s14], [sflag:$0x15], $0x20, s12, s22, $0xb8;
	[tilespmem:$0x1BF00] =	vst v63  }
0x14b: {  	_ =	swait.ge [sflag:s13], $0x1000  }
0x14c: {  	[sflag:s13] =	ssyncset.done $0x0  }
0x14d: {  	s18 =	simm.s32 $0xA;
	s14 =	simm.s32 $0x4C00;
	[sflag:s13] =	ssyncadd.s32 $0xFFFFF000  }
0x14e: {  	[spmem:s3] =	stream.indirect.scatter.add.f32 [tilespmem:s15], [sflag:$0x16], $0x20, s14, s22, $0xb8;
	[tilespmem:$0x1BF00] =	vst v63  }
0x14f: {  	_ =	swait.ge [sflag:s18], $0x1000  }
0x150: {  	[sflag:s18] =	ssyncset.done $0x0  }
0x151: {  	s19 =	simm.s32 $0x4C80;
	s20 =	simm.s32 $0xB;
	[sflag:s18] =	ssyncadd.s32 $0xFFFFF000  }
0x152: {  	[spmem:s3] =	stream.indirect.scatter.add.f32 [tilespmem:s8], [sflag:$0x17], $0x20, s19, s22, $0xb8;
	[tilespmem:$0x1BF00] =	vst v63  }
0x153: {  	_ =	swait.ge [sflag:s20], $0x1000  }
0x154: {  	[sflag:s20] =	ssyncset.done $0x0  }
0x155: {  	s21 =	simm.s32 $0x4D00;
	s8 =	simm.s32 $0xC;
	[sflag:s20] =	ssyncadd.s32 $0xFFFFF000  }
0x156: {  	[spmem:s3] =	stream.indirect.scatter.add.f32 [tilespmem:s6], [sflag:$0x18], $0x20, s21, s22, $0xb8;
	[tilespmem:$0x1BF00] =	vst v63  }
0x157: {  	_ =	swait.ge [sflag:s8], $0x1000  }
0x158: {  	[sflag:s8] =	ssyncset.done $0x0  }
0x159: {  	s9 =	simm.s32 $0x4D80;
	[sflag:s8] =	ssyncadd.s32 $0xFFFFF000  }
0x15a: {  	[spmem:s3] =	stream.indirect.scatter.add.f32 [tilespmem:s4], [sflag:$0x19], $0x20, s9, s22, $0xb8;
	[tilespmem:$0x1BF00] =	vst v63  }
0x15b: {  	_ =	swait.ge [sflag:s16], $0x1000  }
0x15c: {  	[sflag:s16] =	ssyncset.done $0x0  }
0x15d: {  	s10 =	simm.s32 $0x4E00;
	s11 =	simm.s32 $0xE;
	[sflag:s16] =	ssyncadd.s32 $0xFFFFF000  }
0x15e: {  	[spmem:s3] =	stream.indirect.scatter.add.f32 [tilespmem:s5], [sflag:$0x1A], $0x20, s10, s22, $0xb8;
	[tilespmem:$0x1BF00] =	vst v63  }
0x15f: {  	_ =	swait.ge [sflag:s11], $0x1000  }
0x160: {  	[sflag:s11] =	ssyncset.done $0x0  }
0x161: {  	s12 =	simm.s32 $0xF;
	[sflag:s11] =	ssyncadd.s32 $0xFFFFF000  }
0x162: {  	_ =	swait.ge [sflag:s12], $0x1000  }
0x163: {  	[sflag:s12] =	ssyncset.done $0x0  }
0x164: {  	[sflag:s12] =	ssyncadd.s32 $0xFFFFF000  }
0x165: {  	_ =	swait.ge [sflag:s23], $0x1000  }
0x166: {  	[sflag:s23] =	ssyncset.done $0x0  }
0x167: {  	[sflag:s23] =	ssyncadd.s32 $0xFFFFF000  }
0x168: {  	_ =	swait.ge [sflag:s24], $0x1000  }
0x169: {  	[sflag:s24] =	ssyncset.done $0x0  }
0x16a: {  	[sflag:s24] =	ssyncadd.s32 $0xFFFFF000  }
0x16b: {  	_ =	swait.ge [sflag:s26], $0x1000  }
0x16c: {  	[sflag:s26] =	ssyncset.done $0x0  }
0x16d: {  	[sflag:s26] =	ssyncadd.s32 $0xFFFFF000  }
0x16e: {  	_ =	swait.ge [sflag:s29], $0x1000  }
0x16f: {  	[sflag:s29] =	ssyncset.done $0x0  }
0x170: {  	[sflag:s29] =	ssyncadd.s32 $0xFFFFF000  }
0x171: {  	_ =	swait.ge [sflag:s31], $0x1000  }
0x172: {  	[sflag:s31] =	ssyncset.done $0x0  }
0x173: {  	[sflag:s31] =	ssyncadd.s32 $0xFFFFF000  }
0x174: {  	_ =	swait.ge [sflag:s1], $0x1000  }
0x175: {  	[sflag:s1] =	ssyncset.done $0x0  }
0x176: {  	[sflag:s1] =	ssyncadd.s32 $0xFFFFF000  }
0x177: {  	_ =	swait.ge [sflag:s25], $0x1000  }
0x178: {  	[sflag:s25] =	ssyncset.done $0x0  }
0x179: {  	[sflag:s25] =	ssyncadd.s32 $0xFFFFF000  }
0x17a: {  	_ =	swait.ge [sflag:s30], $0x1000  }
0x17b: {  	[sflag:s30] =	ssyncset.done $0x0  }
0x17c: {  	[sflag:s30] =	ssyncadd.s32 $0xFFFFF000  }
0x17d: {  	_ =	swait.ge [sflag:s17], $0x1000  }
0x17e: {  	[sflag:s17] =	ssyncset.done $0x0  }
0x17f: {  	[sflag:s17] =	ssyncadd.s32 $0xFFFFF000  }
0x180: {  	_ =	swait.ge [sflag:s0], $0x1000  }
0x181: {  	[sflag:s0] =	ssyncset.done $0x0  }
0x182: {  	[sflag:s0] =	ssyncadd.s32 $0xFFFFF000  }
0x183: {  	_ =	swait.ge [sflag:s28], $0x1000  }
0x184: {  	s7 =	simm.s32 @!p0 $0x80;
	[sflag:s28] =	ssyncset.done $0x0  }
0x185: {  	s18 =	simm.s32 @!p0 $0x4F00;
	s9 =	simm.s32 @!p0 $0x2700;
	[sflag:s28] =	ssyncadd.s32 $0xFFFFF000  }
0x186: {  	[tilespmem:s18], [sflag:$0x1] =	stream.indirect.gather @!p0 [spmem:s2], $0x20, s9, s7, $0xb8;
	[tilespmem:$0x1BF00] =	vst v63  }
0x187: {  	s9 =	simm.s32 @!p0 $0x1  }
0x188: {  	_ =	swait.ge @!p0 [sflag:s9], $0x1000  }
0x189: {  	[sflag:s9] =	ssyncset.done @!p0 $0x0  }
0x18a: {  	[sflag:s9] =	ssyncadd.s32 @!p0 $0xFFFFF000;
	s9 =	simm.s32 @!p0 $0x4E80  }
0x18b: {  	[spmem:s3] =	stream.indirect.scatter.add.f32 @!p0 [tilespmem:s18], [sflag:$0xE], $0x20, s9, s7, $0xb8;
	[tilespmem:$0x1BF00] =	vst v63  }
0x18c: {  	s7 =	simm.s32 @!p0 $0xE  }
0x18d: {  	_ =	swait.ge @!p0 [sflag:s7], $0x1000  }
0x18e: {  	[sflag:s7] =	ssyncset.done @!p0 $0x0  }
0x18f: {  	[sflag:s7] =	ssyncadd.s32 @!p0 $0xFFFFF000  }
0x190: {  	[bflag:$0x0] =	sbarrier.arrive $0xFFFF  }
0x191: {  	s13 =	rddreg [dreg:$0x5]  }
0x192: {  	s14 =	rddreg [dreg:$0xb]  }
0x193: {  	s19 =	simm.s32 $0x1B;
	s15 =	rddreg [dreg:$0xf];
	s7 =	sor.u32 $0x1C1B, s13  }
0x194: {  	[hbm:s14], [sflag:s7] =	dma.local [spmem:s15], $0xA00  }
0x195: {  	_ =	swait.ge [sflag:s19], $0xA00  }
0x196: {  	s20 =	rddreg [dreg:$0x10]  }
0x197: {  	s21 =	rddreg [dreg:$0xc];
	s5 =	sadd.s32 $0x1, s20  }
0x198: {  	p1 =	sne.s32 s5, s21  }
.Ltmp1:
0x199: {  	_ = 	snop;
	(pc) =	sbr.rel @p1 .LBB2_1-.Ltmp1, $3  }
0x19a: {  	_ =	sdelay $0x1  }
0x19b: {  	[sflag:s19] =	ssyncset.done $0x0  }
0x19c: {  	s9 =	smov.u32 s15;
	[sflag:s19] =	ssyncadd.s32 $0xFFFFF600  }
0x19d: {  	_ =	sfence.sel $0x180000  }
0x19e: {  	[bflag:$0x0] =	sbarrier.arrive $0xFFFF  }
0x19f: {  	_ =	strace $0x9000004A  }
0x1a0: {  	s0 =	stileid.u32;
	[bflag:$0x2] =	sbarrier.arrive $0xFFFF  }
0x1a1: {  	p0 =	sne.s32 s0, $0x0;
	s0 =	rddreg [dreg:$0x3]  }
0x1a2: {  	s0 =	sadd.s32 @!p0 $0x100000, s0  }
0x1a3: {  	[sflag:s0] =	ssyncadd.tile.s32 @!p0 $0x1;
	_ =	shalt  }
.Lfunc_end2:
_tile_overlayer_lowered:
.L_overlay_start_2:
0x1a4: {  	(tag) =	ssettag $0x2  }
0x1a5: {  	s0 =	rddreg [dreg:$0x0];
	s2 =	stileid.u32  }
0x1a6: {  	s1 =	rddreg [dreg:$0x1];
	p0 =	sne.s32 s2, $0x0  }
0x1a7: {  	s3 =	rddreg [dreg:$0x2];
	[bflag:$0x3] =	sbarrier.arrive $0xFFFF;
	s2 =	simm.s32 @!p0 $0x1C1B  }
0x1a8: {  	[timem:s3], [sflag:s2] =	dma.local @!p0 [hbm:s0], s1  }
0x1a9: {  	s0 =	simm.s32 @!p0 $0x1B  }
0x1aa: {  	_ =	swait.ge @!p0 [sflag:s0], s1  }
0x1ab: {  	s1 =	ssub.s32 @!p0 $0x0, s1;
	[sflag:s0] =	ssyncset.done @!p0 $0x0  }
0x1ac: {  	[sflag:s0] =	ssyncadd.s32 @!p0 s1  }
0x1ad: {  	[bflag:$0x3] =	sbarrier.arrive $0xFFFF  }
0x1ae: {  	_ =	shalt  }

// kernel: kernel.15.cloned.1.call-start
scs
__scs_entry_jumppad:
0x0: {  	(pc) =	sbr.rel $0x88, $3  }
0x1: {  	(tag) =	ssettag $0x0;
	lr =	simm.s32 $0x1  }
0x2: {  	[smem:$0x3F97] =	sst lr;
	_ =	strace $0xD0000000  }
0x3: {  	_ = 	snop  }
0x4: {  	_ = 	snop  }
0x5: {  	_ = 	snop  }
0x6: {  	_ = 	snop  }
0x7: {  	_ = 	snop  }
__scs_overlays_trampoline_lowered:
0x8: {  	[smem:$0x3FA6] =	sst s0  }
0x9: {  	[smem:$0x3FA7] =	sst s1  }
0xa: {  	[smem:$0x3FA8] =	sst s2  }
0xb: {  	[smem:$0x3FA9] =	sst s3  }
0xc: {  	[smem:$0x3FAA] =	sst s4  }
0xd: {  	[smem:$0x3FAB] =	sst s5  }
0xe: {  	[smem:$0x3FAC] =	sst s6  }
0xf: {  	[smem:$0x3FAD] =	sst s7  }
0x10: {  	[smem:$0x3FAE] =	sst s8  }
0x11: {  	[smem:$0x3FAF] =	sst s9;
	s0 =	simm.s32 @!p0 $0x0  }
0x12: {  	s1 =	sld [smem:$0x3F95];
	s0 =	simm.s32 @p0 $0x1  }
0x13: {  	[smem:$0x3FB0] =	sst s0;
	s0 =	simm.s32 @!p1 $0x0  }
0x14: {  	s2 =	sld [smem:$0x3F94];
	s0 =	simm.s32 @p1 $0x1  }
0x15: {  	[smem:$0x3FB1] =	sst s0;
	s0 =	simm.s32 @!p2 $0x0  }
0x16: {  	s3 =	sld [smem:$0x3FDB];
	s0 =	simm.s32 @p2 $0x1  }
0x17: {  	s4 =	simm.s32 $0x1BF5;
	[smem:$0x3FB3] =	sst s0  }
0x18: {  	s0 =	sld [smem:$0x3F96];
	_ =	swait.ge [sflag:s4], $0x0  }
0x19: {  	s7 =	sld [smem:$0x3F97]  }
0x1a: {  	s8 =	sadd.s32 $0xFFFFE003, lr  }
0x1b: {  	s9 =	sadd.s32 $0xFFFFFEF7, lr;
	s5 =	simm.s32 $0xFFFFFFFF;
	p2 =	slt.u32 s8, $0xFFFFF086  }
0x1c: {  	p1 =	slt.u32 s9, $0xF7A;
	s5 =	simm.s32 @!p2 $0x0  }
0x1d: {  	s5 =	simm.s32 @p1 $0x1;
	p0 =	seq.s32 s7, s2  }
0x1e: {  	s7 =	smul.u32 @!p0 $0xF7A, s2;
	p2 =	seq.s32 @!p0 s5, $0x0  }
0x1f: {  	s9 =	smul.u32 $0xF7A, s1;
	s8 =	simm.s32 @!p0 $0x1BF5;
	p2 =	por !p2, p0  }
0x20: {  	[sflag:s8] =	ssyncset.s32 @!p0 $0xFFFFF086;
	s6 =	sadd.s32 @!p0 s3, s7;
	s7 =	simm.s32 @!p0 $0x108  }
0x21: {  	s3 =	sadd.s32 s3, s9;
	s6 =	sadd.s32 @!p0 $0x88, s6;
	s7 =	simm.s32 @p2 $0x1082  }
0x22: {  	[simem:s7], [sflag:s8] =	dma.local @!p0 [hbm:s6], $0xF7A  }
0x23: {  	s9 =	sor.u32 $0xD0000000, s2;
	s6 =	simm.s32 $0x108;
	_ =	swait.ge @!p0 [sflag:s8], $0x0  }
0x24: {  	s3 =	sadd.s32 $0x88, s3;
	s6 =	simm.s32 @!p1 $0x1082;
	[sflag:s4] =	ssyncset.s32 $0xFFFFF086  }
0x25: {  	[simem:s6], [sflag:s4] =	dma.local [hbm:s3], $0xF7A  }
0x26: {  	[smem:$0x3F97] =	sst s1;
	(tag) =	ssettag s2;
	_ =	strace s9  }
0x27: {  	s1 =	sld [smem:$0x3FA7]  }
0x28: {  	s2 =	sld [smem:$0x3FA8]  }
0x29: {  	s4 =	sld [smem:$0x3FAA]  }
0x2a: {  	p0 =	seq.s32 s5, $0x0;
	s5 =	sld [smem:$0x3FAB]  }
0x2b: {  	s6 =	sld [smem:$0x3FAC]  }
0x2c: {  	s7 =	sld [smem:$0x3FAD]  }
0x2d: {  	s3 =	simm.s32 $0x108;
	s8 =	sld [smem:$0x3FAE]  }
0x2e: {  	s3 =	simm.s32 @!p0 $0x1082;
	s9 =	sld [smem:$0x3FAF]  }
0x2f: {  	lr =	sadd.s32 s0, s3;
	s0 =	sld [smem:$0x3FA6]  }
0x30: {  	s3 =	sld [smem:$0x3FA9]  }
0x31: {  	[smem:$0x3FB2] =	sst s10  }
0x32: {  	s10 =	sld [smem:$0x3FB0];
	_ =	sdelay $0x3  }
0x33: {  	p0 =	seq.s32 s10, $0x1;
	s10 =	sld [smem:$0x3FB2];
	_ =	sdelay $0x3  }
0x34: {  	[smem:$0x3FB2] =	sst s10  }
0x35: {  	s10 =	sld [smem:$0x3FB1];
	_ =	sdelay $0x3  }
0x36: {  	p1 =	seq.s32 s10, $0x1;
	s10 =	sld [smem:$0x3FB2];
	_ =	sdelay $0x3  }
0x37: {  	[smem:$0x3FB2] =	sst s10  }
0x38: {  	s10 =	sld [smem:$0x3FB3]  }
0x39: {  	_ = 	snop;
	(pc) =	sbr.ind lr, $3  }
0x3a: {  	_ = 	snop  }
0x3b: {  	_ = 	snop  }
0x3c: {  	p2 =	seq.s32 s10, $0x1;
	s10 =	sld [smem:$0x3FB2]  }
0x3d: {  	_ =	shalt  }
0x3e: {  	_ =	shalt  }
0x3f: {  	_ =	shalt  }
0x40: {  	_ =	shalt  }
0x41: {  	_ =	shalt  }
0x42: {  	_ =	shalt  }
0x43: {  	_ =	shalt  }
0x44: {  	_ =	shalt  }
0x45: {  	_ =	shalt  }
0x46: {  	_ =	shalt  }
0x47: {  	_ =	shalt  }
0x48: {  	_ =	shalt  }
0x49: {  	_ =	shalt  }
0x4a: {  	_ =	shalt  }
0x4b: {  	_ =	shalt  }
0x4c: {  	_ =	shalt  }
0x4d: {  	_ =	shalt  }
0x4e: {  	_ =	shalt  }
0x4f: {  	_ =	shalt  }
0x50: {  	_ =	shalt  }
0x51: {  	_ =	shalt  }
0x52: {  	_ =	shalt  }
0x53: {  	_ =	shalt  }
0x54: {  	_ =	shalt  }
0x55: {  	_ =	shalt  }
0x56: {  	_ =	shalt  }
0x57: {  	_ =	shalt  }
0x58: {  	_ =	shalt  }
0x59: {  	_ =	shalt  }
0x5a: {  	_ =	shalt  }
0x5b: {  	_ =	shalt  }
0x5c: {  	_ =	shalt  }
0x5d: {  	_ =	shalt  }
0x5e: {  	_ =	shalt  }
0x5f: {  	_ =	shalt  }
0x60: {  	_ =	shalt  }
0x61: {  	_ =	shalt  }
0x62: {  	_ =	shalt  }
0x63: {  	_ =	shalt  }
0x64: {  	_ =	shalt  }
0x65: {  	_ =	shalt  }
0x66: {  	_ =	shalt  }
0x67: {  	_ =	shalt  }
0x68: {  	_ =	shalt  }
0x69: {  	_ =	shalt  }
0x6a: {  	_ =	shalt  }
0x6b: {  	_ =	shalt  }
0x6c: {  	_ =	shalt  }
0x6d: {  	_ =	shalt  }
0x6e: {  	_ =	shalt  }
0x6f: {  	_ =	shalt  }
0x70: {  	_ =	shalt  }
0x71: {  	_ =	shalt  }
0x72: {  	_ =	shalt  }
0x73: {  	_ =	shalt  }
0x74: {  	_ =	shalt  }
0x75: {  	_ =	shalt  }
0x76: {  	_ =	shalt  }
0x77: {  	_ =	shalt  }
0x78: {  	_ =	shalt  }
0x79: {  	_ =	shalt  }
0x7a: {  	_ =	shalt  }
0x7b: {  	_ =	shalt  }
0x7c: {  	_ =	shalt  }
0x7d: {  	_ =	shalt  }
0x7e: {  	_ =	shalt  }
0x7f: {  	_ =	shalt  }
0x80: {  	_ =	shalt  }
0x81: {  	_ =	shalt  }
0x82: {  	_ =	shalt  }
0x83: {  	_ =	shalt  }
0x84: {  	_ =	shalt  }
0x85: {  	_ =	shalt  }
0x86: {  	_ =	shalt  }
0x87: {  	_ =	shalt  }
.Lfunc_end0:
.L_simem_size_0:
called_computation.2_lowered:
.L_overlay_start_0:
0x88: {  	s2 =	sld [smem:$0x3FD9]  }
0x89: {  	s3 =	sld [smem:$0x3FFE];
	_ =	sdelay $0x1  }
0x8a: {  	s1 =	srdreg.scid  }
0x8b: {  	s0 =	sand.u32 $0x1, s1  }
0x8c: {  	s16 =	sshll.u32 s0, $0xA;
	s2 =	sadd.s32 s3, s2  }
0x8d: {  	s2 =	sadd.s32 s2, s16  }
0x8e: {  	[smem:$0x3FBE] =	sst s2  }
0x8f: {  	_ = 	snop  }
0x90: {  	(tm) =	ssettm $0x1  }
0x91: {  	s17 =	sld [smem:$0x3FFB];
	_ =	sdelay $0x3  }
0x92: {  	_ =	strace s17  }
0x93: {  	s2 =	sld [smem:$0x3FFC];
	_ =	sdelay $0x3  }
0x94: {  	_ =	strace s2  }
0x95: {  	s2 =	sld [smem:$0x3FFD];
	_ =	sdelay $0x3  }
0x96: {  	_ =	strace s2  }
0x97: {  	_ =	strace $0x8FFFFFFF  }
0x98: {  	s18 =	sld [smem:$0x3FDB];
	_ =	sdelay $0x1  }
0x99: {  	s19 =	simm.s32 $_scs_section_size  }
0x9a: {  	s4 =	simm.s32 $_size__tile_overlayer_lowered;
	s5 =	simm.s32 $_tile_overlayer_lowered  }
0x9b: {  	s22 =	simm.s32 $0x1BFF;
	s21 =	sshll.u32 s5, $0x1;
	s2 =	sadd.s32 s19, s18  }
0x9c: {  	s6 =	simm.s32 $0x0;
	s20 =	sshll.u32 s4, $0x1;
	s4 =	sadd.s32 s21, s2  }
0x9d: {  	[timem:s6], [sflag:s22] =	dma.local [hbm:s4], s20  }
0x9e: {  	_ =	swait.ge [sflag:s22], s20  }
0x9f: {  	s3 =	ssub.s32 $0x0, s20;
	[sflag:s22] =	ssyncset.done $0x0  }
0xa0: {  	[sflag:s22] =	ssyncadd.s32 s3;
	_ =	sdelay $0x1  }
0xa1: {  	s23 =	simm.s32 $0x1B8B  }
0xa2: {  	_ =	swait.ge [sflag:s23], $0x1  }
0xa3: {  	[sflag:s23] =	ssyncset.done $0x0  }
0xa4: {  	s25 =	simm.s32 $0x1B8E;
	s24 =	sld [smem:$0x3FFE];
	[sflag:s23] =	ssyncadd.s32 $0xFFFFFFFF  }
0xa5: {  	s26 =	simm.s32 $execute0_lowered;
	[smem:$0x3FD2] =	sst s25  }
0xa6: {  	s4 =	sshll.u32 s26, $0x1;
	_ =	strace $0x8000004C;
	[dreg:$0x1] =	wrdreg $0xFFFFFFFF  }
0xa7: {  	s28 =	simm.s32 $_size_execute0_lowered;
	s2 =	sadd.s32 s2, s4;
	[dreg:$0x0] =	wrdreg $0x0  }
0xa8: {  	s4 =	sshll.u32 s28, $0x1;
	[dreg:$0x2] =	wrdreg s2  }
0xa9: {  	[dreg:$0x3] =	wrdreg s4  }
0xaa: {  	[dreg:$0x4] =	wrdreg $0xC0  }
0xab: {  	_ =	task [dreg:s6], $0x5FFFF  }
0xac: {  	[dreg:$0x1] =	wrdreg $0xFFFFFFFF  }
0xad: {  	[dreg:$0x0] =	wrdreg $0x60  }
0xae: {  	[dreg:$0x2] =	wrdreg s24  }
0xaf: {  	[dreg:$0x3] =	wrdreg $0x12F000  }
0xb0: {  	[dreg:$0x4] =	wrdreg $0x8F000  }
0xb1: {  	[dreg:$0x5] =	wrdreg $0x9  }
0xb2: {  	_ =	task.clear_ibuf [dreg:s6], $0x6FFFF;
	_ =	strace $0x9000004C  }
0xb3: {  	s29 =	simm.s32 $0x9;
	_ =	strace $0x8000004E  }
0xb4: {  	_ =	swait.ge [sflag:s29], $0x1  }
0xb5: {  	[sflag:s29] =	ssyncadd.s32 $0xFFFFFFFF  }
0xb6: {  	_ =	strace $0x9000004E  }
0xb7: {  	_ =	sfence  }
0xb8: {  	s30 =	sld [smem:$0x0];
	_ =	sdelay $0x2  }
0xb9: {  	s31 =	sshll.u32 s1, $0xD;
	s1 =	sshrl.u32 s1, $0x2  }
0xba: {  	s3 =	sand.u32 $0x4000, s31;
	s1 =	sadd.s32 s1, s30  }
0xbb: {  	s0 =	sor.u32 s3, s0;
	s1 =	sshll.u32 s1, $0x11  }
0xbc: {  	s0 =	sor.u32 s1, s0  }
0xbd: {  	s0 =	sadd.s32 $0x8F2B, s0  }
0xbe: {  	[sflag:s0] =	ssyncadd.remote.s32 $0x1  }
0xbf: {  	_ =	sfence.sel $0xFFFF  }
0xc0: {  	[dreg:$0x0] =	wrdreg $0xFFFFFFFF;
	(pc) =	sbr.abs _section_cstart, $3  }
0xc1: {  	[dreg:$0x1] =	wrdreg $0xFFFFFFFF  }
0xc2: {  	_ =	task.clear_ibuf [dreg:s6], $0x2FFFF;
	_ =	strace $0x9FFFFFFF  }
0xc3: {  	(tm) =	ssettm $0x7FFFFFFF  }
tec
execute0_lowered:
.L_overlay_start_1:
0x0: {  	(tag) =	ssettag $0x1  }
0x1: {  	s5 =	rddreg [dreg:$0x0]  }
0x2: {  	s2 =	rddreg [dreg:$0x1]  }
0x3: {  	s3 =	rddreg [dreg:$0x2]  }
0x4: {  	s0 =	stileid.u32;
	s6 =	srdreg.scid  }
0x5: {  	s4 =	simm.s32 $0x0;
	s17 =	simm.s32 $0x2780;
	s18 =	simm.s32 $0x1  }
0x6: {  	s19 =	simm.s32 $0x2;
	s20 =	simm.s32 $0x3;
	s21 =	simm.s32 $0x4  }
0x7: {  	s22 =	simm.s32 $0x80;
	s23 =	simm.s32 $0x4F00;
	s24 =	simm.s32 $0x6F00  }
0x8: {  	s25 =	simm.s32 $0x4D80;
	s26 =	simm.s32 $0x4E00;
	s28 =	simm.s32 $0x5  }
0x9: {  	s29 =	simm.s32 $0x0;
	s8 =	smul.u32 $0xA000, s0;
	s6 =	sand.u32 $0x1, s6  }
0xa: {  	[smem:$0x7FF] =	sst s4;
	s10 =	sadd.s32 $0x2400, s5;
	s12 =	sshll.u32 s0, $0x1  }
0xb: {  	p0 =	sgt.u32 s0, $0x1;
	s9 =	smul.u32 $0xA0000, s6;
	_ =	strace $0x8000004D  }
0xc: {  	s11 =	ssub.s32 $0x2, s6;
	s12 =	sor.u32 s6, s12;
	s6 =	sshll.u32 s0, $0x6  }
0xd: {  	s7 =	sshrl.u32 s8, $0x3;
	s13 =	sshrl.u32 s11, $0x1;
	s30 =	smul.u32 $0x2700, s12  }
0xe: {  	s15 =	sadd.s32 s8, s2;
	s31 =	sshll.u32 s12, $0x4;
	s16 =	sadd.s32 s8, s3  }
0xf: {  	s7 =	sadd.s32 s7, s5;
	s9 =	sadd.s32 s8, s9;
	s13 =	ssub.s32 s11, s13  }
0x10: {  	s11 =	sadd.s32 s31, s10;
	s16 =	sshrl.u32 s16, $0x3;
	s9 =	sshrl.u32 s9, $0x3  }
0x11: {  	s13 =	smax.u32 s13, $0x1;
	s14 =	sadd.s32 s9, s5;
	s9 =	sshrl.u32 s30, $0x3  }
0x12: {  	s5 =	sadd.s32 $0x15E00, s7;
	s7 =	sor.u32 $0x1C01, s6;
	s8 =	sadd.s32 s10, s9  }
0x13: {  	s10 =	sadd.s32 $0x9C00, s11;
	s11 =	sadd.s32 $0x13840, s11;
	s12 =	sadd.s32 $0x29E00, s14  }
0x14: {  	s14 =	sshrl.u32 s15, $0x3;
	s15 =	sor.u32 $0x1C02, s6;
	s9 =	sadd.s32 $0x9C40, s8  }
.LBB2_1:
0x15: {  	[spmem:s14], [sflag:s7] =	dma.local [hbm:s5], $0x1400  }
0x16: {  	[spmem:s16], [sflag:s15] =	dma.local [hbm:s5], $0x1400  }
0x17: {  	[tilespmem:s4], [sflag:$0x3] =	stream.linear.gather [hbm4b:s8+s4], $0x2700, $0x38;
	[tilespmem:$0x1CF00] =	vst v63  }
0x18: {  	_ = 	snop  }
0x19: {  	[tilespmem:s17], [sflag:$0x4] =	stream.linear.gather [hbm4b:s9+s4], $0x2700, $0x38;
	[tilespmem:$0x1CF00] =	vst v63  }
0x1a: {  	_ =	swait.ge [sflag:s18], $0x1400  }
0x1b: {  	[sflag:s18] =	ssyncset.done $0x0  }
0x1c: {  	[sflag:s18] =	ssyncadd.s32 $0xFFFFEC00  }
0x1d: {  	_ =	swait.ge [sflag:s19], $0x1400  }
0x1e: {  	[sflag:s19] =	ssyncset.done $0x0  }
0x1f: {  	[sflag:s19] =	ssyncadd.s32 $0xFFFFEC00  }
0x20: {  	_ =	swait.ge [sflag:s20], $0x2700  }
0x21: {  	[sflag:s20] =	ssyncset.done $0x0  }
0x22: {  	[sflag:s20] =	ssyncadd.s32 $0xFFFFD900  }
0x23: {  	_ =	swait.ge [sflag:s21], $0x2700  }
0x24: {  	[sflag:s21] =	ssyncset.done $0x0  }
0x25: {  	s30 =	simm.s32 @!p0 $0x0;
	s31 =	simm.s32 @!p0 $0x2700;
	[sflag:s21] =	ssyncadd.s32 $0xFFFFD900  }
0x26: {  	[tilespmem:s31], [sflag:$0x5] =	stream.linear.gather @!p0 [hbm4b:s10+s30], $0x80, $0x38;
	[tilespmem:$0x1CF00] =	vst v63  }
0x27: {  	s31 =	simm.s32 @!p0 $0x5  }
0x28: {  	_ =	swait.ge @!p0 [sflag:s31], $0x80  }
0x29: {  	[sflag:s31] =	ssyncset.done @!p0 $0x0  }
0x2a: {  	s1 =	simm.s32 @!p0 $0x4E80;
	[sflag:s31] =	ssyncadd.s32 @!p0 $0xFFFFFF80  }
0x2b: {  	[tilespmem:s1], [sflag:$0x5] =	stream.linear.gather @!p0 [hbm4b:s11+s30], $0x80, $0x38;
	[tilespmem:$0x1CF00] =	vst v63  }
0x2c: {  	_ =	swait.ge @!p0 [sflag:s31], $0x80  }
0x2d: {  	[sflag:s31] =	ssyncset.done @!p0 $0x0  }
0x2e: {  	[sflag:s31] =	ssyncadd.s32 @!p0 $0xFFFFFF80  }
0x2f: {  	[bflag:$0x0] =	sbarrier.arrive $0xFFFF  }
0x30: {  	[tilespmem:s23], [sflag:$0x1] =	stream.indirect.gather [spmem:s2], $0x40, s4, s22, $0xb8;
	[tilespmem:$0x1CF00] =	vst v63  }
0x31: {  	_ = 	snop  }
0x32: {  	[tilespmem:s24], [sflag:$0x2] =	stream.indirect.gather [spmem:s2], $0x40, s22, s22, $0xb8;
	[tilespmem:$0x1CF00] =	vst v63  }
0x33: {  	_ =	swait.ge [sflag:s18], $0x2000  }
0x34: {  	[sflag:s18] =	ssyncset.done $0x0  }
0x35: {  	s1 =	simm.s32 $0x2780;
	[sflag:s18] =	ssyncadd.s32 $0xFFFFE000  }
0x36: {  	[spmem:s3] =	stream.indirect.scatter.add.f32 [tilespmem:s23], [sflag:$0x3], $0x40, s1, s22, $0xb8;
	[tilespmem:$0x1CF00] =	vst v63  }
0x37: {  	_ =	swait.ge [sflag:s19], $0x2000  }
0x38: {  	[sflag:s19] =	ssyncset.done $0x0  }
0x39: {  	s1 =	simm.s32 $0x2800;
	[sflag:s19] =	ssyncadd.s32 $0xFFFFE000  }
0x3a: {  	[spmem:s3] =	stream.indirect.scatter.add.f32 [tilespmem:s24], [sflag:$0x4], $0x40, s1, s22, $0xb8;
	[tilespmem:$0x1CF00] =	vst v63  }
0x3b: {  	_ =	swait.ge [sflag:s20], $0x2000  }
0x3c: {  	[sflag:s20] =	ssyncset.done $0x0  }
0x3d: {  	s1 =	simm.s32 $0x100;
	[sflag:s20] =	ssyncadd.s32 $0xFFFFE000  }
0x3e: {  	[tilespmem:s23], [sflag:$0x1] =	stream.indirect.gather [spmem:s2], $0x40, s1, s22, $0xb8;
	[tilespmem:$0x1CF00] =	vst v63  }
0x3f: {  	_ =	swait.ge [sflag:s21], $0x2000  }
0x40: {  	[sflag:s21] =	ssyncset.done $0x0  }
0x41: {  	s30 =	simm.s32 $0x400;
	s31 =	simm.s32 $0x180;
	[sflag:s21] =	ssyncadd.s32 $0xFFFFE000  }
.LBB2_2:
0x42: {  	[tilespmem:s24], [sflag:$0x2] =	stream.indirect.gather [spmem:s2], $0x40, s31, s22, $0xb8;
	[tilespmem:$0x1CF00] =	vst v63  }
0x43: {  	s1 =	smov.u32 s30  }
0x44: {  	p1 =	sne.s32 s30, $0x9400;
	s30 =	sadd.s32 $0x400, s30;
	_ =	swait.ge [sflag:s18], $0x2000  }
0x45: {  	s1 =	sshra.s32 s1, $0x2;
	[sflag:s18] =	ssyncset.done $0x0  }
0x46: {  	s31 =	sadd.s32 $0x2780, s1;
	[sflag:s18] =	ssyncadd.s32 $0xFFFFE000  }
0x47: {  	[spmem:s3] =	stream.indirect.scatter.add.f32 [tilespmem:s23], [sflag:$0x3], $0x40, s31, s22, $0xb8;
	[tilespmem:$0x1CF00] =	vst v63  }
0x48: {  	_ =	swait.ge [sflag:s19], $0x2000  }
0x49: {  	[sflag:s19] =	ssyncset.done $0x0  }
0x4a: {  	s31 =	sadd.s32 $0x2800, s1;
	[sflag:s19] =	ssyncadd.s32 $0xFFFFE000  }
0x4b: {  	[spmem:s3] =	stream.indirect.scatter.add.f32 [tilespmem:s24], [sflag:$0x4], $0x40, s31, s22, $0xb8;
	[tilespmem:$0x1CF00] =	vst v63  }
0x4c: {  	_ =	swait.ge [sflag:s20], $0x2000  }
0x4d: {  	[sflag:s20] =	ssyncset.done $0x0  }
.Ltmp0:
0x4e: {  	s31 =	sadd.s32 $0x100, s1;
	[sflag:s20] =	ssyncadd.s32 $0xFFFFE000;
	(pc) =	sbr.rel @p1 .LBB2_2-.Ltmp0, $4  }
0x4f: {  	[tilespmem:s23], [sflag:$0x1] =	stream.indirect.gather [spmem:s2], $0x40, s31, s22, $0xb8;
	[tilespmem:$0x1CF00] =	vst v63  }
0x50: {  	_ =	swait.ge [sflag:s21], $0x2000  }
0x51: {  	[sflag:s21] =	ssyncset.done $0x0  }
0x52: {  	s31 =	sadd.s32 $0x180, s1;
	[sflag:s21] =	ssyncadd.s32 $0xFFFFE000  }
0x53: {  	[tilespmem:s24], [sflag:$0x2] =	stream.indirect.gather [spmem:s2], $0x40, s31, s22, $0xb8;
	[tilespmem:$0x1CF00] =	vst v63  }
0x54: {  	_ =	swait.ge [sflag:s18], $0x2000  }
0x55: {  	[sflag:s18] =	ssyncset.done $0x0  }
0x56: {  	[sflag:s18] =	ssyncadd.s32 $0xFFFFE000  }
0x57: {  	[spmem:s3] =	stream.indirect.scatter.add.f32 [tilespmem:s23], [sflag:$0x3], $0x40, s25, s22, $0xb8;
	[tilespmem:$0x1CF00] =	vst v63  }
0x58: {  	_ =	swait.ge [sflag:s19], $0x2000  }
0x59: {  	[sflag:s19] =	ssyncset.done $0x0  }
0x5a: {  	[sflag:s19] =	ssyncadd.s32 $0xFFFFE000  }
0x5b: {  	[spmem:s3] =	stream.indirect.scatter.add.f32 [tilespmem:s24], [sflag:$0x4], $0x40, s26, s22, $0xb8;
	[tilespmem:$0x1CF00] =	vst v63  }
0x5c: {  	_ =	swait.ge [sflag:s20], $0x2000  }
0x5d: {  	[sflag:s20] =	ssyncset.done $0x0  }
0x5e: {  	[sflag:s20] =	ssyncadd.s32 $0xFFFFE000  }
0x5f: {  	_ =	swait.ge [sflag:s21], $0x2000  }
0x60: {  	s1 =	simm.s32 @!p0 $0x80;
	[sflag:s21] =	ssyncset.done $0x0  }
0x61: {  	s30 =	simm.s32 @!p0 $0x2700;
	s31 =	simm.s32 @!p0 $0x4F00;
	[sflag:s21] =	ssyncadd.s32 $0xFFFFE000  }
0x62: {  	[tilespmem:s31], [sflag:$0x1] =	stream.indirect.gather @!p0 [spmem:s2], $0x40, s30, s1, $0xb8;
	[tilespmem:$0x1CF00] =	vst v63  }
0x63: {  	s30 =	simm.s32 @!p0 $0x1  }
0x64: {  	_ =	swait.ge @!p0 [sflag:s30], $0x2000  }
0x65: {  	[sflag:s30] =	ssyncset.done @!p0 $0x0  }
0x66: {  	[sflag:s30] =	ssyncadd.s32 @!p0 $0xFFFFE000;
	s30 =	simm.s32 @!p0 $0x4E80  }
0x67: {  	[spmem:s3] =	stream.indirect.scatter.add.f32 @!p0 [tilespmem:s31], [sflag:$0x3], $0x40, s30, s1, $0xb8;
	[tilespmem:$0x1CF00] =	vst v63  }
0x68: {  	s1 =	simm.s32 @!p0 $0x3  }
0x69: {  	_ =	swait.ge @!p0 [sflag:s1], $0x2000  }
0x6a: {  	s29 =	sadd.s32 $0x1, s29;
	[sflag:s1] =	ssyncset.done @!p0 $0x0  }
0x6b: {  	p1 =	sne.s32 s29, s13;
	[sflag:s1] =	ssyncadd.s32 @!p0 $0xFFFFE000  }
.Ltmp1:
0x6c: {  	s31 =	sor.u32 $0x1C05, s6;
	[bflag:$0x0] =	sbarrier.arrive $0xFFFF;
	(pc) =	sbr.rel @p1 .LBB2_1-.Ltmp1, $4  }
0x6d: {  	[hbm:s12], [sflag:s31] =	dma.local [spmem:s16], $0x1400  }
0x6e: {  	_ =	swait.ge [sflag:s28], $0x1400  }
0x6f: {  	[sflag:s28] =	ssyncset.done $0x0  }
0x70: {  	[sflag:s28] =	ssyncadd.s32 $0xFFFFEC00  }
0x71: {  	_ =	sfence.sel $0x180000  }
0x72: {  	[bflag:$0x0] =	sbarrier.arrive $0xFFFF  }
0x73: {  	_ =	strace $0x9000004D  }
0x74: {  	[bflag:$0x2] =	sbarrier.arrive $0xFFFF  }
0x75: {  	p0 =	sne.s32 s0, $0x0;
	s0 =	rddreg [dreg:$0x3]  }
0x76: {  	s0 =	sadd.s32 @!p0 $0x100000, s0  }
0x77: {  	[sflag:s0] =	ssyncadd.tile.s32 @!p0 $0x1;
	_ =	shalt  }
.Lfunc_end2:
_tile_overlayer_lowered:
.L_overlay_start_2:
0x78: {  	(tag) =	ssettag $0x2  }
0x79: {  	s0 =	rddreg [dreg:$0x0];
	s2 =	stileid.u32  }
0x7a: {  	s1 =	rddreg [dreg:$0x1];
	p0 =	sne.s32 s2, $0x0  }
0x7b: {  	s3 =	rddreg [dreg:$0x2];
	[bflag:$0x3] =	sbarrier.arrive $0xFFFF;
	s2 =	simm.s32 @!p0 $0x1C05  }
0x7c: {  	[timem:s3], [sflag:s2] =	dma.local @!p0 [hbm:s0], s1  }
0x7d: {  	s0 =	simm.s32 @!p0 $0x5  }
0x7e: {  	_ =	swait.ge @!p0 [sflag:s0], s1  }
0x7f: {  	s1 =	ssub.s32 @!p0 $0x0, s1;
	[sflag:s0] =	ssyncset.done @!p0 $0x0  }
0x80: {  	[sflag:s0] =	ssyncadd.s32 @!p0 s1  }
0x81: {  	[bflag:$0x3] =	sbarrier.arrive $0xFFFF  }
0x82: {  	_ =	shalt  }

// kernel: kernel.9.cloned.1.call-start
scs
__scs_entry_jumppad:
0x0: {  	(pc) =	sbr.rel $0x88, $3  }
0x1: {  	(tag) =	ssettag $0x0;
	lr =	simm.s32 $0x1  }
0x2: {  	[smem:$0x3F97] =	sst lr;
	_ =	strace $0xD0000000  }
0x3: {  	_ = 	snop  }
0x4: {  	_ = 	snop  }
0x5: {  	_ = 	snop  }
0x6: {  	_ = 	snop  }
0x7: {  	_ = 	snop  }
__scs_overlays_trampoline_lowered:
0x8: {  	[smem:$0x3FA6] =	sst s0  }
0x9: {  	[smem:$0x3FA7] =	sst s1  }
0xa: {  	[smem:$0x3FA8] =	sst s2  }
0xb: {  	[smem:$0x3FA9] =	sst s3  }
0xc: {  	[smem:$0x3FAA] =	sst s4  }
0xd: {  	[smem:$0x3FAB] =	sst s5  }
0xe: {  	[smem:$0x3FAC] =	sst s6  }
0xf: {  	[smem:$0x3FAD] =	sst s7  }
0x10: {  	[smem:$0x3FAE] =	sst s8  }
0x11: {  	[smem:$0x3FAF] =	sst s9;
	s0 =	simm.s32 @!p0 $0x0  }
0x12: {  	s1 =	sld [smem:$0x3F95];
	s0 =	simm.s32 @p0 $0x1  }
0x13: {  	[smem:$0x3FB0] =	sst s0;
	s0 =	simm.s32 @!p1 $0x0  }
0x14: {  	s2 =	sld [smem:$0x3F94];
	s0 =	simm.s32 @p1 $0x1  }
0x15: {  	[smem:$0x3FB1] =	sst s0;
	s0 =	simm.s32 @!p2 $0x0  }
0x16: {  	s3 =	sld [smem:$0x3FDB];
	s0 =	simm.s32 @p2 $0x1  }
0x17: {  	s4 =	simm.s32 $0x1BF5;
	[smem:$0x3FB3] =	sst s0  }
0x18: {  	s0 =	sld [smem:$0x3F96];
	_ =	swait.ge [sflag:s4], $0x0  }
0x19: {  	s7 =	sld [smem:$0x3F97]  }
0x1a: {  	s8 =	sadd.s32 $0xFFFFE003, lr  }
0x1b: {  	s9 =	sadd.s32 $0xFFFFFEF7, lr;
	s5 =	simm.s32 $0xFFFFFFFF;
	p2 =	slt.u32 s8, $0xFFFFF086  }
0x1c: {  	p1 =	slt.u32 s9, $0xF7A;
	s5 =	simm.s32 @!p2 $0x0  }
0x1d: {  	s5 =	simm.s32 @p1 $0x1;
	p0 =	seq.s32 s7, s2  }
0x1e: {  	s7 =	smul.u32 @!p0 $0xF7A, s2;
	p2 =	seq.s32 @!p0 s5, $0x0  }
0x1f: {  	s9 =	smul.u32 $0xF7A, s1;
	s8 =	simm.s32 @!p0 $0x1BF5;
	p2 =	por !p2, p0  }
0x20: {  	[sflag:s8] =	ssyncset.s32 @!p0 $0xFFFFF086;
	s6 =	sadd.s32 @!p0 s3, s7;
	s7 =	simm.s32 @!p0 $0x108  }
0x21: {  	s3 =	sadd.s32 s3, s9;
	s6 =	sadd.s32 @!p0 $0x88, s6;
	s7 =	simm.s32 @p2 $0x1082  }
0x22: {  	[simem:s7], [sflag:s8] =	dma.local @!p0 [hbm:s6], $0xF7A  }
0x23: {  	s9 =	sor.u32 $0xD0000000, s2;
	s6 =	simm.s32 $0x108;
	_ =	swait.ge @!p0 [sflag:s8], $0x0  }
0x24: {  	s3 =	sadd.s32 $0x88, s3;
	s6 =	simm.s32 @!p1 $0x1082;
	[sflag:s4] =	ssyncset.s32 $0xFFFFF086  }
0x25: {  	[simem:s6], [sflag:s4] =	dma.local [hbm:s3], $0xF7A  }
0x26: {  	[smem:$0x3F97] =	sst s1;
	(tag) =	ssettag s2;
	_ =	strace s9  }
0x27: {  	s1 =	sld [smem:$0x3FA7]  }
0x28: {  	s2 =	sld [smem:$0x3FA8]  }
0x29: {  	s4 =	sld [smem:$0x3FAA]  }
0x2a: {  	p0 =	seq.s32 s5, $0x0;
	s5 =	sld [smem:$0x3FAB]  }
0x2b: {  	s6 =	sld [smem:$0x3FAC]  }
0x2c: {  	s7 =	sld [smem:$0x3FAD]  }
0x2d: {  	s3 =	simm.s32 $0x108;
	s8 =	sld [smem:$0x3FAE]  }
0x2e: {  	s3 =	simm.s32 @!p0 $0x1082;
	s9 =	sld [smem:$0x3FAF]  }
0x2f: {  	lr =	sadd.s32 s0, s3;
	s0 =	sld [smem:$0x3FA6]  }
0x30: {  	s3 =	sld [smem:$0x3FA9]  }
0x31: {  	[smem:$0x3FB2] =	sst s10  }
0x32: {  	s10 =	sld [smem:$0x3FB0];
	_ =	sdelay $0x3  }
0x33: {  	p0 =	seq.s32 s10, $0x1;
	s10 =	sld [smem:$0x3FB2];
	_ =	sdelay $0x3  }
0x34: {  	[smem:$0x3FB2] =	sst s10  }
0x35: {  	s10 =	sld [smem:$0x3FB1];
	_ =	sdelay $0x3  }
0x36: {  	p1 =	seq.s32 s10, $0x1;
	s10 =	sld [smem:$0x3FB2];
	_ =	sdelay $0x3  }
0x37: {  	[smem:$0x3FB2] =	sst s10  }
0x38: {  	s10 =	sld [smem:$0x3FB3]  }
0x39: {  	_ = 	snop;
	(pc) =	sbr.ind lr, $3  }
0x3a: {  	_ = 	snop  }
0x3b: {  	_ = 	snop  }
0x3c: {  	p2 =	seq.s32 s10, $0x1;
	s10 =	sld [smem:$0x3FB2]  }
0x3d: {  	_ =	shalt  }
0x3e: {  	_ =	shalt  }
0x3f: {  	_ =	shalt  }
0x40: {  	_ =	shalt  }
0x41: {  	_ =	shalt  }
0x42: {  	_ =	shalt  }
0x43: {  	_ =	shalt  }
0x44: {  	_ =	shalt  }
0x45: {  	_ =	shalt  }
0x46: {  	_ =	shalt  }
0x47: {  	_ =	shalt  }
0x48: {  	_ =	shalt  }
0x49: {  	_ =	shalt  }
0x4a: {  	_ =	shalt  }
0x4b: {  	_ =	shalt  }
0x4c: {  	_ =	shalt  }
0x4d: {  	_ =	shalt  }
0x4e: {  	_ =	shalt  }
0x4f: {  	_ =	shalt  }
0x50: {  	_ =	shalt  }
0x51: {  	_ =	shalt  }
0x52: {  	_ =	shalt  }
0x53: {  	_ =	shalt  }
0x54: {  	_ =	shalt  }
0x55: {  	_ =	shalt  }
0x56: {  	_ =	shalt  }
0x57: {  	_ =	shalt  }
0x58: {  	_ =	shalt  }
0x59: {  	_ =	shalt  }
0x5a: {  	_ =	shalt  }
0x5b: {  	_ =	shalt  }
0x5c: {  	_ =	shalt  }
0x5d: {  	_ =	shalt  }
0x5e: {  	_ =	shalt  }
0x5f: {  	_ =	shalt  }
0x60: {  	_ =	shalt  }
0x61: {  	_ =	shalt  }
0x62: {  	_ =	shalt  }
0x63: {  	_ =	shalt  }
0x64: {  	_ =	shalt  }
0x65: {  	_ =	shalt  }
0x66: {  	_ =	shalt  }
0x67: {  	_ =	shalt  }
0x68: {  	_ =	shalt  }
0x69: {  	_ =	shalt  }
0x6a: {  	_ =	shalt  }
0x6b: {  	_ =	shalt  }
0x6c: {  	_ =	shalt  }
0x6d: {  	_ =	shalt  }
0x6e: {  	_ =	shalt  }
0x6f: {  	_ =	shalt  }
0x70: {  	_ =	shalt  }
0x71: {  	_ =	shalt  }
0x72: {  	_ =	shalt  }
0x73: {  	_ =	shalt  }
0x74: {  	_ =	shalt  }
0x75: {  	_ =	shalt  }
0x76: {  	_ =	shalt  }
0x77: {  	_ =	shalt  }
0x78: {  	_ =	shalt  }
0x79: {  	_ =	shalt  }
0x7a: {  	_ =	shalt  }
0x7b: {  	_ =	shalt  }
0x7c: {  	_ =	shalt  }
0x7d: {  	_ =	shalt  }
0x7e: {  	_ =	shalt  }
0x7f: {  	_ =	shalt  }
0x80: {  	_ =	shalt  }
0x81: {  	_ =	shalt  }
0x82: {  	_ =	shalt  }
0x83: {  	_ =	shalt  }
0x84: {  	_ =	shalt  }
0x85: {  	_ =	shalt  }
0x86: {  	_ =	shalt  }
0x87: {  	_ =	shalt  }
.Lfunc_end0:
.L_simem_size_0:
called_computation_lowered:
.L_overlay_start_0:
0x88: {  	s2 =	sld [smem:$0x3FD9]  }
0x89: {  	s3 =	sld [smem:$0x3FFE];
	_ =	sdelay $0x1  }
0x8a: {  	s1 =	srdreg.scid  }
0x8b: {  	s0 =	sand.u32 $0x1, s1  }
0x8c: {  	s16 =	sshll.u32 s0, $0xA;
	s2 =	sadd.s32 s3, s2  }
0x8d: {  	s2 =	sadd.s32 s2, s16  }
0x8e: {  	[smem:$0x3FBE] =	sst s2  }
0x8f: {  	_ = 	snop  }
0x90: {  	(tm) =	ssettm $0x1  }
0x91: {  	s17 =	sld [smem:$0x3FFB];
	_ =	sdelay $0x3  }
0x92: {  	_ =	strace s17  }
0x93: {  	s2 =	sld [smem:$0x3FFC];
	_ =	sdelay $0x3  }
0x94: {  	_ =	strace s2  }
0x95: {  	s2 =	sld [smem:$0x3FFD];
	_ =	sdelay $0x3  }
0x96: {  	_ =	strace s2  }
0x97: {  	_ =	strace $0x8FFFFFFF  }
0x98: {  	s18 =	sld [smem:$0x3FDB];
	_ =	sdelay $0x1  }
0x99: {  	s19 =	simm.s32 $_scs_section_size  }
0x9a: {  	s4 =	simm.s32 $_size__tile_overlayer_lowered;
	s5 =	simm.s32 $_tile_overlayer_lowered  }
0x9b: {  	s22 =	simm.s32 $0x1BFF;
	s21 =	sshll.u32 s5, $0x1;
	s2 =	sadd.s32 s19, s18  }
0x9c: {  	s6 =	simm.s32 $0x0;
	s20 =	sshll.u32 s4, $0x1;
	s4 =	sadd.s32 s21, s2  }
0x9d: {  	[timem:s6], [sflag:s22] =	dma.local [hbm:s4], s20  }
0x9e: {  	_ =	swait.ge [sflag:s22], s20  }
0x9f: {  	s3 =	ssub.s32 $0x0, s20;
	[sflag:s22] =	ssyncset.done $0x0  }
0xa0: {  	[sflag:s22] =	ssyncadd.s32 s3;
	_ =	sdelay $0x1  }
0xa1: {  	s23 =	simm.s32 $0x1B8B  }
0xa2: {  	_ =	swait.ge [sflag:s23], $0x1  }
0xa3: {  	[sflag:s23] =	ssyncset.done $0x0  }
0xa4: {  	s25 =	simm.s32 $0x1B8E;
	s24 =	sld [smem:$0x3FFE];
	[sflag:s23] =	ssyncadd.s32 $0xFFFFFFFF  }
0xa5: {  	s26 =	simm.s32 $execute0_lowered;
	[smem:$0x3FD2] =	sst s25  }
0xa6: {  	s4 =	sshll.u32 s26, $0x1;
	_ =	strace $0x80000046;
	[dreg:$0x1] =	wrdreg $0xFFFFFFFF  }
0xa7: {  	s28 =	simm.s32 $_size_execute0_lowered;
	s2 =	sadd.s32 s2, s4;
	[dreg:$0x0] =	wrdreg $0x0  }
0xa8: {  	s4 =	sshll.u32 s28, $0x1;
	[dreg:$0x2] =	wrdreg s2  }
0xa9: {  	[dreg:$0x3] =	wrdreg s4  }
0xaa: {  	[dreg:$0x4] =	wrdreg $0xC0  }
0xab: {  	_ =	task [dreg:s6], $0x5FFFF  }
0xac: {  	[dreg:$0x1] =	wrdreg $0xFFFFFFFF  }
0xad: {  	[dreg:$0x0] =	wrdreg $0x60  }
0xae: {  	[dreg:$0x2] =	wrdreg s24  }
0xaf: {  	[dreg:$0x3] =	wrdreg $0x2A800  }
0xb0: {  	[dreg:$0x4] =	wrdreg $0x9  }
0xb1: {  	_ =	task.clear_ibuf [dreg:s6], $0x5FFFF;
	_ =	strace $0x90000046  }
0xb2: {  	s29 =	simm.s32 $0x9;
	_ =	strace $0x80000048  }
0xb3: {  	_ =	swait.ge [sflag:s29], $0x1  }
0xb4: {  	[sflag:s29] =	ssyncadd.s32 $0xFFFFFFFF  }
0xb5: {  	_ =	strace $0x90000048  }
0xb6: {  	_ =	sfence  }
0xb7: {  	s30 =	sld [smem:$0x0];
	_ =	sdelay $0x2  }
0xb8: {  	s31 =	sshll.u32 s1, $0xD;
	s1 =	sshrl.u32 s1, $0x2  }
0xb9: {  	s3 =	sand.u32 $0x4000, s31;
	s1 =	sadd.s32 s1, s30  }
0xba: {  	s0 =	sor.u32 s3, s0;
	s1 =	sshll.u32 s1, $0x11  }
0xbb: {  	s0 =	sor.u32 s1, s0  }
0xbc: {  	s0 =	sadd.s32 $0x8F2B, s0  }
0xbd: {  	[sflag:s0] =	ssyncadd.remote.s32 $0x1  }
0xbe: {  	_ =	sfence.sel $0xFFFF  }
0xbf: {  	[dreg:$0x0] =	wrdreg $0xFFFFFFFF;
	(pc) =	sbr.abs _section_cstart, $3  }
0xc0: {  	[dreg:$0x1] =	wrdreg $0xFFFFFFFF  }
0xc1: {  	_ =	task.clear_ibuf [dreg:s6], $0x2FFFF;
	_ =	strace $0x9FFFFFFF  }
0xc2: {  	(tm) =	ssettm $0x7FFFFFFF  }
0xc3: {  	_ =	shalt  }
tec
execute0_lowered:
.L_overlay_start_1:
0x0: {  	(tag) =	ssettag $0x1  }
0x1: {  	s1 =	srdreg.scid;
	s4 =	rddreg [dreg:$0x0]  }
0x2: {  	s0 =	stileid.u32;
	s2 =	rddreg [dreg:$0x1]  }
0x3: {  	s3 =	simm.s32 $0x0;
	s12 =	simm.s32 $0x2780;
	s13 =	simm.s32 $0x1  }
0x4: {  	s14 =	simm.s32 $0x0;
	s5 =	sand.u32 $0x1, s1;
	s1 =	rddreg [dreg:$0x2]  }
0x5: {  	s6 =	smul.u32 $0x280, s0;
	s8 =	sshll.u32 s0, $0x1;
	[smem:$0x7FF] =	sst s3  }
0x6: {  	s10 =	sadd.s32 $0x2400, s4;
	p0 =	sgt.u32 s0, $0x1;
	s7 =	smul.u32 $0x2800, s5  }
0x7: {  	s8 =	sor.u32 s5, s8;
	_ =	strace $0x80000047;
	s30 =	ssub.s32 $0x2, s5  }
0x8: {  	s9 =	smul.u32 $0x2700, s8;
	s5 =	sshrl.u32 s30, $0x1;
	s7 =	sadd.s32 s6, s7  }
0x9: {  	s8 =	sshll.u32 s8, $0x4;
	s11 =	ssub.s32 s30, s5;
	s7 =	sshrl.u32 s7, $0x3  }
0xa: {  	s8 =	sadd.s32 s8, s10;
	s9 =	sshrl.u32 s9, $0x3;
	s7 =	sadd.s32 s7, s4  }
0xb: {  	s31 =	sadd.s32 s10, s9;
	s4 =	sadd.s32 s6, s2;
	s6 =	sadd.s32 $0x13840, s8  }
0xc: {  	s8 =	smax.u32 s11, $0x1;
	s9 =	simm.s32 $0x2800;
	s10 =	simm.s32 $0x2  }
0xd: {  	v0 =	vimm.f32 $1.000000000e+00;
	v1 =	vimm.f32 $0.0e+00;
	s11 =	simm.s32 $0x80;
	s5 =	sadd.s32 $0x9C40, s31;
	s7 =	sadd.s32 $0x15E00, s7  }
.LBB2_1:
0xe: {  	[tilespmem:$0x2780] =	vst v0  }
0xf: {  	[tilespmem:$0x2790] =	vst v0  }
0x10: {  	[tilespmem:$0x27A0] =	vst v0  }
0x11: {  	[tilespmem:$0x27B0] =	vst v0  }
0x12: {  	[tilespmem:$0x27C0] =	vst v0  }
0x13: {  	[tilespmem:$0x27D0] =	vst v0  }
0x14: {  	[tilespmem:$0x27E0] =	vst v0  }
0x15: {  	[tilespmem:$0x27F0] =	vst v0  }
0x16: {  	[tilespmem:$0x2800] =	vst v1  }
0x17: {  	[tilespmem:$0x2810] =	vst v1  }
0x18: {  	[tilespmem:$0x2820] =	vst v1  }
0x19: {  	[tilespmem:$0x2830] =	vst v1  }
0x1a: {  	[tilespmem:$0x2840] =	vst v1  }
0x1b: {  	[tilespmem:$0x2850] =	vst v1  }
0x1c: {  	[tilespmem:$0x2860] =	vst v1  }
0x1d: {  	[tilespmem:$0x2870] =	vst v1  }
0x1e: {  	[tilespmem:$0x2880] =	vst v1  }
0x1f: {  	[tilespmem:$0x2890] =	vst v1  }
0x20: {  	[tilespmem:$0x28A0] =	vst v1  }
0x21: {  	[tilespmem:$0x28B0] =	vst v1  }
0x22: {  	[tilespmem:$0x28C0] =	vst v1  }
0x23: {  	[tilespmem:$0x28D0] =	vst v1  }
0x24: {  	[tilespmem:$0x28E0] =	vst v1  }
0x25: {  	[tilespmem:$0x28F0] =	vst v1  }
0x26: {  	[tilespmem:$0x2900] =	vst v1  }
0x27: {  	[tilespmem:$0x2910] =	vst v1  }
0x28: {  	[tilespmem:$0x2920] =	vst v1  }
0x29: {  	[tilespmem:$0x2930] =	vst v1  }
0x2a: {  	[tilespmem:$0x2940] =	vst v1  }
0x2b: {  	[tilespmem:$0x2950] =	vst v1  }
0x2c: {  	[tilespmem:$0x2960] =	vst v1  }
0x2d: {  	[tilespmem:$0x2970] =	vst v1  }
0x2e: {  	[tilespmem:$0x2980] =	vst v1  }
0x2f: {  	[tilespmem:$0x2990] =	vst v1  }
0x30: {  	[tilespmem:$0x29A0] =	vst v1  }
0x31: {  	[tilespmem:$0x29B0] =	vst v1  }
0x32: {  	[tilespmem:$0x29C0] =	vst v1  }
0x33: {  	[tilespmem:$0x29D0] =	vst v1  }
0x34: {  	[tilespmem:$0x29E0] =	vst v1  }
0x35: {  	[tilespmem:$0x29F0] =	vst v1  }
0x36: {  	[tilespmem:$0x2A00] =	vst v1  }
0x37: {  	[tilespmem:$0x2A10] =	vst v1  }
0x38: {  	[tilespmem:$0x2A20] =	vst v1  }
0x39: {  	[tilespmem:$0x2A30] =	vst v1  }
0x3a: {  	[tilespmem:$0x2A40] =	vst v1  }
0x3b: {  	[tilespmem:$0x2A50] =	vst v1  }
0x3c: {  	[tilespmem:$0x2A60] =	vst v1  }
0x3d: {  	[tilespmem:$0x2A70] =	vst v1  }
0x3e: {  	[spmem:s4] =	stream.linear.scatter [tilespmem:s9], [sflag:$0x2], $0x280, $0x38;
	[tilespmem:$0x2D00] =	vst v63  }
0x3f: {  	_ =	swait.ge [sflag:s10], $0x280  }
0x40: {  	[sflag:s10] =	ssyncset.done $0x0  }
0x41: {  	[sflag:s10] =	ssyncadd.s32 $0xFFFFFD80  }
0x42: {  	[tilespmem:s3], [sflag:$0x2] =	stream.linear.gather [hbm4b:s5+s3], $0x2700, $0x38;
	[tilespmem:$0x2D00] =	vst v63  }
0x43: {  	_ =	swait.ge [sflag:s10], $0x2700  }
0x44: {  	[sflag:s10] =	ssyncset.done $0x0  }
0x45: {  	s15 =	simm.s32 @!p0 $0x0;
	s16 =	simm.s32 @!p0 $0x2700;
	[sflag:s10] =	ssyncadd.s32 $0xFFFFD900  }
0x46: {  	[tilespmem:s16], [sflag:$0x2] =	stream.linear.gather @!p0 [hbm4b:s6+s15], $0x80, $0x38;
	[tilespmem:$0x2D00] =	vst v63  }
0x47: {  	s15 =	simm.s32 @!p0 $0x2  }
0x48: {  	_ =	swait.ge @!p0 [sflag:s15], $0x80  }
0x49: {  	[sflag:s15] =	ssyncset.done @!p0 $0x0  }
0x4a: {  	[sflag:s15] =	ssyncadd.s32 @!p0 $0xFFFFFF80;
	s15 =	simm.s32 @!p0 $0x4F  }
0x4b: {  	s15 =	simm.s32 @p0 $0x4E  }
0x4c: {  	p1 =	sne.s32 s15, $0x1  }
.Ltmp0:
0x4d: {  	_ = 	snop;
	(pc) =	sbr.rel @!p1 .LBB2_3-.Ltmp0, $4  }
0x4e: {  	_ = 	snop  }
0x4f: {  	[bflag:$0x0] =	sbarrier.arrive $0xFFFF  }
0x50: {  	[spmem:s2] =	stream.indirect.scatter.add.f32 [tilespmem:s12], [sflag:$0x1], $0x1, s3, s11, $0xb8;
	[tilespmem:$0x2D00] =	vst v63  }
0x51: {  	s17 =	simm.s32 $0x0;
	s16 =	sadd.s32 $0xFFFFFFFF, s15  }
.LBB2_2:
0x52: {  	p2 =	sne.s32 s16, $0x1  }
.Ltmp1:
0x53: {  	_ = 	snop;
	(pc) =	sbr.rel @p2 .LBB2_2-.Ltmp1, $3  }
0x54: {  	_ = 	snop  }
0x55: {  	s16 =	sadd.s32 $0xFFFFFFFF, s16;
	s17 =	sadd.s32 $0x80, s17;
	_ =	sdelay $0x1  }
0x56: {  	[spmem:s2] =	stream.indirect.scatter.add.f32 [tilespmem:s12], [sflag:$0x1], $0x1, s17, s11, $0xb8;
	[tilespmem:$0x2D00] =	vst v63  }
.LBB2_3:
.Ltmp2:
0x57: {  	(pc) =	sbr.rel @!p1 .LBB2_5-.Ltmp2, $3  }
0x58: {  	_ =	sdelay $0x1  }
0x59: {  	_ =	swait.ge [sflag:s13], $0x80  }
0x5a: {  	s15 =	sadd.s32 $0xFFFFFFFF, s15;
	[sflag:s13] =	ssyncset.done $0x0  }
.LBB2_4:
0x5b: {  	p1 =	sne.s32 s15, $0x1;
	s15 =	sadd.s32 $0xFFFFFFFF, s15;
	[sflag:s13] =	ssyncadd.s32 $0xFFFFFF80  }
.Ltmp3:
0x5c: {  	(pc) =	sbr.rel @p1 .LBB2_4-.Ltmp3, $3  }
0x5d: {  	_ =	sdelay $0x1  }
0x5e: {  	_ =	swait.ge [sflag:s13], $0x80  }
0x5f: {  	[sflag:s13] =	ssyncset.done $0x0  }
.LBB2_5:
0x60: {  	[sflag:s13] =	ssyncadd.s32 $0xFFFFFF80  }
0x61: {  	[bflag:$0x0] =	sbarrier.arrive $0xFFFF  }
0x62: {  	[tilespmem:s9], [sflag:$0x2] =	stream.linear.gather [spmem:s4], $0x280, $0x38;
	[tilespmem:$0x2D00] =	vst v63  }
0x63: {  	s14 =	sadd.s32 $0x1, s14;
	_ =	swait.ge [sflag:s10], $0x280  }
0x64: {  	p1 =	sne.s32 s14, s8;
	[sflag:s10] =	ssyncset.done $0x0  }
.Ltmp4:
0x65: {  	[sflag:s10] =	ssyncadd.s32 $0xFFFFFD80;
	(pc) =	sbr.rel @p1 .LBB2_1-.Ltmp4, $4  }
0x66: {  	[hbm4b:s7+s3] =	stream.linear.scatter [tilespmem:s9], [sflag:$0x2], $0x280, $0x38;
	[tilespmem:$0x2D00] =	vst v63  }
0x67: {  	_ =	swait.ge [sflag:s10], $0x280  }
0x68: {  	[sflag:s10] =	ssyncset.done $0x0  }
0x69: {  	[sflag:s10] =	ssyncadd.s32 $0xFFFFFD80  }
0x6a: {  	_ =	sfence.sel $0x180000  }
0x6b: {  	[bflag:$0x0] =	sbarrier.arrive $0xFFFF  }
0x6c: {  	p0 =	sne.s32 s0, $0x0;
	_ =	strace $0x90000047  }
0x6d: {  	s0 =	sadd.s32 @!p0 $0x100000, s1;
	[bflag:$0x2] =	sbarrier.arrive $0xFFFF  }
0x6e: {  	[sflag:s0] =	ssyncadd.tile.s32 @!p0 $0x1;
	_ =	shalt  }
.Lfunc_end2:
_tile_overlayer_lowered:
.L_overlay_start_2:
0x6f: {  	(tag) =	ssettag $0x2  }
0x70: {  	s0 =	rddreg [dreg:$0x0];
	s2 =	stileid.u32  }
0x71: {  	s1 =	rddreg [dreg:$0x1];
	p0 =	sne.s32 s2, $0x0  }
0x72: {  	s3 =	rddreg [dreg:$0x2];
	[bflag:$0x3] =	sbarrier.arrive $0xFFFF;
	s2 =	simm.s32 @!p0 $0x1C02  }
0x73: {  	[timem:s3], [sflag:s2] =	dma.local @!p0 [hbm:s0], s1  }
0x74: {  	s0 =	simm.s32 @!p0 $0x2  }
0x75: {  	_ =	swait.ge @!p0 [sflag:s0], s1  }
0x76: {  	s1 =	ssub.s32 @!p0 $0x0, s1;
	[sflag:s0] =	ssyncset.done @!p0 $0x0  }
0x77: {  	[sflag:s0] =	ssyncadd.s32 @!p0 s1  }
0x78: {  	[bflag:$0x3] =	sbarrier.arrive $0xFFFF  }
0x79: {  	_ =	shalt  }

</sc_bundles>
